<compile_context>
chip_gen: v7x
topology: tpu7x:2x2x1
jax: 0.10.2.dev20260603
libtpu: 0.0.44.dev20260713+nightly
codegen_flags: <defaults>
</compile_context>

<pallas_src>
import functools

import jax
import jax.numpy as jnp
from jax import lax
from jax.experimental import pallas as pl
from jax.experimental.pallas import tpu as pltpu
from jax.experimental.pallas import tpu_sc as plsc

_EPS = 1e-6
_NC = 2
_NS = 16
_LANES = 16
_CH = 128


def _normalize_tables(z_drug, z_adr):
    def body(zd_ref, za_ref, od_ref, oa_ref):
        for ref, out in ((zd_ref, od_ref), (za_ref, oa_ref)):
            x = ref[...]
            ss = jnp.sum(x * x, axis=1, keepdims=True)
            n = jnp.maximum(jnp.sqrt(ss), _EPS)
            out[...] = x * (1.0 / n)

    return pl.pallas_call(
        body,
        out_shape=(
            jax.ShapeDtypeStruct(z_drug.shape, jnp.float32),
            jax.ShapeDtypeStruct(z_adr.shape, jnp.float32),
        ),
    )(z_drug, z_adr)


@functools.lru_cache(maxsize=None)
def _make_sc_kernel(E_pad, D, K):
    NW = _NC * _NS
    n_slots = K * NW
    mesh = plsc.VectorSubcoreMesh(core_axis_name="c", subcore_axis_name="s")

    @functools.partial(
        pl.kernel,
        mesh=mesh,
        compiler_params=pltpu.CompilerParams(needs_layout_passes=False),
        out_type=jax.ShapeDtypeStruct((E_pad,), jnp.float32),
        scratch_types=[
            pltpu.VMEM((K, 2, _CH), jnp.int32),
            pltpu.VMEM((2, _CH, D), jnp.float32),
            pltpu.VMEM((2, _CH, D), jnp.float32),
            pltpu.VMEM((2, _CH), jnp.float32),
            pltpu.SemaphoreType.DMA,
            pltpu.SemaphoreType.DMA,
            pltpu.SemaphoreType.DMA,
            pltpu.SemaphoreType.DMA,
        ],
    )
    def sc_k(zd_hbm, za_hbm, idx_hbm, out_hbm, idx_all, a_ring, b_ring,
             o_ring, sg0, sg1, so0, so1):
        wid = lax.axis_index("s") * _NC + lax.axis_index("c")
        base_chunk = wid * K
        pltpu.sync_copy(idx_hbm.at[pl.ds(base_chunk, K)], idx_all)

        sgs = (sg0, sg1)
        sos = (so0, so1)

        def fire_gather(k, r):
            pltpu.async_copy(zd_hbm.at[idx_all.at[k, 0]], a_ring.at[r], sgs[r])
            pltpu.async_copy(za_hbm.at[idx_all.at[k, 1]], b_ring.at[r], sgs[r])

        def wait_gather(r):
            pltpu.make_async_copy(
                zd_hbm.at[idx_all.at[0, 0]], a_ring.at[r], sgs[r]).wait()
            pltpu.make_async_copy(
                za_hbm.at[idx_all.at[0, 1]], b_ring.at[r], sgs[r]).wait()

        def wait_store(r):
            pltpu.make_async_copy(
                o_ring.at[r], out_hbm.at[pl.ds(0, _CH)], sos[r]).wait()

        fire_gather(0, 0)
        fire_gather(1, 1)

        lane = lax.iota(jnp.int32, _LANES)

        def step(t, carry):
            for r in range(2):
                k = 2 * t + r
                wait_gather(r)

                @pl.when(k >= 2)
                def _():
                    wait_store(r)

                def group(g, gc):
                    ovec = jnp.zeros((_LANES,), jnp.float32)
                    for l in range(_LANES):
                        i = g * _LANES + l
                        acc = a_ring[r, i, pl.ds(0, _LANES)] * \
                            b_ring[r, i, pl.ds(0, _LANES)]
                        for j in range(1, D // _LANES):
                            acc = acc + \
                                a_ring[r, i, pl.ds(j * _LANES, _LANES)] * \
                                b_ring[r, i, pl.ds(j * _LANES, _LANES)]
                        ovec = jnp.where(lane == l, jnp.sum(acc), ovec)
                    o_ring[r, pl.ds(g * _LANES, _LANES)] = ovec
                    return gc

                lax.fori_loop(0, _CH // _LANES, group, 0)
                pltpu.async_copy(
                    o_ring.at[r],
                    out_hbm.at[pl.ds((base_chunk + k) * _CH, _CH)],
                    sos[r],
                )

                @pl.when(k + 2 < K)
                def _():
                    fire_gather(k + 2, r)
            return carry

        lax.fori_loop(0, K // 2, step, 0)
        wait_store(0)
        wait_store(1)

    return sc_k


def kernel(z_drug, z_adr, edge_label_index, type):
    zd, za = _normalize_tables(
        z_drug.astype(jnp.float32), z_adr.astype(jnp.float32)
    )
    E = edge_label_index.shape[1]
    D = z_drug.shape[1]
    NW = _NC * _NS
    n_chunks = -(-E // _CH)
    K = -(-n_chunks // NW)
    K += K % 2
    E_pad = K * NW * _CH

    idx = edge_label_index.astype(jnp.int32)
    idx = jnp.pad(idx, ((0, 0), (0, E_pad - E)))
    idx = idx.reshape(2, K * NW, _CH).transpose(1, 0, 2)

    sck = _make_sc_kernel(E_pad, D, K)
    sim = sck(zd, za, idx)
    return sim[:E]

# --- scband reference (transcript-rebuilt; emitter-appended) ---
"""Pipeline reference for scband-edge-decoder-86071144611863 (READ-ONLY COPY).

The authoritative reference and input builder live on the scoring server;
editing this copy changes nothing except your own understanding.
"""

import jax, jax.numpy as jnp
import numpy as np

N_NODES = 10000
D_FEAT = 128
N_EDGES = 320000
EPS = 1e-06


def setup_inputs(seed: int = 0) -> dict:
    key = jax.random.key(seed)
    k1, k2, k3 = jax.random.split(key, 3)
    z_drug = jax.random.normal(k1, (N_NODES, D_FEAT), dtype=jnp.float32)
    z_adr = jax.random.normal(k2, (N_NODES, D_FEAT), dtype=jnp.float32)
    edge_label_index = jax.random.randint(k3, (2, N_EDGES), 0, N_NODES, dtype=jnp.int64 if jax.config.jax_enable_x64 else jnp.int32)
    return {"z_drug": z_drug, "z_adr": z_adr, "edge_label_index": edge_label_index, "type": 1}


def reference(z_drug, z_adr, edge_label_index, type=1):
    # EdgeDecoder.forward with z_dict={'drug': z_drug, 'adr': z_adr}, type=1, apply_linear=False
    row_0 = edge_label_index[0]
    row_1 = edge_label_index[1]
    a = jnp.take(z_drug, row_0, axis=0)  # gather: [E, d]
    b = jnp.take(z_adr, row_1, axis=0)   # gather: [E, d]
    # torch.nn.functional.cosine_similarity with eps: each norm clamped by eps
    na = jnp.maximum(jnp.linalg.norm(a, axis=-1), EPS)
    nb = jnp.maximum(jnp.linalg.norm(b, axis=-1), EPS)
    sim = jnp.sum(a * b, axis=-1) / (na * nb)
    return sim

if __name__ == "__main__":
    import jax
    _d = setup_inputs()
    print(jax.jit(kernel)(*tuple(_d.values())))

</pallas_src>

<mosaic_0001>
#map = affine_map<(d0, d1) -> (0, 0)>
#map1 = affine_map<(d0, d1) -> (0, 0, 0)>
#map2 = affine_map<(d0, d1) -> (0)>
module attributes {stable_mosaic.version = 14 : i64} {
  func.func @sc_k(%arg0: i32, %arg1: i32, %arg2: memref<10000x128xf32, #tpu.memory_space<hbm>>, %arg3: memref<10000x128xf32, #tpu.memory_space<hbm>>, %arg4: memref<2560x2x128xi32, #tpu.memory_space<hbm>>, %arg5: memref<327680xf32, #tpu.memory_space<hbm>>, %arg6: memref<80x2x128xi32, #tpu.memory_space<vmem>>, %arg7: memref<2x128x128xf32, #tpu.memory_space<vmem>>, %arg8: memref<2x128x128xf32, #tpu.memory_space<vmem>>, %arg9: memref<2x128xf32, #tpu.memory_space<vmem>>, %arg10: memref<!tpu.dma_semaphore, #tpu.memory_space<semaphore_mem>>, %arg11: memref<!tpu.dma_semaphore, #tpu.memory_space<semaphore_mem>>, %arg12: memref<!tpu.dma_semaphore, #tpu.memory_space<semaphore_mem>>, %arg13: memref<!tpu.dma_semaphore, #tpu.memory_space<semaphore_mem>>) attributes {dimension_semantics = [#tpu.dimension_semantics<core_parallel>, #tpu.dimension_semantics<subcore_parallel>], iteration_bounds = array<i64: 2, 16>, scalar_prefetch = 0 : i64, scratch_operands = 8 : i64, tpu.core_type = #tpu.core_type<sc_vector_subcore>, window_params = [{transform_indices = #map}, {transform_indices = #map}, {transform_indices = #map1}, {transform_indices = #map2}]} {
    %mul3A = arith.constant 2 : i32
    %mul3A_0 = arith.muli %arg1, %mul3A : i32
    %add3A = arith.addi %mul3A_0, %arg0 : i32
    %mul3A_1 = arith.constant 80 : i32
    %mul3A_2 = arith.muli %add3A, %mul3A_1 : i32
    "tpu.region"() ({
      %run_scoped3A = tpu.sem_alloc : memref<!tpu.dma_semaphore, #tpu.memory_space<semaphore_mem>>
      %dma_start3A_80 = arith.constant 0 : i32
      %dma_start3A_81 = arith.constant 0 : i32
      %dma_start3A_82 = tpu.memref_slice %arg4[%mul3A_2, %dma_start3A_80, %dma_start3A_81] : memref<2560x2x128xi32, #tpu.memory_space<hbm>> -> memref<80x2x128xi32, #tpu.memory_space<hbm>>
      %dma_start3A_83 = arith.constant 0 : i32
      %dma_start3A_84 = arith.constant 0 : i32
      %dma_start3A_85 = tpu.memref_slice %arg4[%mul3A_2, %dma_start3A_83, %dma_start3A_84] : memref<2560x2x128xi32, #tpu.memory_space<hbm>> -> memref<80x2x128xi32, #tpu.memory_space<hbm>>
      tpu.enqueue_dma source(%dma_start3A_85 : memref<80x2x128xi32, #tpu.memory_space<hbm>>) target(%arg6 : memref<80x2x128xi32, #tpu.memory_space<vmem>>) target_semaphore(%run_scoped3A : memref<!tpu.dma_semaphore, #tpu.memory_space<semaphore_mem>>)
      %dma_wait3A_86 = arith.constant 0 : i32
      %dma_wait3A_87 = arith.constant 0 : i32
      %dma_wait3A_88 = tpu.memref_slice %arg4[%mul3A_2, %dma_wait3A_86, %dma_wait3A_87] : memref<2560x2x128xi32, #tpu.memory_space<hbm>> -> memref<80x2x128xi32, #tpu.memory_space<hbm>>
      %dma_wait3A_89 = arith.constant 0 : i32
      %dma_wait3A_90 = arith.constant 0 : i32
      %dma_wait3A_91 = tpu.memref_slice %arg4[%mul3A_2, %dma_wait3A_89, %dma_wait3A_90] : memref<2560x2x128xi32, #tpu.memory_space<hbm>> -> memref<80x2x128xi32, #tpu.memory_space<hbm>>
      tpu.wait_dma2 semaphore(%run_scoped3A : memref<!tpu.dma_semaphore, #tpu.memory_space<semaphore_mem>>) src(%dma_wait3A_91 : memref<80x2x128xi32, #tpu.memory_space<hbm>>) dst(%arg6 : memref<80x2x128xi32, #tpu.memory_space<vmem>>)
      tpu.yield
    }) : () -> ()
    %dma_start3A = arith.constant 0 : i32
    %dma_start3A_3 = arith.constant 0 : i32
    %dma_start3A_4 = arith.constant 0 : i32
    %dma_start3A_5 = arith.constant 0 : i32
    %dma_start3A_6 = arith.constant 0 : i32
    %dma_start3A_7 = tpu.memref_slice %arg7[%dma_start3A_4, %dma_start3A_5, %dma_start3A_6] : memref<2x128x128xf32, #tpu.memory_space<vmem>> -> memref<1x128x128xf32, #tpu.memory_space<vmem>>
    %dma_start3A_8 = tpu.memref_squeeze %dma_start3A_7 : memref<1x128x128xf32, #tpu.memory_space<vmem>> -> memref<128x128xf32, #tpu.memory_space<vmem>>
    %dma_start3A_9 = arith.constant 0 : i32
    %dma_start3A_10 = tpu.memref_slice %arg6[%dma_start3A, %dma_start3A_3, %dma_start3A_9] : memref<80x2x128xi32, #tpu.memory_space<vmem>> -> memref<1x1x128xi32, #tpu.memory_space<vmem>>
    %dma_start3A_11 = tpu.memref_squeeze %dma_start3A_10 : memref<1x1x128xi32, #tpu.memory_space<vmem>> -> memref<128xi32, #tpu.memory_space<vmem>>
    %dma_start3A_12 = arith.constant 0 : i32
    %dma_start3A_13 = arith.constant 0 : i32
    %dma_start3A_14 = tpu.memref_slice %arg2[%dma_start3A_12, %dma_start3A_13] : memref<10000x128xf32, #tpu.memory_space<hbm>> -> memref<10000x128xf32, #tpu.memory_space<hbm>>
    tpu.enqueue_indirect_dma source(%dma_start3A_14 : memref<10000x128xf32, #tpu.memory_space<hbm>>) target(%dma_start3A_8 : memref<128x128xf32, #tpu.memory_space<vmem>>) offsets(%dma_start3A_11 : memref<128xi32, #tpu.memory_space<vmem>>) semaphore(%arg10 : memref<!tpu.dma_semaphore, #tpu.memory_space<semaphore_mem>>)
    %dma_start3A_15 = arith.constant 0 : i32
    %dma_start3A_16 = arith.constant 1 : i32
    %dma_start3A_17 = arith.constant 0 : i32
    %dma_start3A_18 = arith.constant 0 : i32
    %dma_start3A_19 = arith.constant 0 : i32
    %dma_start3A_20 = tpu.memref_slice %arg8[%dma_start3A_17, %dma_start3A_18, %dma_start3A_19] : memref<2x128x128xf32, #tpu.memory_space<vmem>> -> memref<1x128x128xf32, #tpu.memory_space<vmem>>
    %dma_start3A_21 = tpu.memref_squeeze %dma_start3A_20 : memref<1x128x128xf32, #tpu.memory_space<vmem>> -> memref<128x128xf32, #tpu.memory_space<vmem>>
    %dma_start3A_22 = arith.constant 0 : i32
    %dma_start3A_23 = tpu.memref_slice %arg6[%dma_start3A_15, %dma_start3A_16, %dma_start3A_22] : memref<80x2x128xi32, #tpu.memory_space<vmem>> -> memref<1x1x128xi32, #tpu.memory_space<vmem>>
    %dma_start3A_24 = tpu.memref_squeeze %dma_start3A_23 : memref<1x1x128xi32, #tpu.memory_space<vmem>> -> memref<128xi32, #tpu.memory_space<vmem>>
    %dma_start3A_25 = arith.constant 0 : i32
    %dma_start3A_26 = arith.constant 0 : i32
    %dma_start3A_27 = tpu.memref_slice %arg3[%dma_start3A_25, %dma_start3A_26] : memref<10000x128xf32, #tpu.memory_space<hbm>> -> memref<10000x128xf32, #tpu.memory_space<hbm>>
    tpu.enqueue_indirect_dma source(%dma_start3A_27 : memref<10000x128xf32, #tpu.memory_space<hbm>>) target(%dma_start3A_21 : memref<128x128xf32, #tpu.memory_space<vmem>>) offsets(%dma_start3A_24 : memref<128xi32, #tpu.memory_space<vmem>>) semaphore(%arg10 : memref<!tpu.dma_semaphore, #tpu.memory_space<semaphore_mem>>)
    %dma_start3A_28 = arith.constant 1 : i32
    %dma_start3A_29 = arith.constant 0 : i32
    %dma_start3A_30 = arith.constant 1 : i32
    %dma_start3A_31 = arith.constant 0 : i32
    %dma_start3A_32 = arith.constant 0 : i32
    %dma_start3A_33 = tpu.memref_slice %arg7[%dma_start3A_30, %dma_start3A_31, %dma_start3A_32] : memref<2x128x128xf32, #tpu.memory_space<vmem>> -> memref<1x128x128xf32, #tpu.memory_space<vmem>>
    %dma_start3A_34 = tpu.memref_squeeze %dma_start3A_33 : memref<1x128x128xf32, #tpu.memory_space<vmem>> -> memref<128x128xf32, #tpu.memory_space<vmem>>
    %dma_start3A_35 = arith.constant 0 : i32
    %dma_start3A_36 = tpu.memref_slice %arg6[%dma_start3A_28, %dma_start3A_29, %dma_start3A_35] : memref<80x2x128xi32, #tpu.memory_space<vmem>> -> memref<1x1x128xi32, #tpu.memory_space<vmem>>
    %dma_start3A_37 = tpu.memref_squeeze %dma_start3A_36 : memref<1x1x128xi32, #tpu.memory_space<vmem>> -> memref<128xi32, #tpu.memory_space<vmem>>
    %dma_start3A_38 = arith.constant 0 : i32
    %dma_start3A_39 = arith.constant 0 : i32
    %dma_start3A_40 = tpu.memref_slice %arg2[%dma_start3A_38, %dma_start3A_39] : memref<10000x128xf32, #tpu.memory_space<hbm>> -> memref<10000x128xf32, #tpu.memory_space<hbm>>
    tpu.enqueue_indirect_dma source(%dma_start3A_40 : memref<10000x128xf32, #tpu.memory_space<hbm>>) target(%dma_start3A_34 : memref<128x128xf32, #tpu.memory_space<vmem>>) offsets(%dma_start3A_37 : memref<128xi32, #tpu.memory_space<vmem>>) semaphore(%arg11 : memref<!tpu.dma_semaphore, #tpu.memory_space<semaphore_mem>>)
    %dma_start3A_41 = arith.constant 1 : i32
    %dma_start3A_42 = arith.constant 1 : i32
    %dma_start3A_43 = arith.constant 1 : i32
    %dma_start3A_44 = arith.constant 0 : i32
    %dma_start3A_45 = arith.constant 0 : i32
    %dma_start3A_46 = tpu.memref_slice %arg8[%dma_start3A_43, %dma_start3A_44, %dma_start3A_45] : memref<2x128x128xf32, #tpu.memory_space<vmem>> -> memref<1x128x128xf32, #tpu.memory_space<vmem>>
    %dma_start3A_47 = tpu.memref_squeeze %dma_start3A_46 : memref<1x128x128xf32, #tpu.memory_space<vmem>> -> memref<128x128xf32, #tpu.memory_space<vmem>>
    %dma_start3A_48 = arith.constant 0 : i32
    %dma_start3A_49 = tpu.memref_slice %arg6[%dma_start3A_41, %dma_start3A_42, %dma_start3A_48] : memref<80x2x128xi32, #tpu.memory_space<vmem>> -> memref<1x1x128xi32, #tpu.memory_space<vmem>>
    %dma_start3A_50 = tpu.memref_squeeze %dma_start3A_49 : memref<1x1x128xi32, #tpu.memory_space<vmem>> -> memref<128xi32, #tpu.memory_space<vmem>>
    %dma_start3A_51 = arith.constant 0 : i32
    %dma_start3A_52 = arith.constant 0 : i32
    %dma_start3A_53 = tpu.memref_slice %arg3[%dma_start3A_51, %dma_start3A_52] : memref<10000x128xf32, #tpu.memory_space<hbm>> -> memref<10000x128xf32, #tpu.memory_space<hbm>>
    tpu.enqueue_indirect_dma source(%dma_start3A_53 : memref<10000x128xf32, #tpu.memory_space<hbm>>) target(%dma_start3A_47 : memref<128x128xf32, #tpu.memory_space<vmem>>) offsets(%dma_start3A_50 : memref<128xi32, #tpu.memory_space<vmem>>) semaphore(%arg11 : memref<!tpu.dma_semaphore, #tpu.memory_space<semaphore_mem>>)
    %iota3A = tpu.iota {dimensions = array<i32: 0>} : vector<16xi32>
    %scan3A = arith.constant 0 : i32
    %scan3A_54 = arith.constant 0 : i32
    %scan3A_55 = arith.constant 40 : i32
    %scan3A_56 = arith.addi %scan3A_54, %scan3A_55 : i32
    %scan3A_57 = arith.constant 1 : i32
    scf.for %scan3A_80 = %scan3A_54 to %scan3A_56 step %scan3A_57  : i32 {
      %mul3A_81 = arith.constant 2 : i32
      %mul3A_82 = arith.muli %mul3A_81, %scan3A_80 : i32
      %add3A_83 = arith.constant 0 : i32
      %add3A_84 = arith.addi %mul3A_82, %add3A_83 : i32
      %dma_wait3A_85 = arith.constant 0 : i32
      %dma_wait3A_86 = arith.constant 0 : i32
      %dma_wait3A_87 = arith.constant 0 : i32
      %dma_wait3A_88 = arith.constant 0 : i32
      %dma_wait3A_89 = arith.constant 0 : i32
      %dma_wait3A_90 = tpu.memref_slice %arg7[%dma_wait3A_87, %dma_wait3A_88, %dma_wait3A_89] : memref<2x128x128xf32, #tpu.memory_space<vmem>> -> memref<1x128x128xf32, #tpu.memory_space<vmem>>
      %dma_wait3A_91 = tpu.memref_squeeze %dma_wait3A_90 : memref<1x128x128xf32, #tpu.memory_space<vmem>> -> memref<128x128xf32, #tpu.memory_space<vmem>>
      %dma_wait3A_92 = arith.constant 0 : i32
      %dma_wait3A_93 = tpu.memref_slice %arg6[%dma_wait3A_85, %dma_wait3A_86, %dma_wait3A_92] : memref<80x2x128xi32, #tpu.memory_space<vmem>> -> memref<1x1x128xi32, #tpu.memory_space<vmem>>
      %dma_wait3A_94 = tpu.memref_squeeze %dma_wait3A_93 : memref<1x1x128xi32, #tpu.memory_space<vmem>> -> memref<128xi32, #tpu.memory_space<vmem>>
      %dma_wait3A_95 = arith.constant 0 : i32
      %dma_wait3A_96 = arith.constant 0 : i32
      %dma_wait3A_97 = tpu.memref_slice %arg2[%dma_wait3A_95, %dma_wait3A_96] : memref<10000x128xf32, #tpu.memory_space<hbm>> -> memref<10000x128xf32, #tpu.memory_space<hbm>>
      tpu.wait_indirect_dma semaphore(%arg10 : memref<!tpu.dma_semaphore, #tpu.memory_space<semaphore_mem>>) src(%dma_wait3A_97 : memref<10000x128xf32, #tpu.memory_space<hbm>>) dst(%dma_wait3A_91 : memref<128x128xf32, #tpu.memory_space<vmem>>)
      %dma_wait3A_98 = arith.constant 0 : i32
      %dma_wait3A_99 = arith.constant 1 : i32
      %dma_wait3A_100 = arith.constant 0 : i32
      %dma_wait3A_101 = arith.constant 0 : i32
      %dma_wait3A_102 = arith.constant 0 : i32
      %dma_wait3A_103 = tpu.memref_slice %arg8[%dma_wait3A_100, %dma_wait3A_101, %dma_wait3A_102] : memref<2x128x128xf32, #tpu.memory_space<vmem>> -> memref<1x128x128xf32, #tpu.memory_space<vmem>>
      %dma_wait3A_104 = tpu.memref_squeeze %dma_wait3A_103 : memref<1x128x128xf32, #tpu.memory_space<vmem>> -> memref<128x128xf32, #tpu.memory_space<vmem>>
      %dma_wait3A_105 = arith.constant 0 : i32
      %dma_wait3A_106 = tpu.memref_slice %arg6[%dma_wait3A_98, %dma_wait3A_99, %dma_wait3A_105] : memref<80x2x128xi32, #tpu.memory_space<vmem>> -> memref<1x1x128xi32, #tpu.memory_space<vmem>>
      %dma_wait3A_107 = tpu.memref_squeeze %dma_wait3A_106 : memref<1x1x128xi32, #tpu.memory_space<vmem>> -> memref<128xi32, #tpu.memory_space<vmem>>
      %dma_wait3A_108 = arith.constant 0 : i32
      %dma_wait3A_109 = arith.constant 0 : i32
      %dma_wait3A_110 = tpu.memref_slice %arg3[%dma_wait3A_108, %dma_wait3A_109] : memref<10000x128xf32, #tpu.memory_space<hbm>> -> memref<10000x128xf32, #tpu.memory_space<hbm>>
      tpu.wait_indirect_dma semaphore(%arg10 : memref<!tpu.dma_semaphore, #tpu.memory_space<semaphore_mem>>) src(%dma_wait3A_110 : memref<10000x128xf32, #tpu.memory_space<hbm>>) dst(%dma_wait3A_104 : memref<128x128xf32, #tpu.memory_space<vmem>>)
      %ge3A = arith.constant 2 : i32
      %ge3A_111 = arith.cmpi sge, %add3A_84, %ge3A : i32
      %convert_element_type3A = arith.extui %ge3A_111 : i1 to i32
      %cond3A = arith.constant 0 : i32
      %cond3A_112 = arith.cmpi ne, %convert_element_type3A, %cond3A : i32
      scf.if %cond3A_112 {
        %dma_wait3A_197 = arith.constant 0 : i32
        %dma_wait3A_198 = arith.constant 0 : i32
        %dma_wait3A_199 = tpu.memref_slice %arg9[%dma_wait3A_197, %dma_wait3A_198] : memref<2x128xf32, #tpu.memory_space<vmem>> -> memref<1x128xf32, #tpu.memory_space<vmem>>
        %dma_wait3A_200 = tpu.memref_squeeze %dma_wait3A_199 : memref<1x128xf32, #tpu.memory_space<vmem>> -> memref<128xf32, #tpu.memory_space<vmem>>
        %dma_wait3A_201 = arith.constant 0 : i32
        %dma_wait3A_202 = tpu.memref_slice %arg5[%dma_wait3A_201] : memref<327680xf32, #tpu.memory_space<hbm>> -> memref<128xf32, #tpu.memory_space<hbm>>
        %dma_wait3A_203 = arith.constant 0 : i32
        %dma_wait3A_204 = tpu.memref_slice %arg5[%dma_wait3A_203] : memref<327680xf32, #tpu.memory_space<hbm>> -> memref<128xf32, #tpu.memory_space<hbm>>
        %dma_wait3A_205 = arith.constant 0 : i32
        %dma_wait3A_206 = tpu.memref_slice %arg9[%dma_wait3A_197, %dma_wait3A_205] : memref<2x128xf32, #tpu.memory_space<vmem>> -> memref<1x128xf32, #tpu.memory_space<vmem>>
        %dma_wait3A_207 = tpu.memref_squeeze %dma_wait3A_206 : memref<1x128xf32, #tpu.memory_space<vmem>> -> memref<128xf32, #tpu.memory_space<vmem>>
        tpu.wait_dma2 semaphore(%arg12 : memref<!tpu.dma_semaphore, #tpu.memory_space<semaphore_mem>>) src(%dma_wait3A_207 : memref<128xf32, #tpu.memory_space<vmem>>) dst(%dma_wait3A_204 : memref<128xf32, #tpu.memory_space<hbm>>)
      } else {
      }
      %scan3A_113 = arith.constant 0 : i32
      %scan3A_114 = arith.constant 0 : i32
      %scan3A_115 = arith.constant 8 : i32
      %scan3A_116 = arith.addi %scan3A_114, %scan3A_115 : i32
      %scan3A_117 = arith.constant 1 : i32
      scf.for %scan3A_197 = %scan3A_114 to %scan3A_116 step %scan3A_117  : i32 {
        %broadcast_in_dim3A = arith.constant 0.000000e+00 : f32
        %broadcast_in_dim3A_198 = vector.broadcast %broadcast_in_dim3A : f32 to vector<16xf32>
        %mul3A_199 = arith.constant 16 : i32
        %mul3A_200 = arith.muli %scan3A_197, %mul3A_199 : i32
        %add3A_201 = arith.constant 0 : i32
        %add3A_202 = arith.addi %mul3A_200, %add3A_201 : i32
        %get3A = arith.constant 0 : i32
        %get3A_203 = arith.index_cast %get3A : i32 to index
        %get3A_204 = arith.index_cast %add3A_202 : i32 to index
        %get3A_205 = arith.constant 0 : index
        %get3A_206 = tpu.vector_load %arg7[%get3A_203, %get3A_204, %get3A_205] {strides = array<i32>} : memref<2x128x128xf32, #tpu.memory_space<vmem>>, vector<16xf32>,
        %get3A_207 = arith.constant 0 : i32
        %get3A_208 = arith.index_cast %get3A_207 : i32 to index
        %get3A_209 = arith.index_cast %add3A_202 : i32 to index
        %get3A_210 = arith.constant 0 : index
        %get3A_211 = tpu.vector_load %arg8[%get3A_208, %get3A_209, %get3A_210] {strides = array<i32>} : memref<2x128x128xf32, #tpu.memory_space<vmem>>, vector<16xf32>,
        %mul3A_212 = arith.mulf %get3A_206, %get3A_211 : vector<16xf32>
        %get3A_213 = arith.constant 0 : i32
        %get3A_214 = arith.index_cast %get3A_213 : i32 to index
        %get3A_215 = arith.index_cast %add3A_202 : i32 to index
        %get3A_216 = arith.constant 16 : index
        %get3A_217 = tpu.vector_load %arg7[%get3A_214, %get3A_215, %get3A_216] {strides = array<i32>} : memref<2x128x128xf32, #tpu.memory_space<vmem>>, vector<16xf32>,
        %get3A_218 = arith.constant 0 : i32
        %get3A_219 = arith.index_cast %get3A_218 : i32 to index
        %get3A_220 = arith.index_cast %add3A_202 : i32 to index
        %get3A_221 = arith.constant 16 : index
        %get3A_222 = tpu.vector_load %arg8[%get3A_219, %get3A_220, %get3A_221] {strides = array<i32>} : memref<2x128x128xf32, #tpu.memory_space<vmem>>, vector<16xf32>,
        %mul3A_223 = arith.mulf %get3A_217, %get3A_222 : vector<16xf32>
        %add3A_224 = arith.addf %mul3A_212, %mul3A_223 : vector<16xf32>
        %get3A_225 = arith.constant 0 : i32
        %get3A_226 = arith.index_cast %get3A_225 : i32 to index
        %get3A_227 = arith.index_cast %add3A_202 : i32 to index
        %get3A_228 = arith.constant 32 : index
        %get3A_229 = tpu.vector_load %arg7[%get3A_226, %get3A_227, %get3A_228] {strides = array<i32>} : memref<2x128x128xf32, #tpu.memory_space<vmem>>, vector<16xf32>,
        %get3A_230 = arith.constant 0 : i32
        %get3A_231 = arith.index_cast %get3A_230 : i32 to index
        %get3A_232 = arith.index_cast %add3A_202 : i32 to index
        %get3A_233 = arith.constant 32 : index
        %get3A_234 = tpu.vector_load %arg8[%get3A_231, %get3A_232, %get3A_233] {strides = array<i32>} : memref<2x128x128xf32, #tpu.memory_space<vmem>>, vector<16xf32>,
        %mul3A_235 = arith.mulf %get3A_229, %get3A_234 : vector<16xf32>
        %add3A_236 = arith.addf %add3A_224, %mul3A_235 : vector<16xf32>
        %get3A_237 = arith.constant 0 : i32
        %get3A_238 = arith.index_cast %get3A_237 : i32 to index
        %get3A_239 = arith.index_cast %add3A_202 : i32 to index
        %get3A_240 = arith.constant 48 : index
        %get3A_241 = tpu.vector_load %arg7[%get3A_238, %get3A_239, %get3A_240] {strides = array<i32>} : memref<2x128x128xf32, #tpu.memory_space<vmem>>, vector<16xf32>,
        %get3A_242 = arith.constant 0 : i32
        %get3A_243 = arith.index_cast %get3A_242 : i32 to index
        %get3A_244 = arith.index_cast %add3A_202 : i32 to index
        %get3A_245 = arith.constant 48 : index
        %get3A_246 = tpu.vector_load %arg8[%get3A_243, %get3A_244, %get3A_245] {strides = array<i32>} : memref<2x128x128xf32, #tpu.memory_space<vmem>>, vector<16xf32>,
        %mul3A_247 = arith.mulf %get3A_241, %get3A_246 : vector<16xf32>
        %add3A_248 = arith.addf %add3A_236, %mul3A_247 : vector<16xf32>
        %get3A_249 = arith.constant 0 : i32
        %get3A_250 = arith.index_cast %get3A_249 : i32 to index
        %get3A_251 = arith.index_cast %add3A_202 : i32 to index
        %get3A_252 = arith.constant 64 : index
        %get3A_253 = tpu.vector_load %arg7[%get3A_250, %get3A_251, %get3A_252] {strides = array<i32>} : memref<2x128x128xf32, #tpu.memory_space<vmem>>, vector<16xf32>,
        %get3A_254 = arith.constant 0 : i32
        %get3A_255 = arith.index_cast %get3A_254 : i32 to index
        %get3A_256 = arith.index_cast %add3A_202 : i32 to index
        %get3A_257 = arith.constant 64 : index
        %get3A_258 = tpu.vector_load %arg8[%get3A_255, %get3A_256, %get3A_257] {strides = array<i32>} : memref<2x128x128xf32, #tpu.memory_space<vmem>>, vector<16xf32>,
        %mul3A_259 = arith.mulf %get3A_253, %get3A_258 : vector<16xf32>
        %add3A_260 = arith.addf %add3A_248, %mul3A_259 : vector<16xf32>
        %get3A_261 = arith.constant 0 : i32
        %get3A_262 = arith.index_cast %get3A_261 : i32 to index
        %get3A_263 = arith.index_cast %add3A_202 : i32 to index
        %get3A_264 = arith.constant 80 : index
        %get3A_265 = tpu.vector_load %arg7[%get3A_262, %get3A_263, %get3A_264] {strides = array<i32>} : memref<2x128x128xf32, #tpu.memory_space<vmem>>, vector<16xf32>,
        %get3A_266 = arith.constant 0 : i32
        %get3A_267 = arith.index_cast %get3A_266 : i32 to index
        %get3A_268 = arith.index_cast %add3A_202 : i32 to index
        %get3A_269 = arith.constant 80 : index
        %get3A_270 = tpu.vector_load %arg8[%get3A_267, %get3A_268, %get3A_269] {strides = array<i32>} : memref<2x128x128xf32, #tpu.memory_space<vmem>>, vector<16xf32>,
        %mul3A_271 = arith.mulf %get3A_265, %get3A_270 : vector<16xf32>
        %add3A_272 = arith.addf %add3A_260, %mul3A_271 : vector<16xf32>
        %get3A_273 = arith.constant 0 : i32
        %get3A_274 = arith.index_cast %get3A_273 : i32 to index
        %get3A_275 = arith.index_cast %add3A_202 : i32 to index
        %get3A_276 = arith.constant 96 : index
        %get3A_277 = tpu.vector_load %arg7[%get3A_274, %get3A_275, %get3A_276] {strides = array<i32>} : memref<2x128x128xf32, #tpu.memory_space<vmem>>, vector<16xf32>,
        %get3A_278 = arith.constant 0 : i32
        %get3A_279 = arith.index_cast %get3A_278 : i32 to index
        %get3A_280 = arith.index_cast %add3A_202 : i32 to index
        %get3A_281 = arith.constant 96 : index
        %get3A_282 = tpu.vector_load %arg8[%get3A_279, %get3A_280, %get3A_281] {strides = array<i32>} : memref<2x128x128xf32, #tpu.memory_space<vmem>>, vector<16xf32>,
        %mul3A_283 = arith.mulf %get3A_277, %get3A_282 : vector<16xf32>
        %add3A_284 = arith.addf %add3A_272, %mul3A_283 : vector<16xf32>
        %get3A_285 = arith.constant 0 : i32
        %get3A_286 = arith.index_cast %get3A_285 : i32 to index
        %get3A_287 = arith.index_cast %add3A_202 : i32 to index
        %get3A_288 = arith.constant 112 : index
        %get3A_289 = tpu.vector_load %arg7[%get3A_286, %get3A_287, %get3A_288] {strides = array<i32>} : memref<2x128x128xf32, #tpu.memory_space<vmem>>, vector<16xf32>,
        %get3A_290 = arith.constant 0 : i32
        %get3A_291 = arith.index_cast %get3A_290 : i32 to index
        %get3A_292 = arith.index_cast %add3A_202 : i32 to index
        %get3A_293 = arith.constant 112 : index
        %get3A_294 = tpu.vector_load %arg8[%get3A_291, %get3A_292, %get3A_293] {strides = array<i32>} : memref<2x128x128xf32, #tpu.memory_space<vmem>>, vector<16xf32>,
        %mul3A_295 = arith.mulf %get3A_289, %get3A_294 : vector<16xf32>
        %add3A_296 = arith.addf %add3A_284, %mul3A_295 : vector<16xf32>
        %eq3A = arith.constant 0 : i32
        %eq3A_297 = vector.broadcast %eq3A : i32 to vector<16xi32>
        %eq3A_298 = arith.cmpi eq, %iota3A, %eq3A_297 : vector<16xi32>
        %reduce_sum3A = arith.constant true
        %reduce_sum3A_299 = vector.broadcast %reduce_sum3A : i1 to vector<16xi1>
        %reduce_sum3A_300 = tpu.scan <sum>, %add3A_296 masked %reduce_sum3A_299 : vector<16xf32>, vector<16xi1> -> vector<16xf32>
        %reduce_sum3A_301 = vector.extract %reduce_sum3A_300[15] : f32 from vector<16xf32>
        %broadcast_in_dim3A_302 = vector.broadcast %reduce_sum3A_301 : f32 to vector<16xf32>
        %select_n3A = arith.select %eq3A_298, %broadcast_in_dim3A_302, %broadcast_in_dim3A_198 : vector<16xi1>, vector<16xf32>
        %mul3A_303 = arith.constant 16 : i32
        %mul3A_304 = arith.muli %scan3A_197, %mul3A_303 : i32
        %add3A_305 = arith.constant 1 : i32
        %add3A_306 = arith.addi %mul3A_304, %add3A_305 : i32
        %get3A_307 = arith.constant 0 : i32
        %get3A_308 = arith.index_cast %get3A_307 : i32 to index
        %get3A_309 = arith.index_cast %add3A_306 : i32 to index
        %get3A_310 = arith.constant 0 : index
        %get3A_311 = tpu.vector_load %arg7[%get3A_308, %get3A_309, %get3A_310] {strides = array<i32>} : memref<2x128x128xf32, #tpu.memory_space<vmem>>, vector<16xf32>,
        %get3A_312 = arith.constant 0 : i32
        %get3A_313 = arith.index_cast %get3A_312 : i32 to index
        %get3A_314 = arith.index_cast %add3A_306 : i32 to index
        %get3A_315 = arith.constant 0 : index
        %get3A_316 = tpu.vector_load %arg8[%get3A_313, %get3A_314, %get3A_315] {strides = array<i32>} : memref<2x128x128xf32, #tpu.memory_space<vmem>>, vector<16xf32>,
        %mul3A_317 = arith.mulf %get3A_311, %get3A_316 : vector<16xf32>
        %get3A_318 = arith.constant 0 : i32
        %get3A_319 = arith.index_cast %get3A_318 : i32 to index
        %get3A_320 = arith.index_cast %add3A_306 : i32 to index
        %get3A_321 = arith.constant 16 : index
        %get3A_322 = tpu.vector_load %arg7[%get3A_319, %get3A_320, %get3A_321] {strides = array<i32>} : memref<2x128x128xf32, #tpu.memory_space<vmem>>, vector<16xf32>,
        %get3A_323 = arith.constant 0 : i32
        %get3A_324 = arith.index_cast %get3A_323 : i32 to index
        %get3A_325 = arith.index_cast %add3A_306 : i32 to index
        %get3A_326 = arith.constant 16 : index
        %get3A_327 = tpu.vector_load %arg8[%get3A_324, %get3A_325, %get3A_326] {strides = array<i32>} : memref<2x128x128xf32, #tpu.memory_space<vmem>>, vector<16xf32>,
        %mul3A_328 = arith.mulf %get3A_322, %get3A_327 : vector<16xf32>
        %add3A_329 = arith.addf %mul3A_317, %mul3A_328 : vector<16xf32>
        %get3A_330 = arith.constant 0 : i32
        %get3A_331 = arith.index_cast %get3A_330 : i32 to index
        %get3A_332 = arith.index_cast %add3A_306 : i32 to index
        %get3A_333 = arith.constant 32 : index
        %get3A_334 = tpu.vector_load %arg7[%get3A_331, %get3A_332, %get3A_333] {strides = array<i32>} : memref<2x128x128xf32, #tpu.memory_space<vmem>>, vector<16xf32>,
        %get3A_335 = arith.constant 0 : i32
        %get3A_336 = arith.index_cast %get3A_335 : i32 to index
        %get3A_337 = arith.index_cast %add3A_306 : i32 to index
        %get3A_338 = arith.constant 32 : index
        %get3A_339 = tpu.vector_load %arg8[%get3A_336, %get3A_337, %get3A_338] {strides = array<i32>} : memref<2x128x128xf32, #tpu.memory_space<vmem>>, vector<16xf32>,
        %mul3A_340 = arith.mulf %get3A_334, %get3A_339 : vector<16xf32>
        %add3A_341 = arith.addf %add3A_329, %mul3A_340 : vector<16xf32>
        %get3A_342 = arith.constant 0 : i32
        %get3A_343 = arith.index_cast %get3A_342 : i32 to index
        %get3A_344 = arith.index_cast %add3A_306 : i32 to index
        %get3A_345 = arith.constant 48 : index
        %get3A_346 = tpu.vector_load %arg7[%get3A_343, %get3A_344, %get3A_345] {strides = array<i32>} : memref<2x128x128xf32, #tpu.memory_space<vmem>>, vector<16xf32>,
        %get3A_347 = arith.constant 0 : i32
        %get3A_348 = arith.index_cast %get3A_347 : i32 to index
        %get3A_349 = arith.index_cast %add3A_306 : i32 to index
        %get3A_350 = arith.constant 48 : index
        %get3A_351 = tpu.vector_load %arg8[%get3A_348, %get3A_349, %get3A_350] {strides = array<i32>} : memref<2x128x128xf32, #tpu.memory_space<vmem>>, vector<16xf32>,
        %mul3A_352 = arith.mulf %get3A_346, %get3A_351 : vector<16xf32>
        %add3A_353 = arith.addf %add3A_341, %mul3A_352 : vector<16xf32>
        %get3A_354 = arith.constant 0 : i32
        %get3A_355 = arith.index_cast %get3A_354 : i32 to index
        %get3A_356 = arith.index_cast %add3A_306 : i32 to index
        %get3A_357 = arith.constant 64 : index
        %get3A_358 = tpu.vector_load %arg7[%get3A_355, %get3A_356, %get3A_357] {strides = array<i32>} : memref<2x128x128xf32, #tpu.memory_space<vmem>>, vector<16xf32>,
        %get3A_359 = arith.constant 0 : i32
        %get3A_360 = arith.index_cast %get3A_359 : i32 to index
        %get3A_361 = arith.index_cast %add3A_306 : i32 to index
        %get3A_362 = arith.constant 64 : index
        %get3A_363 = tpu.vector_load %arg8[%get3A_360, %get3A_361, %get3A_362] {strides = array<i32>} : memref<2x128x128xf32, #tpu.memory_space<vmem>>, vector<16xf32>,
        %mul3A_364 = arith.mulf %get3A_358, %get3A_363 : vector<16xf32>
        %add3A_365 = arith.addf %add3A_353, %mul3A_364 : vector<16xf32>
        %get3A_366 = arith.constant 0 : i32
        %get3A_367 = arith.index_cast %get3A_366 : i32 to index
        %get3A_368 = arith.index_cast %add3A_306 : i32 to index
        %get3A_369 = arith.constant 80 : index
        %get3A_370 = tpu.vector_load %arg7[%get3A_367, %get3A_368, %get3A_369] {strides = array<i32>} : memref<2x128x128xf32, #tpu.memory_space<vmem>>, vector<16xf32>,
        %get3A_371 = arith.constant 0 : i32
        %get3A_372 = arith.index_cast %get3A_371 : i32 to index
        %get3A_373 = arith.index_cast %add3A_306 : i32 to index
        %get3A_374 = arith.constant 80 : index
        %get3A_375 = tpu.vector_load %arg8[%get3A_372, %get3A_373, %get3A_374] {strides = array<i32>} : memref<2x128x128xf32, #tpu.memory_space<vmem>>, vector<16xf32>,
        %mul3A_376 = arith.mulf %get3A_370, %get3A_375 : vector<16xf32>
        %add3A_377 = arith.addf %add3A_365, %mul3A_376 : vector<16xf32>
        %get3A_378 = arith.constant 0 : i32
        %get3A_379 = arith.index_cast %get3A_378 : i32 to index
        %get3A_380 = arith.index_cast %add3A_306 : i32 to index
        %get3A_381 = arith.constant 96 : index
        %get3A_382 = tpu.vector_load %arg7[%get3A_379, %get3A_380, %get3A_381] {strides = array<i32>} : memref<2x128x128xf32, #tpu.memory_space<vmem>>, vector<16xf32>,
        %get3A_383 = arith.constant 0 : i32
        %get3A_384 = arith.index_cast %get3A_383 : i32 to index
        %get3A_385 = arith.index_cast %add3A_306 : i32 to index
        %get3A_386 = arith.constant 96 : index
        %get3A_387 = tpu.vector_load %arg8[%get3A_384, %get3A_385, %get3A_386] {strides = array<i32>} : memref<2x128x128xf32, #tpu.memory_space<vmem>>, vector<16xf32>,
        %mul3A_388 = arith.mulf %get3A_382, %get3A_387 : vector<16xf32>
        %add3A_389 = arith.addf %add3A_377, %mul3A_388 : vector<16xf32>
        %get3A_390 = arith.constant 0 : i32
        %get3A_391 = arith.index_cast %get3A_390 : i32 to index
        %get3A_392 = arith.index_cast %add3A_306 : i32 to index
        %get3A_393 = arith.constant 112 : index
        %get3A_394 = tpu.vector_load %arg7[%get3A_391, %get3A_392, %get3A_393] {strides = array<i32>} : memref<2x128x128xf32, #tpu.memory_space<vmem>>, vector<16xf32>,
        %get3A_395 = arith.constant 0 : i32
        %get3A_396 = arith.index_cast %get3A_395 : i32 to index
        %get3A_397 = arith.index_cast %add3A_306 : i32 to index
        %get3A_398 = arith.constant 112 : index
        %get3A_399 = tpu.vector_load %arg8[%get3A_396, %get3A_397, %get3A_398] {strides = array<i32>} : memref<2x128x128xf32, #tpu.memory_space<vmem>>, vector<16xf32>,
        %mul3A_400 = arith.mulf %get3A_394, %get3A_399 : vector<16xf32>
        %add3A_401 = arith.addf %add3A_389, %mul3A_400 : vector<16xf32>
        %eq3A_402 = arith.constant 1 : i32
        %eq3A_403 = vector.broadcast %eq3A_402 : i32 to vector<16xi32>
        %eq3A_404 = arith.cmpi eq, %iota3A, %eq3A_403 : vector<16xi32>
        %reduce_sum3A_405 = arith.constant true
        %reduce_sum3A_406 = vector.broadcast %reduce_sum3A_405 : i1 to vector<16xi1>
        %reduce_sum3A_407 = tpu.scan <sum>, %add3A_401 masked %reduce_sum3A_406 : vector<16xf32>, vector<16xi1> -> vector<16xf32>
        %reduce_sum3A_408 = vector.extract %reduce_sum3A_407[15] : f32 from vector<16xf32>
        %broadcast_in_dim3A_409 = vector.broadcast %reduce_sum3A_408 : f32 to vector<16xf32>
        %select_n3A_410 = arith.select %eq3A_404, %broadcast_in_dim3A_409, %select_n3A : vector<16xi1>, vector<16xf32>
        %mul3A_411 = arith.constant 16 : i32
        %mul3A_412 = arith.muli %scan3A_197, %mul3A_411 : i32
        %add3A_413 = arith.constant 2 : i32
        %add3A_414 = arith.addi %mul3A_412, %add3A_413 : i32
        %get3A_415 = arith.constant 0 : i32
        %get3A_416 = arith.index_cast %get3A_415 : i32 to index
        %get3A_417 = arith.index_cast %add3A_414 : i32 to index
        %get3A_418 = arith.constant 0 : index
        %get3A_419 = tpu.vector_load %arg7[%get3A_416, %get3A_417, %get3A_418] {strides = array<i32>} : memref<2x128x128xf32, #tpu.memory_space<vmem>>, vector<16xf32>,
        %get3A_420 = arith.constant 0 : i32
        %get3A_421 = arith.index_cast %get3A_420 : i32 to index
        %get3A_422 = arith.index_cast %add3A_414 : i32 to index
        %get3A_423 = arith.constant 0 : index
        %get3A_424 = tpu.vector_load %arg8[%get3A_421, %get3A_422, %get3A_423] {strides = array<i32>} : memref<2x128x128xf32, #tpu.memory_space<vmem>>, vector<16xf32>,
        %mul3A_425 = arith.mulf %get3A_419, %get3A_424 : vector<16xf32>
        %get3A_426 = arith.constant 0 : i32
        %get3A_427 = arith.index_cast %get3A_426 : i32 to index
        %get3A_428 = arith.index_cast %add3A_414 : i32 to index
        %get3A_429 = arith.constant 16 : index
        %get3A_430 = tpu.vector_load %arg7[%get3A_427, %get3A_428, %get3A_429] {strides = array<i32>} : memref<2x128x128xf32, #tpu.memory_space<vmem>>, vector<16xf32>,
        %get3A_431 = arith.constant 0 : i32
        %get3A_432 = arith.index_cast %get3A_431 : i32 to index
        %get3A_433 = arith.index_cast %add3A_414 : i32 to index
        %get3A_434 = arith.constant 16 : index
        %get3A_435 = tpu.vector_load %arg8[%get3A_432, %get3A_433, %get3A_434] {strides = array<i32>} : memref<2x128x128xf32, #tpu.memory_space<vmem>>, vector<16xf32>,
        %mul3A_436 = arith.mulf %get3A_430, %get3A_435 : vector<16xf32>
        %add3A_437 = arith.addf %mul3A_425, %mul3A_436 : vector<16xf32>
        %get3A_438 = arith.constant 0 : i32
        %get3A_439 = arith.index_cast %get3A_438 : i32 to index
        %get3A_440 = arith.index_cast %add3A_414 : i32 to index
        %get3A_441 = arith.constant 32 : index
        %get3A_442 = tpu.vector_load %arg7[%get3A_439, %get3A_440, %get3A_441] {strides = array<i32>} : memref<2x128x128xf32, #tpu.memory_space<vmem>>, vector<16xf32>,
        %get3A_443 = arith.constant 0 : i32
        %get3A_444 = arith.index_cast %get3A_443 : i32 to index
        %get3A_445 = arith.index_cast %add3A_414 : i32 to index
        %get3A_446 = arith.constant 32 : index
        %get3A_447 = tpu.vector_load %arg8[%get3A_444, %get3A_445, %get3A_446] {strides = array<i32>} : memref<2x128x128xf32, #tpu.memory_space<vmem>>, vector<16xf32>,
        %mul3A_448 = arith.mulf %get3A_442, %get3A_447 : vector<16xf32>
        %add3A_449 = arith.addf %add3A_437, %mul3A_448 : vector<16xf32>
        %get3A_450 = arith.constant 0 : i32
        %get3A_451 = arith.index_cast %get3A_450 : i32 to index
        %get3A_452 = arith.index_cast %add3A_414 : i32 to index
        %get3A_453 = arith.constant 48 : index
        %get3A_454 = tpu.vector_load %arg7[%get3A_451, %get3A_452, %get3A_453] {strides = array<i32>} : memref<2x128x128xf32, #tpu.memory_space<vmem>>, vector<16xf32>,
        %get3A_455 = arith.constant 0 : i32
        %get3A_456 = arith.index_cast %get3A_455 : i32 to index
        %get3A_457 = arith.index_cast %add3A_414 : i32 to index
        %get3A_458 = arith.constant 48 : index
        %get3A_459 = tpu.vector_load %arg8[%get3A_456, %get3A_457, %get3A_458] {strides = array<i32>} : memref<2x128x128xf32, #tpu.memory_space<vmem>>, vector<16xf32>,
        %mul3A_460 = arith.mulf %get3A_454, %get3A_459 : vector<16xf32>
        %add3A_461 = arith.addf %add3A_449, %mul3A_460 : vector<16xf32>
        %get3A_462 = arith.constant 0 : i32
        %get3A_463 = arith.index_cast %get3A_462 : i32 to index
        %get3A_464 = arith.index_cast %add3A_414 : i32 to index
        %get3A_465 = arith.constant 64 : index
        %get3A_466 = tpu.vector_load %arg7[%get3A_463, %get3A_464, %get3A_465] {strides = array<i32>} : memref<2x128x128xf32, #tpu.memory_space<vmem>>, vector<16xf32>,
        %get3A_467 = arith.constant 0 : i32
        %get3A_468 = arith.index_cast %get3A_467 : i32 to index
        %get3A_469 = arith.index_cast %add3A_414 : i32 to index
        %get3A_470 = arith.constant 64 : index
        %get3A_471 = tpu.vector_load %arg8[%get3A_468, %get3A_469, %get3A_470] {strides = array<i32>} : memref<2x128x128xf32, #tpu.memory_space<vmem>>, vector<16xf32>,
        %mul3A_472 = arith.mulf %get3A_466, %get3A_471 : vector<16xf32>
        %add3A_473 = arith.addf %add3A_461, %mul3A_472 : vector<16xf32>
        %get3A_474 = arith.constant 0 : i32
        %get3A_475 = arith.index_cast %get3A_474 : i32 to index
        %get3A_476 = arith.index_cast %add3A_414 : i32 to index
        %get3A_477 = arith.constant 80 : index
        %get3A_478 = tpu.vector_load %arg7[%get3A_475, %get3A_476, %get3A_477] {strides = array<i32>} : memref<2x128x128xf32, #tpu.memory_space<vmem>>, vector<16xf32>,
        %get3A_479 = arith.constant 0 : i32
        %get3A_480 = arith.index_cast %get3A_479 : i32 to index
        %get3A_481 = arith.index_cast %add3A_414 : i32 to index
        %get3A_482 = arith.constant 80 : index
        %get3A_483 = tpu.vector_load %arg8[%get3A_480, %get3A_481, %get3A_482] {strides = array<i32>} : memref<2x128x128xf32, #tpu.memory_space<vmem>>, vector<16xf32>,
        %mul3A_484 = arith.mulf %get3A_478, %get3A_483 : vector<16xf32>
        %add3A_485 = arith.addf %add3A_473, %mul3A_484 : vector<16xf32>
        %get3A_486 = arith.constant 0 : i32
        %get3A_487 = arith.index_cast %get3A_486 : i32 to index
        %get3A_488 = arith.index_cast %add3A_414 : i32 to index
        %get3A_489 = arith.constant 96 : index
        %get3A_490 = tpu.vector_load %arg7[%get3A_487, %get3A_488, %get3A_489] {strides = array<i32>} : memref<2x128x128xf32, #tpu.memory_space<vmem>>, vector<16xf32>,
        %get3A_491 = arith.constant 0 : i32
        %get3A_492 = arith.index_cast %get3A_491 : i32 to index
        %get3A_493 = arith.index_cast %add3A_414 : i32 to index
        %get3A_494 = arith.constant 96 : index
        %get3A_495 = tpu.vector_load %arg8[%get3A_492, %get3A_493, %get3A_494] {strides = array<i32>} : memref<2x128x128xf32, #tpu.memory_space<vmem>>, vector<16xf32>,
        %mul3A_496 = arith.mulf %get3A_490, %get3A_495 : vector<16xf32>
        %add3A_497 = arith.addf %add3A_485, %mul3A_496 : vector<16xf32>
        %get3A_498 = arith.constant 0 : i32
        %get3A_499 = arith.index_cast %get3A_498 : i32 to index
        %get3A_500 = arith.index_cast %add3A_414 : i32 to index
        %get3A_501 = arith.constant 112 : index
        %get3A_502 = tpu.vector_load %arg7[%get3A_499, %get3A_500, %get3A_501] {strides = array<i32>} : memref<2x128x128xf32, #tpu.memory_space<vmem>>, vector<16xf32>,
        %get3A_503 = arith.constant 0 : i32
        %get3A_504 = arith.index_cast %get3A_503 : i32 to index
        %get3A_505 = arith.index_cast %add3A_414 : i32 to index
        %get3A_506 = arith.constant 112 : index
        %get3A_507 = tpu.vector_load %arg8[%get3A_504, %get3A_505, %get3A_506] {strides = array<i32>} : memref<2x128x128xf32, #tpu.memory_space<vmem>>, vector<16xf32>,
        %mul3A_508 = arith.mulf %get3A_502, %get3A_507 : vector<16xf32>
        %add3A_509 = arith.addf %add3A_497, %mul3A_508 : vector<16xf32>
        %eq3A_510 = arith.constant 2 : i32
        %eq3A_511 = vector.broadcast %eq3A_510 : i32 to vector<16xi32>
        %eq3A_512 = arith.cmpi eq, %iota3A, %eq3A_511 : vector<16xi32>
        %reduce_sum3A_513 = arith.constant true
        %reduce_sum3A_514 = vector.broadcast %reduce_sum3A_513 : i1 to vector<16xi1>
        %reduce_sum3A_515 = tpu.scan <sum>, %add3A_509 masked %reduce_sum3A_514 : vector<16xf32>, vector<16xi1> -> vector<16xf32>
        %reduce_sum3A_516 = vector.extract %reduce_sum3A_515[15] : f32 from vector<16xf32>
        %broadcast_in_dim3A_517 = vector.broadcast %reduce_sum3A_516 : f32 to vector<16xf32>
        %select_n3A_518 = arith.select %eq3A_512, %broadcast_in_dim3A_517, %select_n3A_410 : vector<16xi1>, vector<16xf32>
        %mul3A_519 = arith.constant 16 : i32
        %mul3A_520 = arith.muli %scan3A_197, %mul3A_519 : i32
        %add3A_521 = arith.constant 3 : i32
        %add3A_522 = arith.addi %mul3A_520, %add3A_521 : i32
        %get3A_523 = arith.constant 0 : i32
        %get3A_524 = arith.index_cast %get3A_523 : i32 to index
        %get3A_525 = arith.index_cast %add3A_522 : i32 to index
        %get3A_526 = arith.constant 0 : index
        %get3A_527 = tpu.vector_load %arg7[%get3A_524, %get3A_525, %get3A_526] {strides = array<i32>} : memref<2x128x128xf32, #tpu.memory_space<vmem>>, vector<16xf32>,
        %get3A_528 = arith.constant 0 : i32
        %get3A_529 = arith.index_cast %get3A_528 : i32 to index
        %get3A_530 = arith.index_cast %add3A_522 : i32 to index
        %get3A_531 = arith.constant 0 : index
        %get3A_532 = tpu.vector_load %arg8[%get3A_529, %get3A_530, %get3A_531] {strides = array<i32>} : memref<2x128x128xf32, #tpu.memory_space<vmem>>, vector<16xf32>,
        %mul3A_533 = arith.mulf %get3A_527, %get3A_532 : vector<16xf32>
        %get3A_534 = arith.constant 0 : i32
        %get3A_535 = arith.index_cast %get3A_534 : i32 to index
        %get3A_536 = arith.index_cast %add3A_522 : i32 to index
        %get3A_537 = arith.constant 16 : index
        %get3A_538 = tpu.vector_load %arg7[%get3A_535, %get3A_536, %get3A_537] {strides = array<i32>} : memref<2x128x128xf32, #tpu.memory_space<vmem>>, vector<16xf32>,
        %get3A_539 = arith.constant 0 : i32
        %get3A_540 = arith.index_cast %get3A_539 : i32 to index
        %get3A_541 = arith.index_cast %add3A_522 : i32 to index
        %get3A_542 = arith.constant 16 : index
        %get3A_543 = tpu.vector_load %arg8[%get3A_540, %get3A_541, %get3A_542] {strides = array<i32>} : memref<2x128x128xf32, #tpu.memory_space<vmem>>, vector<16xf32>,
        %mul3A_544 = arith.mulf %get3A_538, %get3A_543 : vector<16xf32>
        %add3A_545 = arith.addf %mul3A_533, %mul3A_544 : vector<16xf32>
        %get3A_546 = arith.constant 0 : i32
        %get3A_547 = arith.index_cast %get3A_546 : i32 to index
        %get3A_548 = arith.index_cast %add3A_522 : i32 to index
        %get3A_549 = arith.constant 32 : index
        %get3A_550 = tpu.vector_load %arg7[%get3A_547, %get3A_548, %get3A_549] {strides = array<i32>} : memref<2x128x128xf32, #tpu.memory_space<vmem>>, vector<16xf32>,
        %get3A_551 = arith.constant 0 : i32
        %get3A_552 = arith.index_cast %get3A_551 : i32 to index
        %get3A_553 = arith.index_cast %add3A_522 : i32 to index
        %get3A_554 = arith.constant 32 : index
        %get3A_555 = tpu.vector_load %arg8[%get3A_552, %get3A_553, %get3A_554] {strides = array<i32>} : memref<2x128x128xf32, #tpu.memory_space<vmem>>, vector<16xf32>,
        %mul3A_556 = arith.mulf %get3A_550, %get3A_555 : vector<16xf32>
        %add3A_557 = arith.addf %add3A_545, %mul3A_556 : vector<16xf32>
        %get3A_558 = arith.constant 0 : i32
        %get3A_559 = arith.index_cast %get3A_558 : i32 to index
        %get3A_560 = arith.index_cast %add3A_522 : i32 to index
        %get3A_561 = arith.constant 48 : index
        %get3A_562 = tpu.vector_load %arg7[%get3A_559, %get3A_560, %get3A_561] {strides = array<i32>} : memref<2x128x128xf32, #tpu.memory_space<vmem>>, vector<16xf32>,
        %get3A_563 = arith.constant 0 : i32
        %get3A_564 = arith.index_cast %get3A_563 : i32 to index
        %get3A_565 = arith.index_cast %add3A_522 : i32 to index
        %get3A_566 = arith.constant 48 : index
        %get3A_567 = tpu.vector_load %arg8[%get3A_564, %get3A_565, %get3A_566] {strides = array<i32>} : memref<2x128x128xf32, #tpu.memory_space<vmem>>, vector<16xf32>,
        %mul3A_568 = arith.mulf %get3A_562, %get3A_567 : vector<16xf32>
        %add3A_569 = arith.addf %add3A_557, %mul3A_568 : vector<16xf32>
        %get3A_570 = arith.constant 0 : i32
        %get3A_571 = arith.index_cast %get3A_570 : i32 to index
        %get3A_572 = arith.index_cast %add3A_522 : i32 to index
        %get3A_573 = arith.constant 64 : index
        %get3A_574 = tpu.vector_load %arg7[%get3A_571, %get3A_572, %get3A_573] {strides = array<i32>} : memref<2x128x128xf32, #tpu.memory_space<vmem>>, vector<16xf32>,
        %get3A_575 = arith.constant 0 : i32
        %get3A_576 = arith.index_cast %get3A_575 : i32 to index
        %get3A_577 = arith.index_cast %add3A_522 : i32 to index
        %get3A_578 = arith.constant 64 : index
        %get3A_579 = tpu.vector_load %arg8[%get3A_576, %get3A_577, %get3A_578] {strides = array<i32>} : memref<2x128x128xf32, #tpu.memory_space<vmem>>, vector<16xf32>,
        %mul3A_580 = arith.mulf %get3A_574, %get3A_579 : vector<16xf32>
        %add3A_581 = arith.addf %add3A_569, %mul3A_580 : vector<16xf32>
        %get3A_582 = arith.constant 0 : i32
        %get3A_583 = arith.index_cast %get3A_582 : i32 to index
        %get3A_584 = arith.index_cast %add3A_522 : i32 to index
        %get3A_585 = arith.constant 80 : index
        %get3A_586 = tpu.vector_load %arg7[%get3A_583, %get3A_584, %get3A_585] {strides = array<i32>} : memref<2x128x128xf32, #tpu.memory_space<vmem>>, vector<16xf32>,
        %get3A_587 = arith.constant 0 : i32
        %get3A_588 = arith.index_cast %get3A_587 : i32 to index
        %get3A_589 = arith.index_cast %add3A_522 : i32 to index
        %get3A_590 = arith.constant 80 : index
        %get3A_591 = tpu.vector_load %arg8[%get3A_588, %get3A_589, %get3A_590] {strides = array<i32>} : memref<2x128x128xf32, #tpu.memory_space<vmem>>, vector<16xf32>,
        %mul3A_592 = arith.mulf %get3A_586, %get3A_591 : vector<16xf32>
        %add3A_593 = arith.addf %add3A_581, %mul3A_592 : vector<16xf32>
        %get3A_594 = arith.constant 0 : i32
        %get3A_595 = arith.index_cast %get3A_594 : i32 to index
        %get3A_596 = arith.index_cast %add3A_522 : i32 to index
        %get3A_597 = arith.constant 96 : index
        %get3A_598 = tpu.vector_load %arg7[%get3A_595, %get3A_596, %get3A_597] {strides = array<i32>} : memref<2x128x128xf32, #tpu.memory_space<vmem>>, vector<16xf32>,
        %get3A_599 = arith.constant 0 : i32
        %get3A_600 = arith.index_cast %get3A_599 : i32 to index
        %get3A_601 = arith.index_cast %add3A_522 : i32 to index
        %get3A_602 = arith.constant 96 : index
        %get3A_603 = tpu.vector_load %arg8[%get3A_600, %get3A_601, %get3A_602] {strides = array<i32>} : memref<2x128x128xf32, #tpu.memory_space<vmem>>, vector<16xf32>,
        %mul3A_604 = arith.mulf %get3A_598, %get3A_603 : vector<16xf32>
        %add3A_605 = arith.addf %add3A_593, %mul3A_604 : vector<16xf32>
        %get3A_606 = arith.constant 0 : i32
        %get3A_607 = arith.index_cast %get3A_606 : i32 to index
        %get3A_608 = arith.index_cast %add3A_522 : i32 to index
        %get3A_609 = arith.constant 112 : index
        %get3A_610 = tpu.vector_load %arg7[%get3A_607, %get3A_608, %get3A_609] {strides = array<i32>} : memref<2x128x128xf32, #tpu.memory_space<vmem>>, vector<16xf32>,
        %get3A_611 = arith.constant 0 : i32
        %get3A_612 = arith.index_cast %get3A_611 : i32 to index
        %get3A_613 = arith.index_cast %add3A_522 : i32 to index
        %get3A_614 = arith.constant 112 : index
        %get3A_615 = tpu.vector_load %arg8[%get3A_612, %get3A_613, %get3A_614] {strides = array<i32>} : memref<2x128x128xf32, #tpu.memory_space<vmem>>, vector<16xf32>,
        %mul3A_616 = arith.mulf %get3A_610, %get3A_615 : vector<16xf32>
        %add3A_617 = arith.addf %add3A_605, %mul3A_616 : vector<16xf32>
        %eq3A_618 = arith.constant 3 : i32
        %eq3A_619 = vector.broadcast %eq3A_618 : i32 to vector<16xi32>
        %eq3A_620 = arith.cmpi eq, %iota3A, %eq3A_619 : vector<16xi32>
        %reduce_sum3A_621 = arith.constant true
        %reduce_sum3A_622 = vector.broadcast %reduce_sum3A_621 : i1 to vector<16xi1>
        %reduce_sum3A_623 = tpu.scan <sum>, %add3A_617 masked %reduce_sum3A_622 : vector<16xf32>, vector<16xi1> -> vector<16xf32>
        %reduce_sum3A_624 = vector.extract %reduce_sum3A_623[15] : f32 from vector<16xf32>
        %broadcast_in_dim3A_625 = vector.broadcast %reduce_sum3A_624 : f32 to vector<16xf32>
        %select_n3A_626 = arith.select %eq3A_620, %broadcast_in_dim3A_625, %select_n3A_518 : vector<16xi1>, vector<16xf32>
        %mul3A_627 = arith.constant 16 : i32
        %mul3A_628 = arith.muli %scan3A_197, %mul3A_627 : i32
        %add3A_629 = arith.constant 4 : i32
        %add3A_630 = arith.addi %mul3A_628, %add3A_629 : i32
        %get3A_631 = arith.constant 0 : i32
        %get3A_632 = arith.index_cast %get3A_631 : i32 to index
        %get3A_633 = arith.index_cast %add3A_630 : i32 to index
        %get3A_634 = arith.constant 0 : index
        %get3A_635 = tpu.vector_load %arg7[%get3A_632, %get3A_633, %get3A_634] {strides = array<i32>} : memref<2x128x128xf32, #tpu.memory_space<vmem>>, vector<16xf32>,
        %get3A_636 = arith.constant 0 : i32
        %get3A_637 = arith.index_cast %get3A_636 : i32 to index
        %get3A_638 = arith.index_cast %add3A_630 : i32 to index
        %get3A_639 = arith.constant 0 : index
        %get3A_640 = tpu.vector_load %arg8[%get3A_637, %get3A_638, %get3A_639] {strides = array<i32>} : memref<2x128x128xf32, #tpu.memory_space<vmem>>, vector<16xf32>,
        %mul3A_641 = arith.mulf %get3A_635, %get3A_640 : vector<16xf32>
        %get3A_642 = arith.constant 0 : i32
        %get3A_643 = arith.index_cast %get3A_642 : i32 to index
        %get3A_644 = arith.index_cast %add3A_630 : i32 to index
        %get3A_645 = arith.constant 16 : index
        %get3A_646 = tpu.vector_load %arg7[%get3A_643, %get3A_644, %get3A_645] {strides = array<i32>} : memref<2x128x128xf32, #tpu.memory_space<vmem>>, vector<16xf32>,
        %get3A_647 = arith.constant 0 : i32
        %get3A_648 = arith.index_cast %get3A_647 : i32 to index
        %get3A_649 = arith.index_cast %add3A_630 : i32 to index
        %get3A_650 = arith.constant 16 : index
        %get3A_651 = tpu.vector_load %arg8[%get3A_648, %get3A_649, %get3A_650] {strides = array<i32>} : memref<2x128x128xf32, #tpu.memory_space<vmem>>, vector<16xf32>,
        %mul3A_652 = arith.mulf %get3A_646, %get3A_651 : vector<16xf32>
        %add3A_653 = arith.addf %mul3A_641, %mul3A_652 : vector<16xf32>
        %get3A_654 = arith.constant 0 : i32
        %get3A_655 = arith.index_cast %get3A_654 : i32 to index
        %get3A_656 = arith.index_cast %add3A_630 : i32 to index
        %get3A_657 = arith.constant 32 : index
        %get3A_658 = tpu.vector_load %arg7[%get3A_655, %get3A_656, %get3A_657] {strides = array<i32>} : memref<2x128x128xf32, #tpu.memory_space<vmem>>, vector<16xf32>,
        %get3A_659 = arith.constant 0 : i32
        %get3A_660 = arith.index_cast %get3A_659 : i32 to index
        %get3A_661 = arith.index_cast %add3A_630 : i32 to index
        %get3A_662 = arith.constant 32 : index
        %get3A_663 = tpu.vector_load %arg8[%get3A_660, %get3A_661, %get3A_662] {strides = array<i32>} : memref<2x128x128xf32, #tpu.memory_space<vmem>>, vector<16xf32>,
        %mul3A_664 = arith.mulf %get3A_658, %get3A_663 : vector<16xf32>
        %add3A_665 = arith.addf %add3A_653, %mul3A_664 : vector<16xf32>
        %get3A_666 = arith.constant 0 : i32
        %get3A_667 = arith.index_cast %get3A_666 : i32 to index
        %get3A_668 = arith.index_cast %add3A_630 : i32 to index
        %get3A_669 = arith.constant 48 : index
        %get3A_670 = tpu.vector_load %arg7[%get3A_667, %get3A_668, %get3A_669] {strides = array<i32>} : memref<2x128x128xf32, #tpu.memory_space<vmem>>, vector<16xf32>,
        %get3A_671 = arith.constant 0 : i32
        %get3A_672 = arith.index_cast %get3A_671 : i32 to index
        %get3A_673 = arith.index_cast %add3A_630 : i32 to index
        %get3A_674 = arith.constant 48 : index
        %get3A_675 = tpu.vector_load %arg8[%get3A_672, %get3A_673, %get3A_674] {strides = array<i32>} : memref<2x128x128xf32, #tpu.memory_space<vmem>>, vector<16xf32>,
        %mul3A_676 = arith.mulf %get3A_670, %get3A_675 : vector<16xf32>
        %add3A_677 = arith.addf %add3A_665, %mul3A_676 : vector<16xf32>
        %get3A_678 = arith.constant 0 : i32
        %get3A_679 = arith.index_cast %get3A_678 : i32 to index
        %get3A_680 = arith.index_cast %add3A_630 : i32 to index
        %get3A_681 = arith.constant 64 : index
        %get3A_682 = tpu.vector_load %arg7[%get3A_679, %get3A_680, %get3A_681] {strides = array<i32>} : memref<2x128x128xf32, #tpu.memory_space<vmem>>, vector<16xf32>,
        %get3A_683 = arith.constant 0 : i32
        %get3A_684 = arith.index_cast %get3A_683 : i32 to index
        %get3A_685 = arith.index_cast %add3A_630 : i32 to index
        %get3A_686 = arith.constant 64 : index
        %get3A_687 = tpu.vector_load %arg8[%get3A_684, %get3A_685, %get3A_686] {strides = array<i32>} : memref<2x128x128xf32, #tpu.memory_space<vmem>>, vector<16xf32>,
        %mul3A_688 = arith.mulf %get3A_682, %get3A_687 : vector<16xf32>
        %add3A_689 = arith.addf %add3A_677, %mul3A_688 : vector<16xf32>
        %get3A_690 = arith.constant 0 : i32
        %get3A_691 = arith.index_cast %get3A_690 : i32 to index
        %get3A_692 = arith.index_cast %add3A_630 : i32 to index
        %get3A_693 = arith.constant 80 : index
        %get3A_694 = tpu.vector_load %arg7[%get3A_691, %get3A_692, %get3A_693] {strides = array<i32>} : memref<2x128x128xf32, #tpu.memory_space<vmem>>, vector<16xf32>,
        %get3A_695 = arith.constant 0 : i32
        %get3A_696 = arith.index_cast %get3A_695 : i32 to index
        %get3A_697 = arith.index_cast %add3A_630 : i32 to index
        %get3A_698 = arith.constant 80 : index
        %get3A_699 = tpu.vector_load %arg8[%get3A_696, %get3A_697, %get3A_698] {strides = array<i32>} : memref<2x128x128xf32, #tpu.memory_space<vmem>>, vector<16xf32>,
        %mul3A_700 = arith.mulf %get3A_694, %get3A_699 : vector<16xf32>
        %add3A_701 = arith.addf %add3A_689, %mul3A_700 : vector<16xf32>
        %get3A_702 = arith.constant 0 : i32
        %get3A_703 = arith.index_cast %get3A_702 : i32 to index
        %get3A_704 = arith.index_cast %add3A_630 : i32 to index
        %get3A_705 = arith.constant 96 : index
        %get3A_706 = tpu.vector_load %arg7[%get3A_703, %get3A_704, %get3A_705] {strides = array<i32>} : memref<2x128x128xf32, #tpu.memory_space<vmem>>, vector<16xf32>,
        %get3A_707 = arith.constant 0 : i32
        %get3A_708 = arith.index_cast %get3A_707 : i32 to index
        %get3A_709 = arith.index_cast %add3A_630 : i32 to index
        %get3A_710 = arith.constant 96 : index
        %get3A_711 = tpu.vector_load %arg8[%get3A_708, %get3A_709, %get3A_710] {strides = array<i32>} : memref<2x128x128xf32, #tpu.memory_space<vmem>>, vector<16xf32>,
        %mul3A_712 = arith.mulf %get3A_706, %get3A_711 : vector<16xf32>
        %add3A_713 = arith.addf %add3A_701, %mul3A_712 : vector<16xf32>
        %get3A_714 = arith.constant 0 : i32
        %get3A_715 = arith.index_cast %get3A_714 : i32 to index
        %get3A_716 = arith.index_cast %add3A_630 : i32 to index
        %get3A_717 = arith.constant 112 : index
        %get3A_718 = tpu.vector_load %arg7[%get3A_715, %get3A_716, %get3A_717] {strides = array<i32>} : memref<2x128x128xf32, #tpu.memory_space<vmem>>, vector<16xf32>,
        %get3A_719 = arith.constant 0 : i32
        %get3A_720 = arith.index_cast %get3A_719 : i32 to index
        %get3A_721 = arith.index_cast %add3A_630 : i32 to index
        %get3A_722 = arith.constant 112 : index
        %get3A_723 = tpu.vector_load %arg8[%get3A_720, %get3A_721, %get3A_722] {strides = array<i32>} : memref<2x128x128xf32, #tpu.memory_space<vmem>>, vector<16xf32>,
        %mul3A_724 = arith.mulf %get3A_718, %get3A_723 : vector<16xf32>
        %add3A_725 = arith.addf %add3A_713, %mul3A_724 : vector<16xf32>
        %eq3A_726 = arith.constant 4 : i32
        %eq3A_727 = vector.broadcast %eq3A_726 : i32 to vector<16xi32>
        %eq3A_728 = arith.cmpi eq, %iota3A, %eq3A_727 : vector<16xi32>
        %reduce_sum3A_729 = arith.constant true
        %reduce_sum3A_730 = vector.broadcast %reduce_sum3A_729 : i1 to vector<16xi1>
        %reduce_sum3A_731 = tpu.scan <sum>, %add3A_725 masked %reduce_sum3A_730 : vector<16xf32>, vector<16xi1> -> vector<16xf32>
        %reduce_sum3A_732 = vector.extract %reduce_sum3A_731[15] : f32 from vector<16xf32>
        %broadcast_in_dim3A_733 = vector.broadcast %reduce_sum3A_732 : f32 to vector<16xf32>
        %select_n3A_734 = arith.select %eq3A_728, %broadcast_in_dim3A_733, %select_n3A_626 : vector<16xi1>, vector<16xf32>
        %mul3A_735 = arith.constant 16 : i32
        %mul3A_736 = arith.muli %scan3A_197, %mul3A_735 : i32
        %add3A_737 = arith.constant 5 : i32
        %add3A_738 = arith.addi %mul3A_736, %add3A_737 : i32
        %get3A_739 = arith.constant 0 : i32
        %get3A_740 = arith.index_cast %get3A_739 : i32 to index
        %get3A_741 = arith.index_cast %add3A_738 : i32 to index
        %get3A_742 = arith.constant 0 : index
        %get3A_743 = tpu.vector_load %arg7[%get3A_740, %get3A_741, %get3A_742] {strides = array<i32>} : memref<2x128x128xf32, #tpu.memory_space<vmem>>, vector<16xf32>,
        %get3A_744 = arith.constant 0 : i32
        %get3A_745 = arith.index_cast %get3A_744 : i32 to index
        %get3A_746 = arith.index_cast %add3A_738 : i32 to index
        %get3A_747 = arith.constant 0 : index
        %get3A_748 = tpu.vector_load %arg8[%get3A_745, %get3A_746, %get3A_747] {strides = array<i32>} : memref<2x128x128xf32, #tpu.memory_space<vmem>>, vector<16xf32>,
        %mul3A_749 = arith.mulf %get3A_743, %get3A_748 : vector<16xf32>
        %get3A_750 = arith.constant 0 : i32
        %get3A_751 = arith.index_cast %get3A_750 : i32 to index
        %get3A_752 = arith.index_cast %add3A_738 : i32 to index
        %get3A_753 = arith.constant 16 : index
        %get3A_754 = tpu.vector_load %arg7[%get3A_751, %get3A_752, %get3A_753] {strides = array<i32>} : memref<2x128x128xf32, #tpu.memory_space<vmem>>, vector<16xf32>,
        %get3A_755 = arith.constant 0 : i32
        %get3A_756 = arith.index_cast %get3A_755 : i32 to index
        %get3A_757 = arith.index_cast %add3A_738 : i32 to index
        %get3A_758 = arith.constant 16 : index
        %get3A_759 = tpu.vector_load %arg8[%get3A_756, %get3A_757, %get3A_758] {strides = array<i32>} : memref<2x128x128xf32, #tpu.memory_space<vmem>>, vector<16xf32>,
        %mul3A_760 = arith.mulf %get3A_754, %get3A_759 : vector<16xf32>
        %add3A_761 = arith.addf %mul3A_749, %mul3A_760 : vector<16xf32>
        %get3A_762 = arith.constant 0 : i32
        %get3A_763 = arith.index_cast %get3A_762 : i32 to index
        %get3A_764 = arith.index_cast %add3A_738 : i32 to index
        %get3A_765 = arith.constant 32 : index
        %get3A_766 = tpu.vector_load %arg7[%get3A_763, %get3A_764, %get3A_765] {strides = array<i32>} : memref<2x128x128xf32, #tpu.memory_space<vmem>>, vector<16xf32>,
        %get3A_767 = arith.constant 0 : i32
        %get3A_768 = arith.index_cast %get3A_767 : i32 to index
        %get3A_769 = arith.index_cast %add3A_738 : i32 to index
        %get3A_770 = arith.constant 32 : index
        %get3A_771 = tpu.vector_load %arg8[%get3A_768, %get3A_769, %get3A_770] {strides = array<i32>} : memref<2x128x128xf32, #tpu.memory_space<vmem>>, vector<16xf32>,
        %mul3A_772 = arith.mulf %get3A_766, %get3A_771 : vector<16xf32>
        %add3A_773 = arith.addf %add3A_761, %mul3A_772 : vector<16xf32>
        %get3A_774 = arith.constant 0 : i32
        %get3A_775 = arith.index_cast %get3A_774 : i32 to index
        %get3A_776 = arith.index_cast %add3A_738 : i32 to index
        %get3A_777 = arith.constant 48 : index
        %get3A_778 = tpu.vector_load %arg7[%get3A_775, %get3A_776, %get3A_777] {strides = array<i32>} : memref<2x128x128xf32, #tpu.memory_space<vmem>>, vector<16xf32>,
        %get3A_779 = arith.constant 0 : i32
        %get3A_780 = arith.index_cast %get3A_779 : i32 to index
        %get3A_781 = arith.index_cast %add3A_738 : i32 to index
        %get3A_782 = arith.constant 48 : index
        %get3A_783 = tpu.vector_load %arg8[%get3A_780, %get3A_781, %get3A_782] {strides = array<i32>} : memref<2x128x128xf32, #tpu.memory_space<vmem>>, vector<16xf32>,
        %mul3A_784 = arith.mulf %get3A_778, %get3A_783 : vector<16xf32>
        %add3A_785 = arith.addf %add3A_773, %mul3A_784 : vector<16xf32>
        %get3A_786 = arith.constant 0 : i32
        %get3A_787 = arith.index_cast %get3A_786 : i32 to index
        %get3A_788 = arith.index_cast %add3A_738 : i32 to index
        %get3A_789 = arith.constant 64 : index
        %get3A_790 = tpu.vector_load %arg7[%get3A_787, %get3A_788, %get3A_789] {strides = array<i32>} : memref<2x128x128xf32, #tpu.memory_space<vmem>>, vector<16xf32>,
        %get3A_791 = arith.constant 0 : i32
        %get3A_792 = arith.index_cast %get3A_791 : i32 to index
        %get3A_793 = arith.index_cast %add3A_738 : i32 to index
        %get3A_794 = arith.constant 64 : index
        %get3A_795 = tpu.vector_load %arg8[%get3A_792, %get3A_793, %get3A_794] {strides = array<i32>} : memref<2x128x128xf32, #tpu.memory_space<vmem>>, vector<16xf32>,
        %mul3A_796 = arith.mulf %get3A_790, %get3A_795 : vector<16xf32>
        %add3A_797 = arith.addf %add3A_785, %mul3A_796 : vector<16xf32>
        %get3A_798 = arith.constant 0 : i32
        %get3A_799 = arith.index_cast %get3A_798 : i32 to index
        %get3A_800 = arith.index_cast %add3A_738 : i32 to index
        %get3A_801 = arith.constant 80 : index
        %get3A_802 = tpu.vector_load %arg7[%get3A_799, %get3A_800, %get3A_801] {strides = array<i32>} : memref<2x128x128xf32, #tpu.memory_space<vmem>>, vector<16xf32>,
        %get3A_803 = arith.constant 0 : i32
        %get3A_804 = arith.index_cast %get3A_803 : i32 to index
        %get3A_805 = arith.index_cast %add3A_738 : i32 to index
        %get3A_806 = arith.constant 80 : index
        %get3A_807 = tpu.vector_load %arg8[%get3A_804, %get3A_805, %get3A_806] {strides = array<i32>} : memref<2x128x128xf32, #tpu.memory_space<vmem>>, vector<16xf32>,
        %mul3A_808 = arith.mulf %get3A_802, %get3A_807 : vector<16xf32>
        %add3A_809 = arith.addf %add3A_797, %mul3A_808 : vector<16xf32>
        %get3A_810 = arith.constant 0 : i32
        %get3A_811 = arith.index_cast %get3A_810 : i32 to index
        %get3A_812 = arith.index_cast %add3A_738 : i32 to index
        %get3A_813 = arith.constant 96 : index
        %get3A_814 = tpu.vector_load %arg7[%get3A_811, %get3A_812, %get3A_813] {strides = array<i32>} : memref<2x128x128xf32, #tpu.memory_space<vmem>>, vector<16xf32>,
        %get3A_815 = arith.constant 0 : i32
        %get3A_816 = arith.index_cast %get3A_815 : i32 to index
        %get3A_817 = arith.index_cast %add3A_738 : i32 to index
        %get3A_818 = arith.constant 96 : index
        %get3A_819 = tpu.vector_load %arg8[%get3A_816, %get3A_817, %get3A_818] {strides = array<i32>} : memref<2x128x128xf32, #tpu.memory_space<vmem>>, vector<16xf32>,
        %mul3A_820 = arith.mulf %get3A_814, %get3A_819 : vector<16xf32>
        %add3A_821 = arith.addf %add3A_809, %mul3A_820 : vector<16xf32>
        %get3A_822 = arith.constant 0 : i32
        %get3A_823 = arith.index_cast %get3A_822 : i32 to index
        %get3A_824 = arith.index_cast %add3A_738 : i32 to index
        %get3A_825 = arith.constant 112 : index
        %get3A_826 = tpu.vector_load %arg7[%get3A_823, %get3A_824, %get3A_825] {strides = array<i32>} : memref<2x128x128xf32, #tpu.memory_space<vmem>>, vector<16xf32>,
        %get3A_827 = arith.constant 0 : i32
        %get3A_828 = arith.index_cast %get3A_827 : i32 to index
        %get3A_829 = arith.index_cast %add3A_738 : i32 to index
        %get3A_830 = arith.constant 112 : index
        %get3A_831 = tpu.vector_load %arg8[%get3A_828, %get3A_829, %get3A_830] {strides = array<i32>} : memref<2x128x128xf32, #tpu.memory_space<vmem>>, vector<16xf32>,
        %mul3A_832 = arith.mulf %get3A_826, %get3A_831 : vector<16xf32>
        %add3A_833 = arith.addf %add3A_821, %mul3A_832 : vector<16xf32>
        %eq3A_834 = arith.constant 5 : i32
        %eq3A_835 = vector.broadcast %eq3A_834 : i32 to vector<16xi32>
        %eq3A_836 = arith.cmpi eq, %iota3A, %eq3A_835 : vector<16xi32>
        %reduce_sum3A_837 = arith.constant true
        %reduce_sum3A_838 = vector.broadcast %reduce_sum3A_837 : i1 to vector<16xi1>
        %reduce_sum3A_839 = tpu.scan <sum>, %add3A_833 masked %reduce_sum3A_838 : vector<16xf32>, vector<16xi1> -> vector<16xf32>
        %reduce_sum3A_840 = vector.extract %reduce_sum3A_839[15] : f32 from vector<16xf32>
        %broadcast_in_dim3A_841 = vector.broadcast %reduce_sum3A_840 : f32 to vector<16xf32>
        %select_n3A_842 = arith.select %eq3A_836, %broadcast_in_dim3A_841, %select_n3A_734 : vector<16xi1>, vector<16xf32>
        %mul3A_843 = arith.constant 16 : i32
        %mul3A_844 = arith.muli %scan3A_197, %mul3A_843 : i32
        %add3A_845 = arith.constant 6 : i32
        %add3A_846 = arith.addi %mul3A_844, %add3A_845 : i32
        %get3A_847 = arith.constant 0 : i32
        %get3A_848 = arith.index_cast %get3A_847 : i32 to index
        %get3A_849 = arith.index_cast %add3A_846 : i32 to index
        %get3A_850 = arith.constant 0 : index
        %get3A_851 = tpu.vector_load %arg7[%get3A_848, %get3A_849, %get3A_850] {strides = array<i32>} : memref<2x128x128xf32, #tpu.memory_space<vmem>>, vector<16xf32>,
        %get3A_852 = arith.constant 0 : i32
        %get3A_853 = arith.index_cast %get3A_852 : i32 to index
        %get3A_854 = arith.index_cast %add3A_846 : i32 to index
        %get3A_855 = arith.constant 0 : index
        %get3A_856 = tpu.vector_load %arg8[%get3A_853, %get3A_854, %get3A_855] {strides = array<i32>} : memref<2x128x128xf32, #tpu.memory_space<vmem>>, vector<16xf32>,
        %mul3A_857 = arith.mulf %get3A_851, %get3A_856 : vector<16xf32>
        %get3A_858 = arith.constant 0 : i32
        %get3A_859 = arith.index_cast %get3A_858 : i32 to index
        %get3A_860 = arith.index_cast %add3A_846 : i32 to index
        %get3A_861 = arith.constant 16 : index
        %get3A_862 = tpu.vector_load %arg7[%get3A_859, %get3A_860, %get3A_861] {strides = array<i32>} : memref<2x128x128xf32, #tpu.memory_space<vmem>>, vector<16xf32>,
        %get3A_863 = arith.constant 0 : i32
        %get3A_864 = arith.index_cast %get3A_863 : i32 to index
        %get3A_865 = arith.index_cast %add3A_846 : i32 to index
        %get3A_866 = arith.constant 16 : index
        %get3A_867 = tpu.vector_load %arg8[%get3A_864, %get3A_865, %get3A_866] {strides = array<i32>} : memref<2x128x128xf32, #tpu.memory_space<vmem>>, vector<16xf32>,
        %mul3A_868 = arith.mulf %get3A_862, %get3A_867 : vector<16xf32>
        %add3A_869 = arith.addf %mul3A_857, %mul3A_868 : vector<16xf32>
        %get3A_870 = arith.constant 0 : i32
        %get3A_871 = arith.index_cast %get3A_870 : i32 to index
        %get3A_872 = arith.index_cast %add3A_846 : i32 to index
        %get3A_873 = arith.constant 32 : index
        %get3A_874 = tpu.vector_load %arg7[%get3A_871, %get3A_872, %get3A_873] {strides = array<i32>} : memref<2x128x128xf32, #tpu.memory_space<vmem>>, vector<16xf32>,
        %get3A_875 = arith.constant 0 : i32
        %get3A_876 = arith.index_cast %get3A_875 : i32 to index
        %get3A_877 = arith.index_cast %add3A_846 : i32 to index
        %get3A_878 = arith.constant 32 : index
        %get3A_879 = tpu.vector_load %arg8[%get3A_876, %get3A_877, %get3A_878] {strides = array<i32>} : memref<2x128x128xf32, #tpu.memory_space<vmem>>, vector<16xf32>,
        %mul3A_880 = arith.mulf %get3A_874, %get3A_879 : vector<16xf32>
        %add3A_881 = arith.addf %add3A_869, %mul3A_880 : vector<16xf32>
        %get3A_882 = arith.constant 0 : i32
        %get3A_883 = arith.index_cast %get3A_882 : i32 to index
        %get3A_884 = arith.index_cast %add3A_846 : i32 to index
        %get3A_885 = arith.constant 48 : index
        %get3A_886 = tpu.vector_load %arg7[%get3A_883, %get3A_884, %get3A_885] {strides = array<i32>} : memref<2x128x128xf32, #tpu.memory_space<vmem>>, vector<16xf32>,
        %get3A_887 = arith.constant 0 : i32
        %get3A_888 = arith.index_cast %get3A_887 : i32 to index
        %get3A_889 = arith.index_cast %add3A_846 : i32 to index
        %get3A_890 = arith.constant 48 : index
        %get3A_891 = tpu.vector_load %arg8[%get3A_888, %get3A_889, %get3A_890] {strides = array<i32>} : memref<2x128x128xf32, #tpu.memory_space<vmem>>, vector<16xf32>,
        %mul3A_892 = arith.mulf %get3A_886, %get3A_891 : vector<16xf32>
        %add3A_893 = arith.addf %add3A_881, %mul3A_892 : vector<16xf32>
        %get3A_894 = arith.constant 0 : i32
        %get3A_895 = arith.index_cast %get3A_894 : i32 to index
        %get3A_896 = arith.index_cast %add3A_846 : i32 to index
        %get3A_897 = arith.constant 64 : index
        %get3A_898 = tpu.vector_load %arg7[%get3A_895, %get3A_896, %get3A_897] {strides = array<i32>} : memref<2x128x128xf32, #tpu.memory_space<vmem>>, vector<16xf32>,
        %get3A_899 = arith.constant 0 : i32
        %get3A_900 = arith.index_cast %get3A_899 : i32 to index
        %get3A_901 = arith.index_cast %add3A_846 : i32 to index
        %get3A_902 = arith.constant 64 : index
        %get3A_903 = tpu.vector_load %arg8[%get3A_900, %get3A_901, %get3A_902] {strides = array<i32>} : memref<2x128x128xf32, #tpu.memory_space<vmem>>, vector<16xf32>,
        %mul3A_904 = arith.mulf %get3A_898, %get3A_903 : vector<16xf32>
        %add3A_905 = arith.addf %add3A_893, %mul3A_904 : vector<16xf32>
        %get3A_906 = arith.constant 0 : i32
        %get3A_907 = arith.index_cast %get3A_906 : i32 to index
        %get3A_908 = arith.index_cast %add3A_846 : i32 to index
        %get3A_909 = arith.constant 80 : index
        %get3A_910 = tpu.vector_load %arg7[%get3A_907, %get3A_908, %get3A_909] {strides = array<i32>} : memref<2x128x128xf32, #tpu.memory_space<vmem>>, vector<16xf32>,
        %get3A_911 = arith.constant 0 : i32
        %get3A_912 = arith.index_cast %get3A_911 : i32 to index
        %get3A_913 = arith.index_cast %add3A_846 : i32 to index
        %get3A_914 = arith.constant 80 : index
        %get3A_915 = tpu.vector_load %arg8[%get3A_912, %get3A_913, %get3A_914] {strides = array<i32>} : memref<2x128x128xf32, #tpu.memory_space<vmem>>, vector<16xf32>,
        %mul3A_916 = arith.mulf %get3A_910, %get3A_915 : vector<16xf32>
        %add3A_917 = arith.addf %add3A_905, %mul3A_916 : vector<16xf32>
        %get3A_918 = arith.constant 0 : i32
        %get3A_919 = arith.index_cast %get3A_918 : i32 to index
        %get3A_920 = arith.index_cast %add3A_846 : i32 to index
        %get3A_921 = arith.constant 96 : index
        %get3A_922 = tpu.vector_load %arg7[%get3A_919, %get3A_920, %get3A_921] {strides = array<i32>} : memref<2x128x128xf32, #tpu.memory_space<vmem>>, vector<16xf32>,
        %get3A_923 = arith.constant 0 : i32
        %get3A_924 = arith.index_cast %get3A_923 : i32 to index
        %get3A_925 = arith.index_cast %add3A_846 : i32 to index
        %get3A_926 = arith.constant 96 : index
        %get3A_927 = tpu.vector_load %arg8[%get3A_924, %get3A_925, %get3A_926] {strides = array<i32>} : memref<2x128x128xf32, #tpu.memory_space<vmem>>, vector<16xf32>,
        %mul3A_928 = arith.mulf %get3A_922, %get3A_927 : vector<16xf32>
        %add3A_929 = arith.addf %add3A_917, %mul3A_928 : vector<16xf32>
        %get3A_930 = arith.constant 0 : i32
        %get3A_931 = arith.index_cast %get3A_930 : i32 to index
        %get3A_932 = arith.index_cast %add3A_846 : i32 to index
        %get3A_933 = arith.constant 112 : index
        %get3A_934 = tpu.vector_load %arg7[%get3A_931, %get3A_932, %get3A_933] {strides = array<i32>} : memref<2x128x128xf32, #tpu.memory_space<vmem>>, vector<16xf32>,
        %get3A_935 = arith.constant 0 : i32
        %get3A_936 = arith.index_cast %get3A_935 : i32 to index
        %get3A_937 = arith.index_cast %add3A_846 : i32 to index
        %get3A_938 = arith.constant 112 : index
        %get3A_939 = tpu.vector_load %arg8[%get3A_936, %get3A_937, %get3A_938] {strides = array<i32>} : memref<2x128x128xf32, #tpu.memory_space<vmem>>, vector<16xf32>,
        %mul3A_940 = arith.mulf %get3A_934, %get3A_939 : vector<16xf32>
        %add3A_941 = arith.addf %add3A_929, %mul3A_940 : vector<16xf32>
        %eq3A_942 = arith.constant 6 : i32
        %eq3A_943 = vector.broadcast %eq3A_942 : i32 to vector<16xi32>
        %eq3A_944 = arith.cmpi eq, %iota3A, %eq3A_943 : vector<16xi32>
        %reduce_sum3A_945 = arith.constant true
        %reduce_sum3A_946 = vector.broadcast %reduce_sum3A_945 : i1 to vector<16xi1>
        %reduce_sum3A_947 = tpu.scan <sum>, %add3A_941 masked %reduce_sum3A_946 : vector<16xf32>, vector<16xi1> -> vector<16xf32>
        %reduce_sum3A_948 = vector.extract %reduce_sum3A_947[15] : f32 from vector<16xf32>
        %broadcast_in_dim3A_949 = vector.broadcast %reduce_sum3A_948 : f32 to vector<16xf32>
        %select_n3A_950 = arith.select %eq3A_944, %broadcast_in_dim3A_949, %select_n3A_842 : vector<16xi1>, vector<16xf32>
        %mul3A_951 = arith.constant 16 : i32
        %mul3A_952 = arith.muli %scan3A_197, %mul3A_951 : i32
        %add3A_953 = arith.constant 7 : i32
        %add3A_954 = arith.addi %mul3A_952, %add3A_953 : i32
        %get3A_955 = arith.constant 0 : i32
        %get3A_956 = arith.index_cast %get3A_955 : i32 to index
        %get3A_957 = arith.index_cast %add3A_954 : i32 to index
        %get3A_958 = arith.constant 0 : index
        %get3A_959 = tpu.vector_load %arg7[%get3A_956, %get3A_957, %get3A_958] {strides = array<i32>} : memref<2x128x128xf32, #tpu.memory_space<vmem>>, vector<16xf32>,
        %get3A_960 = arith.constant 0 : i32
        %get3A_961 = arith.index_cast %get3A_960 : i32 to index
        %get3A_962 = arith.index_cast %add3A_954 : i32 to index
        %get3A_963 = arith.constant 0 : index
        %get3A_964 = tpu.vector_load %arg8[%get3A_961, %get3A_962, %get3A_963] {strides = array<i32>} : memref<2x128x128xf32, #tpu.memory_space<vmem>>, vector<16xf32>,
        %mul3A_965 = arith.mulf %get3A_959, %get3A_964 : vector<16xf32>
        %get3A_966 = arith.constant 0 : i32
        %get3A_967 = arith.index_cast %get3A_966 : i32 to index
        %get3A_968 = arith.index_cast %add3A_954 : i32 to index
        %get3A_969 = arith.constant 16 : index
        %get3A_970 = tpu.vector_load %arg7[%get3A_967, %get3A_968, %get3A_969] {strides = array<i32>} : memref<2x128x128xf32, #tpu.memory_space<vmem>>, vector<16xf32>,
        %get3A_971 = arith.constant 0 : i32
        %get3A_972 = arith.index_cast %get3A_971 : i32 to index
        %get3A_973 = arith.index_cast %add3A_954 : i32 to index
        %get3A_974 = arith.constant 16 : index
        %get3A_975 = tpu.vector_load %arg8[%get3A_972, %get3A_973, %get3A_974] {strides = array<i32>} : memref<2x128x128xf32, #tpu.memory_space<vmem>>, vector<16xf32>,
        %mul3A_976 = arith.mulf %get3A_970, %get3A_975 : vector<16xf32>
        %add3A_977 = arith.addf %mul3A_965, %mul3A_976 : vector<16xf32>
        %get3A_978 = arith.constant 0 : i32
        %get3A_979 = arith.index_cast %get3A_978 : i32 to index
        %get3A_980 = arith.index_cast %add3A_954 : i32 to index
        %get3A_981 = arith.constant 32 : index
        %get3A_982 = tpu.vector_load %arg7[%get3A_979, %get3A_980, %get3A_981] {strides = array<i32>} : memref<2x128x128xf32, #tpu.memory_space<vmem>>, vector<16xf32>,
        %get3A_983 = arith.constant 0 : i32
        %get3A_984 = arith.index_cast %get3A_983 : i32 to index
        %get3A_985 = arith.index_cast %add3A_954 : i32 to index
        %get3A_986 = arith.constant 32 : index
        %get3A_987 = tpu.vector_load %arg8[%get3A_984, %get3A_985, %get3A_986] {strides = array<i32>} : memref<2x128x128xf32, #tpu.memory_space<vmem>>, vector<16xf32>,
        %mul3A_988 = arith.mulf %get3A_982, %get3A_987 : vector<16xf32>
        %add3A_989 = arith.addf %add3A_977, %mul3A_988 : vector<16xf32>
        %get3A_990 = arith.constant 0 : i32
        %get3A_991 = arith.index_cast %get3A_990 : i32 to index
        %get3A_992 = arith.index_cast %add3A_954 : i32 to index
        %get3A_993 = arith.constant 48 : index
        %get3A_994 = tpu.vector_load %arg7[%get3A_991, %get3A_992, %get3A_993] {strides = array<i32>} : memref<2x128x128xf32, #tpu.memory_space<vmem>>, vector<16xf32>,
        %get3A_995 = arith.constant 0 : i32
        %get3A_996 = arith.index_cast %get3A_995 : i32 to index
        %get3A_997 = arith.index_cast %add3A_954 : i32 to index
        %get3A_998 = arith.constant 48 : index
        %get3A_999 = tpu.vector_load %arg8[%get3A_996, %get3A_997, %get3A_998] {strides = array<i32>} : memref<2x128x128xf32, #tpu.memory_space<vmem>>, vector<16xf32>,
        %mul3A_1000 = arith.mulf %get3A_994, %get3A_999 : vector<16xf32>
        %add3A_1001 = arith.addf %add3A_989, %mul3A_1000 : vector<16xf32>
        %get3A_1002 = arith.constant 0 : i32
        %get3A_1003 = arith.index_cast %get3A_1002 : i32 to index
        %get3A_1004 = arith.index_cast %add3A_954 : i32 to index
        %get3A_1005 = arith.constant 64 : index
        %get3A_1006 = tpu.vector_load %arg7[%get3A_1003, %get3A_1004, %get3A_1005] {strides = array<i32>} : memref<2x128x128xf32, #tpu.memory_space<vmem>>, vector<16xf32>,
        %get3A_1007 = arith.constant 0 : i32
        %get3A_1008 = arith.index_cast %get3A_1007 : i32 to index
        %get3A_1009 = arith.index_cast %add3A_954 : i32 to index
        %get3A_1010 = arith.constant 64 : index
        %get3A_1011 = tpu.vector_load %arg8[%get3A_1008, %get3A_1009, %get3A_1010] {strides = array<i32>} : memref<2x128x128xf32, #tpu.memory_space<vmem>>, vector<16xf32>,
        %mul3A_1012 = arith.mulf %get3A_1006, %get3A_1011 : vector<16xf32>
        %add3A_1013 = arith.addf %add3A_1001, %mul3A_1012 : vector<16xf32>
        %get3A_1014 = arith.constant 0 : i32
        %get3A_1015 = arith.index_cast %get3A_1014 : i32 to index
        %get3A_1016 = arith.index_cast %add3A_954 : i32 to index
        %get3A_1017 = arith.constant 80 : index
        %get3A_1018 = tpu.vector_load %arg7[%get3A_1015, %get3A_1016, %get3A_1017] {strides = array<i32>} : memref<2x128x128xf32, #tpu.memory_space<vmem>>, vector<16xf32>,
        %get3A_1019 = arith.constant 0 : i32
        %get3A_1020 = arith.index_cast %get3A_1019 : i32 to index
        %get3A_1021 = arith.index_cast %add3A_954 : i32 to index
        %get3A_1022 = arith.constant 80 : index
        %get3A_1023 = tpu.vector_load %arg8[%get3A_1020, %get3A_1021, %get3A_1022] {strides = array<i32>} : memref<2x128x128xf32, #tpu.memory_space<vmem>>, vector<16xf32>,
        %mul3A_1024 = arith.mulf %get3A_1018, %get3A_1023 : vector<16xf32>
        %add3A_1025 = arith.addf %add3A_1013, %mul3A_1024 : vector<16xf32>
        %get3A_1026 = arith.constant 0 : i32
        %get3A_1027 = arith.index_cast %get3A_1026 : i32 to index
        %get3A_1028 = arith.index_cast %add3A_954 : i32 to index
        %get3A_1029 = arith.constant 96 : index
        %get3A_1030 = tpu.vector_load %arg7[%get3A_1027, %get3A_1028, %get3A_1029] {strides = array<i32>} : memref<2x128x128xf32, #tpu.memory_space<vmem>>, vector<16xf32>,
        %get3A_1031 = arith.constant 0 : i32
        %get3A_1032 = arith.index_cast %get3A_1031 : i32 to index
        %get3A_1033 = arith.index_cast %add3A_954 : i32 to index
        %get3A_1034 = arith.constant 96 : index
        %get3A_1035 = tpu.vector_load %arg8[%get3A_1032, %get3A_1033, %get3A_1034] {strides = array<i32>} : memref<2x128x128xf32, #tpu.memory_space<vmem>>, vector<16xf32>,
        %mul3A_1036 = arith.mulf %get3A_1030, %get3A_1035 : vector<16xf32>
        %add3A_1037 = arith.addf %add3A_1025, %mul3A_1036 : vector<16xf32>
        %get3A_1038 = arith.constant 0 : i32
        %get3A_1039 = arith.index_cast %get3A_1038 : i32 to index
        %get3A_1040 = arith.index_cast %add3A_954 : i32 to index
        %get3A_1041 = arith.constant 112 : index
        %get3A_1042 = tpu.vector_load %arg7[%get3A_1039, %get3A_1040, %get3A_1041] {strides = array<i32>} : memref<2x128x128xf32, #tpu.memory_space<vmem>>, vector<16xf32>,
        %get3A_1043 = arith.constant 0 : i32
        %get3A_1044 = arith.index_cast %get3A_1043 : i32 to index
        %get3A_1045 = arith.index_cast %add3A_954 : i32 to index
        %get3A_1046 = arith.constant 112 : index
        %get3A_1047 = tpu.vector_load %arg8[%get3A_1044, %get3A_1045, %get3A_1046] {strides = array<i32>} : memref<2x128x128xf32, #tpu.memory_space<vmem>>, vector<16xf32>,
        %mul3A_1048 = arith.mulf %get3A_1042, %get3A_1047 : vector<16xf32>
        %add3A_1049 = arith.addf %add3A_1037, %mul3A_1048 : vector<16xf32>
        %eq3A_1050 = arith.constant 7 : i32
        %eq3A_1051 = vector.broadcast %eq3A_1050 : i32 to vector<16xi32>
        %eq3A_1052 = arith.cmpi eq, %iota3A, %eq3A_1051 : vector<16xi32>
        %reduce_sum3A_1053 = arith.constant true
        %reduce_sum3A_1054 = vector.broadcast %reduce_sum3A_1053 : i1 to vector<16xi1>
        %reduce_sum3A_1055 = tpu.scan <sum>, %add3A_1049 masked %reduce_sum3A_1054 : vector<16xf32>, vector<16xi1> -> vector<16xf32>
        %reduce_sum3A_1056 = vector.extract %reduce_sum3A_1055[15] : f32 from vector<16xf32>
        %broadcast_in_dim3A_1057 = vector.broadcast %reduce_sum3A_1056 : f32 to vector<16xf32>
        %select_n3A_1058 = arith.select %eq3A_1052, %broadcast_in_dim3A_1057, %select_n3A_950 : vector<16xi1>, vector<16xf32>
        %mul3A_1059 = arith.constant 16 : i32
        %mul3A_1060 = arith.muli %scan3A_197, %mul3A_1059 : i32
        %add3A_1061 = arith.constant 8 : i32
        %add3A_1062 = arith.addi %mul3A_1060, %add3A_1061 : i32
        %get3A_1063 = arith.constant 0 : i32
        %get3A_1064 = arith.index_cast %get3A_1063 : i32 to index
        %get3A_1065 = arith.index_cast %add3A_1062 : i32 to index
        %get3A_1066 = arith.constant 0 : index
        %get3A_1067 = tpu.vector_load %arg7[%get3A_1064, %get3A_1065, %get3A_1066] {strides = array<i32>} : memref<2x128x128xf32, #tpu.memory_space<vmem>>, vector<16xf32>,
        %get3A_1068 = arith.constant 0 : i32
        %get3A_1069 = arith.index_cast %get3A_1068 : i32 to index
        %get3A_1070 = arith.index_cast %add3A_1062 : i32 to index
        %get3A_1071 = arith.constant 0 : index
        %get3A_1072 = tpu.vector_load %arg8[%get3A_1069, %get3A_1070, %get3A_1071] {strides = array<i32>} : memref<2x128x128xf32, #tpu.memory_space<vmem>>, vector<16xf32>,
        %mul3A_1073 = arith.mulf %get3A_1067, %get3A_1072 : vector<16xf32>
        %get3A_1074 = arith.constant 0 : i32
        %get3A_1075 = arith.index_cast %get3A_1074 : i32 to index
        %get3A_1076 = arith.index_cast %add3A_1062 : i32 to index
        %get3A_1077 = arith.constant 16 : index
        %get3A_1078 = tpu.vector_load %arg7[%get3A_1075, %get3A_1076, %get3A_1077] {strides = array<i32>} : memref<2x128x128xf32, #tpu.memory_space<vmem>>, vector<16xf32>,
        %get3A_1079 = arith.constant 0 : i32
        %get3A_1080 = arith.index_cast %get3A_1079 : i32 to index
        %get3A_1081 = arith.index_cast %add3A_1062 : i32 to index
        %get3A_1082 = arith.constant 16 : index
        %get3A_1083 = tpu.vector_load %arg8[%get3A_1080, %get3A_1081, %get3A_1082] {strides = array<i32>} : memref<2x128x128xf32, #tpu.memory_space<vmem>>, vector<16xf32>,
        %mul3A_1084 = arith.mulf %get3A_1078, %get3A_1083 : vector<16xf32>
        %add3A_1085 = arith.addf %mul3A_1073, %mul3A_1084 : vector<16xf32>
        %get3A_1086 = arith.constant 0 : i32
        %get3A_1087 = arith.index_cast %get3A_1086 : i32 to index
        %get3A_1088 = arith.index_cast %add3A_1062 : i32 to index
        %get3A_1089 = arith.constant 32 : index
        %get3A_1090 = tpu.vector_load %arg7[%get3A_1087, %get3A_1088, %get3A_1089] {strides = array<i32>} : memref<2x128x128xf32, #tpu.memory_space<vmem>>, vector<16xf32>,
        %get3A_1091 = arith.constant 0 : i32
        %get3A_1092 = arith.index_cast %get3A_1091 : i32 to index
        %get3A_1093 = arith.index_cast %add3A_1062 : i32 to index
        %get3A_1094 = arith.constant 32 : index
        %get3A_1095 = tpu.vector_load %arg8[%get3A_1092, %get3A_1093, %get3A_1094] {strides = array<i32>} : memref<2x128x128xf32, #tpu.memory_space<vmem>>, vector<16xf32>,
        %mul3A_1096 = arith.mulf %get3A_1090, %get3A_1095 : vector<16xf32>
        %add3A_1097 = arith.addf %add3A_1085, %mul3A_1096 : vector<16xf32>
        %get3A_1098 = arith.constant 0 : i32
        %get3A_1099 = arith.index_cast %get3A_1098 : i32 to index
        %get3A_1100 = arith.index_cast %add3A_1062 : i32 to index
        %get3A_1101 = arith.constant 48 : index
        %get3A_1102 = tpu.vector_load %arg7[%get3A_1099, %get3A_1100, %get3A_1101] {strides = array<i32>} : memref<2x128x128xf32, #tpu.memory_space<vmem>>, vector<16xf32>,
        %get3A_1103 = arith.constant 0 : i32
        %get3A_1104 = arith.index_cast %get3A_1103 : i32 to index
        %get3A_1105 = arith.index_cast %add3A_1062 : i32 to index
        %get3A_1106 = arith.constant 48 : index
        %get3A_1107 = tpu.vector_load %arg8[%get3A_1104, %get3A_1105, %get3A_1106] {strides = array<i32>} : memref<2x128x128xf32, #tpu.memory_space<vmem>>, vector<16xf32>,
        %mul3A_1108 = arith.mulf %get3A_1102, %get3A_1107 : vector<16xf32>
        %add3A_1109 = arith.addf %add3A_1097, %mul3A_1108 : vector<16xf32>
        %get3A_1110 = arith.constant 0 : i32
        %get3A_1111 = arith.index_cast %get3A_1110 : i32 to index
        %get3A_1112 = arith.index_cast %add3A_1062 : i32 to index
        %get3A_1113 = arith.constant 64 : index
        %get3A_1114 = tpu.vector_load %arg7[%get3A_1111, %get3A_1112, %get3A_1113] {strides = array<i32>} : memref<2x128x128xf32, #tpu.memory_space<vmem>>, vector<16xf32>,
        %get3A_1115 = arith.constant 0 : i32
        %get3A_1116 = arith.index_cast %get3A_1115 : i32 to index
        %get3A_1117 = arith.index_cast %add3A_1062 : i32 to index
        %get3A_1118 = arith.constant 64 : index
        %get3A_1119 = tpu.vector_load %arg8[%get3A_1116, %get3A_1117, %get3A_1118] {strides = array<i32>} : memref<2x128x128xf32, #tpu.memory_space<vmem>>, vector<16xf32>,
        %mul3A_1120 = arith.mulf %get3A_1114, %get3A_1119 : vector<16xf32>
        %add3A_1121 = arith.addf %add3A_1109, %mul3A_1120 : vector<16xf32>
        %get3A_1122 = arith.constant 0 : i32
        %get3A_1123 = arith.index_cast %get3A_1122 : i32 to index
        %get3A_1124 = arith.index_cast %add3A_1062 : i32 to index
        %get3A_1125 = arith.constant 80 : index
        %get3A_1126 = tpu.vector_load %arg7[%get3A_1123, %get3A_1124, %get3A_1125] {strides = array<i32>} : memref<2x128x128xf32, #tpu.memory_space<vmem>>, vector<16xf32>,
        %get3A_1127 = arith.constant 0 : i32
        %get3A_1128 = arith.index_cast %get3A_1127 : i32 to index
        %get3A_1129 = arith.index_cast %add3A_1062 : i32 to index
        %get3A_1130 = arith.constant 80 : index
        %get3A_1131 = tpu.vector_load %arg8[%get3A_1128, %get3A_1129, %get3A_1130] {strides = array<i32>} : memref<2x128x128xf32, #tpu.memory_space<vmem>>, vector<16xf32>,
        %mul3A_1132 = arith.mulf %get3A_1126, %get3A_1131 : vector<16xf32>
        %add3A_1133 = arith.addf %add3A_1121, %mul3A_1132 : vector<16xf32>
        %get3A_1134 = arith.constant 0 : i32
        %get3A_1135 = arith.index_cast %get3A_1134 : i32 to index
        %get3A_1136 = arith.index_cast %add3A_1062 : i32 to index
        %get3A_1137 = arith.constant 96 : index
        %get3A_1138 = tpu.vector_load %arg7[%get3A_1135, %get3A_1136, %get3A_1137] {strides = array<i32>} : memref<2x128x128xf32, #tpu.memory_space<vmem>>, vector<16xf32>,
        %get3A_1139 = arith.constant 0 : i32
        %get3A_1140 = arith.index_cast %get3A_1139 : i32 to index
        %get3A_1141 = arith.index_cast %add3A_1062 : i32 to index
        %get3A_1142 = arith.constant 96 : index
        %get3A_1143 = tpu.vector_load %arg8[%get3A_1140, %get3A_1141, %get3A_1142] {strides = array<i32>} : memref<2x128x128xf32, #tpu.memory_space<vmem>>, vector<16xf32>,
        %mul3A_1144 = arith.mulf %get3A_1138, %get3A_1143 : vector<16xf32>
        %add3A_1145 = arith.addf %add3A_1133, %mul3A_1144 : vector<16xf32>
        %get3A_1146 = arith.constant 0 : i32
        %get3A_1147 = arith.index_cast %get3A_1146 : i32 to index
        %get3A_1148 = arith.index_cast %add3A_1062 : i32 to index
        %get3A_1149 = arith.constant 112 : index
        %get3A_1150 = tpu.vector_load %arg7[%get3A_1147, %get3A_1148, %get3A_1149] {strides = array<i32>} : memref<2x128x128xf32, #tpu.memory_space<vmem>>, vector<16xf32>,
        %get3A_1151 = arith.constant 0 : i32
        %get3A_1152 = arith.index_cast %get3A_1151 : i32 to index
        %get3A_1153 = arith.index_cast %add3A_1062 : i32 to index
        %get3A_1154 = arith.constant 112 : index
        %get3A_1155 = tpu.vector_load %arg8[%get3A_1152, %get3A_1153, %get3A_1154] {strides = array<i32>} : memref<2x128x128xf32, #tpu.memory_space<vmem>>, vector<16xf32>,
        %mul3A_1156 = arith.mulf %get3A_1150, %get3A_1155 : vector<16xf32>
        %add3A_1157 = arith.addf %add3A_1145, %mul3A_1156 : vector<16xf32>
        %eq3A_1158 = arith.constant 8 : i32
        %eq3A_1159 = vector.broadcast %eq3A_1158 : i32 to vector<16xi32>
        %eq3A_1160 = arith.cmpi eq, %iota3A, %eq3A_1159 : vector<16xi32>
        %reduce_sum3A_1161 = arith.constant true
        %reduce_sum3A_1162 = vector.broadcast %reduce_sum3A_1161 : i1 to vector<16xi1>
        %reduce_sum3A_1163 = tpu.scan <sum>, %add3A_1157 masked %reduce_sum3A_1162 : vector<16xf32>, vector<16xi1> -> vector<16xf32>
        %reduce_sum3A_1164 = vector.extract %reduce_sum3A_1163[15] : f32 from vector<16xf32>
        %broadcast_in_dim3A_1165 = vector.broadcast %reduce_sum3A_1164 : f32 to vector<16xf32>
        %select_n3A_1166 = arith.select %eq3A_1160, %broadcast_in_dim3A_1165, %select_n3A_1058 : vector<16xi1>, vector<16xf32>
        %mul3A_1167 = arith.constant 16 : i32
        %mul3A_1168 = arith.muli %scan3A_197, %mul3A_1167 : i32
        %add3A_1169 = arith.constant 9 : i32
        %add3A_1170 = arith.addi %mul3A_1168, %add3A_1169 : i32
        %get3A_1171 = arith.constant 0 : i32
        %get3A_1172 = arith.index_cast %get3A_1171 : i32 to index
        %get3A_1173 = arith.index_cast %add3A_1170 : i32 to index
        %get3A_1174 = arith.constant 0 : index
        %get3A_1175 = tpu.vector_load %arg7[%get3A_1172, %get3A_1173, %get3A_1174] {strides = array<i32>} : memref<2x128x128xf32, #tpu.memory_space<vmem>>, vector<16xf32>,
        %get3A_1176 = arith.constant 0 : i32
        %get3A_1177 = arith.index_cast %get3A_1176 : i32 to index
        %get3A_1178 = arith.index_cast %add3A_1170 : i32 to index
        %get3A_1179 = arith.constant 0 : index
        %get3A_1180 = tpu.vector_load %arg8[%get3A_1177, %get3A_1178, %get3A_1179] {strides = array<i32>} : memref<2x128x128xf32, #tpu.memory_space<vmem>>, vector<16xf32>,
        %mul3A_1181 = arith.mulf %get3A_1175, %get3A_1180 : vector<16xf32>
        %get3A_1182 = arith.constant 0 : i32
        %get3A_1183 = arith.index_cast %get3A_1182 : i32 to index
        %get3A_1184 = arith.index_cast %add3A_1170 : i32 to index
        %get3A_1185 = arith.constant 16 : index
        %get3A_1186 = tpu.vector_load %arg7[%get3A_1183, %get3A_1184, %get3A_1185] {strides = array<i32>} : memref<2x128x128xf32, #tpu.memory_space<vmem>>, vector<16xf32>,
        %get3A_1187 = arith.constant 0 : i32
        %get3A_1188 = arith.index_cast %get3A_1187 : i32 to index
        %get3A_1189 = arith.index_cast %add3A_1170 : i32 to index
        %get3A_1190 = arith.constant 16 : index
        %get3A_1191 = tpu.vector_load %arg8[%get3A_1188, %get3A_1189, %get3A_1190] {strides = array<i32>} : memref<2x128x128xf32, #tpu.memory_space<vmem>>, vector<16xf32>,
        %mul3A_1192 = arith.mulf %get3A_1186, %get3A_1191 : vector<16xf32>
        %add3A_1193 = arith.addf %mul3A_1181, %mul3A_1192 : vector<16xf32>
        %get3A_1194 = arith.constant 0 : i32
        %get3A_1195 = arith.index_cast %get3A_1194 : i32 to index
        %get3A_1196 = arith.index_cast %add3A_1170 : i32 to index
        %get3A_1197 = arith.constant 32 : index
        %get3A_1198 = tpu.vector_load %arg7[%get3A_1195, %get3A_1196, %get3A_1197] {strides = array<i32>} : memref<2x128x128xf32, #tpu.memory_space<vmem>>, vector<16xf32>,
        %get3A_1199 = arith.constant 0 : i32
        %get3A_1200 = arith.index_cast %get3A_1199 : i32 to index
        %get3A_1201 = arith.index_cast %add3A_1170 : i32 to index
        %get3A_1202 = arith.constant 32 : index
        %get3A_1203 = tpu.vector_load %arg8[%get3A_1200, %get3A_1201, %get3A_1202] {strides = array<i32>} : memref<2x128x128xf32, #tpu.memory_space<vmem>>, vector<16xf32>,
        %mul3A_1204 = arith.mulf %get3A_1198, %get3A_1203 : vector<16xf32>
        %add3A_1205 = arith.addf %add3A_1193, %mul3A_1204 : vector<16xf32>
        %get3A_1206 = arith.constant 0 : i32
        %get3A_1207 = arith.index_cast %get3A_1206 : i32 to index
        %get3A_1208 = arith.index_cast %add3A_1170 : i32 to index
        %get3A_1209 = arith.constant 48 : index
        %get3A_1210 = tpu.vector_load %arg7[%get3A_1207, %get3A_1208, %get3A_1209] {strides = array<i32>} : memref<2x128x128xf32, #tpu.memory_space<vmem>>, vector<16xf32>,
        %get3A_1211 = arith.constant 0 : i32
        %get3A_1212 = arith.index_cast %get3A_1211 : i32 to index
        %get3A_1213 = arith.index_cast %add3A_1170 : i32 to index
        %get3A_1214 = arith.constant 48 : index
        %get3A_1215 = tpu.vector_load %arg8[%get3A_1212, %get3A_1213, %get3A_1214] {strides = array<i32>} : memref<2x128x128xf32, #tpu.memory_space<vmem>>, vector<16xf32>,
        %mul3A_1216 = arith.mulf %get3A_1210, %get3A_1215 : vector<16xf32>
        %add3A_1217 = arith.addf %add3A_1205, %mul3A_1216 : vector<16xf32>
        %get3A_1218 = arith.constant 0 : i32
        %get3A_1219 = arith.index_cast %get3A_1218 : i32 to index
        %get3A_1220 = arith.index_cast %add3A_1170 : i32 to index
        %get3A_1221 = arith.constant 64 : index
        %get3A_1222 = tpu.vector_load %arg7[%get3A_1219, %get3A_1220, %get3A_1221] {strides = array<i32>} : memref<2x128x128xf32, #tpu.memory_space<vmem>>, vector<16xf32>,
        %get3A_1223 = arith.constant 0 : i32
        %get3A_1224 = arith.index_cast %get3A_1223 : i32 to index
        %get3A_1225 = arith.index_cast %add3A_1170 : i32 to index
        %get3A_1226 = arith.constant 64 : index
        %get3A_1227 = tpu.vector_load %arg8[%get3A_1224, %get3A_1225, %get3A_1226] {strides = array<i32>} : memref<2x128x128xf32, #tpu.memory_space<vmem>>, vector<16xf32>,
        %mul3A_1228 = arith.mulf %get3A_1222, %get3A_1227 : vector<16xf32>
        %add3A_1229 = arith.addf %add3A_1217, %mul3A_1228 : vector<16xf32>
        %get3A_1230 = arith.constant 0 : i32
        %get3A_1231 = arith.index_cast %get3A_1230 : i32 to index
        %get3A_1232 = arith.index_cast %add3A_1170 : i32 to index
        %get3A_1233 = arith.constant 80 : index
        %get3A_1234 = tpu.vector_load %arg7[%get3A_1231, %get3A_1232, %get3A_1233] {strides = array<i32>} : memref<2x128x128xf32, #tpu.memory_space<vmem>>, vector<16xf32>,
        %get3A_1235 = arith.constant 0 : i32
        %get3A_1236 = arith.index_cast %get3A_1235 : i32 to index
        %get3A_1237 = arith.index_cast %add3A_1170 : i32 to index
        %get3A_1238 = arith.constant 80 : index
        %get3A_1239 = tpu.vector_load %arg8[%get3A_1236, %get3A_1237, %get3A_1238] {strides = array<i32>} : memref<2x128x128xf32, #tpu.memory_space<vmem>>, vector<16xf32>,
        %mul3A_1240 = arith.mulf %get3A_1234, %get3A_1239 : vector<16xf32>
        %add3A_1241 = arith.addf %add3A_1229, %mul3A_1240 : vector<16xf32>
        %get3A_1242 = arith.constant 0 : i32
        %get3A_1243 = arith.index_cast %get3A_1242 : i32 to index
        %get3A_1244 = arith.index_cast %add3A_1170 : i32 to index
        %get3A_1245 = arith.constant 96 : index
        %get3A_1246 = tpu.vector_load %arg7[%get3A_1243, %get3A_1244, %get3A_1245] {strides = array<i32>} : memref<2x128x128xf32, #tpu.memory_space<vmem>>, vector<16xf32>,
        %get3A_1247 = arith.constant 0 : i32
        %get3A_1248 = arith.index_cast %get3A_1247 : i32 to index
        %get3A_1249 = arith.index_cast %add3A_1170 : i32 to index
        %get3A_1250 = arith.constant 96 : index
        %get3A_1251 = tpu.vector_load %arg8[%get3A_1248, %get3A_1249, %get3A_1250] {strides = array<i32>} : memref<2x128x128xf32, #tpu.memory_space<vmem>>, vector<16xf32>,
        %mul3A_1252 = arith.mulf %get3A_1246, %get3A_1251 : vector<16xf32>
        %add3A_1253 = arith.addf %add3A_1241, %mul3A_1252 : vector<16xf32>
        %get3A_1254 = arith.constant 0 : i32
        %get3A_1255 = arith.index_cast %get3A_1254 : i32 to index
        %get3A_1256 = arith.index_cast %add3A_1170 : i32 to index
        %get3A_1257 = arith.constant 112 : index
        %get3A_1258 = tpu.vector_load %arg7[%get3A_1255, %get3A_1256, %get3A_1257] {strides = array<i32>} : memref<2x128x128xf32, #tpu.memory_space<vmem>>, vector<16xf32>,
        %get3A_1259 = arith.constant 0 : i32
        %get3A_1260 = arith.index_cast %get3A_1259 : i32 to index
        %get3A_1261 = arith.index_cast %add3A_1170 : i32 to index
        %get3A_1262 = arith.constant 112 : index
        %get3A_1263 = tpu.vector_load %arg8[%get3A_1260, %get3A_1261, %get3A_1262] {strides = array<i32>} : memref<2x128x128xf32, #tpu.memory_space<vmem>>, vector<16xf32>,
        %mul3A_1264 = arith.mulf %get3A_1258, %get3A_1263 : vector<16xf32>
        %add3A_1265 = arith.addf %add3A_1253, %mul3A_1264 : vector<16xf32>
        %eq3A_1266 = arith.constant 9 : i32
        %eq3A_1267 = vector.broadcast %eq3A_1266 : i32 to vector<16xi32>
        %eq3A_1268 = arith.cmpi eq, %iota3A, %eq3A_1267 : vector<16xi32>
        %reduce_sum3A_1269 = arith.constant true
        %reduce_sum3A_1270 = vector.broadcast %reduce_sum3A_1269 : i1 to vector<16xi1>
        %reduce_sum3A_1271 = tpu.scan <sum>, %add3A_1265 masked %reduce_sum3A_1270 : vector<16xf32>, vector<16xi1> -> vector<16xf32>
        %reduce_sum3A_1272 = vector.extract %reduce_sum3A_1271[15] : f32 from vector<16xf32>
        %broadcast_in_dim3A_1273 = vector.broadcast %reduce_sum3A_1272 : f32 to vector<16xf32>
        %select_n3A_1274 = arith.select %eq3A_1268, %broadcast_in_dim3A_1273, %select_n3A_1166 : vector<16xi1>, vector<16xf32>
        %mul3A_1275 = arith.constant 16 : i32
        %mul3A_1276 = arith.muli %scan3A_197, %mul3A_1275 : i32
        %add3A_1277 = arith.constant 10 : i32
        %add3A_1278 = arith.addi %mul3A_1276, %add3A_1277 : i32
        %get3A_1279 = arith.constant 0 : i32
        %get3A_1280 = arith.index_cast %get3A_1279 : i32 to index
        %get3A_1281 = arith.index_cast %add3A_1278 : i32 to index
        %get3A_1282 = arith.constant 0 : index
        %get3A_1283 = tpu.vector_load %arg7[%get3A_1280, %get3A_1281, %get3A_1282] {strides = array<i32>} : memref<2x128x128xf32, #tpu.memory_space<vmem>>, vector<16xf32>,
        %get3A_1284 = arith.constant 0 : i32
        %get3A_1285 = arith.index_cast %get3A_1284 : i32 to index
        %get3A_1286 = arith.index_cast %add3A_1278 : i32 to index
        %get3A_1287 = arith.constant 0 : index
        %get3A_1288 = tpu.vector_load %arg8[%get3A_1285, %get3A_1286, %get3A_1287] {strides = array<i32>} : memref<2x128x128xf32, #tpu.memory_space<vmem>>, vector<16xf32>,
        %mul3A_1289 = arith.mulf %get3A_1283, %get3A_1288 : vector<16xf32>
        %get3A_1290 = arith.constant 0 : i32
        %get3A_1291 = arith.index_cast %get3A_1290 : i32 to index
        %get3A_1292 = arith.index_cast %add3A_1278 : i32 to index
        %get3A_1293 = arith.constant 16 : index
        %get3A_1294 = tpu.vector_load %arg7[%get3A_1291, %get3A_1292, %get3A_1293] {strides = array<i32>} : memref<2x128x128xf32, #tpu.memory_space<vmem>>, vector<16xf32>,
        %get3A_1295 = arith.constant 0 : i32
        %get3A_1296 = arith.index_cast %get3A_1295 : i32 to index
        %get3A_1297 = arith.index_cast %add3A_1278 : i32 to index
        %get3A_1298 = arith.constant 16 : index
        %get3A_1299 = tpu.vector_load %arg8[%get3A_1296, %get3A_1297, %get3A_1298] {strides = array<i32>} : memref<2x128x128xf32, #tpu.memory_space<vmem>>, vector<16xf32>,
        %mul3A_1300 = arith.mulf %get3A_1294, %get3A_1299 : vector<16xf32>
        %add3A_1301 = arith.addf %mul3A_1289, %mul3A_1300 : vector<16xf32>
        %get3A_1302 = arith.constant 0 : i32
        %get3A_1303 = arith.index_cast %get3A_1302 : i32 to index
        %get3A_1304 = arith.index_cast %add3A_1278 : i32 to index
        %get3A_1305 = arith.constant 32 : index
        %get3A_1306 = tpu.vector_load %arg7[%get3A_1303, %get3A_1304, %get3A_1305] {strides = array<i32>} : memref<2x128x128xf32, #tpu.memory_space<vmem>>, vector<16xf32>,
        %get3A_1307 = arith.constant 0 : i32
        %get3A_1308 = arith.index_cast %get3A_1307 : i32 to index
        %get3A_1309 = arith.index_cast %add3A_1278 : i32 to index
        %get3A_1310 = arith.constant 32 : index
        %get3A_1311 = tpu.vector_load %arg8[%get3A_1308, %get3A_1309, %get3A_1310] {strides = array<i32>} : memref<2x128x128xf32, #tpu.memory_space<vmem>>, vector<16xf32>,
        %mul3A_1312 = arith.mulf %get3A_1306, %get3A_1311 : vector<16xf32>
        %add3A_1313 = arith.addf %add3A_1301, %mul3A_1312 : vector<16xf32>
        %get3A_1314 = arith.constant 0 : i32
        %get3A_1315 = arith.index_cast %get3A_1314 : i32 to index
        %get3A_1316 = arith.index_cast %add3A_1278 : i32 to index
        %get3A_1317 = arith.constant 48 : index
        %get3A_1318 = tpu.vector_load %arg7[%get3A_1315, %get3A_1316, %get3A_1317] {strides = array<i32>} : memref<2x128x128xf32, #tpu.memory_space<vmem>>, vector<16xf32>,
        %get3A_1319 = arith.constant 0 : i32
        %get3A_1320 = arith.index_cast %get3A_1319 : i32 to index
        %get3A_1321 = arith.index_cast %add3A_1278 : i32 to index
        %get3A_1322 = arith.constant 48 : index
        %get3A_1323 = tpu.vector_load %arg8[%get3A_1320, %get3A_1321, %get3A_1322] {strides = array<i32>} : memref<2x128x128xf32, #tpu.memory_space<vmem>>, vector<16xf32>,
        %mul3A_1324 = arith.mulf %get3A_1318, %get3A_1323 : vector<16xf32>
        %add3A_1325 = arith.addf %add3A_1313, %mul3A_1324 : vector<16xf32>
        %get3A_1326 = arith.constant 0 : i32
        %get3A_1327 = arith.index_cast %get3A_1326 : i32 to index
        %get3A_1328 = arith.index_cast %add3A_1278 : i32 to index
        %get3A_1329 = arith.constant 64 : index
        %get3A_1330 = tpu.vector_load %arg7[%get3A_1327, %get3A_1328, %get3A_1329] {strides = array<i32>} : memref<2x128x128xf32, #tpu.memory_space<vmem>>, vector<16xf32>,
        %get3A_1331 = arith.constant 0 : i32
        %get3A_1332 = arith.index_cast %get3A_1331 : i32 to index
        %get3A_1333 = arith.index_cast %add3A_1278 : i32 to index
        %get3A_1334 = arith.constant 64 : index
        %get3A_1335 = tpu.vector_load %arg8[%get3A_1332, %get3A_1333, %get3A_1334] {strides = array<i32>} : memref<2x128x128xf32, #tpu.memory_space<vmem>>, vector<16xf32>,
        %mul3A_1336 = arith.mulf %get3A_1330, %get3A_1335 : vector<16xf32>
        %add3A_1337 = arith.addf %add3A_1325, %mul3A_1336 : vector<16xf32>
        %get3A_1338 = arith.constant 0 : i32
        %get3A_1339 = arith.index_cast %get3A_1338 : i32 to index
        %get3A_1340 = arith.index_cast %add3A_1278 : i32 to index
        %get3A_1341 = arith.constant 80 : index
        %get3A_1342 = tpu.vector_load %arg7[%get3A_1339, %get3A_1340, %get3A_1341] {strides = array<i32>} : memref<2x128x128xf32, #tpu.memory_space<vmem>>, vector<16xf32>,
        %get3A_1343 = arith.constant 0 : i32
        %get3A_1344 = arith.index_cast %get3A_1343 : i32 to index
        %get3A_1345 = arith.index_cast %add3A_1278 : i32 to index
        %get3A_1346 = arith.constant 80 : index
        %get3A_1347 = tpu.vector_load %arg8[%get3A_1344, %get3A_1345, %get3A_1346] {strides = array<i32>} : memref<2x128x128xf32, #tpu.memory_space<vmem>>, vector<16xf32>,
        %mul3A_1348 = arith.mulf %get3A_1342, %get3A_1347 : vector<16xf32>
        %add3A_1349 = arith.addf %add3A_1337, %mul3A_1348 : vector<16xf32>
        %get3A_1350 = arith.constant 0 : i32
        %get3A_1351 = arith.index_cast %get3A_1350 : i32 to index
        %get3A_1352 = arith.index_cast %add3A_1278 : i32 to index
        %get3A_1353 = arith.constant 96 : index
        %get3A_1354 = tpu.vector_load %arg7[%get3A_1351, %get3A_1352, %get3A_1353] {strides = array<i32>} : memref<2x128x128xf32, #tpu.memory_space<vmem>>, vector<16xf32>,
        %get3A_1355 = arith.constant 0 : i32
        %get3A_1356 = arith.index_cast %get3A_1355 : i32 to index
        %get3A_1357 = arith.index_cast %add3A_1278 : i32 to index
        %get3A_1358 = arith.constant 96 : index
        %get3A_1359 = tpu.vector_load %arg8[%get3A_1356, %get3A_1357, %get3A_1358] {strides = array<i32>} : memref<2x128x128xf32, #tpu.memory_space<vmem>>, vector<16xf32>,
        %mul3A_1360 = arith.mulf %get3A_1354, %get3A_1359 : vector<16xf32>
        %add3A_1361 = arith.addf %add3A_1349, %mul3A_1360 : vector<16xf32>
        %get3A_1362 = arith.constant 0 : i32
        %get3A_1363 = arith.index_cast %get3A_1362 : i32 to index
        %get3A_1364 = arith.index_cast %add3A_1278 : i32 to index
        %get3A_1365 = arith.constant 112 : index
        %get3A_1366 = tpu.vector_load %arg7[%get3A_1363, %get3A_1364, %get3A_1365] {strides = array<i32>} : memref<2x128x128xf32, #tpu.memory_space<vmem>>, vector<16xf32>,
        %get3A_1367 = arith.constant 0 : i32
        %get3A_1368 = arith.index_cast %get3A_1367 : i32 to index
        %get3A_1369 = arith.index_cast %add3A_1278 : i32 to index
        %get3A_1370 = arith.constant 112 : index
        %get3A_1371 = tpu.vector_load %arg8[%get3A_1368, %get3A_1369, %get3A_1370] {strides = array<i32>} : memref<2x128x128xf32, #tpu.memory_space<vmem>>, vector<16xf32>,
        %mul3A_1372 = arith.mulf %get3A_1366, %get3A_1371 : vector<16xf32>
        %add3A_1373 = arith.addf %add3A_1361, %mul3A_1372 : vector<16xf32>
        %eq3A_1374 = arith.constant 10 : i32
        %eq3A_1375 = vector.broadcast %eq3A_1374 : i32 to vector<16xi32>
        %eq3A_1376 = arith.cmpi eq, %iota3A, %eq3A_1375 : vector<16xi32>
        %reduce_sum3A_1377 = arith.constant true
        %reduce_sum3A_1378 = vector.broadcast %reduce_sum3A_1377 : i1 to vector<16xi1>
        %reduce_sum3A_1379 = tpu.scan <sum>, %add3A_1373 masked %reduce_sum3A_1378 : vector<16xf32>, vector<16xi1> -> vector<16xf32>
        %reduce_sum3A_1380 = vector.extract %reduce_sum3A_1379[15] : f32 from vector<16xf32>
        %broadcast_in_dim3A_1381 = vector.broadcast %reduce_sum3A_1380 : f32 to vector<16xf32>
        %select_n3A_1382 = arith.select %eq3A_1376, %broadcast_in_dim3A_1381, %select_n3A_1274 : vector<16xi1>, vector<16xf32>
        %mul3A_1383 = arith.constant 16 : i32
        %mul3A_1384 = arith.muli %scan3A_197, %mul3A_1383 : i32
        %add3A_1385 = arith.constant 11 : i32
        %add3A_1386 = arith.addi %mul3A_1384, %add3A_1385 : i32
        %get3A_1387 = arith.constant 0 : i32
        %get3A_1388 = arith.index_cast %get3A_1387 : i32 to index
        %get3A_1389 = arith.index_cast %add3A_1386 : i32 to index
        %get3A_1390 = arith.constant 0 : index
        %get3A_1391 = tpu.vector_load %arg7[%get3A_1388, %get3A_1389, %get3A_1390] {strides = array<i32>} : memref<2x128x128xf32, #tpu.memory_space<vmem>>, vector<16xf32>,
        %get3A_1392 = arith.constant 0 : i32
        %get3A_1393 = arith.index_cast %get3A_1392 : i32 to index
        %get3A_1394 = arith.index_cast %add3A_1386 : i32 to index
        %get3A_1395 = arith.constant 0 : index
        %get3A_1396 = tpu.vector_load %arg8[%get3A_1393, %get3A_1394, %get3A_1395] {strides = array<i32>} : memref<2x128x128xf32, #tpu.memory_space<vmem>>, vector<16xf32>,
        %mul3A_1397 = arith.mulf %get3A_1391, %get3A_1396 : vector<16xf32>
        %get3A_1398 = arith.constant 0 : i32
        %get3A_1399 = arith.index_cast %get3A_1398 : i32 to index
        %get3A_1400 = arith.index_cast %add3A_1386 : i32 to index
        %get3A_1401 = arith.constant 16 : index
        %get3A_1402 = tpu.vector_load %arg7[%get3A_1399, %get3A_1400, %get3A_1401] {strides = array<i32>} : memref<2x128x128xf32, #tpu.memory_space<vmem>>, vector<16xf32>,
        %get3A_1403 = arith.constant 0 : i32
        %get3A_1404 = arith.index_cast %get3A_1403 : i32 to index
        %get3A_1405 = arith.index_cast %add3A_1386 : i32 to index
        %get3A_1406 = arith.constant 16 : index
        %get3A_1407 = tpu.vector_load %arg8[%get3A_1404, %get3A_1405, %get3A_1406] {strides = array<i32>} : memref<2x128x128xf32, #tpu.memory_space<vmem>>, vector<16xf32>,
        %mul3A_1408 = arith.mulf %get3A_1402, %get3A_1407 : vector<16xf32>
        %add3A_1409 = arith.addf %mul3A_1397, %mul3A_1408 : vector<16xf32>
        %get3A_1410 = arith.constant 0 : i32
        %get3A_1411 = arith.index_cast %get3A_1410 : i32 to index
        %get3A_1412 = arith.index_cast %add3A_1386 : i32 to index
        %get3A_1413 = arith.constant 32 : index
        %get3A_1414 = tpu.vector_load %arg7[%get3A_1411, %get3A_1412, %get3A_1413] {strides = array<i32>} : memref<2x128x128xf32, #tpu.memory_space<vmem>>, vector<16xf32>,
        %get3A_1415 = arith.constant 0 : i32
        %get3A_1416 = arith.index_cast %get3A_1415 : i32 to index
        %get3A_1417 = arith.index_cast %add3A_1386 : i32 to index
        %get3A_1418 = arith.constant 32 : index
        %get3A_1419 = tpu.vector_load %arg8[%get3A_1416, %get3A_1417, %get3A_1418] {strides = array<i32>} : memref<2x128x128xf32, #tpu.memory_space<vmem>>, vector<16xf32>,
        %mul3A_1420 = arith.mulf %get3A_1414, %get3A_1419 : vector<16xf32>
        %add3A_1421 = arith.addf %add3A_1409, %mul3A_1420 : vector<16xf32>
        %get3A_1422 = arith.constant 0 : i32
        %get3A_1423 = arith.index_cast %get3A_1422 : i32 to index
        %get3A_1424 = arith.index_cast %add3A_1386 : i32 to index
        %get3A_1425 = arith.constant 48 : index
        %get3A_1426 = tpu.vector_load %arg7[%get3A_1423, %get3A_1424, %get3A_1425] {strides = array<i32>} : memref<2x128x128xf32, #tpu.memory_space<vmem>>, vector<16xf32>,
        %get3A_1427 = arith.constant 0 : i32
        %get3A_1428 = arith.index_cast %get3A_1427 : i32 to index
        %get3A_1429 = arith.index_cast %add3A_1386 : i32 to index
        %get3A_1430 = arith.constant 48 : index
        %get3A_1431 = tpu.vector_load %arg8[%get3A_1428, %get3A_1429, %get3A_1430] {strides = array<i32>} : memref<2x128x128xf32, #tpu.memory_space<vmem>>, vector<16xf32>,
        %mul3A_1432 = arith.mulf %get3A_1426, %get3A_1431 : vector<16xf32>
        %add3A_1433 = arith.addf %add3A_1421, %mul3A_1432 : vector<16xf32>
        %get3A_1434 = arith.constant 0 : i32
        %get3A_1435 = arith.index_cast %get3A_1434 : i32 to index
        %get3A_1436 = arith.index_cast %add3A_1386 : i32 to index
        %get3A_1437 = arith.constant 64 : index
        %get3A_1438 = tpu.vector_load %arg7[%get3A_1435, %get3A_1436, %get3A_1437] {strides = array<i32>} : memref<2x128x128xf32, #tpu.memory_space<vmem>>, vector<16xf32>,
        %get3A_1439 = arith.constant 0 : i32
        %get3A_1440 = arith.index_cast %get3A_1439 : i32 to index
        %get3A_1441 = arith.index_cast %add3A_1386 : i32 to index
        %get3A_1442 = arith.constant 64 : index
        %get3A_1443 = tpu.vector_load %arg8[%get3A_1440, %get3A_1441, %get3A_1442] {strides = array<i32>} : memref<2x128x128xf32, #tpu.memory_space<vmem>>, vector<16xf32>,
        %mul3A_1444 = arith.mulf %get3A_1438, %get3A_1443 : vector<16xf32>
        %add3A_1445 = arith.addf %add3A_1433, %mul3A_1444 : vector<16xf32>
        %get3A_1446 = arith.constant 0 : i32
        %get3A_1447 = arith.index_cast %get3A_1446 : i32 to index
        %get3A_1448 = arith.index_cast %add3A_1386 : i32 to index
        %get3A_1449 = arith.constant 80 : index
        %get3A_1450 = tpu.vector_load %arg7[%get3A_1447, %get3A_1448, %get3A_1449] {strides = array<i32>} : memref<2x128x128xf32, #tpu.memory_space<vmem>>, vector<16xf32>,
        %get3A_1451 = arith.constant 0 : i32
        %get3A_1452 = arith.index_cast %get3A_1451 : i32 to index
        %get3A_1453 = arith.index_cast %add3A_1386 : i32 to index
        %get3A_1454 = arith.constant 80 : index
        %get3A_1455 = tpu.vector_load %arg8[%get3A_1452, %get3A_1453, %get3A_1454] {strides = array<i32>} : memref<2x128x128xf32, #tpu.memory_space<vmem>>, vector<16xf32>,
        %mul3A_1456 = arith.mulf %get3A_1450, %get3A_1455 : vector<16xf32>
        %add3A_1457 = arith.addf %add3A_1445, %mul3A_1456 : vector<16xf32>
        %get3A_1458 = arith.constant 0 : i32
        %get3A_1459 = arith.index_cast %get3A_1458 : i32 to index
        %get3A_1460 = arith.index_cast %add3A_1386 : i32 to index
        %get3A_1461 = arith.constant 96 : index
        %get3A_1462 = tpu.vector_load %arg7[%get3A_1459, %get3A_1460, %get3A_1461] {strides = array<i32>} : memref<2x128x128xf32, #tpu.memory_space<vmem>>, vector<16xf32>,
        %get3A_1463 = arith.constant 0 : i32
        %get3A_1464 = arith.index_cast %get3A_1463 : i32 to index
        %get3A_1465 = arith.index_cast %add3A_1386 : i32 to index
        %get3A_1466 = arith.constant 96 : index
        %get3A_1467 = tpu.vector_load %arg8[%get3A_1464, %get3A_1465, %get3A_1466] {strides = array<i32>} : memref<2x128x128xf32, #tpu.memory_space<vmem>>, vector<16xf32>,
        %mul3A_1468 = arith.mulf %get3A_1462, %get3A_1467 : vector<16xf32>
        %add3A_1469 = arith.addf %add3A_1457, %mul3A_1468 : vector<16xf32>
        %get3A_1470 = arith.constant 0 : i32
        %get3A_1471 = arith.index_cast %get3A_1470 : i32 to index
        %get3A_1472 = arith.index_cast %add3A_1386 : i32 to index
        %get3A_1473 = arith.constant 112 : index
        %get3A_1474 = tpu.vector_load %arg7[%get3A_1471, %get3A_1472, %get3A_1473] {strides = array<i32>} : memref<2x128x128xf32, #tpu.memory_space<vmem>>, vector<16xf32>,
        %get3A_1475 = arith.constant 0 : i32
        %get3A_1476 = arith.index_cast %get3A_1475 : i32 to index
        %get3A_1477 = arith.index_cast %add3A_1386 : i32 to index
        %get3A_1478 = arith.constant 112 : index
        %get3A_1479 = tpu.vector_load %arg8[%get3A_1476, %get3A_1477, %get3A_1478] {strides = array<i32>} : memref<2x128x128xf32, #tpu.memory_space<vmem>>, vector<16xf32>,
        %mul3A_1480 = arith.mulf %get3A_1474, %get3A_1479 : vector<16xf32>
        %add3A_1481 = arith.addf %add3A_1469, %mul3A_1480 : vector<16xf32>
        %eq3A_1482 = arith.constant 11 : i32
        %eq3A_1483 = vector.broadcast %eq3A_1482 : i32 to vector<16xi32>
        %eq3A_1484 = arith.cmpi eq, %iota3A, %eq3A_1483 : vector<16xi32>
        %reduce_sum3A_1485 = arith.constant true
        %reduce_sum3A_1486 = vector.broadcast %reduce_sum3A_1485 : i1 to vector<16xi1>
        %reduce_sum3A_1487 = tpu.scan <sum>, %add3A_1481 masked %reduce_sum3A_1486 : vector<16xf32>, vector<16xi1> -> vector<16xf32>
        %reduce_sum3A_1488 = vector.extract %reduce_sum3A_1487[15] : f32 from vector<16xf32>
        %broadcast_in_dim3A_1489 = vector.broadcast %reduce_sum3A_1488 : f32 to vector<16xf32>
        %select_n3A_1490 = arith.select %eq3A_1484, %broadcast_in_dim3A_1489, %select_n3A_1382 : vector<16xi1>, vector<16xf32>
        %mul3A_1491 = arith.constant 16 : i32
        %mul3A_1492 = arith.muli %scan3A_197, %mul3A_1491 : i32
        %add3A_1493 = arith.constant 12 : i32
        %add3A_1494 = arith.addi %mul3A_1492, %add3A_1493 : i32
        %get3A_1495 = arith.constant 0 : i32
        %get3A_1496 = arith.index_cast %get3A_1495 : i32 to index
        %get3A_1497 = arith.index_cast %add3A_1494 : i32 to index
        %get3A_1498 = arith.constant 0 : index
        %get3A_1499 = tpu.vector_load %arg7[%get3A_1496, %get3A_1497, %get3A_1498] {strides = array<i32>} : memref<2x128x128xf32, #tpu.memory_space<vmem>>, vector<16xf32>,
        %get3A_1500 = arith.constant 0 : i32
        %get3A_1501 = arith.index_cast %get3A_1500 : i32 to index
        %get3A_1502 = arith.index_cast %add3A_1494 : i32 to index
        %get3A_1503 = arith.constant 0 : index
        %get3A_1504 = tpu.vector_load %arg8[%get3A_1501, %get3A_1502, %get3A_1503] {strides = array<i32>} : memref<2x128x128xf32, #tpu.memory_space<vmem>>, vector<16xf32>,
        %mul3A_1505 = arith.mulf %get3A_1499, %get3A_1504 : vector<16xf32>
        %get3A_1506 = arith.constant 0 : i32
        %get3A_1507 = arith.index_cast %get3A_1506 : i32 to index
        %get3A_1508 = arith.index_cast %add3A_1494 : i32 to index
        %get3A_1509 = arith.constant 16 : index
        %get3A_1510 = tpu.vector_load %arg7[%get3A_1507, %get3A_1508, %get3A_1509] {strides = array<i32>} : memref<2x128x128xf32, #tpu.memory_space<vmem>>, vector<16xf32>,
        %get3A_1511 = arith.constant 0 : i32
        %get3A_1512 = arith.index_cast %get3A_1511 : i32 to index
        %get3A_1513 = arith.index_cast %add3A_1494 : i32 to index
        %get3A_1514 = arith.constant 16 : index
        %get3A_1515 = tpu.vector_load %arg8[%get3A_1512, %get3A_1513, %get3A_1514] {strides = array<i32>} : memref<2x128x128xf32, #tpu.memory_space<vmem>>, vector<16xf32>,
        %mul3A_1516 = arith.mulf %get3A_1510, %get3A_1515 : vector<16xf32>
        %add3A_1517 = arith.addf %mul3A_1505, %mul3A_1516 : vector<16xf32>
        %get3A_1518 = arith.constant 0 : i32
        %get3A_1519 = arith.index_cast %get3A_1518 : i32 to index
        %get3A_1520 = arith.index_cast %add3A_1494 : i32 to index
        %get3A_1521 = arith.constant 32 : index
        %get3A_1522 = tpu.vector_load %arg7[%get3A_1519, %get3A_1520, %get3A_1521] {strides = array<i32>} : memref<2x128x128xf32, #tpu.memory_space<vmem>>, vector<16xf32>,
        %get3A_1523 = arith.constant 0 : i32
        %get3A_1524 = arith.index_cast %get3A_1523 : i32 to index
        %get3A_1525 = arith.index_cast %add3A_1494 : i32 to index
        %get3A_1526 = arith.constant 32 : index
        %get3A_1527 = tpu.vector_load %arg8[%get3A_1524, %get3A_1525, %get3A_1526] {strides = array<i32>} : memref<2x128x128xf32, #tpu.memory_space<vmem>>, vector<16xf32>,
        %mul3A_1528 = arith.mulf %get3A_1522, %get3A_1527 : vector<16xf32>
        %add3A_1529 = arith.addf %add3A_1517, %mul3A_1528 : vector<16xf32>
        %get3A_1530 = arith.constant 0 : i32
        %get3A_1531 = arith.index_cast %get3A_1530 : i32 to index
        %get3A_1532 = arith.index_cast %add3A_1494 : i32 to index
        %get3A_1533 = arith.constant 48 : index
        %get3A_1534 = tpu.vector_load %arg7[%get3A_1531, %get3A_1532, %get3A_1533] {strides = array<i32>} : memref<2x128x128xf32, #tpu.memory_space<vmem>>, vector<16xf32>,
        %get3A_1535 = arith.constant 0 : i32
        %get3A_1536 = arith.index_cast %get3A_1535 : i32 to index
        %get3A_1537 = arith.index_cast %add3A_1494 : i32 to index
        %get3A_1538 = arith.constant 48 : index
        %get3A_1539 = tpu.vector_load %arg8[%get3A_1536, %get3A_1537, %get3A_1538] {strides = array<i32>} : memref<2x128x128xf32, #tpu.memory_space<vmem>>, vector<16xf32>,
        %mul3A_1540 = arith.mulf %get3A_1534, %get3A_1539 : vector<16xf32>
        %add3A_1541 = arith.addf %add3A_1529, %mul3A_1540 : vector<16xf32>
        %get3A_1542 = arith.constant 0 : i32
        %get3A_1543 = arith.index_cast %get3A_1542 : i32 to index
        %get3A_1544 = arith.index_cast %add3A_1494 : i32 to index
        %get3A_1545 = arith.constant 64 : index
        %get3A_1546 = tpu.vector_load %arg7[%get3A_1543, %get3A_1544, %get3A_1545] {strides = array<i32>} : memref<2x128x128xf32, #tpu.memory_space<vmem>>, vector<16xf32>,
        %get3A_1547 = arith.constant 0 : i32
        %get3A_1548 = arith.index_cast %get3A_1547 : i32 to index
        %get3A_1549 = arith.index_cast %add3A_1494 : i32 to index
        %get3A_1550 = arith.constant 64 : index
        %get3A_1551 = tpu.vector_load %arg8[%get3A_1548, %get3A_1549, %get3A_1550] {strides = array<i32>} : memref<2x128x128xf32, #tpu.memory_space<vmem>>, vector<16xf32>,
        %mul3A_1552 = arith.mulf %get3A_1546, %get3A_1551 : vector<16xf32>
        %add3A_1553 = arith.addf %add3A_1541, %mul3A_1552 : vector<16xf32>
        %get3A_1554 = arith.constant 0 : i32
        %get3A_1555 = arith.index_cast %get3A_1554 : i32 to index
        %get3A_1556 = arith.index_cast %add3A_1494 : i32 to index
        %get3A_1557 = arith.constant 80 : index
        %get3A_1558 = tpu.vector_load %arg7[%get3A_1555, %get3A_1556, %get3A_1557] {strides = array<i32>} : memref<2x128x128xf32, #tpu.memory_space<vmem>>, vector<16xf32>,
        %get3A_1559 = arith.constant 0 : i32
        %get3A_1560 = arith.index_cast %get3A_1559 : i32 to index
        %get3A_1561 = arith.index_cast %add3A_1494 : i32 to index
        %get3A_1562 = arith.constant 80 : index
        %get3A_1563 = tpu.vector_load %arg8[%get3A_1560, %get3A_1561, %get3A_1562] {strides = array<i32>} : memref<2x128x128xf32, #tpu.memory_space<vmem>>, vector<16xf32>,
        %mul3A_1564 = arith.mulf %get3A_1558, %get3A_1563 : vector<16xf32>
        %add3A_1565 = arith.addf %add3A_1553, %mul3A_1564 : vector<16xf32>
        %get3A_1566 = arith.constant 0 : i32
        %get3A_1567 = arith.index_cast %get3A_1566 : i32 to index
        %get3A_1568 = arith.index_cast %add3A_1494 : i32 to index
        %get3A_1569 = arith.constant 96 : index
        %get3A_1570 = tpu.vector_load %arg7[%get3A_1567, %get3A_1568, %get3A_1569] {strides = array<i32>} : memref<2x128x128xf32, #tpu.memory_space<vmem>>, vector<16xf32>,
        %get3A_1571 = arith.constant 0 : i32
        %get3A_1572 = arith.index_cast %get3A_1571 : i32 to index
        %get3A_1573 = arith.index_cast %add3A_1494 : i32 to index
        %get3A_1574 = arith.constant 96 : index
        %get3A_1575 = tpu.vector_load %arg8[%get3A_1572, %get3A_1573, %get3A_1574] {strides = array<i32>} : memref<2x128x128xf32, #tpu.memory_space<vmem>>, vector<16xf32>,
        %mul3A_1576 = arith.mulf %get3A_1570, %get3A_1575 : vector<16xf32>
        %add3A_1577 = arith.addf %add3A_1565, %mul3A_1576 : vector<16xf32>
        %get3A_1578 = arith.constant 0 : i32
        %get3A_1579 = arith.index_cast %get3A_1578 : i32 to index
        %get3A_1580 = arith.index_cast %add3A_1494 : i32 to index
        %get3A_1581 = arith.constant 112 : index
        %get3A_1582 = tpu.vector_load %arg7[%get3A_1579, %get3A_1580, %get3A_1581] {strides = array<i32>} : memref<2x128x128xf32, #tpu.memory_space<vmem>>, vector<16xf32>,
        %get3A_1583 = arith.constant 0 : i32
        %get3A_1584 = arith.index_cast %get3A_1583 : i32 to index
        %get3A_1585 = arith.index_cast %add3A_1494 : i32 to index
        %get3A_1586 = arith.constant 112 : index
        %get3A_1587 = tpu.vector_load %arg8[%get3A_1584, %get3A_1585, %get3A_1586] {strides = array<i32>} : memref<2x128x128xf32, #tpu.memory_space<vmem>>, vector<16xf32>,
        %mul3A_1588 = arith.mulf %get3A_1582, %get3A_1587 : vector<16xf32>
        %add3A_1589 = arith.addf %add3A_1577, %mul3A_1588 : vector<16xf32>
        %eq3A_1590 = arith.constant 12 : i32
        %eq3A_1591 = vector.broadcast %eq3A_1590 : i32 to vector<16xi32>
        %eq3A_1592 = arith.cmpi eq, %iota3A, %eq3A_1591 : vector<16xi32>
        %reduce_sum3A_1593 = arith.constant true
        %reduce_sum3A_1594 = vector.broadcast %reduce_sum3A_1593 : i1 to vector<16xi1>
        %reduce_sum3A_1595 = tpu.scan <sum>, %add3A_1589 masked %reduce_sum3A_1594 : vector<16xf32>, vector<16xi1> -> vector<16xf32>
        %reduce_sum3A_1596 = vector.extract %reduce_sum3A_1595[15] : f32 from vector<16xf32>
        %broadcast_in_dim3A_1597 = vector.broadcast %reduce_sum3A_1596 : f32 to vector<16xf32>
        %select_n3A_1598 = arith.select %eq3A_1592, %broadcast_in_dim3A_1597, %select_n3A_1490 : vector<16xi1>, vector<16xf32>
        %mul3A_1599 = arith.constant 16 : i32
        %mul3A_1600 = arith.muli %scan3A_197, %mul3A_1599 : i32
        %add3A_1601 = arith.constant 13 : i32
        %add3A_1602 = arith.addi %mul3A_1600, %add3A_1601 : i32
        %get3A_1603 = arith.constant 0 : i32
        %get3A_1604 = arith.index_cast %get3A_1603 : i32 to index
        %get3A_1605 = arith.index_cast %add3A_1602 : i32 to index
        %get3A_1606 = arith.constant 0 : index
        %get3A_1607 = tpu.vector_load %arg7[%get3A_1604, %get3A_1605, %get3A_1606] {strides = array<i32>} : memref<2x128x128xf32, #tpu.memory_space<vmem>>, vector<16xf32>,
        %get3A_1608 = arith.constant 0 : i32
        %get3A_1609 = arith.index_cast %get3A_1608 : i32 to index
        %get3A_1610 = arith.index_cast %add3A_1602 : i32 to index
        %get3A_1611 = arith.constant 0 : index
        %get3A_1612 = tpu.vector_load %arg8[%get3A_1609, %get3A_1610, %get3A_1611] {strides = array<i32>} : memref<2x128x128xf32, #tpu.memory_space<vmem>>, vector<16xf32>,
        %mul3A_1613 = arith.mulf %get3A_1607, %get3A_1612 : vector<16xf32>
        %get3A_1614 = arith.constant 0 : i32
        %get3A_1615 = arith.index_cast %get3A_1614 : i32 to index
        %get3A_1616 = arith.index_cast %add3A_1602 : i32 to index
        %get3A_1617 = arith.constant 16 : index
        %get3A_1618 = tpu.vector_load %arg7[%get3A_1615, %get3A_1616, %get3A_1617] {strides = array<i32>} : memref<2x128x128xf32, #tpu.memory_space<vmem>>, vector<16xf32>,
        %get3A_1619 = arith.constant 0 : i32
        %get3A_1620 = arith.index_cast %get3A_1619 : i32 to index
        %get3A_1621 = arith.index_cast %add3A_1602 : i32 to index
        %get3A_1622 = arith.constant 16 : index
        %get3A_1623 = tpu.vector_load %arg8[%get3A_1620, %get3A_1621, %get3A_1622] {strides = array<i32>} : memref<2x128x128xf32, #tpu.memory_space<vmem>>, vector<16xf32>,
        %mul3A_1624 = arith.mulf %get3A_1618, %get3A_1623 : vector<16xf32>
        %add3A_1625 = arith.addf %mul3A_1613, %mul3A_1624 : vector<16xf32>
        %get3A_1626 = arith.constant 0 : i32
        %get3A_1627 = arith.index_cast %get3A_1626 : i32 to index
        %get3A_1628 = arith.index_cast %add3A_1602 : i32 to index
        %get3A_1629 = arith.constant 32 : index
        %get3A_1630 = tpu.vector_load %arg7[%get3A_1627, %get3A_1628, %get3A_1629] {strides = array<i32>} : memref<2x128x128xf32, #tpu.memory_space<vmem>>, vector<16xf32>,
        %get3A_1631 = arith.constant 0 : i32
        %get3A_1632 = arith.index_cast %get3A_1631 : i32 to index
        %get3A_1633 = arith.index_cast %add3A_1602 : i32 to index
        %get3A_1634 = arith.constant 32 : index
        %get3A_1635 = tpu.vector_load %arg8[%get3A_1632, %get3A_1633, %get3A_1634] {strides = array<i32>} : memref<2x128x128xf32, #tpu.memory_space<vmem>>, vector<16xf32>,
        %mul3A_1636 = arith.mulf %get3A_1630, %get3A_1635 : vector<16xf32>
        %add3A_1637 = arith.addf %add3A_1625, %mul3A_1636 : vector<16xf32>
        %get3A_1638 = arith.constant 0 : i32
        %get3A_1639 = arith.index_cast %get3A_1638 : i32 to index
        %get3A_1640 = arith.index_cast %add3A_1602 : i32 to index
        %get3A_1641 = arith.constant 48 : index
        %get3A_1642 = tpu.vector_load %arg7[%get3A_1639, %get3A_1640, %get3A_1641] {strides = array<i32>} : memref<2x128x128xf32, #tpu.memory_space<vmem>>, vector<16xf32>,
        %get3A_1643 = arith.constant 0 : i32
        %get3A_1644 = arith.index_cast %get3A_1643 : i32 to index
        %get3A_1645 = arith.index_cast %add3A_1602 : i32 to index
        %get3A_1646 = arith.constant 48 : index
        %get3A_1647 = tpu.vector_load %arg8[%get3A_1644, %get3A_1645, %get3A_1646] {strides = array<i32>} : memref<2x128x128xf32, #tpu.memory_space<vmem>>, vector<16xf32>,
        %mul3A_1648 = arith.mulf %get3A_1642, %get3A_1647 : vector<16xf32>
        %add3A_1649 = arith.addf %add3A_1637, %mul3A_1648 : vector<16xf32>
        %get3A_1650 = arith.constant 0 : i32
        %get3A_1651 = arith.index_cast %get3A_1650 : i32 to index
        %get3A_1652 = arith.index_cast %add3A_1602 : i32 to index
        %get3A_1653 = arith.constant 64 : index
        %get3A_1654 = tpu.vector_load %arg7[%get3A_1651, %get3A_1652, %get3A_1653] {strides = array<i32>} : memref<2x128x128xf32, #tpu.memory_space<vmem>>, vector<16xf32>,
        %get3A_1655 = arith.constant 0 : i32
        %get3A_1656 = arith.index_cast %get3A_1655 : i32 to index
        %get3A_1657 = arith.index_cast %add3A_1602 : i32 to index
        %get3A_1658 = arith.constant 64 : index
        %get3A_1659 = tpu.vector_load %arg8[%get3A_1656, %get3A_1657, %get3A_1658] {strides = array<i32>} : memref<2x128x128xf32, #tpu.memory_space<vmem>>, vector<16xf32>,
        %mul3A_1660 = arith.mulf %get3A_1654, %get3A_1659 : vector<16xf32>
        %add3A_1661 = arith.addf %add3A_1649, %mul3A_1660 : vector<16xf32>
        %get3A_1662 = arith.constant 0 : i32
        %get3A_1663 = arith.index_cast %get3A_1662 : i32 to index
        %get3A_1664 = arith.index_cast %add3A_1602 : i32 to index
        %get3A_1665 = arith.constant 80 : index
        %get3A_1666 = tpu.vector_load %arg7[%get3A_1663, %get3A_1664, %get3A_1665] {strides = array<i32>} : memref<2x128x128xf32, #tpu.memory_space<vmem>>, vector<16xf32>,
        %get3A_1667 = arith.constant 0 : i32
        %get3A_1668 = arith.index_cast %get3A_1667 : i32 to index
        %get3A_1669 = arith.index_cast %add3A_1602 : i32 to index
        %get3A_1670 = arith.constant 80 : index
        %get3A_1671 = tpu.vector_load %arg8[%get3A_1668, %get3A_1669, %get3A_1670] {strides = array<i32>} : memref<2x128x128xf32, #tpu.memory_space<vmem>>, vector<16xf32>,
        %mul3A_1672 = arith.mulf %get3A_1666, %get3A_1671 : vector<16xf32>
        %add3A_1673 = arith.addf %add3A_1661, %mul3A_1672 : vector<16xf32>
        %get3A_1674 = arith.constant 0 : i32
        %get3A_1675 = arith.index_cast %get3A_1674 : i32 to index
        %get3A_1676 = arith.index_cast %add3A_1602 : i32 to index
        %get3A_1677 = arith.constant 96 : index
        %get3A_1678 = tpu.vector_load %arg7[%get3A_1675, %get3A_1676, %get3A_1677] {strides = array<i32>} : memref<2x128x128xf32, #tpu.memory_space<vmem>>, vector<16xf32>,
        %get3A_1679 = arith.constant 0 : i32
        %get3A_1680 = arith.index_cast %get3A_1679 : i32 to index
        %get3A_1681 = arith.index_cast %add3A_1602 : i32 to index
        %get3A_1682 = arith.constant 96 : index
        %get3A_1683 = tpu.vector_load %arg8[%get3A_1680, %get3A_1681, %get3A_1682] {strides = array<i32>} : memref<2x128x128xf32, #tpu.memory_space<vmem>>, vector<16xf32>,
        %mul3A_1684 = arith.mulf %get3A_1678, %get3A_1683 : vector<16xf32>
        %add3A_1685 = arith.addf %add3A_1673, %mul3A_1684 : vector<16xf32>
        %get3A_1686 = arith.constant 0 : i32
        %get3A_1687 = arith.index_cast %get3A_1686 : i32 to index
        %get3A_1688 = arith.index_cast %add3A_1602 : i32 to index
        %get3A_1689 = arith.constant 112 : index
        %get3A_1690 = tpu.vector_load %arg7[%get3A_1687, %get3A_1688, %get3A_1689] {strides = array<i32>} : memref<2x128x128xf32, #tpu.memory_space<vmem>>, vector<16xf32>,
        %get3A_1691 = arith.constant 0 : i32
        %get3A_1692 = arith.index_cast %get3A_1691 : i32 to index
        %get3A_1693 = arith.index_cast %add3A_1602 : i32 to index
        %get3A_1694 = arith.constant 112 : index
        %get3A_1695 = tpu.vector_load %arg8[%get3A_1692, %get3A_1693, %get3A_1694] {strides = array<i32>} : memref<2x128x128xf32, #tpu.memory_space<vmem>>, vector<16xf32>,
        %mul3A_1696 = arith.mulf %get3A_1690, %get3A_1695 : vector<16xf32>
        %add3A_1697 = arith.addf %add3A_1685, %mul3A_1696 : vector<16xf32>
        %eq3A_1698 = arith.constant 13 : i32
        %eq3A_1699 = vector.broadcast %eq3A_1698 : i32 to vector<16xi32>
        %eq3A_1700 = arith.cmpi eq, %iota3A, %eq3A_1699 : vector<16xi32>
        %reduce_sum3A_1701 = arith.constant true
        %reduce_sum3A_1702 = vector.broadcast %reduce_sum3A_1701 : i1 to vector<16xi1>
        %reduce_sum3A_1703 = tpu.scan <sum>, %add3A_1697 masked %reduce_sum3A_1702 : vector<16xf32>, vector<16xi1> -> vector<16xf32>
        %reduce_sum3A_1704 = vector.extract %reduce_sum3A_1703[15] : f32 from vector<16xf32>
        %broadcast_in_dim3A_1705 = vector.broadcast %reduce_sum3A_1704 : f32 to vector<16xf32>
        %select_n3A_1706 = arith.select %eq3A_1700, %broadcast_in_dim3A_1705, %select_n3A_1598 : vector<16xi1>, vector<16xf32>
        %mul3A_1707 = arith.constant 16 : i32
        %mul3A_1708 = arith.muli %scan3A_197, %mul3A_1707 : i32
        %add3A_1709 = arith.constant 14 : i32
        %add3A_1710 = arith.addi %mul3A_1708, %add3A_1709 : i32
        %get3A_1711 = arith.constant 0 : i32
        %get3A_1712 = arith.index_cast %get3A_1711 : i32 to index
        %get3A_1713 = arith.index_cast %add3A_1710 : i32 to index
        %get3A_1714 = arith.constant 0 : index
        %get3A_1715 = tpu.vector_load %arg7[%get3A_1712, %get3A_1713, %get3A_1714] {strides = array<i32>} : memref<2x128x128xf32, #tpu.memory_space<vmem>>, vector<16xf32>,
        %get3A_1716 = arith.constant 0 : i32
        %get3A_1717 = arith.index_cast %get3A_1716 : i32 to index
        %get3A_1718 = arith.index_cast %add3A_1710 : i32 to index
        %get3A_1719 = arith.constant 0 : index
        %get3A_1720 = tpu.vector_load %arg8[%get3A_1717, %get3A_1718, %get3A_1719] {strides = array<i32>} : memref<2x128x128xf32, #tpu.memory_space<vmem>>, vector<16xf32>,
        %mul3A_1721 = arith.mulf %get3A_1715, %get3A_1720 : vector<16xf32>
        %get3A_1722 = arith.constant 0 : i32
        %get3A_1723 = arith.index_cast %get3A_1722 : i32 to index
        %get3A_1724 = arith.index_cast %add3A_1710 : i32 to index
        %get3A_1725 = arith.constant 16 : index
        %get3A_1726 = tpu.vector_load %arg7[%get3A_1723, %get3A_1724, %get3A_1725] {strides = array<i32>} : memref<2x128x128xf32, #tpu.memory_space<vmem>>, vector<16xf32>,
        %get3A_1727 = arith.constant 0 : i32
        %get3A_1728 = arith.index_cast %get3A_1727 : i32 to index
        %get3A_1729 = arith.index_cast %add3A_1710 : i32 to index
        %get3A_1730 = arith.constant 16 : index
        %get3A_1731 = tpu.vector_load %arg8[%get3A_1728, %get3A_1729, %get3A_1730] {strides = array<i32>} : memref<2x128x128xf32, #tpu.memory_space<vmem>>, vector<16xf32>,
        %mul3A_1732 = arith.mulf %get3A_1726, %get3A_1731 : vector<16xf32>
        %add3A_1733 = arith.addf %mul3A_1721, %mul3A_1732 : vector<16xf32>
        %get3A_1734 = arith.constant 0 : i32
        %get3A_1735 = arith.index_cast %get3A_1734 : i32 to index
        %get3A_1736 = arith.index_cast %add3A_1710 : i32 to index
        %get3A_1737 = arith.constant 32 : index
        %get3A_1738 = tpu.vector_load %arg7[%get3A_1735, %get3A_1736, %get3A_1737] {strides = array<i32>} : memref<2x128x128xf32, #tpu.memory_space<vmem>>, vector<16xf32>,
        %get3A_1739 = arith.constant 0 : i32
        %get3A_1740 = arith.index_cast %get3A_1739 : i32 to index
        %get3A_1741 = arith.index_cast %add3A_1710 : i32 to index
        %get3A_1742 = arith.constant 32 : index
        %get3A_1743 = tpu.vector_load %arg8[%get3A_1740, %get3A_1741, %get3A_1742] {strides = array<i32>} : memref<2x128x128xf32, #tpu.memory_space<vmem>>, vector<16xf32>,
        %mul3A_1744 = arith.mulf %get3A_1738, %get3A_1743 : vector<16xf32>
        %add3A_1745 = arith.addf %add3A_1733, %mul3A_1744 : vector<16xf32>
        %get3A_1746 = arith.constant 0 : i32
        %get3A_1747 = arith.index_cast %get3A_1746 : i32 to index
        %get3A_1748 = arith.index_cast %add3A_1710 : i32 to index
        %get3A_1749 = arith.constant 48 : index
        %get3A_1750 = tpu.vector_load %arg7[%get3A_1747, %get3A_1748, %get3A_1749] {strides = array<i32>} : memref<2x128x128xf32, #tpu.memory_space<vmem>>, vector<16xf32>,
        %get3A_1751 = arith.constant 0 : i32
        %get3A_1752 = arith.index_cast %get3A_1751 : i32 to index
        %get3A_1753 = arith.index_cast %add3A_1710 : i32 to index
        %get3A_1754 = arith.constant 48 : index
        %get3A_1755 = tpu.vector_load %arg8[%get3A_1752, %get3A_1753, %get3A_1754] {strides = array<i32>} : memref<2x128x128xf32, #tpu.memory_space<vmem>>, vector<16xf32>,
        %mul3A_1756 = arith.mulf %get3A_1750, %get3A_1755 : vector<16xf32>
        %add3A_1757 = arith.addf %add3A_1745, %mul3A_1756 : vector<16xf32>
        %get3A_1758 = arith.constant 0 : i32
        %get3A_1759 = arith.index_cast %get3A_1758 : i32 to index
        %get3A_1760 = arith.index_cast %add3A_1710 : i32 to index
        %get3A_1761 = arith.constant 64 : index
        %get3A_1762 = tpu.vector_load %arg7[%get3A_1759, %get3A_1760, %get3A_1761] {strides = array<i32>} : memref<2x128x128xf32, #tpu.memory_space<vmem>>, vector<16xf32>,
        %get3A_1763 = arith.constant 0 : i32
        %get3A_1764 = arith.index_cast %get3A_1763 : i32 to index
        %get3A_1765 = arith.index_cast %add3A_1710 : i32 to index
        %get3A_1766 = arith.constant 64 : index
        %get3A_1767 = tpu.vector_load %arg8[%get3A_1764, %get3A_1765, %get3A_1766] {strides = array<i32>} : memref<2x128x128xf32, #tpu.memory_space<vmem>>, vector<16xf32>,
        %mul3A_1768 = arith.mulf %get3A_1762, %get3A_1767 : vector<16xf32>
        %add3A_1769 = arith.addf %add3A_1757, %mul3A_1768 : vector<16xf32>
        %get3A_1770 = arith.constant 0 : i32
        %get3A_1771 = arith.index_cast %get3A_1770 : i32 to index
        %get3A_1772 = arith.index_cast %add3A_1710 : i32 to index
        %get3A_1773 = arith.constant 80 : index
        %get3A_1774 = tpu.vector_load %arg7[%get3A_1771, %get3A_1772, %get3A_1773] {strides = array<i32>} : memref<2x128x128xf32, #tpu.memory_space<vmem>>, vector<16xf32>,
        %get3A_1775 = arith.constant 0 : i32
        %get3A_1776 = arith.index_cast %get3A_1775 : i32 to index
        %get3A_1777 = arith.index_cast %add3A_1710 : i32 to index
        %get3A_1778 = arith.constant 80 : index
        %get3A_1779 = tpu.vector_load %arg8[%get3A_1776, %get3A_1777, %get3A_1778] {strides = array<i32>} : memref<2x128x128xf32, #tpu.memory_space<vmem>>, vector<16xf32>,
        %mul3A_1780 = arith.mulf %get3A_1774, %get3A_1779 : vector<16xf32>
        %add3A_1781 = arith.addf %add3A_1769, %mul3A_1780 : vector<16xf32>
        %get3A_1782 = arith.constant 0 : i32
        %get3A_1783 = arith.index_cast %get3A_1782 : i32 to index
        %get3A_1784 = arith.index_cast %add3A_1710 : i32 to index
        %get3A_1785 = arith.constant 96 : index
        %get3A_1786 = tpu.vector_load %arg7[%get3A_1783, %get3A_1784, %get3A_1785] {strides = array<i32>} : memref<2x128x128xf32, #tpu.memory_space<vmem>>, vector<16xf32>,
        %get3A_1787 = arith.constant 0 : i32
        %get3A_1788 = arith.index_cast %get3A_1787 : i32 to index
        %get3A_1789 = arith.index_cast %add3A_1710 : i32 to index
        %get3A_1790 = arith.constant 96 : index
        %get3A_1791 = tpu.vector_load %arg8[%get3A_1788, %get3A_1789, %get3A_1790] {strides = array<i32>} : memref<2x128x128xf32, #tpu.memory_space<vmem>>, vector<16xf32>,
        %mul3A_1792 = arith.mulf %get3A_1786, %get3A_1791 : vector<16xf32>
        %add3A_1793 = arith.addf %add3A_1781, %mul3A_1792 : vector<16xf32>
        %get3A_1794 = arith.constant 0 : i32
        %get3A_1795 = arith.index_cast %get3A_1794 : i32 to index
        %get3A_1796 = arith.index_cast %add3A_1710 : i32 to index
        %get3A_1797 = arith.constant 112 : index
        %get3A_1798 = tpu.vector_load %arg7[%get3A_1795, %get3A_1796, %get3A_1797] {strides = array<i32>} : memref<2x128x128xf32, #tpu.memory_space<vmem>>, vector<16xf32>,
        %get3A_1799 = arith.constant 0 : i32
        %get3A_1800 = arith.index_cast %get3A_1799 : i32 to index
        %get3A_1801 = arith.index_cast %add3A_1710 : i32 to index
        %get3A_1802 = arith.constant 112 : index
        %get3A_1803 = tpu.vector_load %arg8[%get3A_1800, %get3A_1801, %get3A_1802] {strides = array<i32>} : memref<2x128x128xf32, #tpu.memory_space<vmem>>, vector<16xf32>,
        %mul3A_1804 = arith.mulf %get3A_1798, %get3A_1803 : vector<16xf32>
        %add3A_1805 = arith.addf %add3A_1793, %mul3A_1804 : vector<16xf32>
        %eq3A_1806 = arith.constant 14 : i32
        %eq3A_1807 = vector.broadcast %eq3A_1806 : i32 to vector<16xi32>
        %eq3A_1808 = arith.cmpi eq, %iota3A, %eq3A_1807 : vector<16xi32>
        %reduce_sum3A_1809 = arith.constant true
        %reduce_sum3A_1810 = vector.broadcast %reduce_sum3A_1809 : i1 to vector<16xi1>
        %reduce_sum3A_1811 = tpu.scan <sum>, %add3A_1805 masked %reduce_sum3A_1810 : vector<16xf32>, vector<16xi1> -> vector<16xf32>
        %reduce_sum3A_1812 = vector.extract %reduce_sum3A_1811[15] : f32 from vector<16xf32>
        %broadcast_in_dim3A_1813 = vector.broadcast %reduce_sum3A_1812 : f32 to vector<16xf32>
        %select_n3A_1814 = arith.select %eq3A_1808, %broadcast_in_dim3A_1813, %select_n3A_1706 : vector<16xi1>, vector<16xf32>
        %mul3A_1815 = arith.constant 16 : i32
        %mul3A_1816 = arith.muli %scan3A_197, %mul3A_1815 : i32
        %add3A_1817 = arith.constant 15 : i32
        %add3A_1818 = arith.addi %mul3A_1816, %add3A_1817 : i32
        %get3A_1819 = arith.constant 0 : i32
        %get3A_1820 = arith.index_cast %get3A_1819 : i32 to index
        %get3A_1821 = arith.index_cast %add3A_1818 : i32 to index
        %get3A_1822 = arith.constant 0 : index
        %get3A_1823 = tpu.vector_load %arg7[%get3A_1820, %get3A_1821, %get3A_1822] {strides = array<i32>} : memref<2x128x128xf32, #tpu.memory_space<vmem>>, vector<16xf32>,
        %get3A_1824 = arith.constant 0 : i32
        %get3A_1825 = arith.index_cast %get3A_1824 : i32 to index
        %get3A_1826 = arith.index_cast %add3A_1818 : i32 to index
        %get3A_1827 = arith.constant 0 : index
        %get3A_1828 = tpu.vector_load %arg8[%get3A_1825, %get3A_1826, %get3A_1827] {strides = array<i32>} : memref<2x128x128xf32, #tpu.memory_space<vmem>>, vector<16xf32>,
        %mul3A_1829 = arith.mulf %get3A_1823, %get3A_1828 : vector<16xf32>
        %get3A_1830 = arith.constant 0 : i32
        %get3A_1831 = arith.index_cast %get3A_1830 : i32 to index
        %get3A_1832 = arith.index_cast %add3A_1818 : i32 to index
        %get3A_1833 = arith.constant 16 : index
        %get3A_1834 = tpu.vector_load %arg7[%get3A_1831, %get3A_1832, %get3A_1833] {strides = array<i32>} : memref<2x128x128xf32, #tpu.memory_space<vmem>>, vector<16xf32>,
        %get3A_1835 = arith.constant 0 : i32
        %get3A_1836 = arith.index_cast %get3A_1835 : i32 to index
        %get3A_1837 = arith.index_cast %add3A_1818 : i32 to index
        %get3A_1838 = arith.constant 16 : index
        %get3A_1839 = tpu.vector_load %arg8[%get3A_1836, %get3A_1837, %get3A_1838] {strides = array<i32>} : memref<2x128x128xf32, #tpu.memory_space<vmem>>, vector<16xf32>,
        %mul3A_1840 = arith.mulf %get3A_1834, %get3A_1839 : vector<16xf32>
        %add3A_1841 = arith.addf %mul3A_1829, %mul3A_1840 : vector<16xf32>
        %get3A_1842 = arith.constant 0 : i32
        %get3A_1843 = arith.index_cast %get3A_1842 : i32 to index
        %get3A_1844 = arith.index_cast %add3A_1818 : i32 to index
        %get3A_1845 = arith.constant 32 : index
        %get3A_1846 = tpu.vector_load %arg7[%get3A_1843, %get3A_1844, %get3A_1845] {strides = array<i32>} : memref<2x128x128xf32, #tpu.memory_space<vmem>>, vector<16xf32>,
        %get3A_1847 = arith.constant 0 : i32
        %get3A_1848 = arith.index_cast %get3A_1847 : i32 to index
        %get3A_1849 = arith.index_cast %add3A_1818 : i32 to index
        %get3A_1850 = arith.constant 32 : index
        %get3A_1851 = tpu.vector_load %arg8[%get3A_1848, %get3A_1849, %get3A_1850] {strides = array<i32>} : memref<2x128x128xf32, #tpu.memory_space<vmem>>, vector<16xf32>,
        %mul3A_1852 = arith.mulf %get3A_1846, %get3A_1851 : vector<16xf32>
        %add3A_1853 = arith.addf %add3A_1841, %mul3A_1852 : vector<16xf32>
        %get3A_1854 = arith.constant 0 : i32
        %get3A_1855 = arith.index_cast %get3A_1854 : i32 to index
        %get3A_1856 = arith.index_cast %add3A_1818 : i32 to index
        %get3A_1857 = arith.constant 48 : index
        %get3A_1858 = tpu.vector_load %arg7[%get3A_1855, %get3A_1856, %get3A_1857] {strides = array<i32>} : memref<2x128x128xf32, #tpu.memory_space<vmem>>, vector<16xf32>,
        %get3A_1859 = arith.constant 0 : i32
        %get3A_1860 = arith.index_cast %get3A_1859 : i32 to index
        %get3A_1861 = arith.index_cast %add3A_1818 : i32 to index
        %get3A_1862 = arith.constant 48 : index
        %get3A_1863 = tpu.vector_load %arg8[%get3A_1860, %get3A_1861, %get3A_1862] {strides = array<i32>} : memref<2x128x128xf32, #tpu.memory_space<vmem>>, vector<16xf32>,
        %mul3A_1864 = arith.mulf %get3A_1858, %get3A_1863 : vector<16xf32>
        %add3A_1865 = arith.addf %add3A_1853, %mul3A_1864 : vector<16xf32>
        %get3A_1866 = arith.constant 0 : i32
        %get3A_1867 = arith.index_cast %get3A_1866 : i32 to index
        %get3A_1868 = arith.index_cast %add3A_1818 : i32 to index
        %get3A_1869 = arith.constant 64 : index
        %get3A_1870 = tpu.vector_load %arg7[%get3A_1867, %get3A_1868, %get3A_1869] {strides = array<i32>} : memref<2x128x128xf32, #tpu.memory_space<vmem>>, vector<16xf32>,
        %get3A_1871 = arith.constant 0 : i32
        %get3A_1872 = arith.index_cast %get3A_1871 : i32 to index
        %get3A_1873 = arith.index_cast %add3A_1818 : i32 to index
        %get3A_1874 = arith.constant 64 : index
        %get3A_1875 = tpu.vector_load %arg8[%get3A_1872, %get3A_1873, %get3A_1874] {strides = array<i32>} : memref<2x128x128xf32, #tpu.memory_space<vmem>>, vector<16xf32>,
        %mul3A_1876 = arith.mulf %get3A_1870, %get3A_1875 : vector<16xf32>
        %add3A_1877 = arith.addf %add3A_1865, %mul3A_1876 : vector<16xf32>
        %get3A_1878 = arith.constant 0 : i32
        %get3A_1879 = arith.index_cast %get3A_1878 : i32 to index
        %get3A_1880 = arith.index_cast %add3A_1818 : i32 to index
        %get3A_1881 = arith.constant 80 : index
        %get3A_1882 = tpu.vector_load %arg7[%get3A_1879, %get3A_1880, %get3A_1881] {strides = array<i32>} : memref<2x128x128xf32, #tpu.memory_space<vmem>>, vector<16xf32>,
        %get3A_1883 = arith.constant 0 : i32
        %get3A_1884 = arith.index_cast %get3A_1883 : i32 to index
        %get3A_1885 = arith.index_cast %add3A_1818 : i32 to index
        %get3A_1886 = arith.constant 80 : index
        %get3A_1887 = tpu.vector_load %arg8[%get3A_1884, %get3A_1885, %get3A_1886] {strides = array<i32>} : memref<2x128x128xf32, #tpu.memory_space<vmem>>, vector<16xf32>,
        %mul3A_1888 = arith.mulf %get3A_1882, %get3A_1887 : vector<16xf32>
        %add3A_1889 = arith.addf %add3A_1877, %mul3A_1888 : vector<16xf32>
        %get3A_1890 = arith.constant 0 : i32
        %get3A_1891 = arith.index_cast %get3A_1890 : i32 to index
        %get3A_1892 = arith.index_cast %add3A_1818 : i32 to index
        %get3A_1893 = arith.constant 96 : index
        %get3A_1894 = tpu.vector_load %arg7[%get3A_1891, %get3A_1892, %get3A_1893] {strides = array<i32>} : memref<2x128x128xf32, #tpu.memory_space<vmem>>, vector<16xf32>,
        %get3A_1895 = arith.constant 0 : i32
        %get3A_1896 = arith.index_cast %get3A_1895 : i32 to index
        %get3A_1897 = arith.index_cast %add3A_1818 : i32 to index
        %get3A_1898 = arith.constant 96 : index
        %get3A_1899 = tpu.vector_load %arg8[%get3A_1896, %get3A_1897, %get3A_1898] {strides = array<i32>} : memref<2x128x128xf32, #tpu.memory_space<vmem>>, vector<16xf32>,
        %mul3A_1900 = arith.mulf %get3A_1894, %get3A_1899 : vector<16xf32>
        %add3A_1901 = arith.addf %add3A_1889, %mul3A_1900 : vector<16xf32>
        %get3A_1902 = arith.constant 0 : i32
        %get3A_1903 = arith.index_cast %get3A_1902 : i32 to index
        %get3A_1904 = arith.index_cast %add3A_1818 : i32 to index
        %get3A_1905 = arith.constant 112 : index
        %get3A_1906 = tpu.vector_load %arg7[%get3A_1903, %get3A_1904, %get3A_1905] {strides = array<i32>} : memref<2x128x128xf32, #tpu.memory_space<vmem>>, vector<16xf32>,
        %get3A_1907 = arith.constant 0 : i32
        %get3A_1908 = arith.index_cast %get3A_1907 : i32 to index
        %get3A_1909 = arith.index_cast %add3A_1818 : i32 to index
        %get3A_1910 = arith.constant 112 : index
        %get3A_1911 = tpu.vector_load %arg8[%get3A_1908, %get3A_1909, %get3A_1910] {strides = array<i32>} : memref<2x128x128xf32, #tpu.memory_space<vmem>>, vector<16xf32>,
        %mul3A_1912 = arith.mulf %get3A_1906, %get3A_1911 : vector<16xf32>
        %add3A_1913 = arith.addf %add3A_1901, %mul3A_1912 : vector<16xf32>
        %eq3A_1914 = arith.constant 15 : i32
        %eq3A_1915 = vector.broadcast %eq3A_1914 : i32 to vector<16xi32>
        %eq3A_1916 = arith.cmpi eq, %iota3A, %eq3A_1915 : vector<16xi32>
        %reduce_sum3A_1917 = arith.constant true
        %reduce_sum3A_1918 = vector.broadcast %reduce_sum3A_1917 : i1 to vector<16xi1>
        %reduce_sum3A_1919 = tpu.scan <sum>, %add3A_1913 masked %reduce_sum3A_1918 : vector<16xf32>, vector<16xi1> -> vector<16xf32>
        %reduce_sum3A_1920 = vector.extract %reduce_sum3A_1919[15] : f32 from vector<16xf32>
        %broadcast_in_dim3A_1921 = vector.broadcast %reduce_sum3A_1920 : f32 to vector<16xf32>
        %select_n3A_1922 = arith.select %eq3A_1916, %broadcast_in_dim3A_1921, %select_n3A_1814 : vector<16xi1>, vector<16xf32>
        %mul3A_1923 = arith.constant 16 : i32
        %mul3A_1924 = arith.muli %scan3A_197, %mul3A_1923 : i32
        %swap3A = arith.constant 0 : i32
        %swap3A_1925 = arith.index_cast %swap3A : i32 to index
        %swap3A_1926 = arith.index_cast %mul3A_1924 : i32 to index
        %swap3A_1927 = tpu.vector_load %arg9[%swap3A_1925, %swap3A_1926] {strides = array<i32>} : memref<2x128xf32, #tpu.memory_space<vmem>>, vector<16xf32>,
        tpu.vector_store %arg9[%swap3A_1925, %swap3A_1926], %select_n3A_1922 {strides = array<i32>} : memref<2x128xf32, #tpu.memory_space<vmem>>, vector<16xf32>,
      }
      %scan3A_118 = arith.constant 8 : i32
      %add3A_119 = arith.addi %mul3A_2, %add3A_84 : i32
      %mul3A_120 = arith.constant 128 : i32
      %mul3A_121 = arith.muli %add3A_119, %mul3A_120 : i32
      %dma_start3A_122 = arith.constant 0 : i32
      %dma_start3A_123 = arith.constant 0 : i32
      %dma_start3A_124 = tpu.memref_slice %arg9[%dma_start3A_122, %dma_start3A_123] : memref<2x128xf32, #tpu.memory_space<vmem>> -> memref<1x128xf32, #tpu.memory_space<vmem>>
      %dma_start3A_125 = tpu.memref_squeeze %dma_start3A_124 : memref<1x128xf32, #tpu.memory_space<vmem>> -> memref<128xf32, #tpu.memory_space<vmem>>
      %dma_start3A_126 = tpu.memref_slice %arg5[%mul3A_121] : memref<327680xf32, #tpu.memory_space<hbm>> -> memref<128xf32, #tpu.memory_space<hbm>>
      %dma_start3A_127 = tpu.memref_slice %arg5[%mul3A_121] : memref<327680xf32, #tpu.memory_space<hbm>> -> memref<128xf32, #tpu.memory_space<hbm>>
      %dma_start3A_128 = arith.constant 0 : i32
      %dma_start3A_129 = tpu.memref_slice %arg9[%dma_start3A_122, %dma_start3A_128] : memref<2x128xf32, #tpu.memory_space<vmem>> -> memref<1x128xf32, #tpu.memory_space<vmem>>
      %dma_start3A_130 = tpu.memref_squeeze %dma_start3A_129 : memref<1x128xf32, #tpu.memory_space<vmem>> -> memref<128xf32, #tpu.memory_space<vmem>>
      tpu.enqueue_dma source(%dma_start3A_130 : memref<128xf32, #tpu.memory_space<vmem>>) target(%dma_start3A_127 : memref<128xf32, #tpu.memory_space<hbm>>) target_semaphore(%arg12 : memref<!tpu.dma_semaphore, #tpu.memory_space<semaphore_mem>>)
      %add3A_131 = arith.constant 2 : i32
      %add3A_132 = arith.addi %add3A_84, %add3A_131 : i32
      %lt3A = arith.constant 80 : i32
      %lt3A_133 = arith.cmpi slt, %add3A_132, %lt3A : i32
      %convert_element_type3A_134 = arith.extui %lt3A_133 : i1 to i32
      %cond3A_135 = arith.constant 0 : i32
      %cond3A_136 = arith.cmpi ne, %convert_element_type3A_134, %cond3A_135 : i32
      scf.if %cond3A_136 {
        %add3A_197 = arith.constant 2 : i32
        %add3A_198 = arith.addi %add3A_84, %add3A_197 : i32
        %dma_start3A_199 = arith.constant 0 : i32
        %dma_start3A_200 = arith.constant 0 : i32
        %dma_start3A_201 = arith.constant 0 : i32
        %dma_start3A_202 = arith.constant 0 : i32
        %dma_start3A_203 = tpu.memref_slice %arg7[%dma_start3A_200, %dma_start3A_201, %dma_start3A_202] : memref<2x128x128xf32, #tpu.memory_space<vmem>> -> memref<1x128x128xf32, #tpu.memory_space<vmem>>
        %dma_start3A_204 = tpu.memref_squeeze %dma_start3A_203 : memref<1x128x128xf32, #tpu.memory_space<vmem>> -> memref<128x128xf32, #tpu.memory_space<vmem>>
        %dma_start3A_205 = arith.constant 0 : i32
        %dma_start3A_206 = tpu.memref_slice %arg6[%add3A_198, %dma_start3A_199, %dma_start3A_205] : memref<80x2x128xi32, #tpu.memory_space<vmem>> -> memref<1x1x128xi32, #tpu.memory_space<vmem>>
        %dma_start3A_207 = tpu.memref_squeeze %dma_start3A_206 : memref<1x1x128xi32, #tpu.memory_space<vmem>> -> memref<128xi32, #tpu.memory_space<vmem>>
        %dma_start3A_208 = arith.constant 0 : i32
        %dma_start3A_209 = arith.constant 0 : i32
        %dma_start3A_210 = tpu.memref_slice %arg2[%dma_start3A_208, %dma_start3A_209] : memref<10000x128xf32, #tpu.memory_space<hbm>> -> memref<10000x128xf32, #tpu.memory_space<hbm>>
        tpu.enqueue_indirect_dma source(%dma_start3A_210 : memref<10000x128xf32, #tpu.memory_space<hbm>>) target(%dma_start3A_204 : memref<128x128xf32, #tpu.memory_space<vmem>>) offsets(%dma_start3A_207 : memref<128xi32, #tpu.memory_space<vmem>>) semaphore(%arg10 : memref<!tpu.dma_semaphore, #tpu.memory_space<semaphore_mem>>)
        %dma_start3A_211 = arith.constant 1 : i32
        %dma_start3A_212 = arith.constant 0 : i32
        %dma_start3A_213 = arith.constant 0 : i32
        %dma_start3A_214 = arith.constant 0 : i32
        %dma_start3A_215 = tpu.memref_slice %arg8[%dma_start3A_212, %dma_start3A_213, %dma_start3A_214] : memref<2x128x128xf32, #tpu.memory_space<vmem>> -> memref<1x128x128xf32, #tpu.memory_space<vmem>>
        %dma_start3A_216 = tpu.memref_squeeze %dma_start3A_215 : memref<1x128x128xf32, #tpu.memory_space<vmem>> -> memref<128x128xf32, #tpu.memory_space<vmem>>
        %dma_start3A_217 = arith.constant 0 : i32
        %dma_start3A_218 = tpu.memref_slice %arg6[%add3A_198, %dma_start3A_211, %dma_start3A_217] : memref<80x2x128xi32, #tpu.memory_space<vmem>> -> memref<1x1x128xi32, #tpu.memory_space<vmem>>
        %dma_start3A_219 = tpu.memref_squeeze %dma_start3A_218 : memref<1x1x128xi32, #tpu.memory_space<vmem>> -> memref<128xi32, #tpu.memory_space<vmem>>
        %dma_start3A_220 = arith.constant 0 : i32
        %dma_start3A_221 = arith.constant 0 : i32
        %dma_start3A_222 = tpu.memref_slice %arg3[%dma_start3A_220, %dma_start3A_221] : memref<10000x128xf32, #tpu.memory_space<hbm>> -> memref<10000x128xf32, #tpu.memory_space<hbm>>
        tpu.enqueue_indirect_dma source(%dma_start3A_222 : memref<10000x128xf32, #tpu.memory_space<hbm>>) target(%dma_start3A_216 : memref<128x128xf32, #tpu.memory_space<vmem>>) offsets(%dma_start3A_219 : memref<128xi32, #tpu.memory_space<vmem>>) semaphore(%arg10 : memref<!tpu.dma_semaphore, #tpu.memory_space<semaphore_mem>>)
      } else {
      }
      %mul3A_137 = arith.constant 2 : i32
      %mul3A_138 = arith.muli %mul3A_137, %scan3A_80 : i32
      %add3A_139 = arith.constant 1 : i32
      %add3A_140 = arith.addi %mul3A_138, %add3A_139 : i32
      %dma_wait3A_141 = arith.constant 0 : i32
      %dma_wait3A_142 = arith.constant 0 : i32
      %dma_wait3A_143 = arith.constant 1 : i32
      %dma_wait3A_144 = arith.constant 0 : i32
      %dma_wait3A_145 = arith.constant 0 : i32
      %dma_wait3A_146 = tpu.memref_slice %arg7[%dma_wait3A_143, %dma_wait3A_144, %dma_wait3A_145] : memref<2x128x128xf32, #tpu.memory_space<vmem>> -> memref<1x128x128xf32, #tpu.memory_space<vmem>>
      %dma_wait3A_147 = tpu.memref_squeeze %dma_wait3A_146 : memref<1x128x128xf32, #tpu.memory_space<vmem>> -> memref<128x128xf32, #tpu.memory_space<vmem>>
      %dma_wait3A_148 = arith.constant 0 : i32
      %dma_wait3A_149 = tpu.memref_slice %arg6[%dma_wait3A_141, %dma_wait3A_142, %dma_wait3A_148] : memref<80x2x128xi32, #tpu.memory_space<vmem>> -> memref<1x1x128xi32, #tpu.memory_space<vmem>>
      %dma_wait3A_150 = tpu.memref_squeeze %dma_wait3A_149 : memref<1x1x128xi32, #tpu.memory_space<vmem>> -> memref<128xi32, #tpu.memory_space<vmem>>
      %dma_wait3A_151 = arith.constant 0 : i32
      %dma_wait3A_152 = arith.constant 0 : i32
      %dma_wait3A_153 = tpu.memref_slice %arg2[%dma_wait3A_151, %dma_wait3A_152] : memref<10000x128xf32, #tpu.memory_space<hbm>> -> memref<10000x128xf32, #tpu.memory_space<hbm>>
      tpu.wait_indirect_dma semaphore(%arg11 : memref<!tpu.dma_semaphore, #tpu.memory_space<semaphore_mem>>) src(%dma_wait3A_153 : memref<10000x128xf32, #tpu.memory_space<hbm>>) dst(%dma_wait3A_147 : memref<128x128xf32, #tpu.memory_space<vmem>>)
      %dma_wait3A_154 = arith.constant 0 : i32
      %dma_wait3A_155 = arith.constant 1 : i32
      %dma_wait3A_156 = arith.constant 1 : i32
      %dma_wait3A_157 = arith.constant 0 : i32
      %dma_wait3A_158 = arith.constant 0 : i32
      %dma_wait3A_159 = tpu.memref_slice %arg8[%dma_wait3A_156, %dma_wait3A_157, %dma_wait3A_158] : memref<2x128x128xf32, #tpu.memory_space<vmem>> -> memref<1x128x128xf32, #tpu.memory_space<vmem>>
      %dma_wait3A_160 = tpu.memref_squeeze %dma_wait3A_159 : memref<1x128x128xf32, #tpu.memory_space<vmem>> -> memref<128x128xf32, #tpu.memory_space<vmem>>
      %dma_wait3A_161 = arith.constant 0 : i32
      %dma_wait3A_162 = tpu.memref_slice %arg6[%dma_wait3A_154, %dma_wait3A_155, %dma_wait3A_161] : memref<80x2x128xi32, #tpu.memory_space<vmem>> -> memref<1x1x128xi32, #tpu.memory_space<vmem>>
      %dma_wait3A_163 = tpu.memref_squeeze %dma_wait3A_162 : memref<1x1x128xi32, #tpu.memory_space<vmem>> -> memref<128xi32, #tpu.memory_space<vmem>>
      %dma_wait3A_164 = arith.constant 0 : i32
      %dma_wait3A_165 = arith.constant 0 : i32
      %dma_wait3A_166 = tpu.memref_slice %arg3[%dma_wait3A_164, %dma_wait3A_165] : memref<10000x128xf32, #tpu.memory_space<hbm>> -> memref<10000x128xf32, #tpu.memory_space<hbm>>
      tpu.wait_indirect_dma semaphore(%arg11 : memref<!tpu.dma_semaphore, #tpu.memory_space<semaphore_mem>>) src(%dma_wait3A_166 : memref<10000x128xf32, #tpu.memory_space<hbm>>) dst(%dma_wait3A_160 : memref<128x128xf32, #tpu.memory_space<vmem>>)
      %ge3A_167 = arith.constant 2 : i32
      %ge3A_168 = arith.cmpi sge, %add3A_140, %ge3A_167 : i32
      %convert_element_type3A_169 = arith.extui %ge3A_168 : i1 to i32
      %cond3A_170 = arith.constant 0 : i32
      %cond3A_171 = arith.cmpi ne, %convert_element_type3A_169, %cond3A_170 : i32
      scf.if %cond3A_171 {
        %dma_wait3A_197 = arith.constant 1 : i32
        %dma_wait3A_198 = arith.constant 0 : i32
        %dma_wait3A_199 = tpu.memref_slice %arg9[%dma_wait3A_197, %dma_wait3A_198] : memref<2x128xf32, #tpu.memory_space<vmem>> -> memref<1x128xf32, #tpu.memory_space<vmem>>
        %dma_wait3A_200 = tpu.memref_squeeze %dma_wait3A_199 : memref<1x128xf32, #tpu.memory_space<vmem>> -> memref<128xf32, #tpu.memory_space<vmem>>
        %dma_wait3A_201 = arith.constant 0 : i32
        %dma_wait3A_202 = tpu.memref_slice %arg5[%dma_wait3A_201] : memref<327680xf32, #tpu.memory_space<hbm>> -> memref<128xf32, #tpu.memory_space<hbm>>
        %dma_wait3A_203 = arith.constant 0 : i32
        %dma_wait3A_204 = tpu.memref_slice %arg5[%dma_wait3A_203] : memref<327680xf32, #tpu.memory_space<hbm>> -> memref<128xf32, #tpu.memory_space<hbm>>
        %dma_wait3A_205 = arith.constant 0 : i32
        %dma_wait3A_206 = tpu.memref_slice %arg9[%dma_wait3A_197, %dma_wait3A_205] : memref<2x128xf32, #tpu.memory_space<vmem>> -> memref<1x128xf32, #tpu.memory_space<vmem>>
        %dma_wait3A_207 = tpu.memref_squeeze %dma_wait3A_206 : memref<1x128xf32, #tpu.memory_space<vmem>> -> memref<128xf32, #tpu.memory_space<vmem>>
        tpu.wait_dma2 semaphore(%arg13 : memref<!tpu.dma_semaphore, #tpu.memory_space<semaphore_mem>>) src(%dma_wait3A_207 : memref<128xf32, #tpu.memory_space<vmem>>) dst(%dma_wait3A_204 : memref<128xf32, #tpu.memory_space<hbm>>)
      } else {
      }
      %scan3A_172 = arith.constant 0 : i32
      %scan3A_173 = arith.constant 0 : i32
      %scan3A_174 = arith.constant 8 : i32
      %scan3A_175 = arith.addi %scan3A_173, %scan3A_174 : i32
      %scan3A_176 = arith.constant 1 : i32
      scf.for %scan3A_197 = %scan3A_173 to %scan3A_175 step %scan3A_176  : i32 {
        %broadcast_in_dim3A = arith.constant 0.000000e+00 : f32
        %broadcast_in_dim3A_198 = vector.broadcast %broadcast_in_dim3A : f32 to vector<16xf32>
        %mul3A_199 = arith.constant 16 : i32
        %mul3A_200 = arith.muli %scan3A_197, %mul3A_199 : i32
        %add3A_201 = arith.constant 0 : i32
        %add3A_202 = arith.addi %mul3A_200, %add3A_201 : i32
        %get3A = arith.constant 1 : i32
        %get3A_203 = arith.index_cast %get3A : i32 to index
        %get3A_204 = arith.index_cast %add3A_202 : i32 to index
        %get3A_205 = arith.constant 0 : index
        %get3A_206 = tpu.vector_load %arg7[%get3A_203, %get3A_204, %get3A_205] {strides = array<i32>} : memref<2x128x128xf32, #tpu.memory_space<vmem>>, vector<16xf32>,
        %get3A_207 = arith.constant 1 : i32
        %get3A_208 = arith.index_cast %get3A_207 : i32 to index
        %get3A_209 = arith.index_cast %add3A_202 : i32 to index
        %get3A_210 = arith.constant 0 : index
        %get3A_211 = tpu.vector_load %arg8[%get3A_208, %get3A_209, %get3A_210] {strides = array<i32>} : memref<2x128x128xf32, #tpu.memory_space<vmem>>, vector<16xf32>,
        %mul3A_212 = arith.mulf %get3A_206, %get3A_211 : vector<16xf32>
        %get3A_213 = arith.constant 1 : i32
        %get3A_214 = arith.index_cast %get3A_213 : i32 to index
        %get3A_215 = arith.index_cast %add3A_202 : i32 to index
        %get3A_216 = arith.constant 16 : index
        %get3A_217 = tpu.vector_load %arg7[%get3A_214, %get3A_215, %get3A_216] {strides = array<i32>} : memref<2x128x128xf32, #tpu.memory_space<vmem>>, vector<16xf32>,
        %get3A_218 = arith.constant 1 : i32
        %get3A_219 = arith.index_cast %get3A_218 : i32 to index
        %get3A_220 = arith.index_cast %add3A_202 : i32 to index
        %get3A_221 = arith.constant 16 : index
        %get3A_222 = tpu.vector_load %arg8[%get3A_219, %get3A_220, %get3A_221] {strides = array<i32>} : memref<2x128x128xf32, #tpu.memory_space<vmem>>, vector<16xf32>,
        %mul3A_223 = arith.mulf %get3A_217, %get3A_222 : vector<16xf32>
        %add3A_224 = arith.addf %mul3A_212, %mul3A_223 : vector<16xf32>
        %get3A_225 = arith.constant 1 : i32
        %get3A_226 = arith.index_cast %get3A_225 : i32 to index
        %get3A_227 = arith.index_cast %add3A_202 : i32 to index
        %get3A_228 = arith.constant 32 : index
        %get3A_229 = tpu.vector_load %arg7[%get3A_226, %get3A_227, %get3A_228] {strides = array<i32>} : memref<2x128x128xf32, #tpu.memory_space<vmem>>, vector<16xf32>,
        %get3A_230 = arith.constant 1 : i32
        %get3A_231 = arith.index_cast %get3A_230 : i32 to index
        %get3A_232 = arith.index_cast %add3A_202 : i32 to index
        %get3A_233 = arith.constant 32 : index
        %get3A_234 = tpu.vector_load %arg8[%get3A_231, %get3A_232, %get3A_233] {strides = array<i32>} : memref<2x128x128xf32, #tpu.memory_space<vmem>>, vector<16xf32>,
        %mul3A_235 = arith.mulf %get3A_229, %get3A_234 : vector<16xf32>
        %add3A_236 = arith.addf %add3A_224, %mul3A_235 : vector<16xf32>
        %get3A_237 = arith.constant 1 : i32
        %get3A_238 = arith.index_cast %get3A_237 : i32 to index
        %get3A_239 = arith.index_cast %add3A_202 : i32 to index
        %get3A_240 = arith.constant 48 : index
        %get3A_241 = tpu.vector_load %arg7[%get3A_238, %get3A_239, %get3A_240] {strides = array<i32>} : memref<2x128x128xf32, #tpu.memory_space<vmem>>, vector<16xf32>,
        %get3A_242 = arith.constant 1 : i32
        %get3A_243 = arith.index_cast %get3A_242 : i32 to index
        %get3A_244 = arith.index_cast %add3A_202 : i32 to index
        %get3A_245 = arith.constant 48 : index
        %get3A_246 = tpu.vector_load %arg8[%get3A_243, %get3A_244, %get3A_245] {strides = array<i32>} : memref<2x128x128xf32, #tpu.memory_space<vmem>>, vector<16xf32>,
        %mul3A_247 = arith.mulf %get3A_241, %get3A_246 : vector<16xf32>
        %add3A_248 = arith.addf %add3A_236, %mul3A_247 : vector<16xf32>
        %get3A_249 = arith.constant 1 : i32
        %get3A_250 = arith.index_cast %get3A_249 : i32 to index
        %get3A_251 = arith.index_cast %add3A_202 : i32 to index
        %get3A_252 = arith.constant 64 : index
        %get3A_253 = tpu.vector_load %arg7[%get3A_250, %get3A_251, %get3A_252] {strides = array<i32>} : memref<2x128x128xf32, #tpu.memory_space<vmem>>, vector<16xf32>,
        %get3A_254 = arith.constant 1 : i32
        %get3A_255 = arith.index_cast %get3A_254 : i32 to index
        %get3A_256 = arith.index_cast %add3A_202 : i32 to index
        %get3A_257 = arith.constant 64 : index
        %get3A_258 = tpu.vector_load %arg8[%get3A_255, %get3A_256, %get3A_257] {strides = array<i32>} : memref<2x128x128xf32, #tpu.memory_space<vmem>>, vector<16xf32>,
        %mul3A_259 = arith.mulf %get3A_253, %get3A_258 : vector<16xf32>
        %add3A_260 = arith.addf %add3A_248, %mul3A_259 : vector<16xf32>
        %get3A_261 = arith.constant 1 : i32
        %get3A_262 = arith.index_cast %get3A_261 : i32 to index
        %get3A_263 = arith.index_cast %add3A_202 : i32 to index
        %get3A_264 = arith.constant 80 : index
        %get3A_265 = tpu.vector_load %arg7[%get3A_262, %get3A_263, %get3A_264] {strides = array<i32>} : memref<2x128x128xf32, #tpu.memory_space<vmem>>, vector<16xf32>,
        %get3A_266 = arith.constant 1 : i32
        %get3A_267 = arith.index_cast %get3A_266 : i32 to index
        %get3A_268 = arith.index_cast %add3A_202 : i32 to index
        %get3A_269 = arith.constant 80 : index
        %get3A_270 = tpu.vector_load %arg8[%get3A_267, %get3A_268, %get3A_269] {strides = array<i32>} : memref<2x128x128xf32, #tpu.memory_space<vmem>>, vector<16xf32>,
        %mul3A_271 = arith.mulf %get3A_265, %get3A_270 : vector<16xf32>
        %add3A_272 = arith.addf %add3A_260, %mul3A_271 : vector<16xf32>
        %get3A_273 = arith.constant 1 : i32
        %get3A_274 = arith.index_cast %get3A_273 : i32 to index
        %get3A_275 = arith.index_cast %add3A_202 : i32 to index
        %get3A_276 = arith.constant 96 : index
        %get3A_277 = tpu.vector_load %arg7[%get3A_274, %get3A_275, %get3A_276] {strides = array<i32>} : memref<2x128x128xf32, #tpu.memory_space<vmem>>, vector<16xf32>,
        %get3A_278 = arith.constant 1 : i32
        %get3A_279 = arith.index_cast %get3A_278 : i32 to index
        %get3A_280 = arith.index_cast %add3A_202 : i32 to index
        %get3A_281 = arith.constant 96 : index
        %get3A_282 = tpu.vector_load %arg8[%get3A_279, %get3A_280, %get3A_281] {strides = array<i32>} : memref<2x128x128xf32, #tpu.memory_space<vmem>>, vector<16xf32>,
        %mul3A_283 = arith.mulf %get3A_277, %get3A_282 : vector<16xf32>
        %add3A_284 = arith.addf %add3A_272, %mul3A_283 : vector<16xf32>
        %get3A_285 = arith.constant 1 : i32
        %get3A_286 = arith.index_cast %get3A_285 : i32 to index
        %get3A_287 = arith.index_cast %add3A_202 : i32 to index
        %get3A_288 = arith.constant 112 : index
        %get3A_289 = tpu.vector_load %arg7[%get3A_286, %get3A_287, %get3A_288] {strides = array<i32>} : memref<2x128x128xf32, #tpu.memory_space<vmem>>, vector<16xf32>,
        %get3A_290 = arith.constant 1 : i32
        %get3A_291 = arith.index_cast %get3A_290 : i32 to index
        %get3A_292 = arith.index_cast %add3A_202 : i32 to index
        %get3A_293 = arith.constant 112 : index
        %get3A_294 = tpu.vector_load %arg8[%get3A_291, %get3A_292, %get3A_293] {strides = array<i32>} : memref<2x128x128xf32, #tpu.memory_space<vmem>>, vector<16xf32>,
        %mul3A_295 = arith.mulf %get3A_289, %get3A_294 : vector<16xf32>
        %add3A_296 = arith.addf %add3A_284, %mul3A_295 : vector<16xf32>
        %eq3A = arith.constant 0 : i32
        %eq3A_297 = vector.broadcast %eq3A : i32 to vector<16xi32>
        %eq3A_298 = arith.cmpi eq, %iota3A, %eq3A_297 : vector<16xi32>
        %reduce_sum3A = arith.constant true
        %reduce_sum3A_299 = vector.broadcast %reduce_sum3A : i1 to vector<16xi1>
        %reduce_sum3A_300 = tpu.scan <sum>, %add3A_296 masked %reduce_sum3A_299 : vector<16xf32>, vector<16xi1> -> vector<16xf32>
        %reduce_sum3A_301 = vector.extract %reduce_sum3A_300[15] : f32 from vector<16xf32>
        %broadcast_in_dim3A_302 = vector.broadcast %reduce_sum3A_301 : f32 to vector<16xf32>
        %select_n3A = arith.select %eq3A_298, %broadcast_in_dim3A_302, %broadcast_in_dim3A_198 : vector<16xi1>, vector<16xf32>
        %mul3A_303 = arith.constant 16 : i32
        %mul3A_304 = arith.muli %scan3A_197, %mul3A_303 : i32
        %add3A_305 = arith.constant 1 : i32
        %add3A_306 = arith.addi %mul3A_304, %add3A_305 : i32
        %get3A_307 = arith.constant 1 : i32
        %get3A_308 = arith.index_cast %get3A_307 : i32 to index
        %get3A_309 = arith.index_cast %add3A_306 : i32 to index
        %get3A_310 = arith.constant 0 : index
        %get3A_311 = tpu.vector_load %arg7[%get3A_308, %get3A_309, %get3A_310] {strides = array<i32>} : memref<2x128x128xf32, #tpu.memory_space<vmem>>, vector<16xf32>,
        %get3A_312 = arith.constant 1 : i32
        %get3A_313 = arith.index_cast %get3A_312 : i32 to index
        %get3A_314 = arith.index_cast %add3A_306 : i32 to index
        %get3A_315 = arith.constant 0 : index
        %get3A_316 = tpu.vector_load %arg8[%get3A_313, %get3A_314, %get3A_315] {strides = array<i32>} : memref<2x128x128xf32, #tpu.memory_space<vmem>>, vector<16xf32>,
        %mul3A_317 = arith.mulf %get3A_311, %get3A_316 : vector<16xf32>
        %get3A_318 = arith.constant 1 : i32
        %get3A_319 = arith.index_cast %get3A_318 : i32 to index
        %get3A_320 = arith.index_cast %add3A_306 : i32 to index
        %get3A_321 = arith.constant 16 : index
        %get3A_322 = tpu.vector_load %arg7[%get3A_319, %get3A_320, %get3A_321] {strides = array<i32>} : memref<2x128x128xf32, #tpu.memory_space<vmem>>, vector<16xf32>,
        %get3A_323 = arith.constant 1 : i32
        %get3A_324 = arith.index_cast %get3A_323 : i32 to index
        %get3A_325 = arith.index_cast %add3A_306 : i32 to index
        %get3A_326 = arith.constant 16 : index
        %get3A_327 = tpu.vector_load %arg8[%get3A_324, %get3A_325, %get3A_326] {strides = array<i32>} : memref<2x128x128xf32, #tpu.memory_space<vmem>>, vector<16xf32>,
        %mul3A_328 = arith.mulf %get3A_322, %get3A_327 : vector<16xf32>
        %add3A_329 = arith.addf %mul3A_317, %mul3A_328 : vector<16xf32>
        %get3A_330 = arith.constant 1 : i32
        %get3A_331 = arith.index_cast %get3A_330 : i32 to index
        %get3A_332 = arith.index_cast %add3A_306 : i32 to index
        %get3A_333 = arith.constant 32 : index
        %get3A_334 = tpu.vector_load %arg7[%get3A_331, %get3A_332, %get3A_333] {strides = array<i32>} : memref<2x128x128xf32, #tpu.memory_space<vmem>>, vector<16xf32>,
        %get3A_335 = arith.constant 1 : i32
        %get3A_336 = arith.index_cast %get3A_335 : i32 to index
        %get3A_337 = arith.index_cast %add3A_306 : i32 to index
        %get3A_338 = arith.constant 32 : index
        %get3A_339 = tpu.vector_load %arg8[%get3A_336, %get3A_337, %get3A_338] {strides = array<i32>} : memref<2x128x128xf32, #tpu.memory_space<vmem>>, vector<16xf32>,
        %mul3A_340 = arith.mulf %get3A_334, %get3A_339 : vector<16xf32>
        %add3A_341 = arith.addf %add3A_329, %mul3A_340 : vector<16xf32>
        %get3A_342 = arith.constant 1 : i32
        %get3A_343 = arith.index_cast %get3A_342 : i32 to index
        %get3A_344 = arith.index_cast %add3A_306 : i32 to index
        %get3A_345 = arith.constant 48 : index
        %get3A_346 = tpu.vector_load %arg7[%get3A_343, %get3A_344, %get3A_345] {strides = array<i32>} : memref<2x128x128xf32, #tpu.memory_space<vmem>>, vector<16xf32>,
        %get3A_347 = arith.constant 1 : i32
        %get3A_348 = arith.index_cast %get3A_347 : i32 to index
        %get3A_349 = arith.index_cast %add3A_306 : i32 to index
        %get3A_350 = arith.constant 48 : index
        %get3A_351 = tpu.vector_load %arg8[%get3A_348, %get3A_349, %get3A_350] {strides = array<i32>} : memref<2x128x128xf32, #tpu.memory_space<vmem>>, vector<16xf32>,
        %mul3A_352 = arith.mulf %get3A_346, %get3A_351 : vector<16xf32>
        %add3A_353 = arith.addf %add3A_341, %mul3A_352 : vector<16xf32>
        %get3A_354 = arith.constant 1 : i32
        %get3A_355 = arith.index_cast %get3A_354 : i32 to index
        %get3A_356 = arith.index_cast %add3A_306 : i32 to index
        %get3A_357 = arith.constant 64 : index
        %get3A_358 = tpu.vector_load %arg7[%get3A_355, %get3A_356, %get3A_357] {strides = array<i32>} : memref<2x128x128xf32, #tpu.memory_space<vmem>>, vector<16xf32>,
        %get3A_359 = arith.constant 1 : i32
        %get3A_360 = arith.index_cast %get3A_359 : i32 to index
        %get3A_361 = arith.index_cast %add3A_306 : i32 to index
        %get3A_362 = arith.constant 64 : index
        %get3A_363 = tpu.vector_load %arg8[%get3A_360, %get3A_361, %get3A_362] {strides = array<i32>} : memref<2x128x128xf32, #tpu.memory_space<vmem>>, vector<16xf32>,
        %mul3A_364 = arith.mulf %get3A_358, %get3A_363 : vector<16xf32>
        %add3A_365 = arith.addf %add3A_353, %mul3A_364 : vector<16xf32>
        %get3A_366 = arith.constant 1 : i32
        %get3A_367 = arith.index_cast %get3A_366 : i32 to index
        %get3A_368 = arith.index_cast %add3A_306 : i32 to index
        %get3A_369 = arith.constant 80 : index
        %get3A_370 = tpu.vector_load %arg7[%get3A_367, %get3A_368, %get3A_369] {strides = array<i32>} : memref<2x128x128xf32, #tpu.memory_space<vmem>>, vector<16xf32>,
        %get3A_371 = arith.constant 1 : i32
        %get3A_372 = arith.index_cast %get3A_371 : i32 to index
        %get3A_373 = arith.index_cast %add3A_306 : i32 to index
        %get3A_374 = arith.constant 80 : index
        %get3A_375 = tpu.vector_load %arg8[%get3A_372, %get3A_373, %get3A_374] {strides = array<i32>} : memref<2x128x128xf32, #tpu.memory_space<vmem>>, vector<16xf32>,
        %mul3A_376 = arith.mulf %get3A_370, %get3A_375 : vector<16xf32>
        %add3A_377 = arith.addf %add3A_365, %mul3A_376 : vector<16xf32>
        %get3A_378 = arith.constant 1 : i32
        %get3A_379 = arith.index_cast %get3A_378 : i32 to index
        %get3A_380 = arith.index_cast %add3A_306 : i32 to index
        %get3A_381 = arith.constant 96 : index
        %get3A_382 = tpu.vector_load %arg7[%get3A_379, %get3A_380, %get3A_381] {strides = array<i32>} : memref<2x128x128xf32, #tpu.memory_space<vmem>>, vector<16xf32>,
        %get3A_383 = arith.constant 1 : i32
        %get3A_384 = arith.index_cast %get3A_383 : i32 to index
        %get3A_385 = arith.index_cast %add3A_306 : i32 to index
        %get3A_386 = arith.constant 96 : index
        %get3A_387 = tpu.vector_load %arg8[%get3A_384, %get3A_385, %get3A_386] {strides = array<i32>} : memref<2x128x128xf32, #tpu.memory_space<vmem>>, vector<16xf32>,
        %mul3A_388 = arith.mulf %get3A_382, %get3A_387 : vector<16xf32>
        %add3A_389 = arith.addf %add3A_377, %mul3A_388 : vector<16xf32>
        %get3A_390 = arith.constant 1 : i32
        %get3A_391 = arith.index_cast %get3A_390 : i32 to index
        %get3A_392 = arith.index_cast %add3A_306 : i32 to index
        %get3A_393 = arith.constant 112 : index
        %get3A_394 = tpu.vector_load %arg7[%get3A_391, %get3A_392, %get3A_393] {strides = array<i32>} : memref<2x128x128xf32, #tpu.memory_space<vmem>>, vector<16xf32>,
        %get3A_395 = arith.constant 1 : i32
        %get3A_396 = arith.index_cast %get3A_395 : i32 to index
        %get3A_397 = arith.index_cast %add3A_306 : i32 to index
        %get3A_398 = arith.constant 112 : index
        %get3A_399 = tpu.vector_load %arg8[%get3A_396, %get3A_397, %get3A_398] {strides = array<i32>} : memref<2x128x128xf32, #tpu.memory_space<vmem>>, vector<16xf32>,
        %mul3A_400 = arith.mulf %get3A_394, %get3A_399 : vector<16xf32>
        %add3A_401 = arith.addf %add3A_389, %mul3A_400 : vector<16xf32>
        %eq3A_402 = arith.constant 1 : i32
        %eq3A_403 = vector.broadcast %eq3A_402 : i32 to vector<16xi32>
        %eq3A_404 = arith.cmpi eq, %iota3A, %eq3A_403 : vector<16xi32>
        %reduce_sum3A_405 = arith.constant true
        %reduce_sum3A_406 = vector.broadcast %reduce_sum3A_405 : i1 to vector<16xi1>
        %reduce_sum3A_407 = tpu.scan <sum>, %add3A_401 masked %reduce_sum3A_406 : vector<16xf32>, vector<16xi1> -> vector<16xf32>
        %reduce_sum3A_408 = vector.extract %reduce_sum3A_407[15] : f32 from vector<16xf32>
        %broadcast_in_dim3A_409 = vector.broadcast %reduce_sum3A_408 : f32 to vector<16xf32>
        %select_n3A_410 = arith.select %eq3A_404, %broadcast_in_dim3A_409, %select_n3A : vector<16xi1>, vector<16xf32>
        %mul3A_411 = arith.constant 16 : i32
        %mul3A_412 = arith.muli %scan3A_197, %mul3A_411 : i32
        %add3A_413 = arith.constant 2 : i32
        %add3A_414 = arith.addi %mul3A_412, %add3A_413 : i32
        %get3A_415 = arith.constant 1 : i32
        %get3A_416 = arith.index_cast %get3A_415 : i32 to index
        %get3A_417 = arith.index_cast %add3A_414 : i32 to index
        %get3A_418 = arith.constant 0 : index
        %get3A_419 = tpu.vector_load %arg7[%get3A_416, %get3A_417, %get3A_418] {strides = array<i32>} : memref<2x128x128xf32, #tpu.memory_space<vmem>>, vector<16xf32>,
        %get3A_420 = arith.constant 1 : i32
        %get3A_421 = arith.index_cast %get3A_420 : i32 to index
        %get3A_422 = arith.index_cast %add3A_414 : i32 to index
        %get3A_423 = arith.constant 0 : index
        %get3A_424 = tpu.vector_load %arg8[%get3A_421, %get3A_422, %get3A_423] {strides = array<i32>} : memref<2x128x128xf32, #tpu.memory_space<vmem>>, vector<16xf32>,
        %mul3A_425 = arith.mulf %get3A_419, %get3A_424 : vector<16xf32>
        %get3A_426 = arith.constant 1 : i32
        %get3A_427 = arith.index_cast %get3A_426 : i32 to index
        %get3A_428 = arith.index_cast %add3A_414 : i32 to index
        %get3A_429 = arith.constant 16 : index
        %get3A_430 = tpu.vector_load %arg7[%get3A_427, %get3A_428, %get3A_429] {strides = array<i32>} : memref<2x128x128xf32, #tpu.memory_space<vmem>>, vector<16xf32>,
        %get3A_431 = arith.constant 1 : i32
        %get3A_432 = arith.index_cast %get3A_431 : i32 to index
        %get3A_433 = arith.index_cast %add3A_414 : i32 to index
        %get3A_434 = arith.constant 16 : index
        %get3A_435 = tpu.vector_load %arg8[%get3A_432, %get3A_433, %get3A_434] {strides = array<i32>} : memref<2x128x128xf32, #tpu.memory_space<vmem>>, vector<16xf32>,
        %mul3A_436 = arith.mulf %get3A_430, %get3A_435 : vector<16xf32>
        %add3A_437 = arith.addf %mul3A_425, %mul3A_436 : vector<16xf32>
        %get3A_438 = arith.constant 1 : i32
        %get3A_439 = arith.index_cast %get3A_438 : i32 to index
        %get3A_440 = arith.index_cast %add3A_414 : i32 to index
        %get3A_441 = arith.constant 32 : index
        %get3A_442 = tpu.vector_load %arg7[%get3A_439, %get3A_440, %get3A_441] {strides = array<i32>} : memref<2x128x128xf32, #tpu.memory_space<vmem>>, vector<16xf32>,
        %get3A_443 = arith.constant 1 : i32
        %get3A_444 = arith.index_cast %get3A_443 : i32 to index
        %get3A_445 = arith.index_cast %add3A_414 : i32 to index
        %get3A_446 = arith.constant 32 : index
        %get3A_447 = tpu.vector_load %arg8[%get3A_444, %get3A_445, %get3A_446] {strides = array<i32>} : memref<2x128x128xf32, #tpu.memory_space<vmem>>, vector<16xf32>,
        %mul3A_448 = arith.mulf %get3A_442, %get3A_447 : vector<16xf32>
        %add3A_449 = arith.addf %add3A_437, %mul3A_448 : vector<16xf32>
        %get3A_450 = arith.constant 1 : i32
        %get3A_451 = arith.index_cast %get3A_450 : i32 to index
        %get3A_452 = arith.index_cast %add3A_414 : i32 to index
        %get3A_453 = arith.constant 48 : index
        %get3A_454 = tpu.vector_load %arg7[%get3A_451, %get3A_452, %get3A_453] {strides = array<i32>} : memref<2x128x128xf32, #tpu.memory_space<vmem>>, vector<16xf32>,
        %get3A_455 = arith.constant 1 : i32
        %get3A_456 = arith.index_cast %get3A_455 : i32 to index
        %get3A_457 = arith.index_cast %add3A_414 : i32 to index
        %get3A_458 = arith.constant 48 : index
        %get3A_459 = tpu.vector_load %arg8[%get3A_456, %get3A_457, %get3A_458] {strides = array<i32>} : memref<2x128x128xf32, #tpu.memory_space<vmem>>, vector<16xf32>,
        %mul3A_460 = arith.mulf %get3A_454, %get3A_459 : vector<16xf32>
        %add3A_461 = arith.addf %add3A_449, %mul3A_460 : vector<16xf32>
        %get3A_462 = arith.constant 1 : i32
        %get3A_463 = arith.index_cast %get3A_462 : i32 to index
        %get3A_464 = arith.index_cast %add3A_414 : i32 to index
        %get3A_465 = arith.constant 64 : index
        %get3A_466 = tpu.vector_load %arg7[%get3A_463, %get3A_464, %get3A_465] {strides = array<i32>} : memref<2x128x128xf32, #tpu.memory_space<vmem>>, vector<16xf32>,
        %get3A_467 = arith.constant 1 : i32
        %get3A_468 = arith.index_cast %get3A_467 : i32 to index
        %get3A_469 = arith.index_cast %add3A_414 : i32 to index
        %get3A_470 = arith.constant 64 : index
        %get3A_471 = tpu.vector_load %arg8[%get3A_468, %get3A_469, %get3A_470] {strides = array<i32>} : memref<2x128x128xf32, #tpu.memory_space<vmem>>, vector<16xf32>,
        %mul3A_472 = arith.mulf %get3A_466, %get3A_471 : vector<16xf32>
        %add3A_473 = arith.addf %add3A_461, %mul3A_472 : vector<16xf32>
        %get3A_474 = arith.constant 1 : i32
        %get3A_475 = arith.index_cast %get3A_474 : i32 to index
        %get3A_476 = arith.index_cast %add3A_414 : i32 to index
        %get3A_477 = arith.constant 80 : index
        %get3A_478 = tpu.vector_load %arg7[%get3A_475, %get3A_476, %get3A_477] {strides = array<i32>} : memref<2x128x128xf32, #tpu.memory_space<vmem>>, vector<16xf32>,
        %get3A_479 = arith.constant 1 : i32
        %get3A_480 = arith.index_cast %get3A_479 : i32 to index
        %get3A_481 = arith.index_cast %add3A_414 : i32 to index
        %get3A_482 = arith.constant 80 : index
        %get3A_483 = tpu.vector_load %arg8[%get3A_480, %get3A_481, %get3A_482] {strides = array<i32>} : memref<2x128x128xf32, #tpu.memory_space<vmem>>, vector<16xf32>,
        %mul3A_484 = arith.mulf %get3A_478, %get3A_483 : vector<16xf32>
        %add3A_485 = arith.addf %add3A_473, %mul3A_484 : vector<16xf32>
        %get3A_486 = arith.constant 1 : i32
        %get3A_487 = arith.index_cast %get3A_486 : i32 to index
        %get3A_488 = arith.index_cast %add3A_414 : i32 to index
        %get3A_489 = arith.constant 96 : index
        %get3A_490 = tpu.vector_load %arg7[%get3A_487, %get3A_488, %get3A_489] {strides = array<i32>} : memref<2x128x128xf32, #tpu.memory_space<vmem>>, vector<16xf32>,
        %get3A_491 = arith.constant 1 : i32
        %get3A_492 = arith.index_cast %get3A_491 : i32 to index
        %get3A_493 = arith.index_cast %add3A_414 : i32 to index
        %get3A_494 = arith.constant 96 : index
        %get3A_495 = tpu.vector_load %arg8[%get3A_492, %get3A_493, %get3A_494] {strides = array<i32>} : memref<2x128x128xf32, #tpu.memory_space<vmem>>, vector<16xf32>,
        %mul3A_496 = arith.mulf %get3A_490, %get3A_495 : vector<16xf32>
        %add3A_497 = arith.addf %add3A_485, %mul3A_496 : vector<16xf32>
        %get3A_498 = arith.constant 1 : i32
        %get3A_499 = arith.index_cast %get3A_498 : i32 to index
        %get3A_500 = arith.index_cast %add3A_414 : i32 to index
        %get3A_501 = arith.constant 112 : index
        %get3A_502 = tpu.vector_load %arg7[%get3A_499, %get3A_500, %get3A_501] {strides = array<i32>} : memref<2x128x128xf32, #tpu.memory_space<vmem>>, vector<16xf32>,
        %get3A_503 = arith.constant 1 : i32
        %get3A_504 = arith.index_cast %get3A_503 : i32 to index
        %get3A_505 = arith.index_cast %add3A_414 : i32 to index
        %get3A_506 = arith.constant 112 : index
        %get3A_507 = tpu.vector_load %arg8[%get3A_504, %get3A_505, %get3A_506] {strides = array<i32>} : memref<2x128x128xf32, #tpu.memory_space<vmem>>, vector<16xf32>,
        %mul3A_508 = arith.mulf %get3A_502, %get3A_507 : vector<16xf32>
        %add3A_509 = arith.addf %add3A_497, %mul3A_508 : vector<16xf32>
        %eq3A_510 = arith.constant 2 : i32
        %eq3A_511 = vector.broadcast %eq3A_510 : i32 to vector<16xi32>
        %eq3A_512 = arith.cmpi eq, %iota3A, %eq3A_511 : vector<16xi32>
        %reduce_sum3A_513 = arith.constant true
        %reduce_sum3A_514 = vector.broadcast %reduce_sum3A_513 : i1 to vector<16xi1>
        %reduce_sum3A_515 = tpu.scan <sum>, %add3A_509 masked %reduce_sum3A_514 : vector<16xf32>, vector<16xi1> -> vector<16xf32>
        %reduce_sum3A_516 = vector.extract %reduce_sum3A_515[15] : f32 from vector<16xf32>
        %broadcast_in_dim3A_517 = vector.broadcast %reduce_sum3A_516 : f32 to vector<16xf32>
        %select_n3A_518 = arith.select %eq3A_512, %broadcast_in_dim3A_517, %select_n3A_410 : vector<16xi1>, vector<16xf32>
        %mul3A_519 = arith.constant 16 : i32
        %mul3A_520 = arith.muli %scan3A_197, %mul3A_519 : i32
        %add3A_521 = arith.constant 3 : i32
        %add3A_522 = arith.addi %mul3A_520, %add3A_521 : i32
        %get3A_523 = arith.constant 1 : i32
        %get3A_524 = arith.index_cast %get3A_523 : i32 to index
        %get3A_525 = arith.index_cast %add3A_522 : i32 to index
        %get3A_526 = arith.constant 0 : index
        %get3A_527 = tpu.vector_load %arg7[%get3A_524, %get3A_525, %get3A_526] {strides = array<i32>} : memref<2x128x128xf32, #tpu.memory_space<vmem>>, vector<16xf32>,
        %get3A_528 = arith.constant 1 : i32
        %get3A_529 = arith.index_cast %get3A_528 : i32 to index
        %get3A_530 = arith.index_cast %add3A_522 : i32 to index
        %get3A_531 = arith.constant 0 : index
        %get3A_532 = tpu.vector_load %arg8[%get3A_529, %get3A_530, %get3A_531] {strides = array<i32>} : memref<2x128x128xf32, #tpu.memory_space<vmem>>, vector<16xf32>,
        %mul3A_533 = arith.mulf %get3A_527, %get3A_532 : vector<16xf32>
        %get3A_534 = arith.constant 1 : i32
        %get3A_535 = arith.index_cast %get3A_534 : i32 to index
        %get3A_536 = arith.index_cast %add3A_522 : i32 to index
        %get3A_537 = arith.constant 16 : index
        %get3A_538 = tpu.vector_load %arg7[%get3A_535, %get3A_536, %get3A_537] {strides = array<i32>} : memref<2x128x128xf32, #tpu.memory_space<vmem>>, vector<16xf32>,
        %get3A_539 = arith.constant 1 : i32
        %get3A_540 = arith.index_cast %get3A_539 : i32 to index
        %get3A_541 = arith.index_cast %add3A_522 : i32 to index
        %get3A_542 = arith.constant 16 : index
        %get3A_543 = tpu.vector_load %arg8[%get3A_540, %get3A_541, %get3A_542] {strides = array<i32>} : memref<2x128x128xf32, #tpu.memory_space<vmem>>, vector<16xf32>,
        %mul3A_544 = arith.mulf %get3A_538, %get3A_543 : vector<16xf32>
        %add3A_545 = arith.addf %mul3A_533, %mul3A_544 : vector<16xf32>
        %get3A_546 = arith.constant 1 : i32
        %get3A_547 = arith.index_cast %get3A_546 : i32 to index
        %get3A_548 = arith.index_cast %add3A_522 : i32 to index
        %get3A_549 = arith.constant 32 : index
        %get3A_550 = tpu.vector_load %arg7[%get3A_547, %get3A_548, %get3A_549] {strides = array<i32>} : memref<2x128x128xf32, #tpu.memory_space<vmem>>, vector<16xf32>,
        %get3A_551 = arith.constant 1 : i32
        %get3A_552 = arith.index_cast %get3A_551 : i32 to index
        %get3A_553 = arith.index_cast %add3A_522 : i32 to index
        %get3A_554 = arith.constant 32 : index
        %get3A_555 = tpu.vector_load %arg8[%get3A_552, %get3A_553, %get3A_554] {strides = array<i32>} : memref<2x128x128xf32, #tpu.memory_space<vmem>>, vector<16xf32>,
        %mul3A_556 = arith.mulf %get3A_550, %get3A_555 : vector<16xf32>
        %add3A_557 = arith.addf %add3A_545, %mul3A_556 : vector<16xf32>
        %get3A_558 = arith.constant 1 : i32
        %get3A_559 = arith.index_cast %get3A_558 : i32 to index
        %get3A_560 = arith.index_cast %add3A_522 : i32 to index
        %get3A_561 = arith.constant 48 : index
        %get3A_562 = tpu.vector_load %arg7[%get3A_559, %get3A_560, %get3A_561] {strides = array<i32>} : memref<2x128x128xf32, #tpu.memory_space<vmem>>, vector<16xf32>,
        %get3A_563 = arith.constant 1 : i32
        %get3A_564 = arith.index_cast %get3A_563 : i32 to index
        %get3A_565 = arith.index_cast %add3A_522 : i32 to index
        %get3A_566 = arith.constant 48 : index
        %get3A_567 = tpu.vector_load %arg8[%get3A_564, %get3A_565, %get3A_566] {strides = array<i32>} : memref<2x128x128xf32, #tpu.memory_space<vmem>>, vector<16xf32>,
        %mul3A_568 = arith.mulf %get3A_562, %get3A_567 : vector<16xf32>
        %add3A_569 = arith.addf %add3A_557, %mul3A_568 : vector<16xf32>
        %get3A_570 = arith.constant 1 : i32
        %get3A_571 = arith.index_cast %get3A_570 : i32 to index
        %get3A_572 = arith.index_cast %add3A_522 : i32 to index
        %get3A_573 = arith.constant 64 : index
        %get3A_574 = tpu.vector_load %arg7[%get3A_571, %get3A_572, %get3A_573] {strides = array<i32>} : memref<2x128x128xf32, #tpu.memory_space<vmem>>, vector<16xf32>,
        %get3A_575 = arith.constant 1 : i32
        %get3A_576 = arith.index_cast %get3A_575 : i32 to index
        %get3A_577 = arith.index_cast %add3A_522 : i32 to index
        %get3A_578 = arith.constant 64 : index
        %get3A_579 = tpu.vector_load %arg8[%get3A_576, %get3A_577, %get3A_578] {strides = array<i32>} : memref<2x128x128xf32, #tpu.memory_space<vmem>>, vector<16xf32>,
        %mul3A_580 = arith.mulf %get3A_574, %get3A_579 : vector<16xf32>
        %add3A_581 = arith.addf %add3A_569, %mul3A_580 : vector<16xf32>
        %get3A_582 = arith.constant 1 : i32
        %get3A_583 = arith.index_cast %get3A_582 : i32 to index
        %get3A_584 = arith.index_cast %add3A_522 : i32 to index
        %get3A_585 = arith.constant 80 : index
        %get3A_586 = tpu.vector_load %arg7[%get3A_583, %get3A_584, %get3A_585] {strides = array<i32>} : memref<2x128x128xf32, #tpu.memory_space<vmem>>, vector<16xf32>,
        %get3A_587 = arith.constant 1 : i32
        %get3A_588 = arith.index_cast %get3A_587 : i32 to index
        %get3A_589 = arith.index_cast %add3A_522 : i32 to index
        %get3A_590 = arith.constant 80 : index
        %get3A_591 = tpu.vector_load %arg8[%get3A_588, %get3A_589, %get3A_590] {strides = array<i32>} : memref<2x128x128xf32, #tpu.memory_space<vmem>>, vector<16xf32>,
        %mul3A_592 = arith.mulf %get3A_586, %get3A_591 : vector<16xf32>
        %add3A_593 = arith.addf %add3A_581, %mul3A_592 : vector<16xf32>
        %get3A_594 = arith.constant 1 : i32
        %get3A_595 = arith.index_cast %get3A_594 : i32 to index
        %get3A_596 = arith.index_cast %add3A_522 : i32 to index
        %get3A_597 = arith.constant 96 : index
        %get3A_598 = tpu.vector_load %arg7[%get3A_595, %get3A_596, %get3A_597] {strides = array<i32>} : memref<2x128x128xf32, #tpu.memory_space<vmem>>, vector<16xf32>,
        %get3A_599 = arith.constant 1 : i32
        %get3A_600 = arith.index_cast %get3A_599 : i32 to index
        %get3A_601 = arith.index_cast %add3A_522 : i32 to index
        %get3A_602 = arith.constant 96 : index
        %get3A_603 = tpu.vector_load %arg8[%get3A_600, %get3A_601, %get3A_602] {strides = array<i32>} : memref<2x128x128xf32, #tpu.memory_space<vmem>>, vector<16xf32>,
        %mul3A_604 = arith.mulf %get3A_598, %get3A_603 : vector<16xf32>
        %add3A_605 = arith.addf %add3A_593, %mul3A_604 : vector<16xf32>
        %get3A_606 = arith.constant 1 : i32
        %get3A_607 = arith.index_cast %get3A_606 : i32 to index
        %get3A_608 = arith.index_cast %add3A_522 : i32 to index
        %get3A_609 = arith.constant 112 : index
        %get3A_610 = tpu.vector_load %arg7[%get3A_607, %get3A_608, %get3A_609] {strides = array<i32>} : memref<2x128x128xf32, #tpu.memory_space<vmem>>, vector<16xf32>,
        %get3A_611 = arith.constant 1 : i32
        %get3A_612 = arith.index_cast %get3A_611 : i32 to index
        %get3A_613 = arith.index_cast %add3A_522 : i32 to index
        %get3A_614 = arith.constant 112 : index
        %get3A_615 = tpu.vector_load %arg8[%get3A_612, %get3A_613, %get3A_614] {strides = array<i32>} : memref<2x128x128xf32, #tpu.memory_space<vmem>>, vector<16xf32>,
        %mul3A_616 = arith.mulf %get3A_610, %get3A_615 : vector<16xf32>
        %add3A_617 = arith.addf %add3A_605, %mul3A_616 : vector<16xf32>
        %eq3A_618 = arith.constant 3 : i32
        %eq3A_619 = vector.broadcast %eq3A_618 : i32 to vector<16xi32>
        %eq3A_620 = arith.cmpi eq, %iota3A, %eq3A_619 : vector<16xi32>
        %reduce_sum3A_621 = arith.constant true
        %reduce_sum3A_622 = vector.broadcast %reduce_sum3A_621 : i1 to vector<16xi1>
        %reduce_sum3A_623 = tpu.scan <sum>, %add3A_617 masked %reduce_sum3A_622 : vector<16xf32>, vector<16xi1> -> vector<16xf32>
        %reduce_sum3A_624 = vector.extract %reduce_sum3A_623[15] : f32 from vector<16xf32>
        %broadcast_in_dim3A_625 = vector.broadcast %reduce_sum3A_624 : f32 to vector<16xf32>
        %select_n3A_626 = arith.select %eq3A_620, %broadcast_in_dim3A_625, %select_n3A_518 : vector<16xi1>, vector<16xf32>
        %mul3A_627 = arith.constant 16 : i32
        %mul3A_628 = arith.muli %scan3A_197, %mul3A_627 : i32
        %add3A_629 = arith.constant 4 : i32
        %add3A_630 = arith.addi %mul3A_628, %add3A_629 : i32
        %get3A_631 = arith.constant 1 : i32
        %get3A_632 = arith.index_cast %get3A_631 : i32 to index
        %get3A_633 = arith.index_cast %add3A_630 : i32 to index
        %get3A_634 = arith.constant 0 : index
        %get3A_635 = tpu.vector_load %arg7[%get3A_632, %get3A_633, %get3A_634] {strides = array<i32>} : memref<2x128x128xf32, #tpu.memory_space<vmem>>, vector<16xf32>,
        %get3A_636 = arith.constant 1 : i32
        %get3A_637 = arith.index_cast %get3A_636 : i32 to index
        %get3A_638 = arith.index_cast %add3A_630 : i32 to index
        %get3A_639 = arith.constant 0 : index
        %get3A_640 = tpu.vector_load %arg8[%get3A_637, %get3A_638, %get3A_639] {strides = array<i32>} : memref<2x128x128xf32, #tpu.memory_space<vmem>>, vector<16xf32>,
        %mul3A_641 = arith.mulf %get3A_635, %get3A_640 : vector<16xf32>
        %get3A_642 = arith.constant 1 : i32
        %get3A_643 = arith.index_cast %get3A_642 : i32 to index
        %get3A_644 = arith.index_cast %add3A_630 : i32 to index
        %get3A_645 = arith.constant 16 : index
        %get3A_646 = tpu.vector_load %arg7[%get3A_643, %get3A_644, %get3A_645] {strides = array<i32>} : memref<2x128x128xf32, #tpu.memory_space<vmem>>, vector<16xf32>,
        %get3A_647 = arith.constant 1 : i32
        %get3A_648 = arith.index_cast %get3A_647 : i32 to index
        %get3A_649 = arith.index_cast %add3A_630 : i32 to index
        %get3A_650 = arith.constant 16 : index
        %get3A_651 = tpu.vector_load %arg8[%get3A_648, %get3A_649, %get3A_650] {strides = array<i32>} : memref<2x128x128xf32, #tpu.memory_space<vmem>>, vector<16xf32>,
        %mul3A_652 = arith.mulf %get3A_646, %get3A_651 : vector<16xf32>
        %add3A_653 = arith.addf %mul3A_641, %mul3A_652 : vector<16xf32>
        %get3A_654 = arith.constant 1 : i32
        %get3A_655 = arith.index_cast %get3A_654 : i32 to index
        %get3A_656 = arith.index_cast %add3A_630 : i32 to index
        %get3A_657 = arith.constant 32 : index
        %get3A_658 = tpu.vector_load %arg7[%get3A_655, %get3A_656, %get3A_657] {strides = array<i32>} : memref<2x128x128xf32, #tpu.memory_space<vmem>>, vector<16xf32>,
        %get3A_659 = arith.constant 1 : i32
        %get3A_660 = arith.index_cast %get3A_659 : i32 to index
        %get3A_661 = arith.index_cast %add3A_630 : i32 to index
        %get3A_662 = arith.constant 32 : index
        %get3A_663 = tpu.vector_load %arg8[%get3A_660, %get3A_661, %get3A_662] {strides = array<i32>} : memref<2x128x128xf32, #tpu.memory_space<vmem>>, vector<16xf32>,
        %mul3A_664 = arith.mulf %get3A_658, %get3A_663 : vector<16xf32>
        %add3A_665 = arith.addf %add3A_653, %mul3A_664 : vector<16xf32>
        %get3A_666 = arith.constant 1 : i32
        %get3A_667 = arith.index_cast %get3A_666 : i32 to index
        %get3A_668 = arith.index_cast %add3A_630 : i32 to index
        %get3A_669 = arith.constant 48 : index
        %get3A_670 = tpu.vector_load %arg7[%get3A_667, %get3A_668, %get3A_669] {strides = array<i32>} : memref<2x128x128xf32, #tpu.memory_space<vmem>>, vector<16xf32>,
        %get3A_671 = arith.constant 1 : i32
        %get3A_672 = arith.index_cast %get3A_671 : i32 to index
        %get3A_673 = arith.index_cast %add3A_630 : i32 to index
        %get3A_674 = arith.constant 48 : index
        %get3A_675 = tpu.vector_load %arg8[%get3A_672, %get3A_673, %get3A_674] {strides = array<i32>} : memref<2x128x128xf32, #tpu.memory_space<vmem>>, vector<16xf32>,
        %mul3A_676 = arith.mulf %get3A_670, %get3A_675 : vector<16xf32>
        %add3A_677 = arith.addf %add3A_665, %mul3A_676 : vector<16xf32>
        %get3A_678 = arith.constant 1 : i32
        %get3A_679 = arith.index_cast %get3A_678 : i32 to index
        %get3A_680 = arith.index_cast %add3A_630 : i32 to index
        %get3A_681 = arith.constant 64 : index
        %get3A_682 = tpu.vector_load %arg7[%get3A_679, %get3A_680, %get3A_681] {strides = array<i32>} : memref<2x128x128xf32, #tpu.memory_space<vmem>>, vector<16xf32>,
        %get3A_683 = arith.constant 1 : i32
        %get3A_684 = arith.index_cast %get3A_683 : i32 to index
        %get3A_685 = arith.index_cast %add3A_630 : i32 to index
        %get3A_686 = arith.constant 64 : index
        %get3A_687 = tpu.vector_load %arg8[%get3A_684, %get3A_685, %get3A_686] {strides = array<i32>} : memref<2x128x128xf32, #tpu.memory_space<vmem>>, vector<16xf32>,
        %mul3A_688 = arith.mulf %get3A_682, %get3A_687 : vector<16xf32>
        %add3A_689 = arith.addf %add3A_677, %mul3A_688 : vector<16xf32>
        %get3A_690 = arith.constant 1 : i32
        %get3A_691 = arith.index_cast %get3A_690 : i32 to index
        %get3A_692 = arith.index_cast %add3A_630 : i32 to index
        %get3A_693 = arith.constant 80 : index
        %get3A_694 = tpu.vector_load %arg7[%get3A_691, %get3A_692, %get3A_693] {strides = array<i32>} : memref<2x128x128xf32, #tpu.memory_space<vmem>>, vector<16xf32>,
        %get3A_695 = arith.constant 1 : i32
        %get3A_696 = arith.index_cast %get3A_695 : i32 to index
        %get3A_697 = arith.index_cast %add3A_630 : i32 to index
        %get3A_698 = arith.constant 80 : index
        %get3A_699 = tpu.vector_load %arg8[%get3A_696, %get3A_697, %get3A_698] {strides = array<i32>} : memref<2x128x128xf32, #tpu.memory_space<vmem>>, vector<16xf32>,
        %mul3A_700 = arith.mulf %get3A_694, %get3A_699 : vector<16xf32>
        %add3A_701 = arith.addf %add3A_689, %mul3A_700 : vector<16xf32>
        %get3A_702 = arith.constant 1 : i32
        %get3A_703 = arith.index_cast %get3A_702 : i32 to index
        %get3A_704 = arith.index_cast %add3A_630 : i32 to index
        %get3A_705 = arith.constant 96 : index
        %get3A_706 = tpu.vector_load %arg7[%get3A_703, %get3A_704, %get3A_705] {strides = array<i32>} : memref<2x128x128xf32, #tpu.memory_space<vmem>>, vector<16xf32>,
        %get3A_707 = arith.constant 1 : i32
        %get3A_708 = arith.index_cast %get3A_707 : i32 to index
        %get3A_709 = arith.index_cast %add3A_630 : i32 to index
        %get3A_710 = arith.constant 96 : index
        %get3A_711 = tpu.vector_load %arg8[%get3A_708, %get3A_709, %get3A_710] {strides = array<i32>} : memref<2x128x128xf32, #tpu.memory_space<vmem>>, vector<16xf32>,
        %mul3A_712 = arith.mulf %get3A_706, %get3A_711 : vector<16xf32>
        %add3A_713 = arith.addf %add3A_701, %mul3A_712 : vector<16xf32>
        %get3A_714 = arith.constant 1 : i32
        %get3A_715 = arith.index_cast %get3A_714 : i32 to index
        %get3A_716 = arith.index_cast %add3A_630 : i32 to index
        %get3A_717 = arith.constant 112 : index
        %get3A_718 = tpu.vector_load %arg7[%get3A_715, %get3A_716, %get3A_717] {strides = array<i32>} : memref<2x128x128xf32, #tpu.memory_space<vmem>>, vector<16xf32>,
        %get3A_719 = arith.constant 1 : i32
        %get3A_720 = arith.index_cast %get3A_719 : i32 to index
        %get3A_721 = arith.index_cast %add3A_630 : i32 to index
        %get3A_722 = arith.constant 112 : index
        %get3A_723 = tpu.vector_load %arg8[%get3A_720, %get3A_721, %get3A_722] {strides = array<i32>} : memref<2x128x128xf32, #tpu.memory_space<vmem>>, vector<16xf32>,
        %mul3A_724 = arith.mulf %get3A_718, %get3A_723 : vector<16xf32>
        %add3A_725 = arith.addf %add3A_713, %mul3A_724 : vector<16xf32>
        %eq3A_726 = arith.constant 4 : i32
        %eq3A_727 = vector.broadcast %eq3A_726 : i32 to vector<16xi32>
        %eq3A_728 = arith.cmpi eq, %iota3A, %eq3A_727 : vector<16xi32>
        %reduce_sum3A_729 = arith.constant true
        %reduce_sum3A_730 = vector.broadcast %reduce_sum3A_729 : i1 to vector<16xi1>
        %reduce_sum3A_731 = tpu.scan <sum>, %add3A_725 masked %reduce_sum3A_730 : vector<16xf32>, vector<16xi1> -> vector<16xf32>
        %reduce_sum3A_732 = vector.extract %reduce_sum3A_731[15] : f32 from vector<16xf32>
        %broadcast_in_dim3A_733 = vector.broadcast %reduce_sum3A_732 : f32 to vector<16xf32>
        %select_n3A_734 = arith.select %eq3A_728, %broadcast_in_dim3A_733, %select_n3A_626 : vector<16xi1>, vector<16xf32>
        %mul3A_735 = arith.constant 16 : i32
        %mul3A_736 = arith.muli %scan3A_197, %mul3A_735 : i32
        %add3A_737 = arith.constant 5 : i32
        %add3A_738 = arith.addi %mul3A_736, %add3A_737 : i32
        %get3A_739 = arith.constant 1 : i32
        %get3A_740 = arith.index_cast %get3A_739 : i32 to index
        %get3A_741 = arith.index_cast %add3A_738 : i32 to index
        %get3A_742 = arith.constant 0 : index
        %get3A_743 = tpu.vector_load %arg7[%get3A_740, %get3A_741, %get3A_742] {strides = array<i32>} : memref<2x128x128xf32, #tpu.memory_space<vmem>>, vector<16xf32>,
        %get3A_744 = arith.constant 1 : i32
        %get3A_745 = arith.index_cast %get3A_744 : i32 to index
        %get3A_746 = arith.index_cast %add3A_738 : i32 to index
        %get3A_747 = arith.constant 0 : index
        %get3A_748 = tpu.vector_load %arg8[%get3A_745, %get3A_746, %get3A_747] {strides = array<i32>} : memref<2x128x128xf32, #tpu.memory_space<vmem>>, vector<16xf32>,
        %mul3A_749 = arith.mulf %get3A_743, %get3A_748 : vector<16xf32>
        %get3A_750 = arith.constant 1 : i32
        %get3A_751 = arith.index_cast %get3A_750 : i32 to index
        %get3A_752 = arith.index_cast %add3A_738 : i32 to index
        %get3A_753 = arith.constant 16 : index
        %get3A_754 = tpu.vector_load %arg7[%get3A_751, %get3A_752, %get3A_753] {strides = array<i32>} : memref<2x128x128xf32, #tpu.memory_space<vmem>>, vector<16xf32>,
        %get3A_755 = arith.constant 1 : i32
        %get3A_756 = arith.index_cast %get3A_755 : i32 to index
        %get3A_757 = arith.index_cast %add3A_738 : i32 to index
        %get3A_758 = arith.constant 16 : index
        %get3A_759 = tpu.vector_load %arg8[%get3A_756, %get3A_757, %get3A_758] {strides = array<i32>} : memref<2x128x128xf32, #tpu.memory_space<vmem>>, vector<16xf32>,
        %mul3A_760 = arith.mulf %get3A_754, %get3A_759 : vector<16xf32>
        %add3A_761 = arith.addf %mul3A_749, %mul3A_760 : vector<16xf32>
        %get3A_762 = arith.constant 1 : i32
        %get3A_763 = arith.index_cast %get3A_762 : i32 to index
        %get3A_764 = arith.index_cast %add3A_738 : i32 to index
        %get3A_765 = arith.constant 32 : index
        %get3A_766 = tpu.vector_load %arg7[%get3A_763, %get3A_764, %get3A_765] {strides = array<i32>} : memref<2x128x128xf32, #tpu.memory_space<vmem>>, vector<16xf32>,
        %get3A_767 = arith.constant 1 : i32
        %get3A_768 = arith.index_cast %get3A_767 : i32 to index
        %get3A_769 = arith.index_cast %add3A_738 : i32 to index
        %get3A_770 = arith.constant 32 : index
        %get3A_771 = tpu.vector_load %arg8[%get3A_768, %get3A_769, %get3A_770] {strides = array<i32>} : memref<2x128x128xf32, #tpu.memory_space<vmem>>, vector<16xf32>,
        %mul3A_772 = arith.mulf %get3A_766, %get3A_771 : vector<16xf32>
        %add3A_773 = arith.addf %add3A_761, %mul3A_772 : vector<16xf32>
        %get3A_774 = arith.constant 1 : i32
        %get3A_775 = arith.index_cast %get3A_774 : i32 to index
        %get3A_776 = arith.index_cast %add3A_738 : i32 to index
        %get3A_777 = arith.constant 48 : index
        %get3A_778 = tpu.vector_load %arg7[%get3A_775, %get3A_776, %get3A_777] {strides = array<i32>} : memref<2x128x128xf32, #tpu.memory_space<vmem>>, vector<16xf32>,
        %get3A_779 = arith.constant 1 : i32
        %get3A_780 = arith.index_cast %get3A_779 : i32 to index
        %get3A_781 = arith.index_cast %add3A_738 : i32 to index
        %get3A_782 = arith.constant 48 : index
        %get3A_783 = tpu.vector_load %arg8[%get3A_780, %get3A_781, %get3A_782] {strides = array<i32>} : memref<2x128x128xf32, #tpu.memory_space<vmem>>, vector<16xf32>,
        %mul3A_784 = arith.mulf %get3A_778, %get3A_783 : vector<16xf32>
        %add3A_785 = arith.addf %add3A_773, %mul3A_784 : vector<16xf32>
        %get3A_786 = arith.constant 1 : i32
        %get3A_787 = arith.index_cast %get3A_786 : i32 to index
        %get3A_788 = arith.index_cast %add3A_738 : i32 to index
        %get3A_789 = arith.constant 64 : index
        %get3A_790 = tpu.vector_load %arg7[%get3A_787, %get3A_788, %get3A_789] {strides = array<i32>} : memref<2x128x128xf32, #tpu.memory_space<vmem>>, vector<16xf32>,
        %get3A_791 = arith.constant 1 : i32
        %get3A_792 = arith.index_cast %get3A_791 : i32 to index
        %get3A_793 = arith.index_cast %add3A_738 : i32 to index
        %get3A_794 = arith.constant 64 : index
        %get3A_795 = tpu.vector_load %arg8[%get3A_792, %get3A_793, %get3A_794] {strides = array<i32>} : memref<2x128x128xf32, #tpu.memory_space<vmem>>, vector<16xf32>,
        %mul3A_796 = arith.mulf %get3A_790, %get3A_795 : vector<16xf32>
        %add3A_797 = arith.addf %add3A_785, %mul3A_796 : vector<16xf32>
        %get3A_798 = arith.constant 1 : i32
        %get3A_799 = arith.index_cast %get3A_798 : i32 to index
        %get3A_800 = arith.index_cast %add3A_738 : i32 to index
        %get3A_801 = arith.constant 80 : index
        %get3A_802 = tpu.vector_load %arg7[%get3A_799, %get3A_800, %get3A_801] {strides = array<i32>} : memref<2x128x128xf32, #tpu.memory_space<vmem>>, vector<16xf32>,
        %get3A_803 = arith.constant 1 : i32
        %get3A_804 = arith.index_cast %get3A_803 : i32 to index
        %get3A_805 = arith.index_cast %add3A_738 : i32 to index
        %get3A_806 = arith.constant 80 : index
        %get3A_807 = tpu.vector_load %arg8[%get3A_804, %get3A_805, %get3A_806] {strides = array<i32>} : memref<2x128x128xf32, #tpu.memory_space<vmem>>, vector<16xf32>,
        %mul3A_808 = arith.mulf %get3A_802, %get3A_807 : vector<16xf32>
        %add3A_809 = arith.addf %add3A_797, %mul3A_808 : vector<16xf32>
        %get3A_810 = arith.constant 1 : i32
        %get3A_811 = arith.index_cast %get3A_810 : i32 to index
        %get3A_812 = arith.index_cast %add3A_738 : i32 to index
        %get3A_813 = arith.constant 96 : index
        %get3A_814 = tpu.vector_load %arg7[%get3A_811, %get3A_812, %get3A_813] {strides = array<i32>} : memref<2x128x128xf32, #tpu.memory_space<vmem>>, vector<16xf32>,
        %get3A_815 = arith.constant 1 : i32
        %get3A_816 = arith.index_cast %get3A_815 : i32 to index
        %get3A_817 = arith.index_cast %add3A_738 : i32 to index
        %get3A_818 = arith.constant 96 : index
        %get3A_819 = tpu.vector_load %arg8[%get3A_816, %get3A_817, %get3A_818] {strides = array<i32>} : memref<2x128x128xf32, #tpu.memory_space<vmem>>, vector<16xf32>,
        %mul3A_820 = arith.mulf %get3A_814, %get3A_819 : vector<16xf32>
        %add3A_821 = arith.addf %add3A_809, %mul3A_820 : vector<16xf32>
        %get3A_822 = arith.constant 1 : i32
        %get3A_823 = arith.index_cast %get3A_822 : i32 to index
        %get3A_824 = arith.index_cast %add3A_738 : i32 to index
        %get3A_825 = arith.constant 112 : index
        %get3A_826 = tpu.vector_load %arg7[%get3A_823, %get3A_824, %get3A_825] {strides = array<i32>} : memref<2x128x128xf32, #tpu.memory_space<vmem>>, vector<16xf32>,
        %get3A_827 = arith.constant 1 : i32
        %get3A_828 = arith.index_cast %get3A_827 : i32 to index
        %get3A_829 = arith.index_cast %add3A_738 : i32 to index
        %get3A_830 = arith.constant 112 : index
        %get3A_831 = tpu.vector_load %arg8[%get3A_828, %get3A_829, %get3A_830] {strides = array<i32>} : memref<2x128x128xf32, #tpu.memory_space<vmem>>, vector<16xf32>,
        %mul3A_832 = arith.mulf %get3A_826, %get3A_831 : vector<16xf32>
        %add3A_833 = arith.addf %add3A_821, %mul3A_832 : vector<16xf32>
        %eq3A_834 = arith.constant 5 : i32
        %eq3A_835 = vector.broadcast %eq3A_834 : i32 to vector<16xi32>
        %eq3A_836 = arith.cmpi eq, %iota3A, %eq3A_835 : vector<16xi32>
        %reduce_sum3A_837 = arith.constant true
        %reduce_sum3A_838 = vector.broadcast %reduce_sum3A_837 : i1 to vector<16xi1>
        %reduce_sum3A_839 = tpu.scan <sum>, %add3A_833 masked %reduce_sum3A_838 : vector<16xf32>, vector<16xi1> -> vector<16xf32>
        %reduce_sum3A_840 = vector.extract %reduce_sum3A_839[15] : f32 from vector<16xf32>
        %broadcast_in_dim3A_841 = vector.broadcast %reduce_sum3A_840 : f32 to vector<16xf32>
        %select_n3A_842 = arith.select %eq3A_836, %broadcast_in_dim3A_841, %select_n3A_734 : vector<16xi1>, vector<16xf32>
        %mul3A_843 = arith.constant 16 : i32
        %mul3A_844 = arith.muli %scan3A_197, %mul3A_843 : i32
        %add3A_845 = arith.constant 6 : i32
        %add3A_846 = arith.addi %mul3A_844, %add3A_845 : i32
        %get3A_847 = arith.constant 1 : i32
        %get3A_848 = arith.index_cast %get3A_847 : i32 to index
        %get3A_849 = arith.index_cast %add3A_846 : i32 to index
        %get3A_850 = arith.constant 0 : index
        %get3A_851 = tpu.vector_load %arg7[%get3A_848, %get3A_849, %get3A_850] {strides = array<i32>} : memref<2x128x128xf32, #tpu.memory_space<vmem>>, vector<16xf32>,
        %get3A_852 = arith.constant 1 : i32
        %get3A_853 = arith.index_cast %get3A_852 : i32 to index
        %get3A_854 = arith.index_cast %add3A_846 : i32 to index
        %get3A_855 = arith.constant 0 : index
        %get3A_856 = tpu.vector_load %arg8[%get3A_853, %get3A_854, %get3A_855] {strides = array<i32>} : memref<2x128x128xf32, #tpu.memory_space<vmem>>, vector<16xf32>,
        %mul3A_857 = arith.mulf %get3A_851, %get3A_856 : vector<16xf32>
        %get3A_858 = arith.constant 1 : i32
        %get3A_859 = arith.index_cast %get3A_858 : i32 to index
        %get3A_860 = arith.index_cast %add3A_846 : i32 to index
        %get3A_861 = arith.constant 16 : index
        %get3A_862 = tpu.vector_load %arg7[%get3A_859, %get3A_860, %get3A_861] {strides = array<i32>} : memref<2x128x128xf32, #tpu.memory_space<vmem>>, vector<16xf32>,
        %get3A_863 = arith.constant 1 : i32
        %get3A_864 = arith.index_cast %get3A_863 : i32 to index
        %get3A_865 = arith.index_cast %add3A_846 : i32 to index
        %get3A_866 = arith.constant 16 : index
        %get3A_867 = tpu.vector_load %arg8[%get3A_864, %get3A_865, %get3A_866] {strides = array<i32>} : memref<2x128x128xf32, #tpu.memory_space<vmem>>, vector<16xf32>,
        %mul3A_868 = arith.mulf %get3A_862, %get3A_867 : vector<16xf32>
        %add3A_869 = arith.addf %mul3A_857, %mul3A_868 : vector<16xf32>
        %get3A_870 = arith.constant 1 : i32
        %get3A_871 = arith.index_cast %get3A_870 : i32 to index
        %get3A_872 = arith.index_cast %add3A_846 : i32 to index
        %get3A_873 = arith.constant 32 : index
        %get3A_874 = tpu.vector_load %arg7[%get3A_871, %get3A_872, %get3A_873] {strides = array<i32>} : memref<2x128x128xf32, #tpu.memory_space<vmem>>, vector<16xf32>,
        %get3A_875 = arith.constant 1 : i32
        %get3A_876 = arith.index_cast %get3A_875 : i32 to index
        %get3A_877 = arith.index_cast %add3A_846 : i32 to index
        %get3A_878 = arith.constant 32 : index
        %get3A_879 = tpu.vector_load %arg8[%get3A_876, %get3A_877, %get3A_878] {strides = array<i32>} : memref<2x128x128xf32, #tpu.memory_space<vmem>>, vector<16xf32>,
        %mul3A_880 = arith.mulf %get3A_874, %get3A_879 : vector<16xf32>
        %add3A_881 = arith.addf %add3A_869, %mul3A_880 : vector<16xf32>
        %get3A_882 = arith.constant 1 : i32
        %get3A_883 = arith.index_cast %get3A_882 : i32 to index
        %get3A_884 = arith.index_cast %add3A_846 : i32 to index
        %get3A_885 = arith.constant 48 : index
        %get3A_886 = tpu.vector_load %arg7[%get3A_883, %get3A_884, %get3A_885] {strides = array<i32>} : memref<2x128x128xf32, #tpu.memory_space<vmem>>, vector<16xf32>,
        %get3A_887 = arith.constant 1 : i32
        %get3A_888 = arith.index_cast %get3A_887 : i32 to index
        %get3A_889 = arith.index_cast %add3A_846 : i32 to index
        %get3A_890 = arith.constant 48 : index
        %get3A_891 = tpu.vector_load %arg8[%get3A_888, %get3A_889, %get3A_890] {strides = array<i32>} : memref<2x128x128xf32, #tpu.memory_space<vmem>>, vector<16xf32>,
        %mul3A_892 = arith.mulf %get3A_886, %get3A_891 : vector<16xf32>
        %add3A_893 = arith.addf %add3A_881, %mul3A_892 : vector<16xf32>
        %get3A_894 = arith.constant 1 : i32
        %get3A_895 = arith.index_cast %get3A_894 : i32 to index
        %get3A_896 = arith.index_cast %add3A_846 : i32 to index
        %get3A_897 = arith.constant 64 : index
        %get3A_898 = tpu.vector_load %arg7[%get3A_895, %get3A_896, %get3A_897] {strides = array<i32>} : memref<2x128x128xf32, #tpu.memory_space<vmem>>, vector<16xf32>,
        %get3A_899 = arith.constant 1 : i32
        %get3A_900 = arith.index_cast %get3A_899 : i32 to index
        %get3A_901 = arith.index_cast %add3A_846 : i32 to index
        %get3A_902 = arith.constant 64 : index
        %get3A_903 = tpu.vector_load %arg8[%get3A_900, %get3A_901, %get3A_902] {strides = array<i32>} : memref<2x128x128xf32, #tpu.memory_space<vmem>>, vector<16xf32>,
        %mul3A_904 = arith.mulf %get3A_898, %get3A_903 : vector<16xf32>
        %add3A_905 = arith.addf %add3A_893, %mul3A_904 : vector<16xf32>
        %get3A_906 = arith.constant 1 : i32
        %get3A_907 = arith.index_cast %get3A_906 : i32 to index
        %get3A_908 = arith.index_cast %add3A_846 : i32 to index
        %get3A_909 = arith.constant 80 : index
        %get3A_910 = tpu.vector_load %arg7[%get3A_907, %get3A_908, %get3A_909] {strides = array<i32>} : memref<2x128x128xf32, #tpu.memory_space<vmem>>, vector<16xf32>,
        %get3A_911 = arith.constant 1 : i32
        %get3A_912 = arith.index_cast %get3A_911 : i32 to index
        %get3A_913 = arith.index_cast %add3A_846 : i32 to index
        %get3A_914 = arith.constant 80 : index
        %get3A_915 = tpu.vector_load %arg8[%get3A_912, %get3A_913, %get3A_914] {strides = array<i32>} : memref<2x128x128xf32, #tpu.memory_space<vmem>>, vector<16xf32>,
        %mul3A_916 = arith.mulf %get3A_910, %get3A_915 : vector<16xf32>
        %add3A_917 = arith.addf %add3A_905, %mul3A_916 : vector<16xf32>
        %get3A_918 = arith.constant 1 : i32
        %get3A_919 = arith.index_cast %get3A_918 : i32 to index
        %get3A_920 = arith.index_cast %add3A_846 : i32 to index
        %get3A_921 = arith.constant 96 : index
        %get3A_922 = tpu.vector_load %arg7[%get3A_919, %get3A_920, %get3A_921] {strides = array<i32>} : memref<2x128x128xf32, #tpu.memory_space<vmem>>, vector<16xf32>,
        %get3A_923 = arith.constant 1 : i32
        %get3A_924 = arith.index_cast %get3A_923 : i32 to index
        %get3A_925 = arith.index_cast %add3A_846 : i32 to index
        %get3A_926 = arith.constant 96 : index
        %get3A_927 = tpu.vector_load %arg8[%get3A_924, %get3A_925, %get3A_926] {strides = array<i32>} : memref<2x128x128xf32, #tpu.memory_space<vmem>>, vector<16xf32>,
        %mul3A_928 = arith.mulf %get3A_922, %get3A_927 : vector<16xf32>
        %add3A_929 = arith.addf %add3A_917, %mul3A_928 : vector<16xf32>
        %get3A_930 = arith.constant 1 : i32
        %get3A_931 = arith.index_cast %get3A_930 : i32 to index
        %get3A_932 = arith.index_cast %add3A_846 : i32 to index
        %get3A_933 = arith.constant 112 : index
        %get3A_934 = tpu.vector_load %arg7[%get3A_931, %get3A_932, %get3A_933] {strides = array<i32>} : memref<2x128x128xf32, #tpu.memory_space<vmem>>, vector<16xf32>,
        %get3A_935 = arith.constant 1 : i32
        %get3A_936 = arith.index_cast %get3A_935 : i32 to index
        %get3A_937 = arith.index_cast %add3A_846 : i32 to index
        %get3A_938 = arith.constant 112 : index
        %get3A_939 = tpu.vector_load %arg8[%get3A_936, %get3A_937, %get3A_938] {strides = array<i32>} : memref<2x128x128xf32, #tpu.memory_space<vmem>>, vector<16xf32>,
        %mul3A_940 = arith.mulf %get3A_934, %get3A_939 : vector<16xf32>
        %add3A_941 = arith.addf %add3A_929, %mul3A_940 : vector<16xf32>
        %eq3A_942 = arith.constant 6 : i32
        %eq3A_943 = vector.broadcast %eq3A_942 : i32 to vector<16xi32>
        %eq3A_944 = arith.cmpi eq, %iota3A, %eq3A_943 : vector<16xi32>
        %reduce_sum3A_945 = arith.constant true
        %reduce_sum3A_946 = vector.broadcast %reduce_sum3A_945 : i1 to vector<16xi1>
        %reduce_sum3A_947 = tpu.scan <sum>, %add3A_941 masked %reduce_sum3A_946 : vector<16xf32>, vector<16xi1> -> vector<16xf32>
        %reduce_sum3A_948 = vector.extract %reduce_sum3A_947[15] : f32 from vector<16xf32>
        %broadcast_in_dim3A_949 = vector.broadcast %reduce_sum3A_948 : f32 to vector<16xf32>
        %select_n3A_950 = arith.select %eq3A_944, %broadcast_in_dim3A_949, %select_n3A_842 : vector<16xi1>, vector<16xf32>
        %mul3A_951 = arith.constant 16 : i32
        %mul3A_952 = arith.muli %scan3A_197, %mul3A_951 : i32
        %add3A_953 = arith.constant 7 : i32
        %add3A_954 = arith.addi %mul3A_952, %add3A_953 : i32
        %get3A_955 = arith.constant 1 : i32
        %get3A_956 = arith.index_cast %get3A_955 : i32 to index
        %get3A_957 = arith.index_cast %add3A_954 : i32 to index
        %get3A_958 = arith.constant 0 : index
        %get3A_959 = tpu.vector_load %arg7[%get3A_956, %get3A_957, %get3A_958] {strides = array<i32>} : memref<2x128x128xf32, #tpu.memory_space<vmem>>, vector<16xf32>,
        %get3A_960 = arith.constant 1 : i32
        %get3A_961 = arith.index_cast %get3A_960 : i32 to index
        %get3A_962 = arith.index_cast %add3A_954 : i32 to index
        %get3A_963 = arith.constant 0 : index
        %get3A_964 = tpu.vector_load %arg8[%get3A_961, %get3A_962, %get3A_963] {strides = array<i32>} : memref<2x128x128xf32, #tpu.memory_space<vmem>>, vector<16xf32>,
        %mul3A_965 = arith.mulf %get3A_959, %get3A_964 : vector<16xf32>
        %get3A_966 = arith.constant 1 : i32
        %get3A_967 = arith.index_cast %get3A_966 : i32 to index
        %get3A_968 = arith.index_cast %add3A_954 : i32 to index
        %get3A_969 = arith.constant 16 : index
        %get3A_970 = tpu.vector_load %arg7[%get3A_967, %get3A_968, %get3A_969] {strides = array<i32>} : memref<2x128x128xf32, #tpu.memory_space<vmem>>, vector<16xf32>,
        %get3A_971 = arith.constant 1 : i32
        %get3A_972 = arith.index_cast %get3A_971 : i32 to index
        %get3A_973 = arith.index_cast %add3A_954 : i32 to index
        %get3A_974 = arith.constant 16 : index
        %get3A_975 = tpu.vector_load %arg8[%get3A_972, %get3A_973, %get3A_974] {strides = array<i32>} : memref<2x128x128xf32, #tpu.memory_space<vmem>>, vector<16xf32>,
        %mul3A_976 = arith.mulf %get3A_970, %get3A_975 : vector<16xf32>
        %add3A_977 = arith.addf %mul3A_965, %mul3A_976 : vector<16xf32>
        %get3A_978 = arith.constant 1 : i32
        %get3A_979 = arith.index_cast %get3A_978 : i32 to index
        %get3A_980 = arith.index_cast %add3A_954 : i32 to index
        %get3A_981 = arith.constant 32 : index
        %get3A_982 = tpu.vector_load %arg7[%get3A_979, %get3A_980, %get3A_981] {strides = array<i32>} : memref<2x128x128xf32, #tpu.memory_space<vmem>>, vector<16xf32>,
        %get3A_983 = arith.constant 1 : i32
        %get3A_984 = arith.index_cast %get3A_983 : i32 to index
        %get3A_985 = arith.index_cast %add3A_954 : i32 to index
        %get3A_986 = arith.constant 32 : index
        %get3A_987 = tpu.vector_load %arg8[%get3A_984, %get3A_985, %get3A_986] {strides = array<i32>} : memref<2x128x128xf32, #tpu.memory_space<vmem>>, vector<16xf32>,
        %mul3A_988 = arith.mulf %get3A_982, %get3A_987 : vector<16xf32>
        %add3A_989 = arith.addf %add3A_977, %mul3A_988 : vector<16xf32>
        %get3A_990 = arith.constant 1 : i32
        %get3A_991 = arith.index_cast %get3A_990 : i32 to index
        %get3A_992 = arith.index_cast %add3A_954 : i32 to index
        %get3A_993 = arith.constant 48 : index
        %get3A_994 = tpu.vector_load %arg7[%get3A_991, %get3A_992, %get3A_993] {strides = array<i32>} : memref<2x128x128xf32, #tpu.memory_space<vmem>>, vector<16xf32>,
        %get3A_995 = arith.constant 1 : i32
        %get3A_996 = arith.index_cast %get3A_995 : i32 to index
        %get3A_997 = arith.index_cast %add3A_954 : i32 to index
        %get3A_998 = arith.constant 48 : index
        %get3A_999 = tpu.vector_load %arg8[%get3A_996, %get3A_997, %get3A_998] {strides = array<i32>} : memref<2x128x128xf32, #tpu.memory_space<vmem>>, vector<16xf32>,
        %mul3A_1000 = arith.mulf %get3A_994, %get3A_999 : vector<16xf32>
        %add3A_1001 = arith.addf %add3A_989, %mul3A_1000 : vector<16xf32>
        %get3A_1002 = arith.constant 1 : i32
        %get3A_1003 = arith.index_cast %get3A_1002 : i32 to index
        %get3A_1004 = arith.index_cast %add3A_954 : i32 to index
        %get3A_1005 = arith.constant 64 : index
        %get3A_1006 = tpu.vector_load %arg7[%get3A_1003, %get3A_1004, %get3A_1005] {strides = array<i32>} : memref<2x128x128xf32, #tpu.memory_space<vmem>>, vector<16xf32>,
        %get3A_1007 = arith.constant 1 : i32
        %get3A_1008 = arith.index_cast %get3A_1007 : i32 to index
        %get3A_1009 = arith.index_cast %add3A_954 : i32 to index
        %get3A_1010 = arith.constant 64 : index
        %get3A_1011 = tpu.vector_load %arg8[%get3A_1008, %get3A_1009, %get3A_1010] {strides = array<i32>} : memref<2x128x128xf32, #tpu.memory_space<vmem>>, vector<16xf32>,
        %mul3A_1012 = arith.mulf %get3A_1006, %get3A_1011 : vector<16xf32>
        %add3A_1013 = arith.addf %add3A_1001, %mul3A_1012 : vector<16xf32>
        %get3A_1014 = arith.constant 1 : i32
        %get3A_1015 = arith.index_cast %get3A_1014 : i32 to index
        %get3A_1016 = arith.index_cast %add3A_954 : i32 to index
        %get3A_1017 = arith.constant 80 : index
        %get3A_1018 = tpu.vector_load %arg7[%get3A_1015, %get3A_1016, %get3A_1017] {strides = array<i32>} : memref<2x128x128xf32, #tpu.memory_space<vmem>>, vector<16xf32>,
        %get3A_1019 = arith.constant 1 : i32
        %get3A_1020 = arith.index_cast %get3A_1019 : i32 to index
        %get3A_1021 = arith.index_cast %add3A_954 : i32 to index
        %get3A_1022 = arith.constant 80 : index
        %get3A_1023 = tpu.vector_load %arg8[%get3A_1020, %get3A_1021, %get3A_1022] {strides = array<i32>} : memref<2x128x128xf32, #tpu.memory_space<vmem>>, vector<16xf32>,
        %mul3A_1024 = arith.mulf %get3A_1018, %get3A_1023 : vector<16xf32>
        %add3A_1025 = arith.addf %add3A_1013, %mul3A_1024 : vector<16xf32>
        %get3A_1026 = arith.constant 1 : i32
        %get3A_1027 = arith.index_cast %get3A_1026 : i32 to index
        %get3A_1028 = arith.index_cast %add3A_954 : i32 to index
        %get3A_1029 = arith.constant 96 : index
        %get3A_1030 = tpu.vector_load %arg7[%get3A_1027, %get3A_1028, %get3A_1029] {strides = array<i32>} : memref<2x128x128xf32, #tpu.memory_space<vmem>>, vector<16xf32>,
        %get3A_1031 = arith.constant 1 : i32
        %get3A_1032 = arith.index_cast %get3A_1031 : i32 to index
        %get3A_1033 = arith.index_cast %add3A_954 : i32 to index
        %get3A_1034 = arith.constant 96 : index
        %get3A_1035 = tpu.vector_load %arg8[%get3A_1032, %get3A_1033, %get3A_1034] {strides = array<i32>} : memref<2x128x128xf32, #tpu.memory_space<vmem>>, vector<16xf32>,
        %mul3A_1036 = arith.mulf %get3A_1030, %get3A_1035 : vector<16xf32>
        %add3A_1037 = arith.addf %add3A_1025, %mul3A_1036 : vector<16xf32>
        %get3A_1038 = arith.constant 1 : i32
        %get3A_1039 = arith.index_cast %get3A_1038 : i32 to index
        %get3A_1040 = arith.index_cast %add3A_954 : i32 to index
        %get3A_1041 = arith.constant 112 : index
        %get3A_1042 = tpu.vector_load %arg7[%get3A_1039, %get3A_1040, %get3A_1041] {strides = array<i32>} : memref<2x128x128xf32, #tpu.memory_space<vmem>>, vector<16xf32>,
        %get3A_1043 = arith.constant 1 : i32
        %get3A_1044 = arith.index_cast %get3A_1043 : i32 to index
        %get3A_1045 = arith.index_cast %add3A_954 : i32 to index
        %get3A_1046 = arith.constant 112 : index
        %get3A_1047 = tpu.vector_load %arg8[%get3A_1044, %get3A_1045, %get3A_1046] {strides = array<i32>} : memref<2x128x128xf32, #tpu.memory_space<vmem>>, vector<16xf32>,
        %mul3A_1048 = arith.mulf %get3A_1042, %get3A_1047 : vector<16xf32>
        %add3A_1049 = arith.addf %add3A_1037, %mul3A_1048 : vector<16xf32>
        %eq3A_1050 = arith.constant 7 : i32
        %eq3A_1051 = vector.broadcast %eq3A_1050 : i32 to vector<16xi32>
        %eq3A_1052 = arith.cmpi eq, %iota3A, %eq3A_1051 : vector<16xi32>
        %reduce_sum3A_1053 = arith.constant true
        %reduce_sum3A_1054 = vector.broadcast %reduce_sum3A_1053 : i1 to vector<16xi1>
        %reduce_sum3A_1055 = tpu.scan <sum>, %add3A_1049 masked %reduce_sum3A_1054 : vector<16xf32>, vector<16xi1> -> vector<16xf32>
        %reduce_sum3A_1056 = vector.extract %reduce_sum3A_1055[15] : f32 from vector<16xf32>
        %broadcast_in_dim3A_1057 = vector.broadcast %reduce_sum3A_1056 : f32 to vector<16xf32>
        %select_n3A_1058 = arith.select %eq3A_1052, %broadcast_in_dim3A_1057, %select_n3A_950 : vector<16xi1>, vector<16xf32>
        %mul3A_1059 = arith.constant 16 : i32
        %mul3A_1060 = arith.muli %scan3A_197, %mul3A_1059 : i32
        %add3A_1061 = arith.constant 8 : i32
        %add3A_1062 = arith.addi %mul3A_1060, %add3A_1061 : i32
        %get3A_1063 = arith.constant 1 : i32
        %get3A_1064 = arith.index_cast %get3A_1063 : i32 to index
        %get3A_1065 = arith.index_cast %add3A_1062 : i32 to index
        %get3A_1066 = arith.constant 0 : index
        %get3A_1067 = tpu.vector_load %arg7[%get3A_1064, %get3A_1065, %get3A_1066] {strides = array<i32>} : memref<2x128x128xf32, #tpu.memory_space<vmem>>, vector<16xf32>,
        %get3A_1068 = arith.constant 1 : i32
        %get3A_1069 = arith.index_cast %get3A_1068 : i32 to index
        %get3A_1070 = arith.index_cast %add3A_1062 : i32 to index
        %get3A_1071 = arith.constant 0 : index
        %get3A_1072 = tpu.vector_load %arg8[%get3A_1069, %get3A_1070, %get3A_1071] {strides = array<i32>} : memref<2x128x128xf32, #tpu.memory_space<vmem>>, vector<16xf32>,
        %mul3A_1073 = arith.mulf %get3A_1067, %get3A_1072 : vector<16xf32>
        %get3A_1074 = arith.constant 1 : i32
        %get3A_1075 = arith.index_cast %get3A_1074 : i32 to index
        %get3A_1076 = arith.index_cast %add3A_1062 : i32 to index
        %get3A_1077 = arith.constant 16 : index
        %get3A_1078 = tpu.vector_load %arg7[%get3A_1075, %get3A_1076, %get3A_1077] {strides = array<i32>} : memref<2x128x128xf32, #tpu.memory_space<vmem>>, vector<16xf32>,
        %get3A_1079 = arith.constant 1 : i32
        %get3A_1080 = arith.index_cast %get3A_1079 : i32 to index
        %get3A_1081 = arith.index_cast %add3A_1062 : i32 to index
        %get3A_1082 = arith.constant 16 : index
        %get3A_1083 = tpu.vector_load %arg8[%get3A_1080, %get3A_1081, %get3A_1082] {strides = array<i32>} : memref<2x128x128xf32, #tpu.memory_space<vmem>>, vector<16xf32>,
        %mul3A_1084 = arith.mulf %get3A_1078, %get3A_1083 : vector<16xf32>
        %add3A_1085 = arith.addf %mul3A_1073, %mul3A_1084 : vector<16xf32>
        %get3A_1086 = arith.constant 1 : i32
        %get3A_1087 = arith.index_cast %get3A_1086 : i32 to index
        %get3A_1088 = arith.index_cast %add3A_1062 : i32 to index
        %get3A_1089 = arith.constant 32 : index
        %get3A_1090 = tpu.vector_load %arg7[%get3A_1087, %get3A_1088, %get3A_1089] {strides = array<i32>} : memref<2x128x128xf32, #tpu.memory_space<vmem>>, vector<16xf32>,
        %get3A_1091 = arith.constant 1 : i32
        %get3A_1092 = arith.index_cast %get3A_1091 : i32 to index
        %get3A_1093 = arith.index_cast %add3A_1062 : i32 to index
        %get3A_1094 = arith.constant 32 : index
        %get3A_1095 = tpu.vector_load %arg8[%get3A_1092, %get3A_1093, %get3A_1094] {strides = array<i32>} : memref<2x128x128xf32, #tpu.memory_space<vmem>>, vector<16xf32>,
        %mul3A_1096 = arith.mulf %get3A_1090, %get3A_1095 : vector<16xf32>
        %add3A_1097 = arith.addf %add3A_1085, %mul3A_1096 : vector<16xf32>
        %get3A_1098 = arith.constant 1 : i32
        %get3A_1099 = arith.index_cast %get3A_1098 : i32 to index
        %get3A_1100 = arith.index_cast %add3A_1062 : i32 to index
        %get3A_1101 = arith.constant 48 : index
        %get3A_1102 = tpu.vector_load %arg7[%get3A_1099, %get3A_1100, %get3A_1101] {strides = array<i32>} : memref<2x128x128xf32, #tpu.memory_space<vmem>>, vector<16xf32>,
        %get3A_1103 = arith.constant 1 : i32
        %get3A_1104 = arith.index_cast %get3A_1103 : i32 to index
        %get3A_1105 = arith.index_cast %add3A_1062 : i32 to index
        %get3A_1106 = arith.constant 48 : index
        %get3A_1107 = tpu.vector_load %arg8[%get3A_1104, %get3A_1105, %get3A_1106] {strides = array<i32>} : memref<2x128x128xf32, #tpu.memory_space<vmem>>, vector<16xf32>,
        %mul3A_1108 = arith.mulf %get3A_1102, %get3A_1107 : vector<16xf32>
        %add3A_1109 = arith.addf %add3A_1097, %mul3A_1108 : vector<16xf32>
        %get3A_1110 = arith.constant 1 : i32
        %get3A_1111 = arith.index_cast %get3A_1110 : i32 to index
        %get3A_1112 = arith.index_cast %add3A_1062 : i32 to index
        %get3A_1113 = arith.constant 64 : index
        %get3A_1114 = tpu.vector_load %arg7[%get3A_1111, %get3A_1112, %get3A_1113] {strides = array<i32>} : memref<2x128x128xf32, #tpu.memory_space<vmem>>, vector<16xf32>,
        %get3A_1115 = arith.constant 1 : i32
        %get3A_1116 = arith.index_cast %get3A_1115 : i32 to index
        %get3A_1117 = arith.index_cast %add3A_1062 : i32 to index
        %get3A_1118 = arith.constant 64 : index
        %get3A_1119 = tpu.vector_load %arg8[%get3A_1116, %get3A_1117, %get3A_1118] {strides = array<i32>} : memref<2x128x128xf32, #tpu.memory_space<vmem>>, vector<16xf32>,
        %mul3A_1120 = arith.mulf %get3A_1114, %get3A_1119 : vector<16xf32>
        %add3A_1121 = arith.addf %add3A_1109, %mul3A_1120 : vector<16xf32>
        %get3A_1122 = arith.constant 1 : i32
        %get3A_1123 = arith.index_cast %get3A_1122 : i32 to index
        %get3A_1124 = arith.index_cast %add3A_1062 : i32 to index
        %get3A_1125 = arith.constant 80 : index
        %get3A_1126 = tpu.vector_load %arg7[%get3A_1123, %get3A_1124, %get3A_1125] {strides = array<i32>} : memref<2x128x128xf32, #tpu.memory_space<vmem>>, vector<16xf32>,
        %get3A_1127 = arith.constant 1 : i32
        %get3A_1128 = arith.index_cast %get3A_1127 : i32 to index
        %get3A_1129 = arith.index_cast %add3A_1062 : i32 to index
        %get3A_1130 = arith.constant 80 : index
        %get3A_1131 = tpu.vector_load %arg8[%get3A_1128, %get3A_1129, %get3A_1130] {strides = array<i32>} : memref<2x128x128xf32, #tpu.memory_space<vmem>>, vector<16xf32>,
        %mul3A_1132 = arith.mulf %get3A_1126, %get3A_1131 : vector<16xf32>
        %add3A_1133 = arith.addf %add3A_1121, %mul3A_1132 : vector<16xf32>
        %get3A_1134 = arith.constant 1 : i32
        %get3A_1135 = arith.index_cast %get3A_1134 : i32 to index
        %get3A_1136 = arith.index_cast %add3A_1062 : i32 to index
        %get3A_1137 = arith.constant 96 : index
        %get3A_1138 = tpu.vector_load %arg7[%get3A_1135, %get3A_1136, %get3A_1137] {strides = array<i32>} : memref<2x128x128xf32, #tpu.memory_space<vmem>>, vector<16xf32>,
        %get3A_1139 = arith.constant 1 : i32
        %get3A_1140 = arith.index_cast %get3A_1139 : i32 to index
        %get3A_1141 = arith.index_cast %add3A_1062 : i32 to index
        %get3A_1142 = arith.constant 96 : index
        %get3A_1143 = tpu.vector_load %arg8[%get3A_1140, %get3A_1141, %get3A_1142] {strides = array<i32>} : memref<2x128x128xf32, #tpu.memory_space<vmem>>, vector<16xf32>,
        %mul3A_1144 = arith.mulf %get3A_1138, %get3A_1143 : vector<16xf32>
        %add3A_1145 = arith.addf %add3A_1133, %mul3A_1144 : vector<16xf32>
        %get3A_1146 = arith.constant 1 : i32
        %get3A_1147 = arith.index_cast %get3A_1146 : i32 to index
        %get3A_1148 = arith.index_cast %add3A_1062 : i32 to index
        %get3A_1149 = arith.constant 112 : index
        %get3A_1150 = tpu.vector_load %arg7[%get3A_1147, %get3A_1148, %get3A_1149] {strides = array<i32>} : memref<2x128x128xf32, #tpu.memory_space<vmem>>, vector<16xf32>,
        %get3A_1151 = arith.constant 1 : i32
        %get3A_1152 = arith.index_cast %get3A_1151 : i32 to index
        %get3A_1153 = arith.index_cast %add3A_1062 : i32 to index
        %get3A_1154 = arith.constant 112 : index
        %get3A_1155 = tpu.vector_load %arg8[%get3A_1152, %get3A_1153, %get3A_1154] {strides = array<i32>} : memref<2x128x128xf32, #tpu.memory_space<vmem>>, vector<16xf32>,
        %mul3A_1156 = arith.mulf %get3A_1150, %get3A_1155 : vector<16xf32>
        %add3A_1157 = arith.addf %add3A_1145, %mul3A_1156 : vector<16xf32>
        %eq3A_1158 = arith.constant 8 : i32
        %eq3A_1159 = vector.broadcast %eq3A_1158 : i32 to vector<16xi32>
        %eq3A_1160 = arith.cmpi eq, %iota3A, %eq3A_1159 : vector<16xi32>
        %reduce_sum3A_1161 = arith.constant true
        %reduce_sum3A_1162 = vector.broadcast %reduce_sum3A_1161 : i1 to vector<16xi1>
        %reduce_sum3A_1163 = tpu.scan <sum>, %add3A_1157 masked %reduce_sum3A_1162 : vector<16xf32>, vector<16xi1> -> vector<16xf32>
        %reduce_sum3A_1164 = vector.extract %reduce_sum3A_1163[15] : f32 from vector<16xf32>
        %broadcast_in_dim3A_1165 = vector.broadcast %reduce_sum3A_1164 : f32 to vector<16xf32>
        %select_n3A_1166 = arith.select %eq3A_1160, %broadcast_in_dim3A_1165, %select_n3A_1058 : vector<16xi1>, vector<16xf32>
        %mul3A_1167 = arith.constant 16 : i32
        %mul3A_1168 = arith.muli %scan3A_197, %mul3A_1167 : i32
        %add3A_1169 = arith.constant 9 : i32
        %add3A_1170 = arith.addi %mul3A_1168, %add3A_1169 : i32
        %get3A_1171 = arith.constant 1 : i32
        %get3A_1172 = arith.index_cast %get3A_1171 : i32 to index
        %get3A_1173 = arith.index_cast %add3A_1170 : i32 to index
        %get3A_1174 = arith.constant 0 : index
        %get3A_1175 = tpu.vector_load %arg7[%get3A_1172, %get3A_1173, %get3A_1174] {strides = array<i32>} : memref<2x128x128xf32, #tpu.memory_space<vmem>>, vector<16xf32>,
        %get3A_1176 = arith.constant 1 : i32
        %get3A_1177 = arith.index_cast %get3A_1176 : i32 to index
        %get3A_1178 = arith.index_cast %add3A_1170 : i32 to index
        %get3A_1179 = arith.constant 0 : index
        %get3A_1180 = tpu.vector_load %arg8[%get3A_1177, %get3A_1178, %get3A_1179] {strides = array<i32>} : memref<2x128x128xf32, #tpu.memory_space<vmem>>, vector<16xf32>,
        %mul3A_1181 = arith.mulf %get3A_1175, %get3A_1180 : vector<16xf32>
        %get3A_1182 = arith.constant 1 : i32
        %get3A_1183 = arith.index_cast %get3A_1182 : i32 to index
        %get3A_1184 = arith.index_cast %add3A_1170 : i32 to index
        %get3A_1185 = arith.constant 16 : index
        %get3A_1186 = tpu.vector_load %arg7[%get3A_1183, %get3A_1184, %get3A_1185] {strides = array<i32>} : memref<2x128x128xf32, #tpu.memory_space<vmem>>, vector<16xf32>,
        %get3A_1187 = arith.constant 1 : i32
        %get3A_1188 = arith.index_cast %get3A_1187 : i32 to index
        %get3A_1189 = arith.index_cast %add3A_1170 : i32 to index
        %get3A_1190 = arith.constant 16 : index
        %get3A_1191 = tpu.vector_load %arg8[%get3A_1188, %get3A_1189, %get3A_1190] {strides = array<i32>} : memref<2x128x128xf32, #tpu.memory_space<vmem>>, vector<16xf32>,
        %mul3A_1192 = arith.mulf %get3A_1186, %get3A_1191 : vector<16xf32>
        %add3A_1193 = arith.addf %mul3A_1181, %mul3A_1192 : vector<16xf32>
        %get3A_1194 = arith.constant 1 : i32
        %get3A_1195 = arith.index_cast %get3A_1194 : i32 to index
        %get3A_1196 = arith.index_cast %add3A_1170 : i32 to index
        %get3A_1197 = arith.constant 32 : index
        %get3A_1198 = tpu.vector_load %arg7[%get3A_1195, %get3A_1196, %get3A_1197] {strides = array<i32>} : memref<2x128x128xf32, #tpu.memory_space<vmem>>, vector<16xf32>,
        %get3A_1199 = arith.constant 1 : i32
        %get3A_1200 = arith.index_cast %get3A_1199 : i32 to index
        %get3A_1201 = arith.index_cast %add3A_1170 : i32 to index
        %get3A_1202 = arith.constant 32 : index
        %get3A_1203 = tpu.vector_load %arg8[%get3A_1200, %get3A_1201, %get3A_1202] {strides = array<i32>} : memref<2x128x128xf32, #tpu.memory_space<vmem>>, vector<16xf32>,
        %mul3A_1204 = arith.mulf %get3A_1198, %get3A_1203 : vector<16xf32>
        %add3A_1205 = arith.addf %add3A_1193, %mul3A_1204 : vector<16xf32>
        %get3A_1206 = arith.constant 1 : i32
        %get3A_1207 = arith.index_cast %get3A_1206 : i32 to index
        %get3A_1208 = arith.index_cast %add3A_1170 : i32 to index
        %get3A_1209 = arith.constant 48 : index
        %get3A_1210 = tpu.vector_load %arg7[%get3A_1207, %get3A_1208, %get3A_1209] {strides = array<i32>} : memref<2x128x128xf32, #tpu.memory_space<vmem>>, vector<16xf32>,
        %get3A_1211 = arith.constant 1 : i32
        %get3A_1212 = arith.index_cast %get3A_1211 : i32 to index
        %get3A_1213 = arith.index_cast %add3A_1170 : i32 to index
        %get3A_1214 = arith.constant 48 : index
        %get3A_1215 = tpu.vector_load %arg8[%get3A_1212, %get3A_1213, %get3A_1214] {strides = array<i32>} : memref<2x128x128xf32, #tpu.memory_space<vmem>>, vector<16xf32>,
        %mul3A_1216 = arith.mulf %get3A_1210, %get3A_1215 : vector<16xf32>
        %add3A_1217 = arith.addf %add3A_1205, %mul3A_1216 : vector<16xf32>
        %get3A_1218 = arith.constant 1 : i32
        %get3A_1219 = arith.index_cast %get3A_1218 : i32 to index
        %get3A_1220 = arith.index_cast %add3A_1170 : i32 to index
        %get3A_1221 = arith.constant 64 : index
        %get3A_1222 = tpu.vector_load %arg7[%get3A_1219, %get3A_1220, %get3A_1221] {strides = array<i32>} : memref<2x128x128xf32, #tpu.memory_space<vmem>>, vector<16xf32>,
        %get3A_1223 = arith.constant 1 : i32
        %get3A_1224 = arith.index_cast %get3A_1223 : i32 to index
        %get3A_1225 = arith.index_cast %add3A_1170 : i32 to index
        %get3A_1226 = arith.constant 64 : index
        %get3A_1227 = tpu.vector_load %arg8[%get3A_1224, %get3A_1225, %get3A_1226] {strides = array<i32>} : memref<2x128x128xf32, #tpu.memory_space<vmem>>, vector<16xf32>,
        %mul3A_1228 = arith.mulf %get3A_1222, %get3A_1227 : vector<16xf32>
        %add3A_1229 = arith.addf %add3A_1217, %mul3A_1228 : vector<16xf32>
        %get3A_1230 = arith.constant 1 : i32
        %get3A_1231 = arith.index_cast %get3A_1230 : i32 to index
        %get3A_1232 = arith.index_cast %add3A_1170 : i32 to index
        %get3A_1233 = arith.constant 80 : index
        %get3A_1234 = tpu.vector_load %arg7[%get3A_1231, %get3A_1232, %get3A_1233] {strides = array<i32>} : memref<2x128x128xf32, #tpu.memory_space<vmem>>, vector<16xf32>,
        %get3A_1235 = arith.constant 1 : i32
        %get3A_1236 = arith.index_cast %get3A_1235 : i32 to index
        %get3A_1237 = arith.index_cast %add3A_1170 : i32 to index
        %get3A_1238 = arith.constant 80 : index
        %get3A_1239 = tpu.vector_load %arg8[%get3A_1236, %get3A_1237, %get3A_1238] {strides = array<i32>} : memref<2x128x128xf32, #tpu.memory_space<vmem>>, vector<16xf32>,
        %mul3A_1240 = arith.mulf %get3A_1234, %get3A_1239 : vector<16xf32>
        %add3A_1241 = arith.addf %add3A_1229, %mul3A_1240 : vector<16xf32>
        %get3A_1242 = arith.constant 1 : i32
        %get3A_1243 = arith.index_cast %get3A_1242 : i32 to index
        %get3A_1244 = arith.index_cast %add3A_1170 : i32 to index
        %get3A_1245 = arith.constant 96 : index
        %get3A_1246 = tpu.vector_load %arg7[%get3A_1243, %get3A_1244, %get3A_1245] {strides = array<i32>} : memref<2x128x128xf32, #tpu.memory_space<vmem>>, vector<16xf32>,
        %get3A_1247 = arith.constant 1 : i32
        %get3A_1248 = arith.index_cast %get3A_1247 : i32 to index
        %get3A_1249 = arith.index_cast %add3A_1170 : i32 to index
        %get3A_1250 = arith.constant 96 : index
        %get3A_1251 = tpu.vector_load %arg8[%get3A_1248, %get3A_1249, %get3A_1250] {strides = array<i32>} : memref<2x128x128xf32, #tpu.memory_space<vmem>>, vector<16xf32>,
        %mul3A_1252 = arith.mulf %get3A_1246, %get3A_1251 : vector<16xf32>
        %add3A_1253 = arith.addf %add3A_1241, %mul3A_1252 : vector<16xf32>
        %get3A_1254 = arith.constant 1 : i32
        %get3A_1255 = arith.index_cast %get3A_1254 : i32 to index
        %get3A_1256 = arith.index_cast %add3A_1170 : i32 to index
        %get3A_1257 = arith.constant 112 : index
        %get3A_1258 = tpu.vector_load %arg7[%get3A_1255, %get3A_1256, %get3A_1257] {strides = array<i32>} : memref<2x128x128xf32, #tpu.memory_space<vmem>>, vector<16xf32>,
        %get3A_1259 = arith.constant 1 : i32
        %get3A_1260 = arith.index_cast %get3A_1259 : i32 to index
        %get3A_1261 = arith.index_cast %add3A_1170 : i32 to index
        %get3A_1262 = arith.constant 112 : index
        %get3A_1263 = tpu.vector_load %arg8[%get3A_1260, %get3A_1261, %get3A_1262] {strides = array<i32>} : memref<2x128x128xf32, #tpu.memory_space<vmem>>, vector<16xf32>,
        %mul3A_1264 = arith.mulf %get3A_1258, %get3A_1263 : vector<16xf32>
        %add3A_1265 = arith.addf %add3A_1253, %mul3A_1264 : vector<16xf32>
        %eq3A_1266 = arith.constant 9 : i32
        %eq3A_1267 = vector.broadcast %eq3A_1266 : i32 to vector<16xi32>
        %eq3A_1268 = arith.cmpi eq, %iota3A, %eq3A_1267 : vector<16xi32>
        %reduce_sum3A_1269 = arith.constant true
        %reduce_sum3A_1270 = vector.broadcast %reduce_sum3A_1269 : i1 to vector<16xi1>
        %reduce_sum3A_1271 = tpu.scan <sum>, %add3A_1265 masked %reduce_sum3A_1270 : vector<16xf32>, vector<16xi1> -> vector<16xf32>
        %reduce_sum3A_1272 = vector.extract %reduce_sum3A_1271[15] : f32 from vector<16xf32>
        %broadcast_in_dim3A_1273 = vector.broadcast %reduce_sum3A_1272 : f32 to vector<16xf32>
        %select_n3A_1274 = arith.select %eq3A_1268, %broadcast_in_dim3A_1273, %select_n3A_1166 : vector<16xi1>, vector<16xf32>
        %mul3A_1275 = arith.constant 16 : i32
        %mul3A_1276 = arith.muli %scan3A_197, %mul3A_1275 : i32
        %add3A_1277 = arith.constant 10 : i32
        %add3A_1278 = arith.addi %mul3A_1276, %add3A_1277 : i32
        %get3A_1279 = arith.constant 1 : i32
        %get3A_1280 = arith.index_cast %get3A_1279 : i32 to index
        %get3A_1281 = arith.index_cast %add3A_1278 : i32 to index
        %get3A_1282 = arith.constant 0 : index
        %get3A_1283 = tpu.vector_load %arg7[%get3A_1280, %get3A_1281, %get3A_1282] {strides = array<i32>} : memref<2x128x128xf32, #tpu.memory_space<vmem>>, vector<16xf32>,
        %get3A_1284 = arith.constant 1 : i32
        %get3A_1285 = arith.index_cast %get3A_1284 : i32 to index
        %get3A_1286 = arith.index_cast %add3A_1278 : i32 to index
        %get3A_1287 = arith.constant 0 : index
        %get3A_1288 = tpu.vector_load %arg8[%get3A_1285, %get3A_1286, %get3A_1287] {strides = array<i32>} : memref<2x128x128xf32, #tpu.memory_space<vmem>>, vector<16xf32>,
        %mul3A_1289 = arith.mulf %get3A_1283, %get3A_1288 : vector<16xf32>
        %get3A_1290 = arith.constant 1 : i32
        %get3A_1291 = arith.index_cast %get3A_1290 : i32 to index
        %get3A_1292 = arith.index_cast %add3A_1278 : i32 to index
        %get3A_1293 = arith.constant 16 : index
        %get3A_1294 = tpu.vector_load %arg7[%get3A_1291, %get3A_1292, %get3A_1293] {strides = array<i32>} : memref<2x128x128xf32, #tpu.memory_space<vmem>>, vector<16xf32>,
        %get3A_1295 = arith.constant 1 : i32
        %get3A_1296 = arith.index_cast %get3A_1295 : i32 to index
        %get3A_1297 = arith.index_cast %add3A_1278 : i32 to index
        %get3A_1298 = arith.constant 16 : index
        %get3A_1299 = tpu.vector_load %arg8[%get3A_1296, %get3A_1297, %get3A_1298] {strides = array<i32>} : memref<2x128x128xf32, #tpu.memory_space<vmem>>, vector<16xf32>,
        %mul3A_1300 = arith.mulf %get3A_1294, %get3A_1299 : vector<16xf32>
        %add3A_1301 = arith.addf %mul3A_1289, %mul3A_1300 : vector<16xf32>
        %get3A_1302 = arith.constant 1 : i32
        %get3A_1303 = arith.index_cast %get3A_1302 : i32 to index
        %get3A_1304 = arith.index_cast %add3A_1278 : i32 to index
        %get3A_1305 = arith.constant 32 : index
        %get3A_1306 = tpu.vector_load %arg7[%get3A_1303, %get3A_1304, %get3A_1305] {strides = array<i32>} : memref<2x128x128xf32, #tpu.memory_space<vmem>>, vector<16xf32>,
        %get3A_1307 = arith.constant 1 : i32
        %get3A_1308 = arith.index_cast %get3A_1307 : i32 to index
        %get3A_1309 = arith.index_cast %add3A_1278 : i32 to index
        %get3A_1310 = arith.constant 32 : index
        %get3A_1311 = tpu.vector_load %arg8[%get3A_1308, %get3A_1309, %get3A_1310] {strides = array<i32>} : memref<2x128x128xf32, #tpu.memory_space<vmem>>, vector<16xf32>,
        %mul3A_1312 = arith.mulf %get3A_1306, %get3A_1311 : vector<16xf32>
        %add3A_1313 = arith.addf %add3A_1301, %mul3A_1312 : vector<16xf32>
        %get3A_1314 = arith.constant 1 : i32
        %get3A_1315 = arith.index_cast %get3A_1314 : i32 to index
        %get3A_1316 = arith.index_cast %add3A_1278 : i32 to index
        %get3A_1317 = arith.constant 48 : index
        %get3A_1318 = tpu.vector_load %arg7[%get3A_1315, %get3A_1316, %get3A_1317] {strides = array<i32>} : memref<2x128x128xf32, #tpu.memory_space<vmem>>, vector<16xf32>,
        %get3A_1319 = arith.constant 1 : i32
        %get3A_1320 = arith.index_cast %get3A_1319 : i32 to index
        %get3A_1321 = arith.index_cast %add3A_1278 : i32 to index
        %get3A_1322 = arith.constant 48 : index
        %get3A_1323 = tpu.vector_load %arg8[%get3A_1320, %get3A_1321, %get3A_1322] {strides = array<i32>} : memref<2x128x128xf32, #tpu.memory_space<vmem>>, vector<16xf32>,
        %mul3A_1324 = arith.mulf %get3A_1318, %get3A_1323 : vector<16xf32>
        %add3A_1325 = arith.addf %add3A_1313, %mul3A_1324 : vector<16xf32>
        %get3A_1326 = arith.constant 1 : i32
        %get3A_1327 = arith.index_cast %get3A_1326 : i32 to index
        %get3A_1328 = arith.index_cast %add3A_1278 : i32 to index
        %get3A_1329 = arith.constant 64 : index
        %get3A_1330 = tpu.vector_load %arg7[%get3A_1327, %get3A_1328, %get3A_1329] {strides = array<i32>} : memref<2x128x128xf32, #tpu.memory_space<vmem>>, vector<16xf32>,
        %get3A_1331 = arith.constant 1 : i32
        %get3A_1332 = arith.index_cast %get3A_1331 : i32 to index
        %get3A_1333 = arith.index_cast %add3A_1278 : i32 to index
        %get3A_1334 = arith.constant 64 : index
        %get3A_1335 = tpu.vector_load %arg8[%get3A_1332, %get3A_1333, %get3A_1334] {strides = array<i32>} : memref<2x128x128xf32, #tpu.memory_space<vmem>>, vector<16xf32>,
        %mul3A_1336 = arith.mulf %get3A_1330, %get3A_1335 : vector<16xf32>
        %add3A_1337 = arith.addf %add3A_1325, %mul3A_1336 : vector<16xf32>
        %get3A_1338 = arith.constant 1 : i32
        %get3A_1339 = arith.index_cast %get3A_1338 : i32 to index
        %get3A_1340 = arith.index_cast %add3A_1278 : i32 to index
        %get3A_1341 = arith.constant 80 : index
        %get3A_1342 = tpu.vector_load %arg7[%get3A_1339, %get3A_1340, %get3A_1341] {strides = array<i32>} : memref<2x128x128xf32, #tpu.memory_space<vmem>>, vector<16xf32>,
        %get3A_1343 = arith.constant 1 : i32
        %get3A_1344 = arith.index_cast %get3A_1343 : i32 to index
        %get3A_1345 = arith.index_cast %add3A_1278 : i32 to index
        %get3A_1346 = arith.constant 80 : index
        %get3A_1347 = tpu.vector_load %arg8[%get3A_1344, %get3A_1345, %get3A_1346] {strides = array<i32>} : memref<2x128x128xf32, #tpu.memory_space<vmem>>, vector<16xf32>,
        %mul3A_1348 = arith.mulf %get3A_1342, %get3A_1347 : vector<16xf32>
        %add3A_1349 = arith.addf %add3A_1337, %mul3A_1348 : vector<16xf32>
        %get3A_1350 = arith.constant 1 : i32
        %get3A_1351 = arith.index_cast %get3A_1350 : i32 to index
        %get3A_1352 = arith.index_cast %add3A_1278 : i32 to index
        %get3A_1353 = arith.constant 96 : index
        %get3A_1354 = tpu.vector_load %arg7[%get3A_1351, %get3A_1352, %get3A_1353] {strides = array<i32>} : memref<2x128x128xf32, #tpu.memory_space<vmem>>, vector<16xf32>,
        %get3A_1355 = arith.constant 1 : i32
        %get3A_1356 = arith.index_cast %get3A_1355 : i32 to index
        %get3A_1357 = arith.index_cast %add3A_1278 : i32 to index
        %get3A_1358 = arith.constant 96 : index
        %get3A_1359 = tpu.vector_load %arg8[%get3A_1356, %get3A_1357, %get3A_1358] {strides = array<i32>} : memref<2x128x128xf32, #tpu.memory_space<vmem>>, vector<16xf32>,
        %mul3A_1360 = arith.mulf %get3A_1354, %get3A_1359 : vector<16xf32>
        %add3A_1361 = arith.addf %add3A_1349, %mul3A_1360 : vector<16xf32>
        %get3A_1362 = arith.constant 1 : i32
        %get3A_1363 = arith.index_cast %get3A_1362 : i32 to index
        %get3A_1364 = arith.index_cast %add3A_1278 : i32 to index
        %get3A_1365 = arith.constant 112 : index
        %get3A_1366 = tpu.vector_load %arg7[%get3A_1363, %get3A_1364, %get3A_1365] {strides = array<i32>} : memref<2x128x128xf32, #tpu.memory_space<vmem>>, vector<16xf32>,
        %get3A_1367 = arith.constant 1 : i32
        %get3A_1368 = arith.index_cast %get3A_1367 : i32 to index
        %get3A_1369 = arith.index_cast %add3A_1278 : i32 to index
        %get3A_1370 = arith.constant 112 : index
        %get3A_1371 = tpu.vector_load %arg8[%get3A_1368, %get3A_1369, %get3A_1370] {strides = array<i32>} : memref<2x128x128xf32, #tpu.memory_space<vmem>>, vector<16xf32>,
        %mul3A_1372 = arith.mulf %get3A_1366, %get3A_1371 : vector<16xf32>
        %add3A_1373 = arith.addf %add3A_1361, %mul3A_1372 : vector<16xf32>
        %eq3A_1374 = arith.constant 10 : i32
        %eq3A_1375 = vector.broadcast %eq3A_1374 : i32 to vector<16xi32>
        %eq3A_1376 = arith.cmpi eq, %iota3A, %eq3A_1375 : vector<16xi32>
        %reduce_sum3A_1377 = arith.constant true
        %reduce_sum3A_1378 = vector.broadcast %reduce_sum3A_1377 : i1 to vector<16xi1>
        %reduce_sum3A_1379 = tpu.scan <sum>, %add3A_1373 masked %reduce_sum3A_1378 : vector<16xf32>, vector<16xi1> -> vector<16xf32>
        %reduce_sum3A_1380 = vector.extract %reduce_sum3A_1379[15] : f32 from vector<16xf32>
        %broadcast_in_dim3A_1381 = vector.broadcast %reduce_sum3A_1380 : f32 to vector<16xf32>
        %select_n3A_1382 = arith.select %eq3A_1376, %broadcast_in_dim3A_1381, %select_n3A_1274 : vector<16xi1>, vector<16xf32>
        %mul3A_1383 = arith.constant 16 : i32
        %mul3A_1384 = arith.muli %scan3A_197, %mul3A_1383 : i32
        %add3A_1385 = arith.constant 11 : i32
        %add3A_1386 = arith.addi %mul3A_1384, %add3A_1385 : i32
        %get3A_1387 = arith.constant 1 : i32
        %get3A_1388 = arith.index_cast %get3A_1387 : i32 to index
        %get3A_1389 = arith.index_cast %add3A_1386 : i32 to index
        %get3A_1390 = arith.constant 0 : index
        %get3A_1391 = tpu.vector_load %arg7[%get3A_1388, %get3A_1389, %get3A_1390] {strides = array<i32>} : memref<2x128x128xf32, #tpu.memory_space<vmem>>, vector<16xf32>,
        %get3A_1392 = arith.constant 1 : i32
        %get3A_1393 = arith.index_cast %get3A_1392 : i32 to index
        %get3A_1394 = arith.index_cast %add3A_1386 : i32 to index
        %get3A_1395 = arith.constant 0 : index
        %get3A_1396 = tpu.vector_load %arg8[%get3A_1393, %get3A_1394, %get3A_1395] {strides = array<i32>} : memref<2x128x128xf32, #tpu.memory_space<vmem>>, vector<16xf32>,
        %mul3A_1397 = arith.mulf %get3A_1391, %get3A_1396 : vector<16xf32>
        %get3A_1398 = arith.constant 1 : i32
        %get3A_1399 = arith.index_cast %get3A_1398 : i32 to index
        %get3A_1400 = arith.index_cast %add3A_1386 : i32 to index
        %get3A_1401 = arith.constant 16 : index
        %get3A_1402 = tpu.vector_load %arg7[%get3A_1399, %get3A_1400, %get3A_1401] {strides = array<i32>} : memref<2x128x128xf32, #tpu.memory_space<vmem>>, vector<16xf32>,
        %get3A_1403 = arith.constant 1 : i32
        %get3A_1404 = arith.index_cast %get3A_1403 : i32 to index
        %get3A_1405 = arith.index_cast %add3A_1386 : i32 to index
        %get3A_1406 = arith.constant 16 : index
        %get3A_1407 = tpu.vector_load %arg8[%get3A_1404, %get3A_1405, %get3A_1406] {strides = array<i32>} : memref<2x128x128xf32, #tpu.memory_space<vmem>>, vector<16xf32>,
        %mul3A_1408 = arith.mulf %get3A_1402, %get3A_1407 : vector<16xf32>
        %add3A_1409 = arith.addf %mul3A_1397, %mul3A_1408 : vector<16xf32>
        %get3A_1410 = arith.constant 1 : i32
        %get3A_1411 = arith.index_cast %get3A_1410 : i32 to index
        %get3A_1412 = arith.index_cast %add3A_1386 : i32 to index
        %get3A_1413 = arith.constant 32 : index
        %get3A_1414 = tpu.vector_load %arg7[%get3A_1411, %get3A_1412, %get3A_1413] {strides = array<i32>} : memref<2x128x128xf32, #tpu.memory_space<vmem>>, vector<16xf32>,
        %get3A_1415 = arith.constant 1 : i32
        %get3A_1416 = arith.index_cast %get3A_1415 : i32 to index
        %get3A_1417 = arith.index_cast %add3A_1386 : i32 to index
        %get3A_1418 = arith.constant 32 : index
        %get3A_1419 = tpu.vector_load %arg8[%get3A_1416, %get3A_1417, %get3A_1418] {strides = array<i32>} : memref<2x128x128xf32, #tpu.memory_space<vmem>>, vector<16xf32>,
        %mul3A_1420 = arith.mulf %get3A_1414, %get3A_1419 : vector<16xf32>
        %add3A_1421 = arith.addf %add3A_1409, %mul3A_1420 : vector<16xf32>
        %get3A_1422 = arith.constant 1 : i32
        %get3A_1423 = arith.index_cast %get3A_1422 : i32 to index
        %get3A_1424 = arith.index_cast %add3A_1386 : i32 to index
        %get3A_1425 = arith.constant 48 : index
        %get3A_1426 = tpu.vector_load %arg7[%get3A_1423, %get3A_1424, %get3A_1425] {strides = array<i32>} : memref<2x128x128xf32, #tpu.memory_space<vmem>>, vector<16xf32>,
        %get3A_1427 = arith.constant 1 : i32
        %get3A_1428 = arith.index_cast %get3A_1427 : i32 to index
        %get3A_1429 = arith.index_cast %add3A_1386 : i32 to index
        %get3A_1430 = arith.constant 48 : index
        %get3A_1431 = tpu.vector_load %arg8[%get3A_1428, %get3A_1429, %get3A_1430] {strides = array<i32>} : memref<2x128x128xf32, #tpu.memory_space<vmem>>, vector<16xf32>,
        %mul3A_1432 = arith.mulf %get3A_1426, %get3A_1431 : vector<16xf32>
        %add3A_1433 = arith.addf %add3A_1421, %mul3A_1432 : vector<16xf32>
        %get3A_1434 = arith.constant 1 : i32
        %get3A_1435 = arith.index_cast %get3A_1434 : i32 to index
        %get3A_1436 = arith.index_cast %add3A_1386 : i32 to index
        %get3A_1437 = arith.constant 64 : index
        %get3A_1438 = tpu.vector_load %arg7[%get3A_1435, %get3A_1436, %get3A_1437] {strides = array<i32>} : memref<2x128x128xf32, #tpu.memory_space<vmem>>, vector<16xf32>,
        %get3A_1439 = arith.constant 1 : i32
        %get3A_1440 = arith.index_cast %get3A_1439 : i32 to index
        %get3A_1441 = arith.index_cast %add3A_1386 : i32 to index
        %get3A_1442 = arith.constant 64 : index
        %get3A_1443 = tpu.vector_load %arg8[%get3A_1440, %get3A_1441, %get3A_1442] {strides = array<i32>} : memref<2x128x128xf32, #tpu.memory_space<vmem>>, vector<16xf32>,
        %mul3A_1444 = arith.mulf %get3A_1438, %get3A_1443 : vector<16xf32>
        %add3A_1445 = arith.addf %add3A_1433, %mul3A_1444 : vector<16xf32>
        %get3A_1446 = arith.constant 1 : i32
        %get3A_1447 = arith.index_cast %get3A_1446 : i32 to index
        %get3A_1448 = arith.index_cast %add3A_1386 : i32 to index
        %get3A_1449 = arith.constant 80 : index
        %get3A_1450 = tpu.vector_load %arg7[%get3A_1447, %get3A_1448, %get3A_1449] {strides = array<i32>} : memref<2x128x128xf32, #tpu.memory_space<vmem>>, vector<16xf32>,
        %get3A_1451 = arith.constant 1 : i32
        %get3A_1452 = arith.index_cast %get3A_1451 : i32 to index
        %get3A_1453 = arith.index_cast %add3A_1386 : i32 to index
        %get3A_1454 = arith.constant 80 : index
        %get3A_1455 = tpu.vector_load %arg8[%get3A_1452, %get3A_1453, %get3A_1454] {strides = array<i32>} : memref<2x128x128xf32, #tpu.memory_space<vmem>>, vector<16xf32>,
        %mul3A_1456 = arith.mulf %get3A_1450, %get3A_1455 : vector<16xf32>
        %add3A_1457 = arith.addf %add3A_1445, %mul3A_1456 : vector<16xf32>
        %get3A_1458 = arith.constant 1 : i32
        %get3A_1459 = arith.index_cast %get3A_1458 : i32 to index
        %get3A_1460 = arith.index_cast %add3A_1386 : i32 to index
        %get3A_1461 = arith.constant 96 : index
        %get3A_1462 = tpu.vector_load %arg7[%get3A_1459, %get3A_1460, %get3A_1461] {strides = array<i32>} : memref<2x128x128xf32, #tpu.memory_space<vmem>>, vector<16xf32>,
        %get3A_1463 = arith.constant 1 : i32
        %get3A_1464 = arith.index_cast %get3A_1463 : i32 to index
        %get3A_1465 = arith.index_cast %add3A_1386 : i32 to index
        %get3A_1466 = arith.constant 96 : index
        %get3A_1467 = tpu.vector_load %arg8[%get3A_1464, %get3A_1465, %get3A_1466] {strides = array<i32>} : memref<2x128x128xf32, #tpu.memory_space<vmem>>, vector<16xf32>,
        %mul3A_1468 = arith.mulf %get3A_1462, %get3A_1467 : vector<16xf32>
        %add3A_1469 = arith.addf %add3A_1457, %mul3A_1468 : vector<16xf32>
        %get3A_1470 = arith.constant 1 : i32
        %get3A_1471 = arith.index_cast %get3A_1470 : i32 to index
        %get3A_1472 = arith.index_cast %add3A_1386 : i32 to index
        %get3A_1473 = arith.constant 112 : index
        %get3A_1474 = tpu.vector_load %arg7[%get3A_1471, %get3A_1472, %get3A_1473] {strides = array<i32>} : memref<2x128x128xf32, #tpu.memory_space<vmem>>, vector<16xf32>,
        %get3A_1475 = arith.constant 1 : i32
        %get3A_1476 = arith.index_cast %get3A_1475 : i32 to index
        %get3A_1477 = arith.index_cast %add3A_1386 : i32 to index
        %get3A_1478 = arith.constant 112 : index
        %get3A_1479 = tpu.vector_load %arg8[%get3A_1476, %get3A_1477, %get3A_1478] {strides = array<i32>} : memref<2x128x128xf32, #tpu.memory_space<vmem>>, vector<16xf32>,
        %mul3A_1480 = arith.mulf %get3A_1474, %get3A_1479 : vector<16xf32>
        %add3A_1481 = arith.addf %add3A_1469, %mul3A_1480 : vector<16xf32>
        %eq3A_1482 = arith.constant 11 : i32
        %eq3A_1483 = vector.broadcast %eq3A_1482 : i32 to vector<16xi32>
        %eq3A_1484 = arith.cmpi eq, %iota3A, %eq3A_1483 : vector<16xi32>
        %reduce_sum3A_1485 = arith.constant true
        %reduce_sum3A_1486 = vector.broadcast %reduce_sum3A_1485 : i1 to vector<16xi1>
        %reduce_sum3A_1487 = tpu.scan <sum>, %add3A_1481 masked %reduce_sum3A_1486 : vector<16xf32>, vector<16xi1> -> vector<16xf32>
        %reduce_sum3A_1488 = vector.extract %reduce_sum3A_1487[15] : f32 from vector<16xf32>
        %broadcast_in_dim3A_1489 = vector.broadcast %reduce_sum3A_1488 : f32 to vector<16xf32>
        %select_n3A_1490 = arith.select %eq3A_1484, %broadcast_in_dim3A_1489, %select_n3A_1382 : vector<16xi1>, vector<16xf32>
        %mul3A_1491 = arith.constant 16 : i32
        %mul3A_1492 = arith.muli %scan3A_197, %mul3A_1491 : i32
        %add3A_1493 = arith.constant 12 : i32
        %add3A_1494 = arith.addi %mul3A_1492, %add3A_1493 : i32
        %get3A_1495 = arith.constant 1 : i32
        %get3A_1496 = arith.index_cast %get3A_1495 : i32 to index
        %get3A_1497 = arith.index_cast %add3A_1494 : i32 to index
        %get3A_1498 = arith.constant 0 : index
        %get3A_1499 = tpu.vector_load %arg7[%get3A_1496, %get3A_1497, %get3A_1498] {strides = array<i32>} : memref<2x128x128xf32, #tpu.memory_space<vmem>>, vector<16xf32>,
        %get3A_1500 = arith.constant 1 : i32
        %get3A_1501 = arith.index_cast %get3A_1500 : i32 to index
        %get3A_1502 = arith.index_cast %add3A_1494 : i32 to index
        %get3A_1503 = arith.constant 0 : index
        %get3A_1504 = tpu.vector_load %arg8[%get3A_1501, %get3A_1502, %get3A_1503] {strides = array<i32>} : memref<2x128x128xf32, #tpu.memory_space<vmem>>, vector<16xf32>,
        %mul3A_1505 = arith.mulf %get3A_1499, %get3A_1504 : vector<16xf32>
        %get3A_1506 = arith.constant 1 : i32
        %get3A_1507 = arith.index_cast %get3A_1506 : i32 to index
        %get3A_1508 = arith.index_cast %add3A_1494 : i32 to index
        %get3A_1509 = arith.constant 16 : index
        %get3A_1510 = tpu.vector_load %arg7[%get3A_1507, %get3A_1508, %get3A_1509] {strides = array<i32>} : memref<2x128x128xf32, #tpu.memory_space<vmem>>, vector<16xf32>,
        %get3A_1511 = arith.constant 1 : i32
        %get3A_1512 = arith.index_cast %get3A_1511 : i32 to index
        %get3A_1513 = arith.index_cast %add3A_1494 : i32 to index
        %get3A_1514 = arith.constant 16 : index
        %get3A_1515 = tpu.vector_load %arg8[%get3A_1512, %get3A_1513, %get3A_1514] {strides = array<i32>} : memref<2x128x128xf32, #tpu.memory_space<vmem>>, vector<16xf32>,
        %mul3A_1516 = arith.mulf %get3A_1510, %get3A_1515 : vector<16xf32>
        %add3A_1517 = arith.addf %mul3A_1505, %mul3A_1516 : vector<16xf32>
        %get3A_1518 = arith.constant 1 : i32
        %get3A_1519 = arith.index_cast %get3A_1518 : i32 to index
        %get3A_1520 = arith.index_cast %add3A_1494 : i32 to index
        %get3A_1521 = arith.constant 32 : index
        %get3A_1522 = tpu.vector_load %arg7[%get3A_1519, %get3A_1520, %get3A_1521] {strides = array<i32>} : memref<2x128x128xf32, #tpu.memory_space<vmem>>, vector<16xf32>,
        %get3A_1523 = arith.constant 1 : i32
        %get3A_1524 = arith.index_cast %get3A_1523 : i32 to index
        %get3A_1525 = arith.index_cast %add3A_1494 : i32 to index
        %get3A_1526 = arith.constant 32 : index
        %get3A_1527 = tpu.vector_load %arg8[%get3A_1524, %get3A_1525, %get3A_1526] {strides = array<i32>} : memref<2x128x128xf32, #tpu.memory_space<vmem>>, vector<16xf32>,
        %mul3A_1528 = arith.mulf %get3A_1522, %get3A_1527 : vector<16xf32>
        %add3A_1529 = arith.addf %add3A_1517, %mul3A_1528 : vector<16xf32>
        %get3A_1530 = arith.constant 1 : i32
        %get3A_1531 = arith.index_cast %get3A_1530 : i32 to index
        %get3A_1532 = arith.index_cast %add3A_1494 : i32 to index
        %get3A_1533 = arith.constant 48 : index
        %get3A_1534 = tpu.vector_load %arg7[%get3A_1531, %get3A_1532, %get3A_1533] {strides = array<i32>} : memref<2x128x128xf32, #tpu.memory_space<vmem>>, vector<16xf32>,
        %get3A_1535 = arith.constant 1 : i32
        %get3A_1536 = arith.index_cast %get3A_1535 : i32 to index
        %get3A_1537 = arith.index_cast %add3A_1494 : i32 to index
        %get3A_1538 = arith.constant 48 : index
        %get3A_1539 = tpu.vector_load %arg8[%get3A_1536, %get3A_1537, %get3A_1538] {strides = array<i32>} : memref<2x128x128xf32, #tpu.memory_space<vmem>>, vector<16xf32>,
        %mul3A_1540 = arith.mulf %get3A_1534, %get3A_1539 : vector<16xf32>
        %add3A_1541 = arith.addf %add3A_1529, %mul3A_1540 : vector<16xf32>
        %get3A_1542 = arith.constant 1 : i32
        %get3A_1543 = arith.index_cast %get3A_1542 : i32 to index
        %get3A_1544 = arith.index_cast %add3A_1494 : i32 to index
        %get3A_1545 = arith.constant 64 : index
        %get3A_1546 = tpu.vector_load %arg7[%get3A_1543, %get3A_1544, %get3A_1545] {strides = array<i32>} : memref<2x128x128xf32, #tpu.memory_space<vmem>>, vector<16xf32>,
        %get3A_1547 = arith.constant 1 : i32
        %get3A_1548 = arith.index_cast %get3A_1547 : i32 to index
        %get3A_1549 = arith.index_cast %add3A_1494 : i32 to index
        %get3A_1550 = arith.constant 64 : index
        %get3A_1551 = tpu.vector_load %arg8[%get3A_1548, %get3A_1549, %get3A_1550] {strides = array<i32>} : memref<2x128x128xf32, #tpu.memory_space<vmem>>, vector<16xf32>,
        %mul3A_1552 = arith.mulf %get3A_1546, %get3A_1551 : vector<16xf32>
        %add3A_1553 = arith.addf %add3A_1541, %mul3A_1552 : vector<16xf32>
        %get3A_1554 = arith.constant 1 : i32
        %get3A_1555 = arith.index_cast %get3A_1554 : i32 to index
        %get3A_1556 = arith.index_cast %add3A_1494 : i32 to index
        %get3A_1557 = arith.constant 80 : index
        %get3A_1558 = tpu.vector_load %arg7[%get3A_1555, %get3A_1556, %get3A_1557] {strides = array<i32>} : memref<2x128x128xf32, #tpu.memory_space<vmem>>, vector<16xf32>,
        %get3A_1559 = arith.constant 1 : i32
        %get3A_1560 = arith.index_cast %get3A_1559 : i32 to index
        %get3A_1561 = arith.index_cast %add3A_1494 : i32 to index
        %get3A_1562 = arith.constant 80 : index
        %get3A_1563 = tpu.vector_load %arg8[%get3A_1560, %get3A_1561, %get3A_1562] {strides = array<i32>} : memref<2x128x128xf32, #tpu.memory_space<vmem>>, vector<16xf32>,
        %mul3A_1564 = arith.mulf %get3A_1558, %get3A_1563 : vector<16xf32>
        %add3A_1565 = arith.addf %add3A_1553, %mul3A_1564 : vector<16xf32>
        %get3A_1566 = arith.constant 1 : i32
        %get3A_1567 = arith.index_cast %get3A_1566 : i32 to index
        %get3A_1568 = arith.index_cast %add3A_1494 : i32 to index
        %get3A_1569 = arith.constant 96 : index
        %get3A_1570 = tpu.vector_load %arg7[%get3A_1567, %get3A_1568, %get3A_1569] {strides = array<i32>} : memref<2x128x128xf32, #tpu.memory_space<vmem>>, vector<16xf32>,
        %get3A_1571 = arith.constant 1 : i32
        %get3A_1572 = arith.index_cast %get3A_1571 : i32 to index
        %get3A_1573 = arith.index_cast %add3A_1494 : i32 to index
        %get3A_1574 = arith.constant 96 : index
        %get3A_1575 = tpu.vector_load %arg8[%get3A_1572, %get3A_1573, %get3A_1574] {strides = array<i32>} : memref<2x128x128xf32, #tpu.memory_space<vmem>>, vector<16xf32>,
        %mul3A_1576 = arith.mulf %get3A_1570, %get3A_1575 : vector<16xf32>
        %add3A_1577 = arith.addf %add3A_1565, %mul3A_1576 : vector<16xf32>
        %get3A_1578 = arith.constant 1 : i32
        %get3A_1579 = arith.index_cast %get3A_1578 : i32 to index
        %get3A_1580 = arith.index_cast %add3A_1494 : i32 to index
        %get3A_1581 = arith.constant 112 : index
        %get3A_1582 = tpu.vector_load %arg7[%get3A_1579, %get3A_1580, %get3A_1581] {strides = array<i32>} : memref<2x128x128xf32, #tpu.memory_space<vmem>>, vector<16xf32>,
        %get3A_1583 = arith.constant 1 : i32
        %get3A_1584 = arith.index_cast %get3A_1583 : i32 to index
        %get3A_1585 = arith.index_cast %add3A_1494 : i32 to index
        %get3A_1586 = arith.constant 112 : index
        %get3A_1587 = tpu.vector_load %arg8[%get3A_1584, %get3A_1585, %get3A_1586] {strides = array<i32>} : memref<2x128x128xf32, #tpu.memory_space<vmem>>, vector<16xf32>,
        %mul3A_1588 = arith.mulf %get3A_1582, %get3A_1587 : vector<16xf32>
        %add3A_1589 = arith.addf %add3A_1577, %mul3A_1588 : vector<16xf32>
        %eq3A_1590 = arith.constant 12 : i32
        %eq3A_1591 = vector.broadcast %eq3A_1590 : i32 to vector<16xi32>
        %eq3A_1592 = arith.cmpi eq, %iota3A, %eq3A_1591 : vector<16xi32>
        %reduce_sum3A_1593 = arith.constant true
        %reduce_sum3A_1594 = vector.broadcast %reduce_sum3A_1593 : i1 to vector<16xi1>
        %reduce_sum3A_1595 = tpu.scan <sum>, %add3A_1589 masked %reduce_sum3A_1594 : vector<16xf32>, vector<16xi1> -> vector<16xf32>
        %reduce_sum3A_1596 = vector.extract %reduce_sum3A_1595[15] : f32 from vector<16xf32>
        %broadcast_in_dim3A_1597 = vector.broadcast %reduce_sum3A_1596 : f32 to vector<16xf32>
        %select_n3A_1598 = arith.select %eq3A_1592, %broadcast_in_dim3A_1597, %select_n3A_1490 : vector<16xi1>, vector<16xf32>
        %mul3A_1599 = arith.constant 16 : i32
        %mul3A_1600 = arith.muli %scan3A_197, %mul3A_1599 : i32
        %add3A_1601 = arith.constant 13 : i32
        %add3A_1602 = arith.addi %mul3A_1600, %add3A_1601 : i32
        %get3A_1603 = arith.constant 1 : i32
        %get3A_1604 = arith.index_cast %get3A_1603 : i32 to index
        %get3A_1605 = arith.index_cast %add3A_1602 : i32 to index
        %get3A_1606 = arith.constant 0 : index
        %get3A_1607 = tpu.vector_load %arg7[%get3A_1604, %get3A_1605, %get3A_1606] {strides = array<i32>} : memref<2x128x128xf32, #tpu.memory_space<vmem>>, vector<16xf32>,
        %get3A_1608 = arith.constant 1 : i32
        %get3A_1609 = arith.index_cast %get3A_1608 : i32 to index
        %get3A_1610 = arith.index_cast %add3A_1602 : i32 to index
        %get3A_1611 = arith.constant 0 : index
        %get3A_1612 = tpu.vector_load %arg8[%get3A_1609, %get3A_1610, %get3A_1611] {strides = array<i32>} : memref<2x128x128xf32, #tpu.memory_space<vmem>>, vector<16xf32>,
        %mul3A_1613 = arith.mulf %get3A_1607, %get3A_1612 : vector<16xf32>
        %get3A_1614 = arith.constant 1 : i32
        %get3A_1615 = arith.index_cast %get3A_1614 : i32 to index
        %get3A_1616 = arith.index_cast %add3A_1602 : i32 to index
        %get3A_1617 = arith.constant 16 : index
        %get3A_1618 = tpu.vector_load %arg7[%get3A_1615, %get3A_1616, %get3A_1617] {strides = array<i32>} : memref<2x128x128xf32, #tpu.memory_space<vmem>>, vector<16xf32>,
        %get3A_1619 = arith.constant 1 : i32
        %get3A_1620 = arith.index_cast %get3A_1619 : i32 to index
        %get3A_1621 = arith.index_cast %add3A_1602 : i32 to index
        %get3A_1622 = arith.constant 16 : index
        %get3A_1623 = tpu.vector_load %arg8[%get3A_1620, %get3A_1621, %get3A_1622] {strides = array<i32>} : memref<2x128x128xf32, #tpu.memory_space<vmem>>, vector<16xf32>,
        %mul3A_1624 = arith.mulf %get3A_1618, %get3A_1623 : vector<16xf32>
        %add3A_1625 = arith.addf %mul3A_1613, %mul3A_1624 : vector<16xf32>
        %get3A_1626 = arith.constant 1 : i32
        %get3A_1627 = arith.index_cast %get3A_1626 : i32 to index
        %get3A_1628 = arith.index_cast %add3A_1602 : i32 to index
        %get3A_1629 = arith.constant 32 : index
        %get3A_1630 = tpu.vector_load %arg7[%get3A_1627, %get3A_1628, %get3A_1629] {strides = array<i32>} : memref<2x128x128xf32, #tpu.memory_space<vmem>>, vector<16xf32>,
        %get3A_1631 = arith.constant 1 : i32
        %get3A_1632 = arith.index_cast %get3A_1631 : i32 to index
        %get3A_1633 = arith.index_cast %add3A_1602 : i32 to index
        %get3A_1634 = arith.constant 32 : index
        %get3A_1635 = tpu.vector_load %arg8[%get3A_1632, %get3A_1633, %get3A_1634] {strides = array<i32>} : memref<2x128x128xf32, #tpu.memory_space<vmem>>, vector<16xf32>,
        %mul3A_1636 = arith.mulf %get3A_1630, %get3A_1635 : vector<16xf32>
        %add3A_1637 = arith.addf %add3A_1625, %mul3A_1636 : vector<16xf32>
        %get3A_1638 = arith.constant 1 : i32
        %get3A_1639 = arith.index_cast %get3A_1638 : i32 to index
        %get3A_1640 = arith.index_cast %add3A_1602 : i32 to index
        %get3A_1641 = arith.constant 48 : index
        %get3A_1642 = tpu.vector_load %arg7[%get3A_1639, %get3A_1640, %get3A_1641] {strides = array<i32>} : memref<2x128x128xf32, #tpu.memory_space<vmem>>, vector<16xf32>,
        %get3A_1643 = arith.constant 1 : i32
        %get3A_1644 = arith.index_cast %get3A_1643 : i32 to index
        %get3A_1645 = arith.index_cast %add3A_1602 : i32 to index
        %get3A_1646 = arith.constant 48 : index
        %get3A_1647 = tpu.vector_load %arg8[%get3A_1644, %get3A_1645, %get3A_1646] {strides = array<i32>} : memref<2x128x128xf32, #tpu.memory_space<vmem>>, vector<16xf32>,
        %mul3A_1648 = arith.mulf %get3A_1642, %get3A_1647 : vector<16xf32>
        %add3A_1649 = arith.addf %add3A_1637, %mul3A_1648 : vector<16xf32>
        %get3A_1650 = arith.constant 1 : i32
        %get3A_1651 = arith.index_cast %get3A_1650 : i32 to index
        %get3A_1652 = arith.index_cast %add3A_1602 : i32 to index
        %get3A_1653 = arith.constant 64 : index
        %get3A_1654 = tpu.vector_load %arg7[%get3A_1651, %get3A_1652, %get3A_1653] {strides = array<i32>} : memref<2x128x128xf32, #tpu.memory_space<vmem>>, vector<16xf32>,
        %get3A_1655 = arith.constant 1 : i32
        %get3A_1656 = arith.index_cast %get3A_1655 : i32 to index
        %get3A_1657 = arith.index_cast %add3A_1602 : i32 to index
        %get3A_1658 = arith.constant 64 : index
        %get3A_1659 = tpu.vector_load %arg8[%get3A_1656, %get3A_1657, %get3A_1658] {strides = array<i32>} : memref<2x128x128xf32, #tpu.memory_space<vmem>>, vector<16xf32>,
        %mul3A_1660 = arith.mulf %get3A_1654, %get3A_1659 : vector<16xf32>
        %add3A_1661 = arith.addf %add3A_1649, %mul3A_1660 : vector<16xf32>
        %get3A_1662 = arith.constant 1 : i32
        %get3A_1663 = arith.index_cast %get3A_1662 : i32 to index
        %get3A_1664 = arith.index_cast %add3A_1602 : i32 to index
        %get3A_1665 = arith.constant 80 : index
        %get3A_1666 = tpu.vector_load %arg7[%get3A_1663, %get3A_1664, %get3A_1665] {strides = array<i32>} : memref<2x128x128xf32, #tpu.memory_space<vmem>>, vector<16xf32>,
        %get3A_1667 = arith.constant 1 : i32
        %get3A_1668 = arith.index_cast %get3A_1667 : i32 to index
        %get3A_1669 = arith.index_cast %add3A_1602 : i32 to index
        %get3A_1670 = arith.constant 80 : index
        %get3A_1671 = tpu.vector_load %arg8[%get3A_1668, %get3A_1669, %get3A_1670] {strides = array<i32>} : memref<2x128x128xf32, #tpu.memory_space<vmem>>, vector<16xf32>,
        %mul3A_1672 = arith.mulf %get3A_1666, %get3A_1671 : vector<16xf32>
        %add3A_1673 = arith.addf %add3A_1661, %mul3A_1672 : vector<16xf32>
        %get3A_1674 = arith.constant 1 : i32
        %get3A_1675 = arith.index_cast %get3A_1674 : i32 to index
        %get3A_1676 = arith.index_cast %add3A_1602 : i32 to index
        %get3A_1677 = arith.constant 96 : index
        %get3A_1678 = tpu.vector_load %arg7[%get3A_1675, %get3A_1676, %get3A_1677] {strides = array<i32>} : memref<2x128x128xf32, #tpu.memory_space<vmem>>, vector<16xf32>,
        %get3A_1679 = arith.constant 1 : i32
        %get3A_1680 = arith.index_cast %get3A_1679 : i32 to index
        %get3A_1681 = arith.index_cast %add3A_1602 : i32 to index
        %get3A_1682 = arith.constant 96 : index
        %get3A_1683 = tpu.vector_load %arg8[%get3A_1680, %get3A_1681, %get3A_1682] {strides = array<i32>} : memref<2x128x128xf32, #tpu.memory_space<vmem>>, vector<16xf32>,
        %mul3A_1684 = arith.mulf %get3A_1678, %get3A_1683 : vector<16xf32>
        %add3A_1685 = arith.addf %add3A_1673, %mul3A_1684 : vector<16xf32>
        %get3A_1686 = arith.constant 1 : i32
        %get3A_1687 = arith.index_cast %get3A_1686 : i32 to index
        %get3A_1688 = arith.index_cast %add3A_1602 : i32 to index
        %get3A_1689 = arith.constant 112 : index
        %get3A_1690 = tpu.vector_load %arg7[%get3A_1687, %get3A_1688, %get3A_1689] {strides = array<i32>} : memref<2x128x128xf32, #tpu.memory_space<vmem>>, vector<16xf32>,
        %get3A_1691 = arith.constant 1 : i32
        %get3A_1692 = arith.index_cast %get3A_1691 : i32 to index
        %get3A_1693 = arith.index_cast %add3A_1602 : i32 to index
        %get3A_1694 = arith.constant 112 : index
        %get3A_1695 = tpu.vector_load %arg8[%get3A_1692, %get3A_1693, %get3A_1694] {strides = array<i32>} : memref<2x128x128xf32, #tpu.memory_space<vmem>>, vector<16xf32>,
        %mul3A_1696 = arith.mulf %get3A_1690, %get3A_1695 : vector<16xf32>
        %add3A_1697 = arith.addf %add3A_1685, %mul3A_1696 : vector<16xf32>
        %eq3A_1698 = arith.constant 13 : i32
        %eq3A_1699 = vector.broadcast %eq3A_1698 : i32 to vector<16xi32>
        %eq3A_1700 = arith.cmpi eq, %iota3A, %eq3A_1699 : vector<16xi32>
        %reduce_sum3A_1701 = arith.constant true
        %reduce_sum3A_1702 = vector.broadcast %reduce_sum3A_1701 : i1 to vector<16xi1>
        %reduce_sum3A_1703 = tpu.scan <sum>, %add3A_1697 masked %reduce_sum3A_1702 : vector<16xf32>, vector<16xi1> -> vector<16xf32>
        %reduce_sum3A_1704 = vector.extract %reduce_sum3A_1703[15] : f32 from vector<16xf32>
        %broadcast_in_dim3A_1705 = vector.broadcast %reduce_sum3A_1704 : f32 to vector<16xf32>
        %select_n3A_1706 = arith.select %eq3A_1700, %broadcast_in_dim3A_1705, %select_n3A_1598 : vector<16xi1>, vector<16xf32>
        %mul3A_1707 = arith.constant 16 : i32
        %mul3A_1708 = arith.muli %scan3A_197, %mul3A_1707 : i32
        %add3A_1709 = arith.constant 14 : i32
        %add3A_1710 = arith.addi %mul3A_1708, %add3A_1709 : i32
        %get3A_1711 = arith.constant 1 : i32
        %get3A_1712 = arith.index_cast %get3A_1711 : i32 to index
        %get3A_1713 = arith.index_cast %add3A_1710 : i32 to index
        %get3A_1714 = arith.constant 0 : index
        %get3A_1715 = tpu.vector_load %arg7[%get3A_1712, %get3A_1713, %get3A_1714] {strides = array<i32>} : memref<2x128x128xf32, #tpu.memory_space<vmem>>, vector<16xf32>,
        %get3A_1716 = arith.constant 1 : i32
        %get3A_1717 = arith.index_cast %get3A_1716 : i32 to index
        %get3A_1718 = arith.index_cast %add3A_1710 : i32 to index
        %get3A_1719 = arith.constant 0 : index
        %get3A_1720 = tpu.vector_load %arg8[%get3A_1717, %get3A_1718, %get3A_1719] {strides = array<i32>} : memref<2x128x128xf32, #tpu.memory_space<vmem>>, vector<16xf32>,
        %mul3A_1721 = arith.mulf %get3A_1715, %get3A_1720 : vector<16xf32>
        %get3A_1722 = arith.constant 1 : i32
        %get3A_1723 = arith.index_cast %get3A_1722 : i32 to index
        %get3A_1724 = arith.index_cast %add3A_1710 : i32 to index
        %get3A_1725 = arith.constant 16 : index
        %get3A_1726 = tpu.vector_load %arg7[%get3A_1723, %get3A_1724, %get3A_1725] {strides = array<i32>} : memref<2x128x128xf32, #tpu.memory_space<vmem>>, vector<16xf32>,
        %get3A_1727 = arith.constant 1 : i32
        %get3A_1728 = arith.index_cast %get3A_1727 : i32 to index
        %get3A_1729 = arith.index_cast %add3A_1710 : i32 to index
        %get3A_1730 = arith.constant 16 : index
        %get3A_1731 = tpu.vector_load %arg8[%get3A_1728, %get3A_1729, %get3A_1730] {strides = array<i32>} : memref<2x128x128xf32, #tpu.memory_space<vmem>>, vector<16xf32>,
        %mul3A_1732 = arith.mulf %get3A_1726, %get3A_1731 : vector<16xf32>
        %add3A_1733 = arith.addf %mul3A_1721, %mul3A_1732 : vector<16xf32>
        %get3A_1734 = arith.constant 1 : i32
        %get3A_1735 = arith.index_cast %get3A_1734 : i32 to index
        %get3A_1736 = arith.index_cast %add3A_1710 : i32 to index
        %get3A_1737 = arith.constant 32 : index
        %get3A_1738 = tpu.vector_load %arg7[%get3A_1735, %get3A_1736, %get3A_1737] {strides = array<i32>} : memref<2x128x128xf32, #tpu.memory_space<vmem>>, vector<16xf32>,
        %get3A_1739 = arith.constant 1 : i32
        %get3A_1740 = arith.index_cast %get3A_1739 : i32 to index
        %get3A_1741 = arith.index_cast %add3A_1710 : i32 to index
        %get3A_1742 = arith.constant 32 : index
        %get3A_1743 = tpu.vector_load %arg8[%get3A_1740, %get3A_1741, %get3A_1742] {strides = array<i32>} : memref<2x128x128xf32, #tpu.memory_space<vmem>>, vector<16xf32>,
        %mul3A_1744 = arith.mulf %get3A_1738, %get3A_1743 : vector<16xf32>
        %add3A_1745 = arith.addf %add3A_1733, %mul3A_1744 : vector<16xf32>
        %get3A_1746 = arith.constant 1 : i32
        %get3A_1747 = arith.index_cast %get3A_1746 : i32 to index
        %get3A_1748 = arith.index_cast %add3A_1710 : i32 to index
        %get3A_1749 = arith.constant 48 : index
        %get3A_1750 = tpu.vector_load %arg7[%get3A_1747, %get3A_1748, %get3A_1749] {strides = array<i32>} : memref<2x128x128xf32, #tpu.memory_space<vmem>>, vector<16xf32>,
        %get3A_1751 = arith.constant 1 : i32
        %get3A_1752 = arith.index_cast %get3A_1751 : i32 to index
        %get3A_1753 = arith.index_cast %add3A_1710 : i32 to index
        %get3A_1754 = arith.constant 48 : index
        %get3A_1755 = tpu.vector_load %arg8[%get3A_1752, %get3A_1753, %get3A_1754] {strides = array<i32>} : memref<2x128x128xf32, #tpu.memory_space<vmem>>, vector<16xf32>,
        %mul3A_1756 = arith.mulf %get3A_1750, %get3A_1755 : vector<16xf32>
        %add3A_1757 = arith.addf %add3A_1745, %mul3A_1756 : vector<16xf32>
        %get3A_1758 = arith.constant 1 : i32
        %get3A_1759 = arith.index_cast %get3A_1758 : i32 to index
        %get3A_1760 = arith.index_cast %add3A_1710 : i32 to index
        %get3A_1761 = arith.constant 64 : index
        %get3A_1762 = tpu.vector_load %arg7[%get3A_1759, %get3A_1760, %get3A_1761] {strides = array<i32>} : memref<2x128x128xf32, #tpu.memory_space<vmem>>, vector<16xf32>,
        %get3A_1763 = arith.constant 1 : i32
        %get3A_1764 = arith.index_cast %get3A_1763 : i32 to index
        %get3A_1765 = arith.index_cast %add3A_1710 : i32 to index
        %get3A_1766 = arith.constant 64 : index
        %get3A_1767 = tpu.vector_load %arg8[%get3A_1764, %get3A_1765, %get3A_1766] {strides = array<i32>} : memref<2x128x128xf32, #tpu.memory_space<vmem>>, vector<16xf32>,
        %mul3A_1768 = arith.mulf %get3A_1762, %get3A_1767 : vector<16xf32>
        %add3A_1769 = arith.addf %add3A_1757, %mul3A_1768 : vector<16xf32>
        %get3A_1770 = arith.constant 1 : i32
        %get3A_1771 = arith.index_cast %get3A_1770 : i32 to index
        %get3A_1772 = arith.index_cast %add3A_1710 : i32 to index
        %get3A_1773 = arith.constant 80 : index
        %get3A_1774 = tpu.vector_load %arg7[%get3A_1771, %get3A_1772, %get3A_1773] {strides = array<i32>} : memref<2x128x128xf32, #tpu.memory_space<vmem>>, vector<16xf32>,
        %get3A_1775 = arith.constant 1 : i32
        %get3A_1776 = arith.index_cast %get3A_1775 : i32 to index
        %get3A_1777 = arith.index_cast %add3A_1710 : i32 to index
        %get3A_1778 = arith.constant 80 : index
        %get3A_1779 = tpu.vector_load %arg8[%get3A_1776, %get3A_1777, %get3A_1778] {strides = array<i32>} : memref<2x128x128xf32, #tpu.memory_space<vmem>>, vector<16xf32>,
        %mul3A_1780 = arith.mulf %get3A_1774, %get3A_1779 : vector<16xf32>
        %add3A_1781 = arith.addf %add3A_1769, %mul3A_1780 : vector<16xf32>
        %get3A_1782 = arith.constant 1 : i32
        %get3A_1783 = arith.index_cast %get3A_1782 : i32 to index
        %get3A_1784 = arith.index_cast %add3A_1710 : i32 to index
        %get3A_1785 = arith.constant 96 : index
        %get3A_1786 = tpu.vector_load %arg7[%get3A_1783, %get3A_1784, %get3A_1785] {strides = array<i32>} : memref<2x128x128xf32, #tpu.memory_space<vmem>>, vector<16xf32>,
        %get3A_1787 = arith.constant 1 : i32
        %get3A_1788 = arith.index_cast %get3A_1787 : i32 to index
        %get3A_1789 = arith.index_cast %add3A_1710 : i32 to index
        %get3A_1790 = arith.constant 96 : index
        %get3A_1791 = tpu.vector_load %arg8[%get3A_1788, %get3A_1789, %get3A_1790] {strides = array<i32>} : memref<2x128x128xf32, #tpu.memory_space<vmem>>, vector<16xf32>,
        %mul3A_1792 = arith.mulf %get3A_1786, %get3A_1791 : vector<16xf32>
        %add3A_1793 = arith.addf %add3A_1781, %mul3A_1792 : vector<16xf32>
        %get3A_1794 = arith.constant 1 : i32
        %get3A_1795 = arith.index_cast %get3A_1794 : i32 to index
        %get3A_1796 = arith.index_cast %add3A_1710 : i32 to index
        %get3A_1797 = arith.constant 112 : index
        %get3A_1798 = tpu.vector_load %arg7[%get3A_1795, %get3A_1796, %get3A_1797] {strides = array<i32>} : memref<2x128x128xf32, #tpu.memory_space<vmem>>, vector<16xf32>,
        %get3A_1799 = arith.constant 1 : i32
        %get3A_1800 = arith.index_cast %get3A_1799 : i32 to index
        %get3A_1801 = arith.index_cast %add3A_1710 : i32 to index
        %get3A_1802 = arith.constant 112 : index
        %get3A_1803 = tpu.vector_load %arg8[%get3A_1800, %get3A_1801, %get3A_1802] {strides = array<i32>} : memref<2x128x128xf32, #tpu.memory_space<vmem>>, vector<16xf32>,
        %mul3A_1804 = arith.mulf %get3A_1798, %get3A_1803 : vector<16xf32>
        %add3A_1805 = arith.addf %add3A_1793, %mul3A_1804 : vector<16xf32>
        %eq3A_1806 = arith.constant 14 : i32
        %eq3A_1807 = vector.broadcast %eq3A_1806 : i32 to vector<16xi32>
        %eq3A_1808 = arith.cmpi eq, %iota3A, %eq3A_1807 : vector<16xi32>
        %reduce_sum3A_1809 = arith.constant true
        %reduce_sum3A_1810 = vector.broadcast %reduce_sum3A_1809 : i1 to vector<16xi1>
        %reduce_sum3A_1811 = tpu.scan <sum>, %add3A_1805 masked %reduce_sum3A_1810 : vector<16xf32>, vector<16xi1> -> vector<16xf32>
        %reduce_sum3A_1812 = vector.extract %reduce_sum3A_1811[15] : f32 from vector<16xf32>
        %broadcast_in_dim3A_1813 = vector.broadcast %reduce_sum3A_1812 : f32 to vector<16xf32>
        %select_n3A_1814 = arith.select %eq3A_1808, %broadcast_in_dim3A_1813, %select_n3A_1706 : vector<16xi1>, vector<16xf32>
        %mul3A_1815 = arith.constant 16 : i32
        %mul3A_1816 = arith.muli %scan3A_197, %mul3A_1815 : i32
        %add3A_1817 = arith.constant 15 : i32
        %add3A_1818 = arith.addi %mul3A_1816, %add3A_1817 : i32
        %get3A_1819 = arith.constant 1 : i32
        %get3A_1820 = arith.index_cast %get3A_1819 : i32 to index
        %get3A_1821 = arith.index_cast %add3A_1818 : i32 to index
        %get3A_1822 = arith.constant 0 : index
        %get3A_1823 = tpu.vector_load %arg7[%get3A_1820, %get3A_1821, %get3A_1822] {strides = array<i32>} : memref<2x128x128xf32, #tpu.memory_space<vmem>>, vector<16xf32>,
        %get3A_1824 = arith.constant 1 : i32
        %get3A_1825 = arith.index_cast %get3A_1824 : i32 to index
        %get3A_1826 = arith.index_cast %add3A_1818 : i32 to index
        %get3A_1827 = arith.constant 0 : index
        %get3A_1828 = tpu.vector_load %arg8[%get3A_1825, %get3A_1826, %get3A_1827] {strides = array<i32>} : memref<2x128x128xf32, #tpu.memory_space<vmem>>, vector<16xf32>,
        %mul3A_1829 = arith.mulf %get3A_1823, %get3A_1828 : vector<16xf32>
        %get3A_1830 = arith.constant 1 : i32
        %get3A_1831 = arith.index_cast %get3A_1830 : i32 to index
        %get3A_1832 = arith.index_cast %add3A_1818 : i32 to index
        %get3A_1833 = arith.constant 16 : index
        %get3A_1834 = tpu.vector_load %arg7[%get3A_1831, %get3A_1832, %get3A_1833] {strides = array<i32>} : memref<2x128x128xf32, #tpu.memory_space<vmem>>, vector<16xf32>,
        %get3A_1835 = arith.constant 1 : i32
        %get3A_1836 = arith.index_cast %get3A_1835 : i32 to index
        %get3A_1837 = arith.index_cast %add3A_1818 : i32 to index
        %get3A_1838 = arith.constant 16 : index
        %get3A_1839 = tpu.vector_load %arg8[%get3A_1836, %get3A_1837, %get3A_1838] {strides = array<i32>} : memref<2x128x128xf32, #tpu.memory_space<vmem>>, vector<16xf32>,
        %mul3A_1840 = arith.mulf %get3A_1834, %get3A_1839 : vector<16xf32>
        %add3A_1841 = arith.addf %mul3A_1829, %mul3A_1840 : vector<16xf32>
        %get3A_1842 = arith.constant 1 : i32
        %get3A_1843 = arith.index_cast %get3A_1842 : i32 to index
        %get3A_1844 = arith.index_cast %add3A_1818 : i32 to index
        %get3A_1845 = arith.constant 32 : index
        %get3A_1846 = tpu.vector_load %arg7[%get3A_1843, %get3A_1844, %get3A_1845] {strides = array<i32>} : memref<2x128x128xf32, #tpu.memory_space<vmem>>, vector<16xf32>,
        %get3A_1847 = arith.constant 1 : i32
        %get3A_1848 = arith.index_cast %get3A_1847 : i32 to index
        %get3A_1849 = arith.index_cast %add3A_1818 : i32 to index
        %get3A_1850 = arith.constant 32 : index
        %get3A_1851 = tpu.vector_load %arg8[%get3A_1848, %get3A_1849, %get3A_1850] {strides = array<i32>} : memref<2x128x128xf32, #tpu.memory_space<vmem>>, vector<16xf32>,
        %mul3A_1852 = arith.mulf %get3A_1846, %get3A_1851 : vector<16xf32>
        %add3A_1853 = arith.addf %add3A_1841, %mul3A_1852 : vector<16xf32>
        %get3A_1854 = arith.constant 1 : i32
        %get3A_1855 = arith.index_cast %get3A_1854 : i32 to index
        %get3A_1856 = arith.index_cast %add3A_1818 : i32 to index
        %get3A_1857 = arith.constant 48 : index
        %get3A_1858 = tpu.vector_load %arg7[%get3A_1855, %get3A_1856, %get3A_1857] {strides = array<i32>} : memref<2x128x128xf32, #tpu.memory_space<vmem>>, vector<16xf32>,
        %get3A_1859 = arith.constant 1 : i32
        %get3A_1860 = arith.index_cast %get3A_1859 : i32 to index
        %get3A_1861 = arith.index_cast %add3A_1818 : i32 to index
        %get3A_1862 = arith.constant 48 : index
        %get3A_1863 = tpu.vector_load %arg8[%get3A_1860, %get3A_1861, %get3A_1862] {strides = array<i32>} : memref<2x128x128xf32, #tpu.memory_space<vmem>>, vector<16xf32>,
        %mul3A_1864 = arith.mulf %get3A_1858, %get3A_1863 : vector<16xf32>
        %add3A_1865 = arith.addf %add3A_1853, %mul3A_1864 : vector<16xf32>
        %get3A_1866 = arith.constant 1 : i32
        %get3A_1867 = arith.index_cast %get3A_1866 : i32 to index
        %get3A_1868 = arith.index_cast %add3A_1818 : i32 to index
        %get3A_1869 = arith.constant 64 : index
        %get3A_1870 = tpu.vector_load %arg7[%get3A_1867, %get3A_1868, %get3A_1869] {strides = array<i32>} : memref<2x128x128xf32, #tpu.memory_space<vmem>>, vector<16xf32>,
        %get3A_1871 = arith.constant 1 : i32
        %get3A_1872 = arith.index_cast %get3A_1871 : i32 to index
        %get3A_1873 = arith.index_cast %add3A_1818 : i32 to index
        %get3A_1874 = arith.constant 64 : index
        %get3A_1875 = tpu.vector_load %arg8[%get3A_1872, %get3A_1873, %get3A_1874] {strides = array<i32>} : memref<2x128x128xf32, #tpu.memory_space<vmem>>, vector<16xf32>,
        %mul3A_1876 = arith.mulf %get3A_1870, %get3A_1875 : vector<16xf32>
        %add3A_1877 = arith.addf %add3A_1865, %mul3A_1876 : vector<16xf32>
        %get3A_1878 = arith.constant 1 : i32
        %get3A_1879 = arith.index_cast %get3A_1878 : i32 to index
        %get3A_1880 = arith.index_cast %add3A_1818 : i32 to index
        %get3A_1881 = arith.constant 80 : index
        %get3A_1882 = tpu.vector_load %arg7[%get3A_1879, %get3A_1880, %get3A_1881] {strides = array<i32>} : memref<2x128x128xf32, #tpu.memory_space<vmem>>, vector<16xf32>,
        %get3A_1883 = arith.constant 1 : i32
        %get3A_1884 = arith.index_cast %get3A_1883 : i32 to index
        %get3A_1885 = arith.index_cast %add3A_1818 : i32 to index
        %get3A_1886 = arith.constant 80 : index
        %get3A_1887 = tpu.vector_load %arg8[%get3A_1884, %get3A_1885, %get3A_1886] {strides = array<i32>} : memref<2x128x128xf32, #tpu.memory_space<vmem>>, vector<16xf32>,
        %mul3A_1888 = arith.mulf %get3A_1882, %get3A_1887 : vector<16xf32>
        %add3A_1889 = arith.addf %add3A_1877, %mul3A_1888 : vector<16xf32>
        %get3A_1890 = arith.constant 1 : i32
        %get3A_1891 = arith.index_cast %get3A_1890 : i32 to index
        %get3A_1892 = arith.index_cast %add3A_1818 : i32 to index
        %get3A_1893 = arith.constant 96 : index
        %get3A_1894 = tpu.vector_load %arg7[%get3A_1891, %get3A_1892, %get3A_1893] {strides = array<i32>} : memref<2x128x128xf32, #tpu.memory_space<vmem>>, vector<16xf32>,
        %get3A_1895 = arith.constant 1 : i32
        %get3A_1896 = arith.index_cast %get3A_1895 : i32 to index
        %get3A_1897 = arith.index_cast %add3A_1818 : i32 to index
        %get3A_1898 = arith.constant 96 : index
        %get3A_1899 = tpu.vector_load %arg8[%get3A_1896, %get3A_1897, %get3A_1898] {strides = array<i32>} : memref<2x128x128xf32, #tpu.memory_space<vmem>>, vector<16xf32>,
        %mul3A_1900 = arith.mulf %get3A_1894, %get3A_1899 : vector<16xf32>
        %add3A_1901 = arith.addf %add3A_1889, %mul3A_1900 : vector<16xf32>
        %get3A_1902 = arith.constant 1 : i32
        %get3A_1903 = arith.index_cast %get3A_1902 : i32 to index
        %get3A_1904 = arith.index_cast %add3A_1818 : i32 to index
        %get3A_1905 = arith.constant 112 : index
        %get3A_1906 = tpu.vector_load %arg7[%get3A_1903, %get3A_1904, %get3A_1905] {strides = array<i32>} : memref<2x128x128xf32, #tpu.memory_space<vmem>>, vector<16xf32>,
        %get3A_1907 = arith.constant 1 : i32
        %get3A_1908 = arith.index_cast %get3A_1907 : i32 to index
        %get3A_1909 = arith.index_cast %add3A_1818 : i32 to index
        %get3A_1910 = arith.constant 112 : index
        %get3A_1911 = tpu.vector_load %arg8[%get3A_1908, %get3A_1909, %get3A_1910] {strides = array<i32>} : memref<2x128x128xf32, #tpu.memory_space<vmem>>, vector<16xf32>,
        %mul3A_1912 = arith.mulf %get3A_1906, %get3A_1911 : vector<16xf32>
        %add3A_1913 = arith.addf %add3A_1901, %mul3A_1912 : vector<16xf32>
        %eq3A_1914 = arith.constant 15 : i32
        %eq3A_1915 = vector.broadcast %eq3A_1914 : i32 to vector<16xi32>
        %eq3A_1916 = arith.cmpi eq, %iota3A, %eq3A_1915 : vector<16xi32>
        %reduce_sum3A_1917 = arith.constant true
        %reduce_sum3A_1918 = vector.broadcast %reduce_sum3A_1917 : i1 to vector<16xi1>
        %reduce_sum3A_1919 = tpu.scan <sum>, %add3A_1913 masked %reduce_sum3A_1918 : vector<16xf32>, vector<16xi1> -> vector<16xf32>
        %reduce_sum3A_1920 = vector.extract %reduce_sum3A_1919[15] : f32 from vector<16xf32>
        %broadcast_in_dim3A_1921 = vector.broadcast %reduce_sum3A_1920 : f32 to vector<16xf32>
        %select_n3A_1922 = arith.select %eq3A_1916, %broadcast_in_dim3A_1921, %select_n3A_1814 : vector<16xi1>, vector<16xf32>
        %mul3A_1923 = arith.constant 16 : i32
        %mul3A_1924 = arith.muli %scan3A_197, %mul3A_1923 : i32
        %swap3A = arith.constant 1 : i32
        %swap3A_1925 = arith.index_cast %swap3A : i32 to index
        %swap3A_1926 = arith.index_cast %mul3A_1924 : i32 to index
        %swap3A_1927 = tpu.vector_load %arg9[%swap3A_1925, %swap3A_1926] {strides = array<i32>} : memref<2x128xf32, #tpu.memory_space<vmem>>, vector<16xf32>,
        tpu.vector_store %arg9[%swap3A_1925, %swap3A_1926], %select_n3A_1922 {strides = array<i32>} : memref<2x128xf32, #tpu.memory_space<vmem>>, vector<16xf32>,
      }
      %scan3A_177 = arith.constant 8 : i32
      %add3A_178 = arith.addi %mul3A_2, %add3A_140 : i32
      %mul3A_179 = arith.constant 128 : i32
      %mul3A_180 = arith.muli %add3A_178, %mul3A_179 : i32
      %dma_start3A_181 = arith.constant 1 : i32
      %dma_start3A_182 = arith.constant 0 : i32
      %dma_start3A_183 = tpu.memref_slice %arg9[%dma_start3A_181, %dma_start3A_182] : memref<2x128xf32, #tpu.memory_space<vmem>> -> memref<1x128xf32, #tpu.memory_space<vmem>>
      %dma_start3A_184 = tpu.memref_squeeze %dma_start3A_183 : memref<1x128xf32, #tpu.memory_space<vmem>> -> memref<128xf32, #tpu.memory_space<vmem>>
      %dma_start3A_185 = tpu.memref_slice %arg5[%mul3A_180] : memref<327680xf32, #tpu.memory_space<hbm>> -> memref<128xf32, #tpu.memory_space<hbm>>
      %dma_start3A_186 = tpu.memref_slice %arg5[%mul3A_180] : memref<327680xf32, #tpu.memory_space<hbm>> -> memref<128xf32, #tpu.memory_space<hbm>>
      %dma_start3A_187 = arith.constant 0 : i32
      %dma_start3A_188 = tpu.memref_slice %arg9[%dma_start3A_181, %dma_start3A_187] : memref<2x128xf32, #tpu.memory_space<vmem>> -> memref<1x128xf32, #tpu.memory_space<vmem>>
      %dma_start3A_189 = tpu.memref_squeeze %dma_start3A_188 : memref<1x128xf32, #tpu.memory_space<vmem>> -> memref<128xf32, #tpu.memory_space<vmem>>
      tpu.enqueue_dma source(%dma_start3A_189 : memref<128xf32, #tpu.memory_space<vmem>>) target(%dma_start3A_186 : memref<128xf32, #tpu.memory_space<hbm>>) target_semaphore(%arg13 : memref<!tpu.dma_semaphore, #tpu.memory_space<semaphore_mem>>)
      %add3A_190 = arith.constant 2 : i32
      %add3A_191 = arith.addi %add3A_140, %add3A_190 : i32
      %lt3A_192 = arith.constant 80 : i32
      %lt3A_193 = arith.cmpi slt, %add3A_191, %lt3A_192 : i32
      %convert_element_type3A_194 = arith.extui %lt3A_193 : i1 to i32
      %cond3A_195 = arith.constant 0 : i32
      %cond3A_196 = arith.cmpi ne, %convert_element_type3A_194, %cond3A_195 : i32
      scf.if %cond3A_196 {
        %add3A_197 = arith.constant 2 : i32
        %add3A_198 = arith.addi %add3A_140, %add3A_197 : i32
        %dma_start3A_199 = arith.constant 0 : i32
        %dma_start3A_200 = arith.constant 1 : i32
        %dma_start3A_201 = arith.constant 0 : i32
        %dma_start3A_202 = arith.constant 0 : i32
        %dma_start3A_203 = tpu.memref_slice %arg7[%dma_start3A_200, %dma_start3A_201, %dma_start3A_202] : memref<2x128x128xf32, #tpu.memory_space<vmem>> -> memref<1x128x128xf32, #tpu.memory_space<vmem>>
        %dma_start3A_204 = tpu.memref_squeeze %dma_start3A_203 : memref<1x128x128xf32, #tpu.memory_space<vmem>> -> memref<128x128xf32, #tpu.memory_space<vmem>>
        %dma_start3A_205 = arith.constant 0 : i32
        %dma_start3A_206 = tpu.memref_slice %arg6[%add3A_198, %dma_start3A_199, %dma_start3A_205] : memref<80x2x128xi32, #tpu.memory_space<vmem>> -> memref<1x1x128xi32, #tpu.memory_space<vmem>>
        %dma_start3A_207 = tpu.memref_squeeze %dma_start3A_206 : memref<1x1x128xi32, #tpu.memory_space<vmem>> -> memref<128xi32, #tpu.memory_space<vmem>>
        %dma_start3A_208 = arith.constant 0 : i32
        %dma_start3A_209 = arith.constant 0 : i32
        %dma_start3A_210 = tpu.memref_slice %arg2[%dma_start3A_208, %dma_start3A_209] : memref<10000x128xf32, #tpu.memory_space<hbm>> -> memref<10000x128xf32, #tpu.memory_space<hbm>>
        tpu.enqueue_indirect_dma source(%dma_start3A_210 : memref<10000x128xf32, #tpu.memory_space<hbm>>) target(%dma_start3A_204 : memref<128x128xf32, #tpu.memory_space<vmem>>) offsets(%dma_start3A_207 : memref<128xi32, #tpu.memory_space<vmem>>) semaphore(%arg11 : memref<!tpu.dma_semaphore, #tpu.memory_space<semaphore_mem>>)
        %dma_start3A_211 = arith.constant 1 : i32
        %dma_start3A_212 = arith.constant 1 : i32
        %dma_start3A_213 = arith.constant 0 : i32
        %dma_start3A_214 = arith.constant 0 : i32
        %dma_start3A_215 = tpu.memref_slice %arg8[%dma_start3A_212, %dma_start3A_213, %dma_start3A_214] : memref<2x128x128xf32, #tpu.memory_space<vmem>> -> memref<1x128x128xf32, #tpu.memory_space<vmem>>
        %dma_start3A_216 = tpu.memref_squeeze %dma_start3A_215 : memref<1x128x128xf32, #tpu.memory_space<vmem>> -> memref<128x128xf32, #tpu.memory_space<vmem>>
        %dma_start3A_217 = arith.constant 0 : i32
        %dma_start3A_218 = tpu.memref_slice %arg6[%add3A_198, %dma_start3A_211, %dma_start3A_217] : memref<80x2x128xi32, #tpu.memory_space<vmem>> -> memref<1x1x128xi32, #tpu.memory_space<vmem>>
        %dma_start3A_219 = tpu.memref_squeeze %dma_start3A_218 : memref<1x1x128xi32, #tpu.memory_space<vmem>> -> memref<128xi32, #tpu.memory_space<vmem>>
        %dma_start3A_220 = arith.constant 0 : i32
        %dma_start3A_221 = arith.constant 0 : i32
        %dma_start3A_222 = tpu.memref_slice %arg3[%dma_start3A_220, %dma_start3A_221] : memref<10000x128xf32, #tpu.memory_space<hbm>> -> memref<10000x128xf32, #tpu.memory_space<hbm>>
        tpu.enqueue_indirect_dma source(%dma_start3A_222 : memref<10000x128xf32, #tpu.memory_space<hbm>>) target(%dma_start3A_216 : memref<128x128xf32, #tpu.memory_space<vmem>>) offsets(%dma_start3A_219 : memref<128xi32, #tpu.memory_space<vmem>>) semaphore(%arg11 : memref<!tpu.dma_semaphore, #tpu.memory_space<semaphore_mem>>)
      } else {
      }
    }
    %scan3A_58 = arith.constant 40 : i32
    %dma_wait3A = arith.constant 0 : i32
    %dma_wait3A_59 = arith.constant 0 : i32
    %dma_wait3A_60 = tpu.memref_slice %arg9[%dma_wait3A, %dma_wait3A_59] : memref<2x128xf32, #tpu.memory_space<vmem>> -> memref<1x128xf32, #tpu.memory_space<vmem>>
    %dma_wait3A_61 = tpu.memref_squeeze %dma_wait3A_60 : memref<1x128xf32, #tpu.memory_space<vmem>> -> memref<128xf32, #tpu.memory_space<vmem>>
    %dma_wait3A_62 = arith.constant 0 : i32
    %dma_wait3A_63 = tpu.memref_slice %arg5[%dma_wait3A_62] : memref<327680xf32, #tpu.memory_space<hbm>> -> memref<128xf32, #tpu.memory_space<hbm>>
    %dma_wait3A_64 = arith.constant 0 : i32
    %dma_wait3A_65 = tpu.memref_slice %arg5[%dma_wait3A_64] : memref<327680xf32, #tpu.memory_space<hbm>> -> memref<128xf32, #tpu.memory_space<hbm>>
    %dma_wait3A_66 = arith.constant 0 : i32
    %dma_wait3A_67 = tpu.memref_slice %arg9[%dma_wait3A, %dma_wait3A_66] : memref<2x128xf32, #tpu.memory_space<vmem>> -> memref<1x128xf32, #tpu.memory_space<vmem>>
    %dma_wait3A_68 = tpu.memref_squeeze %dma_wait3A_67 : memref<1x128xf32, #tpu.memory_space<vmem>> -> memref<128xf32, #tpu.memory_space<vmem>>
    tpu.wait_dma2 semaphore(%arg12 : memref<!tpu.dma_semaphore, #tpu.memory_space<semaphore_mem>>) src(%dma_wait3A_68 : memref<128xf32, #tpu.memory_space<vmem>>) dst(%dma_wait3A_65 : memref<128xf32, #tpu.memory_space<hbm>>)
    %dma_wait3A_69 = arith.constant 1 : i32
    %dma_wait3A_70 = arith.constant 0 : i32
    %dma_wait3A_71 = tpu.memref_slice %arg9[%dma_wait3A_69, %dma_wait3A_70] : memref<2x128xf32, #tpu.memory_space<vmem>> -> memref<1x128xf32, #tpu.memory_space<vmem>>
    %dma_wait3A_72 = tpu.memref_squeeze %dma_wait3A_71 : memref<1x128xf32, #tpu.memory_space<vmem>> -> memref<128xf32, #tpu.memory_space<vmem>>
    %dma_wait3A_73 = arith.constant 0 : i32
    %dma_wait3A_74 = tpu.memref_slice %arg5[%dma_wait3A_73] : memref<327680xf32, #tpu.memory_space<hbm>> -> memref<128xf32, #tpu.memory_space<hbm>>
    %dma_wait3A_75 = arith.constant 0 : i32
    %dma_wait3A_76 = tpu.memref_slice %arg5[%dma_wait3A_75] : memref<327680xf32, #tpu.memory_space<hbm>> -> memref<128xf32, #tpu.memory_space<hbm>>
    %dma_wait3A_77 = arith.constant 0 : i32
    %dma_wait3A_78 = tpu.memref_slice %arg9[%dma_wait3A_69, %dma_wait3A_77] : memref<2x128xf32, #tpu.memory_space<vmem>> -> memref<1x128xf32, #tpu.memory_space<vmem>>
    %dma_wait3A_79 = tpu.memref_squeeze %dma_wait3A_78 : memref<1x128xf32, #tpu.memory_space<vmem>> -> memref<128xf32, #tpu.memory_space<vmem>>
    tpu.wait_dma2 semaphore(%arg13 : memref<!tpu.dma_semaphore, #tpu.memory_space<semaphore_mem>>) src(%dma_wait3A_79 : memref<128xf32, #tpu.memory_space<vmem>>) dst(%dma_wait3A_76 : memref<128xf32, #tpu.memory_space<hbm>>)
    return
  }
}

module attributes {stable_mosaic.version = 14 : i64} {
  func.func @body(%arg0: memref<10000x128xf32, #tpu.memory_space<vmem>>, %arg1: memref<10000x128xf32, #tpu.memory_space<vmem>>, %arg2: memref<10000x128xf32, #tpu.memory_space<vmem>>, %arg3: memref<10000x128xf32, #tpu.memory_space<vmem>>) attributes {dimension_semantics = [], scalar_prefetch = 0 : i64, scratch_operands = 0 : i64, tpu.core_type = #tpu.core_type<tc>} {
    %get3A = arith.constant 0 : index
    %get3A_0 = arith.constant 0 : index
    %get3A_1 = vector.load %arg0[%get3A, %get3A_0] : memref<10000x128xf32, #tpu.memory_space<vmem>>, vector<10000x128xf32>
    %mul3A = arith.mulf %get3A_1, %get3A_1 : vector<10000x128xf32>
    %reduce_sum3A = arith.constant dense<0.000000e+00> : vector<10000xf32>
    %reduce_sum3A_2 = vector.multi_reduction <add>, %mul3A, %reduce_sum3A [1] : vector<10000x128xf32> to vector<10000xf32>
    %broadcast_in_dim3A = vector.shape_cast %reduce_sum3A_2 : vector<10000xf32> to vector<10000x1xf32>
    %sqrt3A = math.sqrt %broadcast_in_dim3A : vector<10000x1xf32>
    %max3A = arith.constant 9.99999997E-7 : f32
    %max3A_3 = vector.broadcast %max3A : f32 to vector<10000x1xf32>
    %max3A_4 = arith.maximumf %sqrt3A, %max3A_3 : vector<10000x1xf32>
    %div3A = arith.constant 1.000000e+00 : f32
    %div3A_5 = vector.broadcast %div3A : f32 to vector<10000x1xf32>
    %div3A_6 = arith.divf %div3A_5, %max3A_4 : vector<10000x1xf32>
    %mul3A_7 = vector.broadcast %div3A_6 : vector<10000x1xf32> to vector<10000x128xf32>
    %mul3A_8 = arith.mulf %get3A_1, %mul3A_7 : vector<10000x128xf32>
    %swap3A = arith.constant 0 : index
    %swap3A_9 = arith.constant 0 : index
    %swap3A_10 = vector.load %arg2[%swap3A, %swap3A_9] : memref<10000x128xf32, #tpu.memory_space<vmem>>, vector<10000x128xf32>
    tpu.vector_store %arg2[%swap3A, %swap3A_9], %mul3A_8 {strides = array<i32>} : memref<10000x128xf32, #tpu.memory_space<vmem>>, vector<10000x128xf32>,
    %get3A_11 = arith.constant 0 : index
    %get3A_12 = arith.constant 0 : index
    %get3A_13 = vector.load %arg1[%get3A_11, %get3A_12] : memref<10000x128xf32, #tpu.memory_space<vmem>>, vector<10000x128xf32>
    %mul3A_14 = arith.mulf %get3A_13, %get3A_13 : vector<10000x128xf32>
    %reduce_sum3A_15 = arith.constant dense<0.000000e+00> : vector<10000xf32>
    %reduce_sum3A_16 = vector.multi_reduction <add>, %mul3A_14, %reduce_sum3A_15 [1] : vector<10000x128xf32> to vector<10000xf32>
    %broadcast_in_dim3A_17 = vector.shape_cast %reduce_sum3A_16 : vector<10000xf32> to vector<10000x1xf32>
    %sqrt3A_18 = math.sqrt %broadcast_in_dim3A_17 : vector<10000x1xf32>
    %max3A_19 = arith.constant 9.99999997E-7 : f32
    %max3A_20 = vector.broadcast %max3A_19 : f32 to vector<10000x1xf32>
    %max3A_21 = arith.maximumf %sqrt3A_18, %max3A_20 : vector<10000x1xf32>
    %div3A_22 = arith.constant 1.000000e+00 : f32
    %div3A_23 = vector.broadcast %div3A_22 : f32 to vector<10000x1xf32>
    %div3A_24 = arith.divf %div3A_23, %max3A_21 : vector<10000x1xf32>
    %mul3A_25 = vector.broadcast %div3A_24 : vector<10000x1xf32> to vector<10000x128xf32>
    %mul3A_26 = arith.mulf %get3A_13, %mul3A_25 : vector<10000x128xf32>
    %swap3A_27 = arith.constant 0 : index
    %swap3A_28 = arith.constant 0 : index
    %swap3A_29 = vector.load %arg3[%swap3A_27, %swap3A_28] : memref<10000x128xf32, #tpu.memory_space<vmem>>, vector<10000x128xf32>
    tpu.vector_store %arg3[%swap3A_27, %swap3A_28], %mul3A_26 {strides = array<i32>} : memref<10000x128xf32, #tpu.memory_space<vmem>>, vector<10000x128xf32>,
    return
  }
}

</mosaic_0001>

<sc_bundles>
// kernel: kernel.4.cloned.1.call-start
scs
__scs_entry_jumppad:
0x0: {  	(pc) =	sbr.rel $0x88, $3  }
0x1: {  	(tag) =	ssettag $0x0;
	lr =	simm.s32 $0x1  }
0x2: {  	[smem:$0x3F9E] =	sst lr;
	_ =	strace $0xD0000000  }
0x3: {  	_ = 	snop  }
0x4: {  	_ = 	snop  }
0x5: {  	_ = 	snop  }
0x6: {  	_ = 	snop  }
0x7: {  	_ = 	snop  }
__scs_overlays_trampoline_lowered:
0x8: {  	[smem:$0x3FAD] =	sst s0  }
0x9: {  	[smem:$0x3FAE] =	sst s1  }
0xa: {  	[smem:$0x3FAF] =	sst s2  }
0xb: {  	[smem:$0x3FB0] =	sst s3  }
0xc: {  	[smem:$0x3FB1] =	sst s4  }
0xd: {  	[smem:$0x3FB2] =	sst s5  }
0xe: {  	[smem:$0x3FB3] =	sst s6  }
0xf: {  	[smem:$0x3FB4] =	sst s7  }
0x10: {  	[smem:$0x3FB5] =	sst s8  }
0x11: {  	[smem:$0x3FB6] =	sst s9;
	s0 =	simm.s32 @!p0 $0x0  }
0x12: {  	s1 =	sld [smem:$0x3F9C];
	s0 =	simm.s32 @p0 $0x1  }
0x13: {  	[smem:$0x3FB7] =	sst s0;
	s0 =	simm.s32 @!p1 $0x0  }
0x14: {  	s2 =	sld [smem:$0x3F9B];
	s0 =	simm.s32 @p1 $0x1  }
0x15: {  	[smem:$0x3FB8] =	sst s0;
	s0 =	simm.s32 @!p2 $0x0  }
0x16: {  	s3 =	sld [smem:$0x3FDB];
	s0 =	simm.s32 @p2 $0x1  }
0x17: {  	s4 =	simm.s32 $0x1BF5;
	[smem:$0x3FBA] =	sst s0  }
0x18: {  	s0 =	sld [smem:$0x3F9D];
	_ =	swait.ge [sflag:s4], $0x0  }
0x19: {  	s7 =	sld [smem:$0x3F9E]  }
0x1a: {  	s8 =	sadd.s32 $0xFFFFE003, lr  }
0x1b: {  	s9 =	sadd.s32 $0xFFFFFEF7, lr;
	s5 =	simm.s32 $0xFFFFFFFF;
	p2 =	slt.u32 s8, $0xFFFFF086  }
0x1c: {  	p1 =	slt.u32 s9, $0xF7A;
	s5 =	simm.s32 @!p2 $0x0  }
0x1d: {  	s5 =	simm.s32 @p1 $0x1;
	p0 =	seq.s32 s7, s2  }
0x1e: {  	s7 =	smul.u32 @!p0 $0xF7A, s2;
	p2 =	seq.s32 @!p0 s5, $0x0  }
0x1f: {  	s9 =	smul.u32 $0xF7A, s1;
	s8 =	simm.s32 @!p0 $0x1BF5;
	p2 =	por !p2, p0  }
0x20: {  	[sflag:s8] =	ssyncset.s32 @!p0 $0xFFFFF086;
	s6 =	sadd.s32 @!p0 s3, s7;
	s7 =	simm.s32 @!p0 $0x108  }
0x21: {  	s3 =	sadd.s32 s3, s9;
	s6 =	sadd.s32 @!p0 $0x88, s6;
	s7 =	simm.s32 @p2 $0x1082  }
0x22: {  	[simem:s7], [sflag:s8] =	dma.local @!p0 [hbm:s6], $0xF7A  }
0x23: {  	s9 =	sor.u32 $0xD0000000, s2;
	s6 =	simm.s32 $0x108;
	_ =	swait.ge @!p0 [sflag:s8], $0x0  }
0x24: {  	s3 =	sadd.s32 $0x88, s3;
	s6 =	simm.s32 @!p1 $0x1082;
	[sflag:s4] =	ssyncset.s32 $0xFFFFF086  }
0x25: {  	[simem:s6], [sflag:s4] =	dma.local [hbm:s3], $0xF7A  }
0x26: {  	[smem:$0x3F9E] =	sst s1;
	(tag) =	ssettag s2;
	_ =	strace s9  }
0x27: {  	s1 =	sld [smem:$0x3FAE]  }
0x28: {  	s2 =	sld [smem:$0x3FAF]  }
0x29: {  	s4 =	sld [smem:$0x3FB1]  }
0x2a: {  	p0 =	seq.s32 s5, $0x0;
	s5 =	sld [smem:$0x3FB2]  }
0x2b: {  	s6 =	sld [smem:$0x3FB3]  }
0x2c: {  	s7 =	sld [smem:$0x3FB4]  }
0x2d: {  	s3 =	simm.s32 $0x108;
	s8 =	sld [smem:$0x3FB5]  }
0x2e: {  	s3 =	simm.s32 @!p0 $0x1082;
	s9 =	sld [smem:$0x3FB6]  }
0x2f: {  	lr =	sadd.s32 s0, s3;
	s0 =	sld [smem:$0x3FAD]  }
0x30: {  	s3 =	sld [smem:$0x3FB0]  }
0x31: {  	[smem:$0x3FB9] =	sst s10  }
0x32: {  	s10 =	sld [smem:$0x3FB7];
	_ =	sdelay $0x3  }
0x33: {  	p0 =	seq.s32 s10, $0x1;
	s10 =	sld [smem:$0x3FB9];
	_ =	sdelay $0x3  }
0x34: {  	[smem:$0x3FB9] =	sst s10  }
0x35: {  	s10 =	sld [smem:$0x3FB8];
	_ =	sdelay $0x3  }
0x36: {  	p1 =	seq.s32 s10, $0x1;
	s10 =	sld [smem:$0x3FB9];
	_ =	sdelay $0x3  }
0x37: {  	[smem:$0x3FB9] =	sst s10  }
0x38: {  	s10 =	sld [smem:$0x3FBA]  }
0x39: {  	_ = 	snop;
	(pc) =	sbr.ind lr, $3  }
0x3a: {  	_ = 	snop  }
0x3b: {  	_ = 	snop  }
0x3c: {  	p2 =	seq.s32 s10, $0x1;
	s10 =	sld [smem:$0x3FB9]  }
0x3d: {  	_ =	shalt  }
0x3e: {  	_ =	shalt  }
0x3f: {  	_ =	shalt  }
0x40: {  	_ =	shalt  }
0x41: {  	_ =	shalt  }
0x42: {  	_ =	shalt  }
0x43: {  	_ =	shalt  }
0x44: {  	_ =	shalt  }
0x45: {  	_ =	shalt  }
0x46: {  	_ =	shalt  }
0x47: {  	_ =	shalt  }
0x48: {  	_ =	shalt  }
0x49: {  	_ =	shalt  }
0x4a: {  	_ =	shalt  }
0x4b: {  	_ =	shalt  }
0x4c: {  	_ =	shalt  }
0x4d: {  	_ =	shalt  }
0x4e: {  	_ =	shalt  }
0x4f: {  	_ =	shalt  }
0x50: {  	_ =	shalt  }
0x51: {  	_ =	shalt  }
0x52: {  	_ =	shalt  }
0x53: {  	_ =	shalt  }
0x54: {  	_ =	shalt  }
0x55: {  	_ =	shalt  }
0x56: {  	_ =	shalt  }
0x57: {  	_ =	shalt  }
0x58: {  	_ =	shalt  }
0x59: {  	_ =	shalt  }
0x5a: {  	_ =	shalt  }
0x5b: {  	_ =	shalt  }
0x5c: {  	_ =	shalt  }
0x5d: {  	_ =	shalt  }
0x5e: {  	_ =	shalt  }
0x5f: {  	_ =	shalt  }
0x60: {  	_ =	shalt  }
0x61: {  	_ =	shalt  }
0x62: {  	_ =	shalt  }
0x63: {  	_ =	shalt  }
0x64: {  	_ =	shalt  }
0x65: {  	_ =	shalt  }
0x66: {  	_ =	shalt  }
0x67: {  	_ =	shalt  }
0x68: {  	_ =	shalt  }
0x69: {  	_ =	shalt  }
0x6a: {  	_ =	shalt  }
0x6b: {  	_ =	shalt  }
0x6c: {  	_ =	shalt  }
0x6d: {  	_ =	shalt  }
0x6e: {  	_ =	shalt  }
0x6f: {  	_ =	shalt  }
0x70: {  	_ =	shalt  }
0x71: {  	_ =	shalt  }
0x72: {  	_ =	shalt  }
0x73: {  	_ =	shalt  }
0x74: {  	_ =	shalt  }
0x75: {  	_ =	shalt  }
0x76: {  	_ =	shalt  }
0x77: {  	_ =	shalt  }
0x78: {  	_ =	shalt  }
0x79: {  	_ =	shalt  }
0x7a: {  	_ =	shalt  }
0x7b: {  	_ =	shalt  }
0x7c: {  	_ =	shalt  }
0x7d: {  	_ =	shalt  }
0x7e: {  	_ =	shalt  }
0x7f: {  	_ =	shalt  }
0x80: {  	_ =	shalt  }
0x81: {  	_ =	shalt  }
0x82: {  	_ =	shalt  }
0x83: {  	_ =	shalt  }
0x84: {  	_ =	shalt  }
0x85: {  	_ =	shalt  }
0x86: {  	_ =	shalt  }
0x87: {  	_ =	shalt  }
.Lfunc_end0:
.L_simem_size_0:
called_computation_lowered:
.L_overlay_start_0:
0x88: {  	s2 =	sld [smem:$0x3FD9]  }
0x89: {  	s3 =	sld [smem:$0x3FFE];
	_ =	sdelay $0x1  }
0x8a: {  	s1 =	srdreg.scid  }
0x8b: {  	s0 =	sand.u32 $0x1, s1  }
0x8c: {  	s16 =	sshll.u32 s0, $0xA;
	s2 =	sadd.s32 s3, s2  }
0x8d: {  	s2 =	sadd.s32 s2, s16  }
0x8e: {  	[smem:$0x3FC5] =	sst s2  }
0x8f: {  	_ = 	snop  }
0x90: {  	(tm) =	ssettm $0x1  }
0x91: {  	s17 =	sld [smem:$0x3FFB];
	_ =	sdelay $0x3  }
0x92: {  	_ =	strace s17  }
0x93: {  	s2 =	sld [smem:$0x3FFC];
	_ =	sdelay $0x3  }
0x94: {  	_ =	strace s2  }
0x95: {  	s2 =	sld [smem:$0x3FFD];
	_ =	sdelay $0x3  }
0x96: {  	_ =	strace s2  }
0x97: {  	_ =	strace $0x8FFFFFFF  }
0x98: {  	s18 =	sld [smem:$0x3FDB];
	_ =	sdelay $0x1  }
0x99: {  	s19 =	simm.s32 $_scs_section_size  }
0x9a: {  	s4 =	simm.s32 $_size__tile_overlayer_lowered;
	s5 =	simm.s32 $_tile_overlayer_lowered  }
0x9b: {  	s22 =	simm.s32 $0x1BFF;
	s21 =	sshll.u32 s5, $0x1;
	s2 =	sadd.s32 s19, s18  }
0x9c: {  	s6 =	simm.s32 $0x0;
	s20 =	sshll.u32 s4, $0x1;
	s4 =	sadd.s32 s21, s2  }
0x9d: {  	[timem:s6], [sflag:s22] =	dma.local [hbm:s4], s20  }
0x9e: {  	_ =	swait.ge [sflag:s22], s20  }
0x9f: {  	s3 =	ssub.s32 $0x0, s20;
	[sflag:s22] =	ssyncset.done $0x0  }
0xa0: {  	[sflag:s22] =	ssyncadd.s32 s3;
	_ =	sdelay $0x1  }
0xa1: {  	s23 =	simm.s32 $0x1B8B  }
0xa2: {  	_ =	swait.ge [sflag:s23], $0x1  }
0xa3: {  	[sflag:s23] =	ssyncset.done $0x0  }
0xa4: {  	s25 =	simm.s32 $0x1B8E;
	s24 =	sld [smem:$0x3FFE];
	[sflag:s23] =	ssyncadd.s32 $0xFFFFFFFF  }
0xa5: {  	s26 =	simm.s32 $execute0_lowered;
	[smem:$0x3FD2] =	sst s25  }
0xa6: {  	s4 =	sshll.u32 s26, $0x1;
	_ =	strace $0x80000046;
	[dreg:$0x1] =	wrdreg $0xFFFFFFFF  }
0xa7: {  	s28 =	simm.s32 $_size_execute0_lowered;
	s2 =	sadd.s32 s2, s4;
	[dreg:$0x0] =	wrdreg $0x0  }
0xa8: {  	s4 =	sshll.u32 s28, $0x1;
	[dreg:$0x2] =	wrdreg s2  }
0xa9: {  	[dreg:$0x3] =	wrdreg s4  }
0xaa: {  	[dreg:$0x4] =	wrdreg $0xC0  }
0xab: {  	_ =	task [dreg:s6], $0x5FFFF  }
0xac: {  	[dreg:$0x1] =	wrdreg $0xFFFFFFFF  }
0xad: {  	[dreg:$0x0] =	wrdreg $0x60  }
0xae: {  	[dreg:$0x2] =	wrdreg s24  }
0xaf: {  	[dreg:$0x3] =	wrdreg $0x9  }
0xb0: {  	_ =	task.clear_ibuf [dreg:s6], $0x4FFFF;
	_ =	strace $0x90000046  }
0xb1: {  	s29 =	simm.s32 $0x9;
	_ =	strace $0x80000048  }
0xb2: {  	_ =	swait.ge [sflag:s29], $0x1  }
0xb3: {  	[sflag:s29] =	ssyncadd.s32 $0xFFFFFFFF  }
0xb4: {  	_ =	strace $0x90000048  }
0xb5: {  	_ =	sfence  }
0xb6: {  	s30 =	sld [smem:$0x0];
	_ =	sdelay $0x2  }
0xb7: {  	s31 =	sshll.u32 s1, $0xD;
	s1 =	sshrl.u32 s1, $0x2  }
0xb8: {  	s3 =	sand.u32 $0x4000, s31;
	s1 =	sadd.s32 s1, s30  }
0xb9: {  	s0 =	sor.u32 s3, s0;
	s1 =	sshll.u32 s1, $0x11  }
0xba: {  	s0 =	sor.u32 s1, s0  }
0xbb: {  	s0 =	sadd.s32 $0x8F2B, s0  }
0xbc: {  	[sflag:s0] =	ssyncadd.remote.s32 $0x1  }
0xbd: {  	_ =	sfence.sel $0xFFFF  }
0xbe: {  	[dreg:$0x0] =	wrdreg $0xFFFFFFFF;
	(pc) =	sbr.abs _section_cstart, $3  }
0xbf: {  	[dreg:$0x1] =	wrdreg $0xFFFFFFFF  }
0xc0: {  	_ =	task.clear_ibuf [dreg:s6], $0x2FFFF;
	_ =	strace $0x9FFFFFFF  }
0xc1: {  	(tm) =	ssettm $0x7FFFFFFF  }
tec
execute0_lowered:
.L_overlay_start_1:
0x0: {  	(tag) =	ssettag $0x1  }
0x1: {  	s6 =	rddreg [dreg:$0x0]  }
0x2: {  	s0 =	rddreg [dreg:$0x1]  }
0x3: {  	s2 =	simm.s32 $0x0;
	s3 =	srdreg.scid;
	s1 =	stileid.u32  }
0x4: {  	s10 =	simm.s32 $0x5;
	s11 =	simm.s32 $0x80;
	s12 =	simm.s32 $0x5000  }
0x5: {  	s13 =	simm.s32 $0xD000;
	s14 =	simm.s32 $0x100;
	s15 =	simm.s32 $0x9000  }
0x6: {  	s16 =	simm.s32 $0x180;
	s17 =	simm.s32 $0x11000;
	s18 =	simm.s32 $0x1  }
0x7: {  	s19 =	simm.s32 $0x15000;
	s20 =	simm.s32 $0x2;
	s21 =	simm.s32 $0x15080  }
0x8: {  	s22 =	simm.s32 $0x3;
	s23 =	simm.s32 $0x4;
	s24 =	simm.s32 $0x0  }
0x9: {  	[smem:$0x7FF] =	sst s2;
	s4 =	sand.u32 $0x1, s3;
	s31 =	sshll.u32 s1, $0x1  }
.Ltmp0:
0xa: {  	vm0 =	vmmov $0x1;
	vm1 =	vmmov $0x3;
	vm2 =	vmmov $0x7;
	s3 =	sadd.s32 $0x14E00, s6;
	s5 =	sor.u32 s4, s31;
	(pc) =	sbr.rel .LBB2_1-.Ltmp0, $4  }
0xb: {  	vm3 =	vmmov $0xf;
	vm4 =	vmmov $0x1f;
	vm5 =	vmmov $0x3f;
	_ =	strace $0x80000047;
	s8 =	ssub.s32 $0x2, s4;
	s7 =	smul.u32 $0xA00, s5  }
0xc: {  	vm6 =	vmmov $0x7f;
	vm7 =	vmmov $0xff;
	vm8 =	vmmov $0x1ff;
	s4 =	sadd.s32 $0x3C000, s6;
	s9 =	sshrl.u32 s8, $0x1;
	s5 =	smul.u32 $0x50, s5  }
0xd: {  	vm9 =	vmmov $0x3ff;
	vm10 =	vmmov $0x7ff;
	vm11 =	vmmov $0xfff;
	s9 =	ssub.s32 s8, s9;
	s7 =	sadd.s32 s7, s6;
	s6 =	sadd.s32 $0x63200, s6  }
0xe: {  	vm12 =	vmmov $0x1fff;
	vm13 =	vmmov $0x3fff;
	vm14 =	vmmov $0x7fff;
	s8 =	sor.u32 $0x1, s5;
	s9 =	smax.u32 s9, $0x1;
	s7 =	sadd.s32 $0xE00, s7  }
.LBB2_8:
0xf: {  	s24 =	sadd.s32 $0x1, s24  }
0x10: {  	_ =	swait.ge [sflag:s22], $0x80;
	p0 =	sne.s32 s24, s9  }
.Ltmp1:
0x11: {  	[sflag:s22] =	ssyncset.done $0x0;
	(pc) =	sbr.rel @!p0 .LBB2_9-.Ltmp1, $4  }
0x12: {  	[sflag:s22] =	ssyncadd.s32 $0xFFFFFF80  }
0x13: {  	_ =	swait.ge [sflag:s23], $0x80  }
0x14: {  	[sflag:s23] =	ssyncset.done $0x0  }
0x15: {  	[sflag:s23] =	ssyncadd.s32 $0xFFFFFF80  }
.LBB2_1:
0x16: {  	[tilespmem:s2], [sflag:$0x5] =	stream.linear.gather [hbm4b:s7+s2], $0x5000, $0x38;
	[tilespmem:$0x15100] =	vst v63  }
0x17: {  	_ =	swait.ge [sflag:s10], $0x5000  }
0x18: {  	[sflag:s10] =	ssyncset.done $0x0  }
0x19: {  	[sflag:s10] =	ssyncadd.s32 $0xFFFFB000  }
0x1a: {  	[tilespmem:s12], [sflag:$0x1] =	stream.indirect.gather [hbm4b:s3+s11], $0x80, s2, s11, $0xb8;
	[tilespmem:$0x15100] =	vst v63  }
0x1b: {  	_ = 	snop  }
0x1c: {  	[tilespmem:s13], [sflag:$0x1] =	stream.indirect.gather [hbm4b:s4+s11], $0x80, s11, s11, $0xb8;
	[tilespmem:$0x15100] =	vst v63  }
0x1d: {  	_ = 	snop  }
0x1e: {  	[tilespmem:s15], [sflag:$0x2] =	stream.indirect.gather [hbm4b:s3+s11], $0x80, s14, s11, $0xb8;
	[tilespmem:$0x15100] =	vst v63  }
0x1f: {  	s25 =	simm.s32 $0x0  }
0x20: {  	[tilespmem:s17], [sflag:$0x2] =	stream.indirect.gather [hbm4b:s4+s11], $0x80, s16, s11, $0xb8;
	[tilespmem:$0x15100] =	vst v63  }
.LBB2_2:
0x21: {  	_ =	swait.ge [sflag:s18], $0x4000  }
0x22: {  	[sflag:s18] =	ssyncset.done $0x0  }
0x23: {  	[sflag:s18] =	ssyncadd.s32 $0xFFFFC000  }
0x24: {  	_ =	swait.ge [sflag:s18], $0x4000  }
0x25: {  	p0 =	seq.s32 s25, $0x0;
	[sflag:s18] =	ssyncset.done $0x0  }
0x26: {  	s26 =	simm.s32 @!p0 $0x3;
	[sflag:s18] =	ssyncadd.s32 $0xFFFFC000  }
0x27: {  	_ =	swait.ge @!p0 [sflag:s26], $0x80  }
0x28: {  	[sflag:s26] =	ssyncset.done @!p0 $0x0  }
0x29: {  	s28 =	simm.s32 $0x0;
	[sflag:s26] =	ssyncadd.s32 @!p0 $0xFFFFFF80  }
0x2a: {  	v1 =	vld [tilespmem:s28+$0x5460];
	_ =	sdelay $0x4  }
0x2b: {  	[tilespmem:$0x1FAE0] =	vst v1;
	v1 =	vld [tilespmem:s28+$0xD460];
	_ =	sdelay $0x4  }
0x2c: {  	[tilespmem:$0x1FAF0] =	vst v1;
	v1 =	vld [tilespmem:s28+$0x54D0];
	_ =	sdelay $0x4  }
0x2d: {  	[tilespmem:$0x1FB30] =	vst v1;
	v1 =	vld [tilespmem:s28+$0xD4D0];
	_ =	sdelay $0x4  }
0x2e: {  	[tilespmem:$0x1FB40] =	vst v1;
	v1 =	vld [tilespmem:s28+$0x5540];
	_ =	sdelay $0x4  }
0x2f: {  	[tilespmem:$0x1FB50] =	vst v1;
	v1 =	vld [tilespmem:s28+$0xD540];
	_ =	sdelay $0x4  }
0x30: {  	[tilespmem:$0x1FB60] =	vst v1;
	v1 =	vld [tilespmem:s28+$0x55B0];
	_ =	sdelay $0x4  }
0x31: {  	[tilespmem:$0x1FB00] =	vst v1;
	v1 =	vld [tilespmem:s28+$0x5680];
	_ =	sdelay $0x4  }
0x32: {  	[tilespmem:$0x1FB10] =	vst v1;
	v1 =	vld [tilespmem:s28+$0x5690];
	_ =	sdelay $0x4  }
0x33: {  	[tilespmem:$0x1FB20] =	vst v1;
	v1 =	vld [tilespmem:s28+$0x5370];
	_ =	sdelay $0x4  }
0x34: {  	[tilespmem:$0x1FB70] =	vst v1;
	v1 =	vld [tilespmem:s28+$0xD370];
	_ =	sdelay $0x4  }
0x35: {  	[tilespmem:$0x1FB80] =	vst v1;
	v1 =	vld [tilespmem:s28+$0x53E0];
	_ =	sdelay $0x4  }
0x36: {  	[tilespmem:$0x1F8C0] =	vst v1;
	v1 =	vld [tilespmem:s28+$0x5450];
	_ =	sdelay $0x4  }
0x37: {  	[tilespmem:$0x1FBA0] =	vst v1;
	v1 =	vld [tilespmem:s28+$0xD450];
	_ =	sdelay $0x4  }
0x38: {  	[tilespmem:$0x1FBB0] =	vst v1;
	v1 =	vld [tilespmem:s28+$0x54C0];
	_ =	sdelay $0x4  }
0x39: {  	[tilespmem:$0x1FBC0] =	vst v1;
	v1 =	vld [tilespmem:s28+$0xD4C0];
	_ =	sdelay $0x4  }
0x3a: {  	[tilespmem:$0x1FBD0] =	vst v1;
	v1 =	vld [tilespmem:s28+$0x5530];
	_ =	sdelay $0x4  }
0x3b: {  	[tilespmem:$0x1FC00] =	vst v1;
	v1 =	vld [tilespmem:s28+$0xD530];
	_ =	sdelay $0x4  }
0x3c: {  	[tilespmem:$0x1FC10] =	vst v1;
	v1 =	vld [tilespmem:s28+$0x52F0];
	_ =	sdelay $0x4  }
0x3d: {  	[tilespmem:$0x1FBF0] =	vst v1;
	v1 =	vld [tilespmem:s28+$0x5360];
	_ =	sdelay $0x4  }
0x3e: {  	[tilespmem:$0x1FC20] =	vst v1;
	v1 =	vld [tilespmem:s28+$0xD360];
	_ =	sdelay $0x4  }
0x3f: {  	[tilespmem:$0x1FC30] =	vst v1;
	v1 =	vld [tilespmem:s28+$0x53D0];
	_ =	sdelay $0x4  }
0x40: {  	[tilespmem:$0x1F8D0] =	vst v1;
	v1 =	vld [tilespmem:s28+$0xD3D0];
	_ =	sdelay $0x4  }
0x41: {  	[tilespmem:$0x1F8E0] =	vst v1;
	v1 =	vld [tilespmem:s28+$0x5440];
	_ =	sdelay $0x4  }
0x42: {  	[tilespmem:$0x1FC40] =	vst v1;
	v1 =	vld [tilespmem:s28+$0xD440];
	_ =	sdelay $0x4  }
0x43: {  	[tilespmem:$0x1FC50] =	vst v1;
	v1 =	vld [tilespmem:s28+$0x54B0];
	_ =	sdelay $0x4  }
0x44: {  	[tilespmem:$0x1FC60] =	vst v1;
	v1 =	vld [tilespmem:s28+$0xD4B0];
	_ =	sdelay $0x4  }
0x45: {  	[tilespmem:$0x1FC70] =	vst v1;
	v1 =	vld [tilespmem:s28+$0x5520];
	_ =	sdelay $0x4  }
0x46: {  	[tilespmem:$0x1FC80] =	vst v1;
	v1 =	vld [tilespmem:s28+$0xD520];
	_ =	sdelay $0x4  }
0x47: {  	[tilespmem:$0x1FC90] =	vst v1;
	v1 =	vld [tilespmem:s28+$0x52E0];
	_ =	sdelay $0x4  }
0x48: {  	[tilespmem:$0x1FCB0] =	vst v1;
	v1 =	vld [tilespmem:s28+$0xD2E0];
	_ =	sdelay $0x4  }
0x49: {  	[tilespmem:$0x1FCC0] =	vst v1;
	v1 =	vld [tilespmem:s28+$0x5350];
	_ =	sdelay $0x4  }
0x4a: {  	[tilespmem:$0x1FD10] =	vst v1;
	v1 =	vld [tilespmem:s28+$0xD350];
	_ =	sdelay $0x4  }
0x4b: {  	[tilespmem:$0x1FD20] =	vst v1;
	v1 =	vld [tilespmem:s28+$0x53C0];
	_ =	sdelay $0x4  }
0x4c: {  	[tilespmem:$0x1FD50] =	vst v1;
	v1 =	vld [tilespmem:s28+$0xD3C0];
	_ =	sdelay $0x4  }
0x4d: {  	[tilespmem:$0x1FD60] =	vst v1;
	v1 =	vld [tilespmem:s28+$0x5430];
	_ =	sdelay $0x4  }
0x4e: {  	[tilespmem:$0x1FD30] =	vst v1;
	v1 =	vld [tilespmem:s28+$0xD430];
	_ =	sdelay $0x4  }
0x4f: {  	[tilespmem:$0x1FD40] =	vst v1;
	v1 =	vld [tilespmem:s28+$0x5500];
	_ =	sdelay $0x4  }
0x50: {  	[tilespmem:$0x1FCD0] =	vst v1;
	v1 =	vld [tilespmem:s28+$0xD500];
	_ =	sdelay $0x4  }
0x51: {  	[tilespmem:$0x1FCE0] =	vst v1;
	v1 =	vld [tilespmem:s28+$0x5510];
	_ =	sdelay $0x4  }
0x52: {  	[tilespmem:$0x1FCF0] =	vst v1;
	v1 =	vld [tilespmem:s28+$0xD510];
	_ =	sdelay $0x4  }
0x53: {  	[tilespmem:$0x1FD00] =	vst v1;
	v1 =	vld [tilespmem:s28+$0x51F0];
	_ =	sdelay $0x4  }
0x54: {  	[tilespmem:$0x1FD80] =	vst v1;
	v1 =	vld [tilespmem:s28+$0xD1F0];
	_ =	sdelay $0x4  }
0x55: {  	[tilespmem:$0x1FD90] =	vst v1;
	v1 =	vld [tilespmem:s28+$0x5260];
	_ =	sdelay $0x4  }
0x56: {  	[tilespmem:$0x1F8F0] =	vst v1;
	v1 =	vld [tilespmem:s28+$0x52D0];
	_ =	sdelay $0x4  }
0x57: {  	[tilespmem:$0x1FDA0] =	vst v1;
	v1 =	vld [tilespmem:s28+$0xD2D0];
	_ =	sdelay $0x4  }
0x58: {  	[tilespmem:$0x1FDB0] =	vst v1;
	v1 =	vld [tilespmem:s28+$0x5340];
	_ =	sdelay $0x4  }
0x59: {  	[tilespmem:$0x1FDC0] =	vst v1;
	v1 =	vld [tilespmem:s28+$0xD340];
	_ =	sdelay $0x4  }
0x5a: {  	[tilespmem:$0x1FDD0] =	vst v1;
	v1 =	vld [tilespmem:s28+$0x53B0];
	_ =	sdelay $0x4  }
0x5b: {  	[tilespmem:$0x1FDE0] =	vst v1;
	v1 =	vld [tilespmem:s28+$0xD3B0];
	_ =	sdelay $0x4  }
0x5c: {  	[tilespmem:$0x1FDF0] =	vst v1;
	v1 =	vld [tilespmem:s28+$0x5170];
	_ =	sdelay $0x4  }
0x5d: {  	[tilespmem:$0x1FE00] =	vst v1;
	v1 =	vld [tilespmem:s28+$0xD170]  }
0x5e: {  	v0 =	vld [tilespmem:s28+$0x57D0];
	_ =	sdelay $0x3  }
0x5f: {  	[tilespmem:$0x1FE10] =	vst v1;
	v1 =	vld [tilespmem:s28+$0x51E0]  }
0x60: {  	[tilespmem:$0x1F820] =	vst v0;
	v0 =	vld [tilespmem:s28+$0xD7D0];
	_ =	sdelay $0x3  }
0x61: {  	[tilespmem:$0x1FE20] =	vst v1;
	v1 =	vld [tilespmem:s28+$0xD1E0]  }
0x62: {  	[tilespmem:$0x1F830] =	vst v0;
	v0 =	vld [tilespmem:s28+$0x57C0];
	_ =	sdelay $0x3  }
0x63: {  	[tilespmem:$0x1FE30] =	vst v1;
	v1 =	vld [tilespmem:s28+$0x5250]  }
0x64: {  	[tilespmem:$0x1F840] =	vst v0;
	v0 =	vld [tilespmem:s28+$0xD7C0];
	_ =	sdelay $0x3  }
0x65: {  	[tilespmem:$0x1F900] =	vst v1;
	v1 =	vld [tilespmem:s28+$0xD250]  }
0x66: {  	[tilespmem:$0x1F850] =	vst v0;
	v0 =	vld [tilespmem:s28+$0x56E0];
	_ =	sdelay $0x3  }
0x67: {  	[tilespmem:$0x1F910] =	vst v1;
	v1 =	vld [tilespmem:s28+$0x52C0]  }
0x68: {  	[tilespmem:$0x1F860] =	vst v0;
	v0 =	vld [tilespmem:s28+$0x55F0];
	_ =	sdelay $0x3  }
0x69: {  	[tilespmem:$0x1FE40] =	vst v1;
	v1 =	vld [tilespmem:s28+$0xD2C0]  }
0x6a: {  	[tilespmem:$0x1F960] =	vst v0;
	v0 =	vld [tilespmem:s28+$0xD5F0];
	_ =	sdelay $0x3  }
0x6b: {  	[tilespmem:$0x1FE50] =	vst v1;
	v1 =	vld [tilespmem:s28+$0x5330]  }
0x6c: {  	[tilespmem:$0x1F970] =	vst v0;
	v0 =	vld [tilespmem:s28+$0xD660];
	_ =	sdelay $0x3  }
0x6d: {  	[tilespmem:$0x1FE70] =	vst v1;
	v1 =	vld [tilespmem:s28+$0xD330]  }
0x6e: {  	[tilespmem:$0x1F990] =	vst v0;
	v0 =	vld [tilespmem:s28+$0x56D0];
	_ =	sdelay $0x3  }
0x6f: {  	[tilespmem:$0x1FE80] =	vst v1;
	v1 =	vld [tilespmem:s28+$0x53A0]  }
0x70: {  	[tilespmem:$0x1F870] =	vst v0;
	v0 =	vld [tilespmem:s28+$0xD6D0];
	_ =	sdelay $0x3  }
0x71: {  	[tilespmem:$0x1FE90] =	vst v1;
	v1 =	vld [tilespmem:s28+$0xD3A0]  }
0x72: {  	[tilespmem:$0x1F880] =	vst v0;
	v0 =	vld [tilespmem:s28+$0xD740];
	_ =	sdelay $0x3  }
0x73: {  	[tilespmem:$0x1FEA0] =	vst v1;
	v1 =	vld [tilespmem:s28+$0x5070]  }
0x74: {  	[tilespmem:$0x1F9A0] =	vst v0;
	v0 =	vld [tilespmem:s28+$0x57A0];
	_ =	sdelay $0x3  }
0x75: {  	[tilespmem:$0x1FF10] =	vst v1;
	v1 =	vld [tilespmem:s28+$0xD070]  }
0x76: {  	[tilespmem:$0x1F9B0] =	vst v0;
	v0 =	vld [tilespmem:s28+$0xD7A0];
	_ =	sdelay $0x3  }
0x77: {  	[tilespmem:$0x1FF20] =	vst v1;
	v1 =	vld [tilespmem:s28+$0x5160]  }
0x78: {  	[tilespmem:$0x1F9C0] =	vst v0;
	v0 =	vld [tilespmem:s28+$0x55E0];
	_ =	sdelay $0x3  }
0x79: {  	[tilespmem:$0x1FF30] =	vst v1;
	v1 =	vld [tilespmem:s28+$0xD160]  }
0x7a: {  	[tilespmem:$0x1F9E0] =	vst v0;
	v0 =	vld [tilespmem:s28+$0xD5E0];
	_ =	sdelay $0x3  }
0x7b: {  	[tilespmem:$0x1FF40] =	vst v1;
	v1 =	vld [tilespmem:s28+$0x51D0]  }
0x7c: {  	[tilespmem:$0x1F9F0] =	vst v0;
	v0 =	vld [tilespmem:s28+$0xD650];
	_ =	sdelay $0x3  }
0x7d: {  	[tilespmem:$0x1FF50] =	vst v1;
	v1 =	vld [tilespmem:s28+$0xD1D0]  }
0x7e: {  	[tilespmem:$0x1FA00] =	vst v0;
	v0 =	vld [tilespmem:s28+$0x56C0];
	_ =	sdelay $0x3  }
0x7f: {  	[tilespmem:$0x1FF60] =	vst v1;
	v1 =	vld [tilespmem:s28+$0x5240]  }
0x80: {  	[tilespmem:$0x1FA10] =	vst v0;
	v0 =	vld [tilespmem:s28+$0xD6C0];
	_ =	sdelay $0x3  }
0x81: {  	[tilespmem:$0x1F920] =	vst v1;
	v1 =	vld [tilespmem:s28+$0xD240]  }
0x82: {  	[tilespmem:$0x1FA20] =	vst v0;
	v0 =	vld [tilespmem:s28+$0x5780];
	_ =	sdelay $0x3  }
0x83: {  	[tilespmem:$0x1F930] =	vst v1;
	v1 =	vld [tilespmem:s28+$0x52B0]  }
0x84: {  	[tilespmem:$0x1FA40] =	vst v0;
	v0 =	vld [tilespmem:s28+$0xD780];
	_ =	sdelay $0x3  }
0x85: {  	[tilespmem:$0x1FEB0] =	vst v1;
	v1 =	vld [tilespmem:s28+$0xD2B0]  }
0x86: {  	[tilespmem:$0x1FA50] =	vst v0;
	v0 =	vld [tilespmem:s28+$0x5790];
	_ =	sdelay $0x3  }
0x87: {  	[tilespmem:$0x1FEC0] =	vst v1;
	v1 =	vld [tilespmem:s28+$0x5320]  }
0x88: {  	[tilespmem:$0x1FA60] =	vst v0;
	v0 =	vld [tilespmem:s28+$0xD790];
	_ =	sdelay $0x3  }
0x89: {  	[tilespmem:$0x1FE60] =	vst v1;
	v1 =	vld [tilespmem:s28+$0x5380]  }
0x8a: {  	[tilespmem:$0x1FA70] =	vst v0;
	v0 =	vld [tilespmem:s28+$0x54F0];
	_ =	sdelay $0x3  }
0x8b: {  	[tilespmem:$0x1FED0] =	vst v1;
	v1 =	vld [tilespmem:s28+$0xD380]  }
0x8c: {  	[tilespmem:$0x1FA80] =	vst v0;
	v0 =	vld [tilespmem:s28+$0xD4F0];
	_ =	sdelay $0x3  }
0x8d: {  	[tilespmem:$0x1FEE0] =	vst v1;
	v1 =	vld [tilespmem:s28+$0x5390]  }
0x8e: {  	[tilespmem:$0x1FA90] =	vst v0;
	v0 =	vld [tilespmem:s28+$0x5560];
	_ =	sdelay $0x3  }
0x8f: {  	[tilespmem:$0x1FEF0] =	vst v1;
	v1 =	vld [tilespmem:s28+$0xD390]  }
0x90: {  	[tilespmem:$0x1F890] =	vst v0;
	v0 =	vld [tilespmem:s28+$0x55D0];
	_ =	sdelay $0x3  }
0x91: {  	[tilespmem:$0x1FF00] =	vst v1;
	v1 =	vld [tilespmem:s28+$0x5060]  }
0x92: {  	[tilespmem:$0x1FAA0] =	vst v0;
	v0 =	vld [tilespmem:s28+$0x5550];
	_ =	sdelay $0x3  }
0x93: {  	[tilespmem:$0x1FF70] =	vst v1;
	v1 =	vld [tilespmem:s28+$0xD060]  }
0x94: {  	[tilespmem:$0x1F8A0] =	vst v0;
	v0 =	vld [tilespmem:s28+$0xD550];
	_ =	sdelay $0x3  }
0x95: {  	[tilespmem:$0x1FF80] =	vst v1;
	v1 =	vld [tilespmem:s28+$0x5150]  }
0x96: {  	[tilespmem:$0x1F8B0] =	vst v0;
	v0 =	vld [tilespmem:s28+$0x56A0];
	_ =	sdelay $0x1  }
0x97: {  	v7 =	vld [tilespmem:s28+$0x5760]  }
0x98: {  	v9 =	vld [tilespmem:s28+$0xD760]  }
0x99: {  	[tilespmem:$0x1FF90] =	vst v1;
	v1 =	vld [tilespmem:s28+$0xD150]  }
0x9a: {  	[tilespmem:$0x1FAC0] =	vst v0;
	v0 =	vld [tilespmem:s28+$0xD6A0]  }
0x9b: {  	v13 =	vld [tilespmem:s28+$0x5700]  }
0x9c: {  	v3 =	vld [tilespmem:s28+$0xD700]  }
0x9d: {  	v8 =	vld [tilespmem:s28+$0xD710]  }
0x9e: {  	[tilespmem:$0x1FFA0] =	vst v1;
	v1 =	vld [tilespmem:s28+$0x51C0]  }
0x9f: {  	[tilespmem:$0x1FAD0] =	vst v0;
	v0 =	vld [tilespmem:s28+$0x5710]  }
0xa0: {  	v6 =	vld [tilespmem:s28+$0x57B0]  }
0xa1: {  	v12 =	vld [tilespmem:s28+$0xD7B0]  }
0xa2: {  	v13 =	vmul.f32 v3, v13;
	v3 =	vld [tilespmem:$0x1F970]  }
0xa3: {  	[tilespmem:$0x1FFC0] =	vst v1;
	v1 =	vld [tilespmem:s28+$0xD1C0]  }
0xa4: {  	v8 =	vmul.f32 v8, v0;
	v0 =	vld [tilespmem:$0x1F960];
	_ =	sdelay $0x3  }
0xa5: {  	[tilespmem:$0x1FFD0] =	vst v1;
	v1 =	vmul.f32 v9, v7  }
0xa6: {  	v9 =	vmul.f32 v3, v0;
	v0 =	vmul.f32 v12, v6  }
0xa7: {  	v25 =	vld [tilespmem:s28+$0x5660]  }
0xa8: {  	[tilespmem:$0x1F980] =	vst v0;
	v0 =	vld [tilespmem:$0x1F990];
	_ =	sdelay $0x1  }
0xa9: {  	v39 =	vld [tilespmem:s28+$0x5740]  }
0xaa: {  	v24 =	vld [tilespmem:s28+$0x5720]  }
0xab: {  	v23 =	vld [tilespmem:s28+$0xD720]  }
0xac: {  	v7 =	vmul.f32 v0, v25;
	v0 =	vld [tilespmem:$0x1F9A0]  }
0xad: {  	v2 =	vld [tilespmem:s28+$0x5770]  }
0xae: {  	v4 =	vld [tilespmem:s28+$0xD770]  }
0xaf: {  	v38 =	vld [tilespmem:s28+$0x5750]  }
0xb0: {  	v3 =	vld [tilespmem:$0x1F9C0]  }
0xb1: {  	v8 =	vadd.f32 v8, v13;
	v13 =	vmul.f32 v23, v24;
	v24 =	vmul.f32 v0, v39;
	v0 =	vld [tilespmem:$0x1F9B0]  }
0xb2: {  	v43 =	vld [tilespmem:s28+$0xD750]  }
0xb3: {  	v16 =	vld [tilespmem:s28+$0x5650]  }
0xb4: {  	v51 =	vld [tilespmem:s28+$0x5730]  }
0xb5: {  	v44 =	vld [tilespmem:s28+$0xD730]  }
0xb6: {  	v2 =	vmul.f32 v4, v2;
	v4 =	vld [tilespmem:s28+$0x5230];
	v0 =	vmul.f32 v3, v0  }
0xb7: {  	v3 =	vld [tilespmem:$0x1F9F0]  }
0xb8: {  	[tilespmem:$0x1F9D0] =	vst v0;
	v0 =	vld [tilespmem:$0x1F9E0]  }
0xb9: {  	v60 =	vld [tilespmem:s28+$0x56B0]  }
0xba: {  	v11 =	vld [tilespmem:s28+$0xD6B0]  }
0xbb: {  	v53 =	vld [tilespmem:s28+$0x5470]  }
0xbc: {  	[tilespmem:$0x1F940] =	vst v4;
	v4 =	vld [tilespmem:s28+$0xD230]  }
0xbd: {  	v6 =	vmul.f32 v3, v0;
	v0 =	vld [tilespmem:$0x1FA00]  }
0xbe: {  	v47 =	vld [tilespmem:s28+$0xD470]  }
0xbf: {  	v35 =	vld [tilespmem:s28+$0x5620]  }
0xc0: {  	v33 =	vld [tilespmem:s28+$0xD620]  }
0xc1: {  	v3 =	vld [tilespmem:$0x1FA20]  }
0xc2: {  	[tilespmem:$0x1F950] =	vst v4;
	v4 =	vmul.f32 v0, v16;
	v0 =	vld [tilespmem:$0x1FA10]  }
0xc3: {  	v49 =	vld [tilespmem:s28+$0x55A0]  }
0xc4: {  	v31 =	vld [tilespmem:s28+$0xD5A0]  }
0xc5: {  	v55 =	vld [tilespmem:s28+$0x5600]  }
0xc6: {  	v56 =	vld [tilespmem:s28+$0xD600]  }
0xc7: {  	v29 =	vld [tilespmem:s28+$0x5610];
	v0 =	vmul.f32 v3, v0  }
0xc8: {  	v8 =	vadd.f32 v13, v8;
	v13 =	vmul.f32 v44, v51;
	v3 =	vld [tilespmem:$0x1FA50]  }
0xc9: {  	[tilespmem:$0x1FA30] =	vst v0;
	v0 =	vld [tilespmem:$0x1FA40]  }
0xca: {  	v28 =	vld [tilespmem:s28+$0xD610];
	v8 =	vadd.f32 v13, v8  }
0xcb: {  	v17 =	vld [tilespmem:s28+$0x5580]  }
0xcc: {  	v14 =	vld [tilespmem:s28+$0xD580];
	v43 =	vmul.f32 v43, v38;
	v8 =	vadd.f32 v24, v8  }
0xcd: {  	v15 =	vld [tilespmem:s28+$0x5590]  }
0xce: {  	v8 =	vadd.f32 v43, v8;
	v13 =	vmul.f32 v3, v0;
	v0 =	vld [tilespmem:$0x1FA60]  }
0xcf: {  	v3 =	vld [tilespmem:$0x1FA70]  }
0xd0: {  	v5 =	vld [tilespmem:s28+$0xD590];
	v1 =	vadd.f32 v1, v8  }
0xd1: {  	v8 =	vld [tilespmem:s28+$0x5220]  }
0xd2: {  	v24 =	vadd.f32 v2, v1;
	v1 =	vld [tilespmem:$0x1FAE0]  }
0xd3: {  	v60 =	vmul.f32 v11, v60;
	v2 =	vld [tilespmem:$0x1FAF0]  }
0xd4: {  	v62 =	vld [tilespmem:s28+$0xD5B0];
	v28 =	vmul.f32 v28, v29;
	v0 =	vmul.f32 v3, v0  }
0xd5: {  	v63 =	vld [tilespmem:s28+$0xD680];
	v5 =	vmul.f32 v5, v15;
	v43 =	vmul.f32 v56, v55  }
0xd6: {  	v11 =	vld [tilespmem:s28+$0x5140];
	v51 =	vmul.f32 v47, v53;
	v47 =	vadd.f32 v0, v13;
	v0 =	vmul.f32 v14, v17  }
0xd7: {  	v54 =	vld [tilespmem:s28+$0xD690];
	[tilespmem:$0x1FAB0] =	vst v8;
	v8 =	vadd.f32 v28, v43;
	v13 =	vmul.f32 v33, v35  }
0xd8: {  	v15 =	vmul.f32 v2, v1;
	v1 =	vld [tilespmem:$0x1FB00];
	v0 =	vadd.f32 v5, v0;
	v5 =	vmul.f32 v31, v49  }
0xd9: {  	v2 =	vadd.f32 v13, v8;
	v8 =	vld [tilespmem:$0x1FB20]  }
0xda: {  	v0 =	vadd.f32 v5, v0;
	v5 =	vld [tilespmem:$0x1FB10]  }
0xdb: {  	[tilespmem:$0x1FFE0] =	vst v11;
	v11 =	vld [tilespmem:s28+$0xD140];
	_ =	sdelay $0x2  }
0xdc: {  	v1 =	vmul.f32 v62, v1  }
0xdd: {  	v10 =	vld [tilespmem:s28+$0x5670];
	v8 =	vmul.f32 v54, v8;
	v5 =	vmul.f32 v63, v5  }
0xde: {  	[tilespmem:$0x1FFF0] =	vst v11;
	v11 =	vld [tilespmem:$0x1FAC0]  }
0xdf: {  	v14 =	vld [tilespmem:$0x1FAD0];
	v0 =	vadd.f32 v1, v0;
	v1 =	vadd.f32 v8, v5  }
0xe0: {  	v5 =	vld [tilespmem:$0x1FBB0]  }
0xe1: {  	[tilespmem:$0x1FB90] =	vst v1;
	v1 =	vld [tilespmem:$0x1FBA0]  }
0xe2: {  	v46 =	vld [tilespmem:s28+$0x55C0]  }
0xe3: {  	v42 =	vld [tilespmem:s28+$0xD5C0]  }
0xe4: {  	v17 =	vld [tilespmem:$0x1FB40]  }
0xe5: {  	v53 =	vmul.f32 v14, v11;
	v11 =	vld [tilespmem:$0x1FB30]  }
0xe6: {  	v63 =	vmul.f32 v5, v1;
	v1 =	vld [tilespmem:$0x1FBC0]  }
0xe7: {  	v5 =	vld [tilespmem:$0x1FBD0]  }
0xe8: {  	v59 =	vld [tilespmem:s28+$0xD2F0]  }
0xe9: {  	v3 =	vld [tilespmem:s28+$0x5050]  }
0xea: {  	v43 =	vmul.f32 v17, v11;
	v11 =	vld [tilespmem:$0x1FB50]  }
0xeb: {  	v17 =	vld [tilespmem:$0x1FB60]  }
0xec: {  	v1 =	vmul.f32 v5, v1;
	v5 =	vld [tilespmem:s28+$0xD040]  }
0xed: {  	v12 =	vld [tilespmem:$0x1FA90]  }
0xee: {  	[tilespmem:$0x1FFB0] =	vst v3;
	v3 =	vld [tilespmem:$0x1FA80]  }
0xef: {  	v28 =	vld [tilespmem:$0x1FB80]  }
0xf0: {  	v33 =	vmul.f32 v17, v11;
	v17 =	vld [tilespmem:$0x1FB70]  }
0xf1: {  	[tilespmem:$0x1FBE0] =	vst v5;
	v5 =	vld [tilespmem:$0x1FBF0]  }
0xf2: {  	v52 =	vld [tilespmem:s28+$0xD5D0]  }
0xf3: {  	v12 =	vmul.f32 v12, v3;
	v3 =	vld [tilespmem:$0x1FAA0]  }
0xf4: {  	v37 =	vld [tilespmem:s28+$0x5630]  }
0xf5: {  	v62 =	vmul.f32 v28, v17;
	v17 =	vld [tilespmem:$0x1FC10]  }
0xf6: {  	v46 =	vmul.f32 v42, v46;
	v54 =	vmul.f32 v59, v5;
	v5 =	vld [tilespmem:$0x1FC00]  }
0xf7: {  	v36 =	vld [tilespmem:s28+$0xD630]  }
0xf8: {  	v61 =	vld [tilespmem:s28+$0x5640];
	v0 =	vadd.f32 v46, v0;
	v3 =	vmul.f32 v52, v3  }
0xf9: {  	v57 =	vld [tilespmem:s28+$0xD640]  }
0xfa: {  	v0 =	vadd.f32 v3, v0;
	v3 =	vld [tilespmem:$0x1FC20]  }
0xfb: {  	v46 =	vmul.f32 v17, v5;
	v5 =	vld [tilespmem:$0x1FC30]  }
0xfc: {  	v30 =	vld [tilespmem:s28+$0xD670];
	v36 =	vmul.f32 v36, v37  }
0xfd: {  	v21 =	vld [tilespmem:s28+$0x5480]  }
0xfe: {  	v20 =	vld [tilespmem:s28+$0xD480];
	v57 =	vmul.f32 v57, v61;
	v2 =	vadd.f32 v36, v2  }
0xff: {  	v19 =	vld [tilespmem:s28+$0x5490]  }
0x100: {  	v2 =	vadd.f32 v57, v2;
	v57 =	vmul.f32 v5, v3;
	v3 =	vld [tilespmem:$0x1FC40]  }
0x101: {  	v5 =	vld [tilespmem:$0x1FC50]  }
0x102: {  	v18 =	vld [tilespmem:s28+$0xD490]  }
0x103: {  	v58 =	vld [tilespmem:s28+$0x54A0];
	v2 =	vadd.f32 v4, v2  }
0x104: {  	v32 =	vld [tilespmem:s28+$0xD4A0]  }
0x105: {  	v2 =	vadd.f32 v7, v2;
	v7 =	vld [tilespmem:$0x1FC70]  }
0x106: {  	v3 =	vmul.f32 v5, v3;
	v5 =	vld [tilespmem:$0x1FC60]  }
0x107: {  	v27 =	vld [tilespmem:s28+$0x5400];
	v18 =	vmul.f32 v18, v19;
	v8 =	vmul.f32 v20, v21  }
0x108: {  	v40 =	vld [tilespmem:s28+$0xD400]  }
0x109: {  	v4 =	vadd.f32 v18, v8;
	v8 =	vmul.f32 v32, v58;
	_ =	sdelay $0x1  }
0x10a: {  	v10 =	vmul.f32 v30, v10;
	v4 =	vadd.f32 v8, v4;
	v7 =	vmul.f32 v7, v5  }
0x10b: {  	v0 =	vadd.f32 v6, v0;
	v5 =	vld [tilespmem:$0x1FC90]  }
0x10c: {  	v6 =	vmul.f32 v40, v27;
	v40 =	vadd.f32 v10, v2;
	v2 =	vadd.f32 v7, v4;
	v4 =	vld [tilespmem:$0x1FC80];
	_ =	sdelay $0x3  }
0x10d: {  	v26 =	vld [tilespmem:s28+$0x5410]  }
0x10e: {  	v22 =	vld [tilespmem:s28+$0xD410];
	v4 =	vmul.f32 v5, v4  }
0x10f: {  	v42 =	vadd.f32 v9, v0;
	v0 =	vld [tilespmem:$0x1FCB0]  }
0x110: {  	[tilespmem:$0x1FCA0] =	vst v4;
	v4 =	vld [tilespmem:$0x1FCC0];
	_ =	sdelay $0x3  }
0x111: {  	v1 =	vadd.f32 v1, v2;
	v2 =	vld [tilespmem:$0x1FCD0]  }
0x112: {  	v8 =	vmul.f32 v22, v26;
	v26 =	vmul.f32 v4, v0;
	v4 =	vld [tilespmem:$0x1FCE0];
	_ =	sdelay $0x3  }
0x113: {  	v5 =	vld [tilespmem:$0x1FD00]  }
0x114: {  	v2 =	vmul.f32 v4, v2;
	v4 =	vld [tilespmem:$0x1FCF0]  }
0x115: {  	v48 =	vld [tilespmem:s28+$0x5420]  }
0x116: {  	v50 =	vld [tilespmem:s28+$0xD420];
	_ =	sdelay $0x1  }
0x117: {  	v7 =	vld [tilespmem:$0x1FD20]  }
0x118: {  	v0 =	vadd.f32 v8, v6;
	v8 =	vmul.f32 v5, v4;
	v5 =	vld [tilespmem:$0x1FD10];
	_ =	sdelay $0x1  }
0x119: {  	v6 =	vmul.f32 v50, v48;
	_ =	sdelay $0x1  }
0x11a: {  	v0 =	vadd.f32 v6, v0;
	v6 =	vld [tilespmem:$0x1FD40]  }
0x11b: {  	v32 =	vmul.f32 v7, v5;
	v5 =	vld [tilespmem:$0x1FD30];
	_ =	sdelay $0x3  }
0x11c: {  	v9 =	vld [tilespmem:$0x1FD60]  }
0x11d: {  	v6 =	vmul.f32 v6, v5;
	v5 =	vld [tilespmem:$0x1FD50];
	_ =	sdelay $0x1  }
0x11e: {  	v2 =	vadd.f32 v8, v2;
	_ =	sdelay $0x1  }
0x11f: {  	[tilespmem:$0x1FD70] =	vst v2;
	v2 =	vld [tilespmem:$0x1FD80]  }
0x120: {  	v48 =	vmul.f32 v9, v5;
	v5 =	vld [tilespmem:$0x1FD90]  }
0x121: {  	v34 =	vld [tilespmem:s28+$0x54E0]  }
0x122: {  	v45 =	vld [tilespmem:s28+$0xD4E0]  }
0x123: {  	v41 =	vld [tilespmem:s28+$0xD320]  }
0x124: {  	v8 =	vld [tilespmem:$0x1FDB0]  }
0x125: {  	v2 =	vmul.f32 v5, v2;
	v5 =	vld [tilespmem:$0x1FDA0]  }
0x126: {  	v38 =	vld [tilespmem:s28+$0x52A0]  }
0x127: {  	v30 =	vld [tilespmem:s28+$0xD2A0]  }
0x128: {  	v61 =	vmul.f32 v45, v34;
	v45 =	vld [tilespmem:s28+$0xD1B0]  }
0x129: {  	v0 =	vadd.f32 v6, v0;
	v6 =	vld [tilespmem:$0x1FDD0]  }
0x12a: {  	v1 =	vadd.f32 v43, v1;
	v43 =	vmul.f32 v8, v5;
	v5 =	vld [tilespmem:$0x1FDC0]  }
0x12b: {  	v29 =	vld [tilespmem:s28+$0x5290]  }
0x12c: {  	v34 =	vld [tilespmem:s28+$0x5040]  }
0x12d: {  	v37 =	vld [tilespmem:s28+$0x5130]  }
0x12e: {  	v19 =	vld [tilespmem:s28+$0x5200]  }
0x12f: {  	v9 =	vmul.f32 v6, v5;
	v5 =	vld [tilespmem:$0x1FDE0]  }
0x130: {  	v6 =	vld [tilespmem:$0x1FDF0]  }
0x131: {  	v23 =	vld [tilespmem:s28+$0x5300]  }
0x132: {  	v44 =	vld [tilespmem:s28+$0x5310]  }
0x133: {  	v25 =	vld [tilespmem:s28+$0xD300]  }
0x134: {  	v39 =	vld [tilespmem:s28+$0xD050]  }
0x135: {  	v36 =	vmul.f32 v6, v5;
	v6 =	vadd.f32 v61, v1;
	v1 =	vld [tilespmem:$0x1FE00]  }
0x136: {  	v5 =	vld [tilespmem:$0x1FE10]  }
0x137: {  	v55 =	vld [tilespmem:s28+$0xD130]  }
0x138: {  	v56 =	vld [tilespmem:s28+$0x5180]  }
0x139: {  	(xrf2) =	vadd.scan.msk.f32 $0xffff, v24;
	v24 =	vld [tilespmem:$0x1FFF0]  }
0x13a: {  	v8 =	vld [tilespmem:$0x1FE30]  }
0x13b: {  	v1 =	vmul.f32 v5, v1;
	v5 =	vld [tilespmem:$0x1FE20]  }
0x13c: {  	v16 =	vld [tilespmem:s28+$0xD310]  }
0x13d: {  	v13 =	vld [tilespmem:s28+$0xD280]  }
0x13e: {  	v14 =	vld [tilespmem:s28+$0x5280]  }
0x13f: {  	v0 =	vadd.f32 v3, v0;
	v3 =	vmul.f32 v25, v23;
	v23 =	vadd.f32 v12, v6;
	v12 =	vld [tilespmem:$0x1FE50]  }
0x140: {  	v8 =	vmul.f32 v8, v5;
	v5 =	vld [tilespmem:$0x1FE40]  }
0x141: {  	v11 =	vld [tilespmem:s28+$0xD290]  }
0x142: {  	v35 =	vld [tilespmem:s28+$0xD220]  }
0x143: {  	v49 =	vld [tilespmem:s28+$0xD210]  }
0x144: {  	v31 =	vld [tilespmem:s28+$0xD100]  }
0x145: {  	v12 =	vmul.f32 v12, v5;
	v5 =	vld [tilespmem:$0x1FE60]  }
0x146: {  	v20 =	vld [tilespmem:s28+$0xD200];
	v11 =	vmul.f32 v11, v29;
	v6 =	vmul.f32 v13, v14  }
0x147: {  	v52 =	vld [tilespmem:s28+$0x51B0]  }
0x148: {  	v58 =	vld [tilespmem:s28+$0xD1A0];
	v10 =	vmul.f32 v16, v44;
	v6 =	vadd.f32 v11, v6;
	v11 =	vmul.f32 v30, v38  }
0x149: {  	v18 =	vld [tilespmem:s28+$0x5210]  }
0x14a: {  	v3 =	vadd.f32 v10, v3;
	v21 =	vadd.f32 v11, v6;
	v6 =	vld [tilespmem:$0x1FEB0];
	v10 =	vmul.f32 v41, v5  }
0x14b: {  	v5 =	vld [tilespmem:$0x1FE80]  }
0x14c: {  	v10 =	vadd.f32 v10, v3;
	v3 =	vld [tilespmem:$0x1FE70]  }
0x14d: {  	v11 =	vld [tilespmem:$0x1FEC0]  }
0x14e: {  	v44 =	vld [tilespmem:s28+$0x5190]  }
0x14f: {  	v16 =	vld [tilespmem:$0x1FF40];
	v0 =	vadd.f32 v63, v0  }
0x150: {  	v17 =	vld [tilespmem:s28+$0xD180]  }
0x151: {  	v27 =	vld [tilespmem:s28+$0xD110];
	v0 =	vadd.f32 v15, v0;
	v14 =	vmul.f32 v5, v3  }
0x152: {  	v22 =	vmul.f32 v11, v6;
	v6 =	vld [tilespmem:$0x1FED0]  }
0x153: {  	v15 =	vadd.f32 v51, v0;
	v0 =	vadd.f32 v14, v10;
	v10 =	vld [tilespmem:$0x1FEE0]  }
0x154: {  	v28 =	vld [tilespmem:s28+$0x51A0]  }
0x155: {  	v56 =	vmul.f32 v17, v56;
	v17 =	vld [tilespmem:$0x1FFE0]  }
0x156: {  	v29 =	vld [tilespmem:s28+$0xD190]  }
0x157: {  	v11 =	vld [tilespmem:$0x1FF00]  }
0x158: {  	v10 =	vmul.f32 v10, v6;
	v6 =	vld [tilespmem:$0x1FEF0]  }
0x159: {  	v59 =	vld [tilespmem:s28+$0xD120]  }
0x15a: {  	v17 =	vmul.f32 v24, v17;
	v24 =	vld [tilespmem:s28+$0x5080]  }
0x15b: {  	v30 =	vadd.f32 v9, v0;
	v0 =	vld [tilespmem:$0x1FF70]  }
0x15c: {  	v9 =	vld [tilespmem:$0x1FF80]  }
0x15d: {  	v14 =	vmul.f32 v11, v6;
	v6 =	vld [tilespmem:$0x1FF10]  }
0x15e: {  	v11 =	vld [tilespmem:$0x1FF20]  }
0x15f: {  	v50 =	vld [tilespmem:s28+$0x5120]  }
0x160: {  	v4 =	vld [tilespmem:s28+$0x5030]  }
0x161: {  	v9 =	vmul.f32 v9, v0;
	v0 =	vld [tilespmem:$0x1FF90]  }
0x162: {  	v10 =	vadd.f32 v14, v10;
	v14 =	vld [tilespmem:$0x1FFA0]  }
0x163: {  	v6 =	vmul.f32 v11, v6;
	v11 =	vld [tilespmem:$0x1FF30]  }
0x164: {  	v7 =	vld [tilespmem:s28+$0xD030]  }
0x165: {  	v51 =	vld [tilespmem:s28+$0x5110]  }
0x166: {  	v25 =	vadd.f32 v22, v21;
	v21 =	vld [tilespmem:$0x1FF60]  }
0x167: {  	v14 =	vmul.f32 v14, v0;
	v0 =	vld [tilespmem:$0x1FFB0]  }
0x168: {  	v11 =	vmul.f32 v16, v11;
	v16 =	vld [tilespmem:$0x1FF50]  }
0x169: {  	v13 =	vld [tilespmem:s28+$0xD020]  }
0x16a: {  	v3 =	vld [tilespmem:$0x1FE90]  }
0x16b: {  	v5 =	vld [tilespmem:$0x1FEA0]  }
0x16c: {  	v38 =	vld [tilespmem:s28+$0x5000]  }
0x16d: {  	v21 =	vmul.f32 v21, v16;
	v16 =	vadd.f32 v12, v25;
	v12 =	vmul.f32 v39, v0;
	v0 =	vld [tilespmem:$0x1FFC0]  }
0x16e: {  	v25 =	vld [tilespmem:$0x1FFD0]  }
0x16f: {  	v22 =	vld [tilespmem:s28+$0xD000]  }
0x170: {  	v3 =	vmul.f32 v5, v3;
	v5 =	vld [tilespmem:s28+$0x5100]  }
0x171: {  	v41 =	vld [tilespmem:s28+$0x5020];
	v30 =	vadd.f32 v32, v30  }
0x172: {  	v44 =	vmul.f32 v29, v44;
	v29 =	vmul.f32 v45, v52;
	v39 =	vld [tilespmem:s28+$0xD010]  }
0x173: {  	v61 =	vadd.f32 v57, v30;
	v16 =	vadd.f32 v43, v16;
	v0 =	vmul.f32 v25, v0;
	v25 =	vld [tilespmem:s28+$0x5010]  }
0x174: {  	(xrf2) =	vadd.scan.msk.f32 $0xffff, v40;
	v30 =	vadd.f32 v44, v56;
	v44 =	vmul.f32 v27, v51;
	v27 =	vld [tilespmem:s28+$0x5090];
	v43 =	vmul.f32 v58, v28  }
0x175: {  	s29 =	simm.s32 $0x0;
	s30 =	simm.s32 $0x1;
	s26 =	sshll.u32 s25, $0x1;
	(xrf2) =	vadd.scan.msk.f32 $0xffff, v42;
	v42 =	vmul.f32 v31, v5;
	v40 =	vadd.f32 v26, v16;
	v26 =	vld [tilespmem:s28+$0xD080];
	v16 =	vadd.f32 v62, v61  }
.LBB2_3:
0x176: {  	v30 =	vadd.f32 v43, v30;
	_ =	sdelay $0x1  }
0x177: {  	v29 =	vadd.f32 v29, v30;
	v22 =	vmul.f32 v22, v38;
	v25 =	vmul.f32 v39, v25  }
0x178: {  	(xrf2) =	vadd.scan.msk.f32 $0xffff, v23  }
0x179: {  	v5, _, _ =	vpop (xrf2);
	(xrf2) =	vadd.scan.msk.f32 $0xffff, v15;
	v15 =	vadd.f32 v25, v22;
	v22 =	vadd.f32 v0, v29;
	_ =	sdelay $0x1  }
0x17a: {  	v45 =	vld [tilespmem:s28+$0xD090];
	v21 =	vadd.f32 v21, v22  }
0x17b: {  	v62 =	vadd.f32 v44, v42;
	v63 =	vmul.f32 v59, v50  }
0x17c: {  	v8 =	vadd.f32 v8, v21  }
0x17d: {  	v37 =	vmul.f32 v55, v37;
	v44 =	vadd.f32 v63, v62  }
0x17e: {  	v13 =	vmul.f32 v13, v41;
	v8 =	vadd.f32 v2, v8;
	v2 =	vld [tilespmem:$0x1FAB0]  }
0x17f: {  	v25 =	vmul.f32 v45, v27;
	v27 =	vadd.f32 v37, v44  }
0x180: {  	v7 =	vmul.f32 v7, v4;
	v13 =	vadd.f32 v13, v15  }
0x181: {  	v19 =	vmul.f32 v20, v19;
	v18 =	vmul.f32 v49, v18;
	v17 =	vadd.f32 v17, v27  }
0x182: {  	v7 =	vadd.f32 v7, v13;
	v13 =	vld [tilespmem:$0x1FBE0]  }
0x183: {  	v18 =	vadd.f32 v18, v19;
	v14 =	vadd.f32 v14, v17;
	v17 =	vmul.f32 v35, v2  }
0x184: {  	v23 =	vld [tilespmem:s28+$0x50A0]  }
0x185: {  	v11 =	vadd.f32 v11, v14;
	v14 =	vadd.f32 v17, v18;
	v17 =	vld [tilespmem:$0x1F940]  }
0x186: {  	v18 =	vld [tilespmem:$0x1F950]  }
0x187: {  	v43 =	vld [tilespmem:s28+$0xD0A0];
	v13 =	vmul.f32 v13, v34  }
0x188: {  	v30 =	vld [tilespmem:s28+$0x50B0]  }
0x189: {  	v24 =	vmul.f32 v26, v24;
	v26 =	vld [tilespmem:s28+$0x50C0];
	v7 =	vadd.f32 v13, v7  }
0x18a: {  	v19 =	vld [tilespmem:s28+$0xD0B0]  }
0x18b: {  	v15 =	vld [tilespmem:s28+$0xD0C0];
	v7 =	vadd.f32 v12, v7;
	v17 =	vmul.f32 v18, v17  }
0x18c: {  	v22 =	vmul.f32 v43, v23;
	v23 =	vld [tilespmem:s28+$0x50D0]  }
0x18d: {  	v7 =	vadd.f32 v9, v7;
	v9 =	vadd.f32 v17, v14;
	v14 =	vld [tilespmem:$0x1F920]  }
0x18e: {  	v0, _, _ =	vpop (xrf2);
	(xrf2) =	vadd.scan.msk.f32 $0xffff, v16;
	v16 =	vadd.f32 v25, v24;
	v17 =	vld [tilespmem:$0x1F930]  }
0x18f: {  	v24 =	vld [tilespmem:s28+$0xD0D0]  }
0x190: {  	v20 =	vadd.f32 v54, v40;
	v16 =	vadd.f32 v22, v16;
	v21 =	vld [tilespmem:s28+$0x50E0];
	v19 =	vmul.f32 v19, v30  }
0x191: {  	v13 =	vld [tilespmem:s28+$0xD0E0]  }
0x192: {  	v4, _, _ =	vpop (xrf2);
	(xrf2) =	vadd.scan.msk.f32 $0xffff, v20;
	v20 =	vadd.f32 v19, v16;
	v15 =	vmul.f32 v15, v26;
	v19 =	vld [tilespmem:s28+$0x50F0];
	v1 =	vadd.f32 v1, v11  }
0x193: {  	v2, _, _ =	vpop (xrf2);
	(xrf2) =	vadd.scan.msk.f32 $0xffff, v8;
	v12 =	vld [tilespmem:s28+$0xD0F0];
	v14 =	vmul.f32 v17, v14  }
0x194: {  	v8 =	vadd.f32 v15, v20;
	v15 =	vmul.f32 v24, v23;
	v16, _, _ =	vpop (xrf2);
	(xrf2) =	vadd.scan.msk.f32 $0xffff, v1;
	v1 =	vadd.f32 v6, v7;
	v7 =	vld [tilespmem:$0x1F900]  }
0x195: {  	v6 =	vadd.f32 v14, v9;
	v9 =	vld [tilespmem:$0x1F910]  }
0x196: {  	v8 =	vadd.f32 v15, v8;
	v13 =	vmul.f32 v13, v21  }
0x197: {  	v11 =	vld [tilespmem:s28+$0xD260]  }
0x198: {  	v15 =	vld [tilespmem:s28+$0xD270];
	v8 =	vadd.f32 v13, v8;
	v12 =	vmul.f32 v12, v19  }
0x199: {  	v18 =	vld [tilespmem:$0x1FD70]  }
0x19a: {  	v3 =	vadd.f32 v3, v10;
	v10, _, _ =	vpop (xrf2);
	(xrf2) =	vadd.scan.msk.f32 $0xffff, v1;
	v1 =	vadd.f32 v12, v8;
	v8 =	vld [tilespmem:$0x1F8D0];
	v7 =	vmul.f32 v9, v7  }
0x19b: {  	v12 =	vld [tilespmem:$0x1F8E0]  }
0x19c: {  	v6 =	vadd.f32 v7, v6;
	v7 =	vld [tilespmem:$0x1F8F0]  }
0x19d: {  	v14 =	vld [tilespmem:$0x1FCA0]  }
0x19e: {  	v3 =	vadd.f32 v36, v3;
	v17 =	vld [tilespmem:s28+$0x5270];
	_ =	sdelay $0x1  }
0x19f: {  	v3 =	vadd.f32 v48, v3;
	v8 =	vmul.f32 v12, v8  }
0x1a0: {  	v13 =	vld [tilespmem:s28+$0x53F0];
	v7 =	vmul.f32 v11, v7  }
0x1a1: {  	v3 =	vadd.f32 v8, v3;
	v8 =	vld [tilespmem:$0x1F8C0];
	v14 =	vadd.f32 v14, v18  }
0x1a2: {  	v9 =	vld [tilespmem:s28+$0xD3E0];
	v6 =	vadd.f32 v7, v6;
	v7 =	vmul.f32 v15, v17  }
0x1a3: {  	v14 =	vadd.f32 v46, v14;
	v11 =	vld [tilespmem:s28+$0xD3F0]  }
0x1a4: {  	v18, _, _ =	vpop (xrf2);
	(xrf2) =	vadd.scan.msk.f32 $0xffff, v1;
	v1 =	vadd.f32 v7, v6;
	v7 =	vld [tilespmem:$0x1F8A0]  }
0x1a5: {  	v6 =	vadd.f32 v33, v14;
	v14 =	vld [tilespmem:$0x1F8B0]  }
0x1a6: {  	v12 =	vld [tilespmem:s28+$0xD560]  }
0x1a7: {  	v8 =	vmul.f32 v9, v8;
	v9 =	vld [tilespmem:s28+$0xD570]  }
0x1a8: {  	v15 =	vld [tilespmem:s28+$0x5570]  }
0x1a9: {  	v17 =	vld [tilespmem:$0x1FB90]  }
0x1aa: {  	v3 =	vadd.f32 v8, v3;
	v8 =	vmul.f32 v11, v13;
	v13 =	vld [tilespmem:s28+$0x56F0];
	v7 =	vmul.f32 v14, v7  }
0x1ab: {  	v19, _, _ =	vpop (xrf2);
	v14 =	vld [tilespmem:s28+$0xD6E0]  }
0x1ac: {  	v6 =	vadd.f32 v7, v6;
	v7 =	vld [tilespmem:$0x1F890]  }
0x1ad: {  	(xrf2) =	vadd.scan.msk.f32 $0xffff, v1;
	v1 =	vadd.f32 v8, v3;
	v3 =	vld [tilespmem:$0x1FA30]  }
0x1ae: {  	v17 =	vadd.f32 v53, v17;
	_ =	sdelay $0x1  }
0x1af: {  	v11 =	vadd.f32 v60, v17  }
0x1b0: {  	v8 =	vld [tilespmem:$0x1F870]  }
0x1b1: {  	v3 =	vadd.f32 v3, v11;
	v11 =	vld [tilespmem:$0x1F880];
	_ =	sdelay $0x4  }
0x1b2: {  	v8 =	vmul.f32 v11, v8  }
0x1b3: {  	v17 =	vld [tilespmem:$0x1F9D0];
	v7 =	vmul.f32 v12, v7  }
0x1b4: {  	v3 =	vadd.f32 v8, v3;
	v8 =	vld [tilespmem:$0x1F860]  }
0x1b5: {  	v6 =	vadd.f32 v7, v6;
	v7 =	vmul.f32 v9, v15;
	v9 =	vld [tilespmem:$0x1F840]  }
0x1b6: {  	v15 =	vld [tilespmem:$0x1F850]  }
0x1b7: {  	v20, _, _ =	vpop (xrf2);
	(xrf2) =	vadd.scan.msk.f32 $0xffff, v1;
	v1 =	vadd.f32 v7, v6;
	v6 =	vld [tilespmem:$0x1F820]  }
0x1b8: {  	v7 =	vld [tilespmem:$0x1F830]  }
0x1b9: {  	v8 =	vmul.f32 v14, v8;
	v14 =	vld [tilespmem:$0x1F980];
	_ =	sdelay $0x1  }
0x1ba: {  	v12 =	vld [tilespmem:s28+$0xD6F0]  }
0x1bb: {  	v17 =	vadd.f32 v17, v47;
	v11 =	vld [tilespmem:s28+$0x57E0]  }
0x1bc: {  	v9 =	vmul.f32 v15, v9;
	v15 =	vld [tilespmem:s28+$0xD7E0]  }
0x1bd: {  	v6 =	vmul.f32 v7, v6;
	v7 =	vld [tilespmem:s28+$0xD7F0];
	v14 =	vadd.f32 v14, v17  }
0x1be: {  	v17 =	vld [tilespmem:s28+$0x57F0]  }
0x1bf: {  	v12 =	vmul.f32 v12, v13;
	v3 =	vadd.f32 v8, v3;
	v9 =	vadd.f32 v9, v14  }
0x1c0: {  	v21, _, _ =	vpop (xrf2);
	(xrf2) =	vadd.scan.msk.f32 $0xffff, v1  }
0x1c1: {  	v1 =	vadd.f32 v12, v3;
	v8, _, _ =	vpop (xrf2);
	v3 =	vadd.f32 v6, v9;
	v6 =	vmul.f32 v15, v11  }
0x1c2: {  	v12 =	vbroadcast v8, $0xF;
	v9 =	vbroadcast v21, $0xF  }
0x1c3: {  	(xrf2) =	vadd.scan.msk.f32 $0xffff, v1;
	v11 =	vbroadcast v20, $0xF;
	v3 =	vadd.f32 v6, v3;
	v6 =	vmul.f32 v7, v17  }
0x1c4: {  	v8, _, _ =	vpop (xrf2);
	v1 =	vsel vm0, v9, v12;
	v7 =	vbroadcast v19, $0xF  }
0x1c5: {  	v9 =	vbroadcast v8, $0xF;
	v1 =	vsel vm1, v1, v11;
	v3 =	vadd.f32 v6, v3  }
0x1c6: {  	v1 =	vsel vm2, v1, v7;
	v6 =	vbroadcast v18, $0xF  }
0x1c7: {  	v8, _, _ =	vpop (xrf2);
	v7 =	vbroadcast v10, $0xF;
	v1 =	vsel vm3, v1, v9;
	(xrf2) =	vadd.scan.msk.f32 $0xffff, v3  }
0x1c8: {  	v8 =	vbroadcast v8, $0xF;
	v1 =	vsel vm4, v1, v6  }
0x1c9: {  	v6 =	vbroadcast v16, $0xF;
	v1 =	vsel vm5, v1, v7  }
0x1ca: {  	v2 =	vbroadcast v2, $0xF;
	v1 =	vsel vm6, v1, v8;
	v3, _, _ =	vpop (xrf2)  }
0x1cb: {  	v1 =	vsel vm7, v1, v6;
	v6 =	vbroadcast v3, $0xF  }
0x1cc: {  	v1 =	vsel vm8, v1, v2;
	v2 =	vbroadcast v4, $0xF  }
0x1cd: {  	v0 =	vbroadcast v0, $0xF;
	v3, _, _ =	vpop (xrf2);
	v1 =	vsel vm9, v1, v6  }
0x1ce: {  	v1 =	vsel vm10, v1, v2;
	v2 =	vbroadcast v3, $0xF  }
0x1cf: {  	v3 =	vbroadcast v5, $0xF;
	v0 =	vsel vm11, v1, v0  }
0x1d0: {  	v0 =	vsel vm12, v0, v2  }
0x1d1: {  	s28 =	sshll.u32 s29, $0x4;
	v0 =	vsel vm13, v0, v3;
	v1, _, _ =	vpop (xrf2)  }
0x1d2: {  	s31 =	sand.u32 $0x3FFFFFF0, s28;
	v0 =	vsel vm14, v0, v1  }
0x1d3: {  	s28 =	sshll.u32 s30, $0xB;
	[tilespmem:s31+$0x15000] =	vst v0  }
0x1d4: {  	v0 =	vld [tilespmem:s28+$0x57D0];
	_ =	sdelay $0x4  }
0x1d5: {  	[tilespmem:$0x1F820] =	vst v0;
	v0 =	vld [tilespmem:s28+$0xD7D0];
	_ =	sdelay $0x4  }
0x1d6: {  	[tilespmem:$0x1F830] =	vst v0;
	v0 =	vld [tilespmem:s28+$0x57C0];
	_ =	sdelay $0x4  }
0x1d7: {  	[tilespmem:$0x1F840] =	vst v0;
	v0 =	vld [tilespmem:s28+$0xD7C0];
	_ =	sdelay $0x4  }
0x1d8: {  	[tilespmem:$0x1F850] =	vst v0;
	v0 =	vld [tilespmem:s28+$0x56E0];
	_ =	sdelay $0x4  }
0x1d9: {  	[tilespmem:$0x1F860] =	vst v0;
	v0 =	vld [tilespmem:s28+$0x56D0];
	_ =	sdelay $0x4  }
0x1da: {  	[tilespmem:$0x1F870] =	vst v0;
	v0 =	vld [tilespmem:s28+$0xD6D0];
	_ =	sdelay $0x4  }
0x1db: {  	[tilespmem:$0x1F880] =	vst v0;
	v0 =	vld [tilespmem:s28+$0x56C0];
	_ =	sdelay $0x4  }
0x1dc: {  	[tilespmem:$0x1F1A0] =	vst v0;
	v0 =	vld [tilespmem:s28+$0xD6C0];
	_ =	sdelay $0x4  }
0x1dd: {  	[tilespmem:$0x1F1B0] =	vst v0;
	v0 =	vld [tilespmem:s28+$0x5730];
	_ =	sdelay $0x4  }
0x1de: {  	[tilespmem:$0x1F180] =	vst v0;
	v0 =	vld [tilespmem:s28+$0xD730];
	_ =	sdelay $0x4  }
0x1df: {  	[tilespmem:$0x1F190] =	vst v0;
	v0 =	vld [tilespmem:s28+$0x5780];
	_ =	sdelay $0x4  }
0x1e0: {  	[tilespmem:$0x1F1C0] =	vst v0;
	v0 =	vld [tilespmem:s28+$0xD780];
	_ =	sdelay $0x4  }
0x1e1: {  	[tilespmem:$0x1F1D0] =	vst v0;
	v0 =	vld [tilespmem:s28+$0x5790];
	_ =	sdelay $0x4  }
0x1e2: {  	[tilespmem:$0x1F1E0] =	vst v0;
	v0 =	vld [tilespmem:s28+$0xD790];
	_ =	sdelay $0x4  }
0x1e3: {  	[tilespmem:$0x1F1F0] =	vst v0;
	v0 =	vld [tilespmem:s28+$0x54F0];
	_ =	sdelay $0x4  }
0x1e4: {  	[tilespmem:$0x1F200] =	vst v0;
	v0 =	vld [tilespmem:s28+$0xD4F0];
	_ =	sdelay $0x4  }
0x1e5: {  	[tilespmem:$0x1F210] =	vst v0;
	v0 =	vld [tilespmem:s28+$0x5560];
	_ =	sdelay $0x4  }
0x1e6: {  	[tilespmem:$0x1F890] =	vst v0;
	v0 =	vld [tilespmem:s28+$0x55D0];
	_ =	sdelay $0x4  }
0x1e7: {  	[tilespmem:$0x1F220] =	vst v0;
	v0 =	vld [tilespmem:s28+$0xD5D0];
	_ =	sdelay $0x4  }
0x1e8: {  	[tilespmem:$0x1F230] =	vst v0;
	v0 =	vld [tilespmem:s28+$0x5640];
	_ =	sdelay $0x4  }
0x1e9: {  	[tilespmem:$0x1F240] =	vst v0;
	v0 =	vld [tilespmem:s28+$0xD640];
	_ =	sdelay $0x4  }
0x1ea: {  	[tilespmem:$0x1F250] =	vst v0;
	v0 =	vld [tilespmem:s28+$0x56B0];
	_ =	sdelay $0x4  }
0x1eb: {  	[tilespmem:$0x1F260] =	vst v0;
	v0 =	vld [tilespmem:s28+$0xD6B0];
	_ =	sdelay $0x4  }
0x1ec: {  	[tilespmem:$0x1F270] =	vst v0;
	v0 =	vld [tilespmem:s28+$0x5470];
	_ =	sdelay $0x4  }
0x1ed: {  	[tilespmem:$0x1F280] =	vst v0;
	v0 =	vld [tilespmem:s28+$0xD470];
	_ =	sdelay $0x4  }
0x1ee: {  	[tilespmem:$0x1F290] =	vst v0;
	v0 =	vld [tilespmem:s28+$0x54E0];
	_ =	sdelay $0x4  }
0x1ef: {  	[tilespmem:$0x1F2A0] =	vst v0;
	v0 =	vld [tilespmem:s28+$0xD4E0];
	_ =	sdelay $0x4  }
0x1f0: {  	[tilespmem:$0x1F2B0] =	vst v0;
	v0 =	vld [tilespmem:s28+$0x5550];
	_ =	sdelay $0x4  }
0x1f1: {  	[tilespmem:$0x1F8A0] =	vst v0;
	v0 =	vld [tilespmem:s28+$0xD550];
	_ =	sdelay $0x4  }
0x1f2: {  	[tilespmem:$0x1F8B0] =	vst v0;
	v0 =	vld [tilespmem:s28+$0x55C0];
	_ =	sdelay $0x4  }
0x1f3: {  	[tilespmem:$0x1F2C0] =	vst v0;
	v0 =	vld [tilespmem:s28+$0xD5C0];
	_ =	sdelay $0x4  }
0x1f4: {  	[tilespmem:$0x1F2D0] =	vst v0;
	v0 =	vld [tilespmem:s28+$0x5630];
	_ =	sdelay $0x4  }
0x1f5: {  	[tilespmem:$0x1F2E0] =	vst v0;
	v0 =	vld [tilespmem:s28+$0xD630];
	_ =	sdelay $0x4  }
0x1f6: {  	[tilespmem:$0x1F2F0] =	vst v0;
	v0 =	vld [tilespmem:s28+$0x56A0];
	_ =	sdelay $0x4  }
0x1f7: {  	[tilespmem:$0x1F310] =	vst v0;
	v0 =	vld [tilespmem:s28+$0xD6A0];
	_ =	sdelay $0x4  }
0x1f8: {  	[tilespmem:$0x1F320] =	vst v0;
	v0 =	vld [tilespmem:s28+$0x5460];
	_ =	sdelay $0x4  }
0x1f9: {  	[tilespmem:$0x1F330] =	vst v0;
	v0 =	vld [tilespmem:s28+$0xD460];
	_ =	sdelay $0x4  }
0x1fa: {  	[tilespmem:$0x1F340] =	vst v0;
	v0 =	vld [tilespmem:s28+$0x54D0];
	_ =	sdelay $0x4  }
0x1fb: {  	[tilespmem:$0x1F3B0] =	vst v0;
	v0 =	vld [tilespmem:s28+$0xD4D0];
	_ =	sdelay $0x4  }
0x1fc: {  	[tilespmem:$0x1F3C0] =	vst v0;
	v0 =	vld [tilespmem:s28+$0x5540];
	_ =	sdelay $0x4  }
0x1fd: {  	[tilespmem:$0x1F3D0] =	vst v0;
	v0 =	vld [tilespmem:s28+$0xD540];
	_ =	sdelay $0x4  }
0x1fe: {  	[tilespmem:$0x1F3E0] =	vst v0;
	v0 =	vld [tilespmem:s28+$0x55B0];
	_ =	sdelay $0x4  }
0x1ff: {  	[tilespmem:$0x1F350] =	vst v0;
	v0 =	vld [tilespmem:s28+$0xD5B0];
	_ =	sdelay $0x4  }
0x200: {  	[tilespmem:$0x1F360] =	vst v0;
	v0 =	vld [tilespmem:s28+$0x5620];
	_ =	sdelay $0x4  }
0x201: {  	[tilespmem:$0x1F300] =	vst v0;
	v0 =	vld [tilespmem:s28+$0x5680];
	_ =	sdelay $0x4  }
0x202: {  	[tilespmem:$0x1F370] =	vst v0;
	v0 =	vld [tilespmem:s28+$0xD680];
	_ =	sdelay $0x4  }
0x203: {  	[tilespmem:$0x1F380] =	vst v0;
	v0 =	vld [tilespmem:s28+$0x5690];
	_ =	sdelay $0x4  }
0x204: {  	[tilespmem:$0x1F390] =	vst v0;
	v0 =	vld [tilespmem:s28+$0xD690];
	_ =	sdelay $0x4  }
0x205: {  	[tilespmem:$0x1F3A0] =	vst v0;
	v0 =	vld [tilespmem:s28+$0x5370];
	_ =	sdelay $0x4  }
0x206: {  	[tilespmem:$0x1F3F0] =	vst v0;
	v0 =	vld [tilespmem:s28+$0xD370];
	_ =	sdelay $0x4  }
0x207: {  	[tilespmem:$0x1F400] =	vst v0;
	v0 =	vld [tilespmem:s28+$0x53E0];
	_ =	sdelay $0x4  }
0x208: {  	[tilespmem:$0x1F8C0] =	vst v0;
	v0 =	vld [tilespmem:s28+$0x5450];
	_ =	sdelay $0x4  }
0x209: {  	[tilespmem:$0x1F410] =	vst v0;
	v0 =	vld [tilespmem:s28+$0xD450];
	_ =	sdelay $0x4  }
0x20a: {  	[tilespmem:$0x1F420] =	vst v0;
	v0 =	vld [tilespmem:s28+$0x54C0];
	_ =	sdelay $0x4  }
0x20b: {  	[tilespmem:$0x1F430] =	vst v0;
	v0 =	vld [tilespmem:s28+$0xD4C0];
	_ =	sdelay $0x4  }
0x20c: {  	[tilespmem:$0x1F440] =	vst v0;
	v0 =	vld [tilespmem:s28+$0x5530];
	_ =	sdelay $0x4  }
0x20d: {  	[tilespmem:$0x1F470] =	vst v0;
	v0 =	vld [tilespmem:s28+$0xD530];
	_ =	sdelay $0x4  }
0x20e: {  	[tilespmem:$0x1F480] =	vst v0;
	v0 =	vld [tilespmem:s28+$0x52F0];
	_ =	sdelay $0x4  }
0x20f: {  	[tilespmem:$0x1F450] =	vst v0;
	v0 =	vld [tilespmem:s28+$0xD2F0];
	_ =	sdelay $0x4  }
0x210: {  	[tilespmem:$0x1F460] =	vst v0;
	v0 =	vld [tilespmem:s28+$0x5360];
	_ =	sdelay $0x4  }
0x211: {  	[tilespmem:$0x1F490] =	vst v0;
	v0 =	vld [tilespmem:s28+$0xD360];
	_ =	sdelay $0x4  }
0x212: {  	[tilespmem:$0x1F4A0] =	vst v0;
	v0 =	vld [tilespmem:s28+$0x53D0];
	_ =	sdelay $0x4  }
0x213: {  	[tilespmem:$0x1F8D0] =	vst v0;
	v0 =	vld [tilespmem:s28+$0xD3D0];
	_ =	sdelay $0x4  }
0x214: {  	[tilespmem:$0x1F8E0] =	vst v0;
	v0 =	vld [tilespmem:s28+$0x5440];
	_ =	sdelay $0x4  }
0x215: {  	[tilespmem:$0x1F4B0] =	vst v0;
	v0 =	vld [tilespmem:s28+$0xD440];
	_ =	sdelay $0x4  }
0x216: {  	[tilespmem:$0x1F4C0] =	vst v0;
	v0 =	vld [tilespmem:s28+$0x54B0];
	_ =	sdelay $0x4  }
0x217: {  	[tilespmem:$0x1F4D0] =	vst v0;
	v0 =	vld [tilespmem:s28+$0xD4B0];
	_ =	sdelay $0x4  }
0x218: {  	[tilespmem:$0x1F4E0] =	vst v0;
	v0 =	vld [tilespmem:s28+$0x5520];
	_ =	sdelay $0x4  }
0x219: {  	[tilespmem:$0x1F4F0] =	vst v0;
	v0 =	vld [tilespmem:s28+$0xD520];
	_ =	sdelay $0x4  }
0x21a: {  	[tilespmem:$0x1F500] =	vst v0;
	v0 =	vld [tilespmem:s28+$0x52E0];
	_ =	sdelay $0x4  }
0x21b: {  	[tilespmem:$0x1F510] =	vst v0;
	v0 =	vld [tilespmem:s28+$0xD2E0];
	_ =	sdelay $0x4  }
0x21c: {  	[tilespmem:$0x1F520] =	vst v0;
	v0 =	vld [tilespmem:s28+$0x5350];
	_ =	sdelay $0x4  }
0x21d: {  	[tilespmem:$0x1F560] =	vst v0;
	v0 =	vld [tilespmem:s28+$0xD350];
	_ =	sdelay $0x4  }
0x21e: {  	[tilespmem:$0x1F570] =	vst v0;
	v0 =	vld [tilespmem:s28+$0x53C0];
	_ =	sdelay $0x4  }
0x21f: {  	[tilespmem:$0x1F5A0] =	vst v0;
	v0 =	vld [tilespmem:s28+$0xD3C0];
	_ =	sdelay $0x4  }
0x220: {  	[tilespmem:$0x1F5B0] =	vst v0;
	v0 =	vld [tilespmem:s28+$0x5430];
	_ =	sdelay $0x4  }
0x221: {  	[tilespmem:$0x1F580] =	vst v0;
	v0 =	vld [tilespmem:s28+$0xD430];
	_ =	sdelay $0x4  }
0x222: {  	[tilespmem:$0x1F590] =	vst v0;
	v0 =	vld [tilespmem:s28+$0x5500];
	_ =	sdelay $0x4  }
0x223: {  	[tilespmem:$0x1F530] =	vst v0;
	v0 =	vld [tilespmem:s28+$0xD500];
	_ =	sdelay $0x4  }
0x224: {  	[tilespmem:$0x1F540] =	vst v0;
	v0 =	vld [tilespmem:s28+$0x5510];
	_ =	sdelay $0x4  }
0x225: {  	[tilespmem:$0x1F550] =	vst v0;
	v0 =	vld [tilespmem:s28+$0x51F0];
	_ =	sdelay $0x4  }
0x226: {  	[tilespmem:$0x1F5C0] =	vst v0;
	v0 =	vld [tilespmem:s28+$0xD1F0];
	_ =	sdelay $0x4  }
0x227: {  	[tilespmem:$0x1F5D0] =	vst v0;
	v0 =	vld [tilespmem:s28+$0x5260];
	_ =	sdelay $0x4  }
0x228: {  	[tilespmem:$0x1F8F0] =	vst v0;
	v0 =	vld [tilespmem:s28+$0x52D0];
	_ =	sdelay $0x4  }
0x229: {  	[tilespmem:$0x1F5E0] =	vst v0;
	v0 =	vld [tilespmem:s28+$0xD2D0];
	_ =	sdelay $0x4  }
0x22a: {  	[tilespmem:$0x1F5F0] =	vst v0;
	v0 =	vld [tilespmem:s28+$0x5340];
	_ =	sdelay $0x4  }
0x22b: {  	[tilespmem:$0x1F600] =	vst v0;
	v0 =	vld [tilespmem:s28+$0xD340];
	_ =	sdelay $0x4  }
0x22c: {  	[tilespmem:$0x1F610] =	vst v0;
	v0 =	vld [tilespmem:s28+$0x53B0];
	_ =	sdelay $0x4  }
0x22d: {  	[tilespmem:$0x1F620] =	vst v0;
	v0 =	vld [tilespmem:s28+$0xD3B0];
	_ =	sdelay $0x4  }
0x22e: {  	[tilespmem:$0x1F630] =	vst v0;
	v0 =	vld [tilespmem:s28+$0x5170];
	_ =	sdelay $0x4  }
0x22f: {  	[tilespmem:$0x1F640] =	vst v0;
	v0 =	vld [tilespmem:s28+$0xD170];
	_ =	sdelay $0x4  }
0x230: {  	[tilespmem:$0x1F650] =	vst v0;
	v0 =	vld [tilespmem:s28+$0x51E0];
	_ =	sdelay $0x4  }
0x231: {  	[tilespmem:$0x1F660] =	vst v0;
	v0 =	vld [tilespmem:s28+$0x5250];
	_ =	sdelay $0x4  }
0x232: {  	[tilespmem:$0x1F900] =	vst v0;
	v0 =	vld [tilespmem:s28+$0xD250];
	_ =	sdelay $0x4  }
0x233: {  	[tilespmem:$0x1F910] =	vst v0;
	v0 =	vld [tilespmem:s28+$0x52C0];
	_ =	sdelay $0x4  }
0x234: {  	[tilespmem:$0x1F670] =	vst v0;
	v0 =	vld [tilespmem:s28+$0xD2C0];
	_ =	sdelay $0x4  }
0x235: {  	[tilespmem:$0x1F680] =	vst v0;
	v0 =	vld [tilespmem:s28+$0x5330];
	_ =	sdelay $0x4  }
0x236: {  	[tilespmem:$0x1F690] =	vst v0;
	v0 =	vld [tilespmem:s28+$0xD330];
	_ =	sdelay $0x4  }
0x237: {  	[tilespmem:$0x1F6A0] =	vst v0;
	v0 =	vld [tilespmem:s28+$0x53A0];
	_ =	sdelay $0x4  }
0x238: {  	[tilespmem:$0x1F6B0] =	vst v0;
	v0 =	vld [tilespmem:s28+$0xD3A0];
	_ =	sdelay $0x4  }
0x239: {  	[tilespmem:$0x1F6C0] =	vst v0;
	v0 =	vld [tilespmem:s28+$0x5070];
	_ =	sdelay $0x4  }
0x23a: {  	[tilespmem:$0x1F720] =	vst v0;
	v0 =	vld [tilespmem:s28+$0xD070];
	_ =	sdelay $0x4  }
0x23b: {  	[tilespmem:$0x1F730] =	vst v0;
	v0 =	vld [tilespmem:s28+$0x5160];
	_ =	sdelay $0x4  }
0x23c: {  	[tilespmem:$0x1F740] =	vst v0;
	v0 =	vld [tilespmem:s28+$0xD160];
	_ =	sdelay $0x4  }
0x23d: {  	[tilespmem:$0x1F750] =	vst v0;
	v0 =	vld [tilespmem:s28+$0x51D0];
	_ =	sdelay $0x4  }
0x23e: {  	[tilespmem:$0x1F760] =	vst v0;
	v0 =	vld [tilespmem:s28+$0xD1D0];
	_ =	sdelay $0x4  }
0x23f: {  	[tilespmem:$0x1F770] =	vst v0;
	v0 =	vld [tilespmem:s28+$0x5240];
	_ =	sdelay $0x4  }
0x240: {  	[tilespmem:$0x1F920] =	vst v0;
	v0 =	vld [tilespmem:s28+$0xD240];
	_ =	sdelay $0x4  }
0x241: {  	[tilespmem:$0x1F930] =	vst v0;
	v0 =	vld [tilespmem:s28+$0x52B0];
	_ =	sdelay $0x4  }
0x242: {  	[tilespmem:$0x1F6D0] =	vst v0;
	v0 =	vld [tilespmem:s28+$0xD2B0];
	_ =	sdelay $0x4  }
0x243: {  	[tilespmem:$0x1F6E0] =	vst v0;
	v0 =	vld [tilespmem:s28+$0x5380];
	_ =	sdelay $0x4  }
0x244: {  	[tilespmem:$0x1F6F0] =	vst v0;
	v0 =	vld [tilespmem:s28+$0xD380];
	_ =	sdelay $0x4  }
0x245: {  	[tilespmem:$0x1F700] =	vst v0;
	v0 =	vld [tilespmem:s28+$0x5390];
	_ =	sdelay $0x4  }
0x246: {  	[tilespmem:$0x1F710] =	vst v0;
	v0 =	vld [tilespmem:s28+$0x5060];
	_ =	sdelay $0x4  }
0x247: {  	[tilespmem:$0x1F780] =	vst v0;
	v0 =	vld [tilespmem:s28+$0xD060];
	_ =	sdelay $0x4  }
0x248: {  	[tilespmem:$0x1F790] =	vst v0;
	v0 =	vld [tilespmem:s28+$0x5150];
	_ =	sdelay $0x4  }
0x249: {  	[tilespmem:$0x1F7A0] =	vst v0;
	v0 =	vld [tilespmem:s28+$0xD150];
	_ =	sdelay $0x4  }
0x24a: {  	[tilespmem:$0x1F7B0] =	vst v0;
	v0 =	vld [tilespmem:s28+$0x51C0];
	_ =	sdelay $0x4  }
0x24b: {  	[tilespmem:$0x1F7C0] =	vst v0;
	v0 =	vld [tilespmem:s28+$0xD1C0];
	_ =	sdelay $0x3  }
0x24c: {  	v8 =	vld [tilespmem:s28+$0x5670]  }
0x24d: {  	[tilespmem:$0x1F7D0] =	vst v0;
	v0 =	vld [tilespmem:s28+$0x5230]  }
0x24e: {  	v9 =	vld [tilespmem:s28+$0xD670]  }
0x24f: {  	v10 =	vld [tilespmem:s28+$0x57B0]  }
0x250: {  	v11 =	vld [tilespmem:s28+$0xD7B0]  }
0x251: {  	v46 =	vld [tilespmem:s28+$0x57A0]  }
0x252: {  	[tilespmem:$0x1F940] =	vst v0;
	v0 =	vld [tilespmem:s28+$0xD230]  }
0x253: {  	v53 =	vld [tilespmem:s28+$0xD7A0]  }
0x254: {  	v1 =	vld [tilespmem:s28+$0x5710]  }
0x255: {  	v48 =	vld [tilespmem:s28+$0xD710];
	_ =	sdelay $0x1  }
0x256: {  	[tilespmem:$0x1F950] =	vst v0;
	v0 =	vmul.f32 v11, v10  }
0x257: {  	v16 =	vld [tilespmem:s28+$0x5660]  }
0x258: {  	v34 =	vld [tilespmem:s28+$0xD660];
	[tilespmem:$0x1F980] =	vst v0;
	v0 =	vmul.f32 v53, v46  }
0x259: {  	v13 =	vmul.f32 v9, v8;
	v9 =	vmul.f32 v48, v1;
	v1 =	vld [tilespmem:$0x1F190]  }
0x25a: {  	[tilespmem:$0x1F9D0] =	vst v0;
	v0 =	vld [tilespmem:$0x1F180];
	_ =	sdelay $0x2  }
0x25b: {  	v2 =	vld [tilespmem:s28+$0x5770]  }
0x25c: {  	v4 =	vld [tilespmem:s28+$0xD770]  }
0x25d: {  	v10 =	vmul.f32 v34, v16;
	v16 =	vmul.f32 v1, v0;
	v0 =	vld [tilespmem:$0x1F1A0]  }
0x25e: {  	v1 =	vld [tilespmem:$0x1F1B0]  }
0x25f: {  	v5 =	vld [tilespmem:s28+$0x5760]  }
0x260: {  	v7 =	vld [tilespmem:s28+$0xD760]  }
0x261: {  	v6 =	vld [tilespmem:s28+$0x5720]  }
0x262: {  	v45 =	vld [tilespmem:s28+$0x5700]  }
0x263: {  	v3 =	vld [tilespmem:s28+$0xD700];
	v0 =	vmul.f32 v1, v0  }
0x264: {  	v1 =	vld [tilespmem:$0x1F1D0]  }
0x265: {  	[tilespmem:$0x1FA30] =	vst v0;
	v0 =	vld [tilespmem:$0x1F1C0]  }
0x266: {  	v29 =	vld [tilespmem:s28+$0xD720];
	_ =	sdelay $0x2  }
0x267: {  	v12 =	vld [tilespmem:s28+$0x5750];
	v56 =	vmul.f32 v7, v5;
	v3 =	vmul.f32 v3, v45  }
0x268: {  	v7 =	vmul.f32 v4, v2;
	v2 =	vmul.f32 v1, v0;
	v0 =	vld [tilespmem:$0x1F1E0]  }
0x269: {  	v6 =	vmul.f32 v29, v6;
	v3 =	vadd.f32 v9, v3;
	v1 =	vld [tilespmem:$0x1F1F0]  }
0x26a: {  	v17 =	vld [tilespmem:s28+$0xD750]  }
0x26b: {  	v15 =	vld [tilespmem:s28+$0x55F0];
	v3 =	vadd.f32 v6, v3  }
0x26c: {  	v21 =	vld [tilespmem:s28+$0xD5F0]  }
0x26d: {  	v45 =	vadd.f32 v16, v3;
	v3 =	vld [tilespmem:$0x1F210]  }
0x26e: {  	v1 =	vmul.f32 v1, v0;
	v0 =	vld [tilespmem:$0x1F200];
	_ =	sdelay $0x3  }
0x26f: {  	v30 =	vmul.f32 v17, v12  }
0x270: {  	v12 =	vmul.f32 v21, v15;
	v15 =	vmul.f32 v3, v0;
	v0 =	vld [tilespmem:$0x1F220]  }
0x271: {  	v3 =	vld [tilespmem:$0x1F230];
	_ =	sdelay $0x4  }
0x272: {  	v6 =	vmul.f32 v3, v0;
	v0 =	vld [tilespmem:s28+$0x5140];
	_ =	sdelay $0x3  }
0x273: {  	v3 =	vld [tilespmem:$0x1F250]  }
0x274: {  	[tilespmem:$0x1F7E0] =	vst v0;
	v0 =	vld [tilespmem:$0x1F240];
	_ =	sdelay $0x4  }
0x275: {  	v5 =	vmul.f32 v3, v0;
	v0 =	vld [tilespmem:$0x1F260]  }
0x276: {  	v3 =	vld [tilespmem:$0x1F270];
	_ =	sdelay $0x4  }
0x277: {  	v0 =	vmul.f32 v3, v0;
	v3 =	vld [tilespmem:s28+$0xD140];
	_ =	sdelay $0x1  }
0x278: {  	v51 =	vld [tilespmem:s28+$0x55E0]  }
0x279: {  	v58 =	vld [tilespmem:s28+$0xD5E0]  }
0x27a: {  	v4 =	vld [tilespmem:$0x1F290]  }
0x27b: {  	[tilespmem:$0x1F7F0] =	vst v3;
	v3 =	vld [tilespmem:$0x1F280];
	_ =	sdelay $0x4  }
0x27c: {  	v9 =	vmul.f32 v58, v51;
	v58 =	vmul.f32 v4, v3;
	v3 =	vld [tilespmem:$0x1F2A0]  }
0x27d: {  	v4 =	vld [tilespmem:$0x1F2B0];
	_ =	sdelay $0x1  }
0x27e: {  	v39 =	vld [tilespmem:s28+$0x5740]  }
0x27f: {  	v40 =	vld [tilespmem:s28+$0xD740]  }
0x280: {  	v37 =	vld [tilespmem:s28+$0xD620]  }
0x281: {  	v11 =	vmul.f32 v4, v3;
	v3 =	vld [tilespmem:s28+$0x51B0]  }
0x282: {  	v31 =	vld [tilespmem:s28+$0x5580]  }
0x283: {  	v20 =	vld [tilespmem:s28+$0x5590]  }
0x284: {  	v14 =	vld [tilespmem:s28+$0xD590]  }
0x285: {  	v29 =	vmul.f32 v40, v39;
	v4 =	vld [tilespmem:$0x1F2D0]  }
0x286: {  	[tilespmem:$0x1F800] =	vst v3;
	v3 =	vld [tilespmem:$0x1F2C0]  }
0x287: {  	v28 =	vld [tilespmem:s28+$0xD580];
	[tilespmem:$0x1F810] =	vst v0;
	v0 =	vadd.f32 v29, v45  }
0x288: {  	v29 =	vld [tilespmem:$0x1F2F0]  }
0x289: {  	v0 =	vadd.f32 v30, v0;
	v30 =	vadd.f32 v1, v2;
	v1 =	vld [tilespmem:s28+$0x5220]  }
0x28a: {  	v2 =	vmul.f32 v14, v20;
	v14 =	vld [tilespmem:$0x1F300]  }
0x28b: {  	v4 =	vmul.f32 v4, v3;
	v3 =	vld [tilespmem:$0x1F2E0];
	_ =	sdelay $0x3  }
0x28c: {  	[tilespmem:$0x1FAB0] =	vst v1;
	v1 =	vmul.f32 v28, v31;
	v28 =	vmul.f32 v37, v14;
	v14 =	vld [tilespmem:$0x1F310]  }
0x28d: {  	v3 =	vmul.f32 v29, v3;
	v29 =	vld [tilespmem:$0x1F320];
	_ =	sdelay $0x2  }
0x28e: {  	v61 =	vld [tilespmem:s28+$0x5600];
	v0 =	vadd.f32 v56, v0  }
0x28f: {  	v35 =	vld [tilespmem:s28+$0xD600]  }
0x290: {  	v40 =	vmul.f32 v29, v14;
	v14 =	vadd.f32 v7, v0;
	v7 =	vld [tilespmem:$0x1F330]  }
0x291: {  	v29 =	vld [tilespmem:$0x1F340];
	_ =	sdelay $0x1  }
0x292: {  	v63 =	vld [tilespmem:s28+$0x55A0]  }
0x293: {  	v62 =	vld [tilespmem:s28+$0xD5A0];
	_ =	sdelay $0x1  }
0x294: {  	v35 =	vmul.f32 v35, v61;
	v61 =	vmul.f32 v29, v7;
	v7 =	vld [tilespmem:$0x1F350]  }
0x295: {  	v29 =	vld [tilespmem:$0x1F360];
	_ =	sdelay $0x1  }
0x296: {  	v1 =	vadd.f32 v2, v1;
	v2 =	vmul.f32 v62, v63;
	_ =	sdelay $0x1  }
0x297: {  	v1 =	vadd.f32 v2, v1;
	v2 =	vld [tilespmem:$0x1F370]  }
0x298: {  	v7 =	vmul.f32 v29, v7;
	v29 =	vld [tilespmem:$0x1F380];
	_ =	sdelay $0x3  }
0x299: {  	v31 =	vld [tilespmem:$0x1F3A0]  }
0x29a: {  	v2 =	vmul.f32 v29, v2;
	v29 =	vld [tilespmem:$0x1F390]  }
0x29b: {  	v33 =	vld [tilespmem:s28+$0x5610]  }
0x29c: {  	v60 =	vld [tilespmem:s28+$0xD610];
	_ =	sdelay $0x2  }
0x29d: {  	v31 =	vmul.f32 v31, v29;
	_ =	sdelay $0x1  }
0x29e: {  	v33 =	vmul.f32 v60, v33;
	v2 =	vadd.f32 v31, v2  }
0x29f: {  	v54 =	vld [tilespmem:s28+$0x5480]  }
0x2a0: {  	v20 =	vadd.f32 v33, v35;
	[tilespmem:$0x1FB90] =	vst v2;
	v2 =	vld [tilespmem:s28+$0xD040]  }
0x2a1: {  	v19 =	vld [tilespmem:s28+$0xD480]  }
0x2a2: {  	v46 =	vld [tilespmem:$0x1F3C0];
	v20 =	vadd.f32 v28, v20  }
0x2a3: {  	v1 =	vadd.f32 v7, v1;
	v7 =	vld [tilespmem:$0x1F420]  }
0x2a4: {  	v3 =	vadd.f32 v3, v20;
	v29 =	vld [tilespmem:$0x1F3B0]  }
0x2a5: {  	[tilespmem:$0x1FBE0] =	vst v2;
	v2 =	vld [tilespmem:$0x1F410]  }
0x2a6: {  	v3 =	vadd.f32 v5, v3;
	v5 =	vmul.f32 v19, v54;
	v19 =	vld [tilespmem:$0x1F460]  }
0x2a7: {  	v1 =	vadd.f32 v4, v1;
	v4 =	vld [tilespmem:$0x1F450]  }
0x2a8: {  	v50 =	vld [tilespmem:s28+$0x5490]  }
0x2a9: {  	v55 =	vld [tilespmem:s28+$0xD490]  }
0x2aa: {  	v51 =	vmul.f32 v46, v29;
	v46 =	vmul.f32 v7, v2;
	v2 =	vld [tilespmem:$0x1F430]  }
0x2ab: {  	v7 =	vld [tilespmem:$0x1F440]  }
0x2ac: {  	v54 =	vmul.f32 v19, v4;
	v4 =	vld [tilespmem:$0x1F470]  }
0x2ad: {  	v19 =	vld [tilespmem:$0x1F480];
	_ =	sdelay $0x2  }
0x2ae: {  	v2 =	vmul.f32 v7, v2;
	v7 =	vmul.f32 v55, v50  }
0x2af: {  	v1 =	vadd.f32 v6, v1;
	v6 =	vld [tilespmem:$0x1F490]  }
0x2b0: {  	v35 =	vmul.f32 v19, v4;
	v4 =	vadd.f32 v7, v5;
	v7 =	vld [tilespmem:$0x1F4A0];
	_ =	sdelay $0x1  }
0x2b1: {  	v49 =	vld [tilespmem:s28+$0x54A0]  }
0x2b2: {  	v36 =	vld [tilespmem:s28+$0xD4A0]  }
0x2b3: {  	v42 =	vld [tilespmem:s28+$0x5650]  }
0x2b4: {  	v60 =	vmul.f32 v7, v6;
	v6 =	vld [tilespmem:$0x1F4B0]  }
0x2b5: {  	v7 =	vld [tilespmem:$0x1F4C0]  }
0x2b6: {  	v52 =	vld [tilespmem:s28+$0xD650]  }
0x2b7: {  	v5 =	vmul.f32 v36, v49;
	_ =	sdelay $0x1  }
0x2b8: {  	v4 =	vadd.f32 v5, v4;
	v5 =	vld [tilespmem:$0x1F4D0]  }
0x2b9: {  	v6 =	vmul.f32 v7, v6;
	v7 =	vld [tilespmem:$0x1F4E0]  }
0x2ba: {  	v26 =	vld [tilespmem:s28+$0x5400];
	v8 =	vmul.f32 v52, v42  }
0x2bb: {  	v25 =	vld [tilespmem:s28+$0xD400]  }
0x2bc: {  	v59 =	vld [tilespmem:s28+$0xD510];
	v3 =	vadd.f32 v8, v3  }
0x2bd: {  	v47 =	vld [tilespmem:s28+$0x5420]  }
0x2be: {  	v32 =	vld [tilespmem:s28+$0xD420];
	v3 =	vadd.f32 v10, v3;
	v5 =	vmul.f32 v7, v5  }
0x2bf: {  	v41 =	vld [tilespmem:s28+$0xD1E0]  }
0x2c0: {  	v7 =	vmul.f32 v25, v26;
	v25 =	vadd.f32 v13, v3;
	v3 =	vadd.f32 v5, v4;
	v4 =	vld [tilespmem:$0x1F4F0]  }
0x2c1: {  	v5 =	vld [tilespmem:$0x1F500]  }
0x2c2: {  	v23 =	vld [tilespmem:s28+$0x5410]  }
0x2c3: {  	v18 =	vld [tilespmem:s28+$0xD410]  }
0x2c4: {  	v43 =	vld [tilespmem:s28+$0x5320]  }
0x2c5: {  	v38 =	vld [tilespmem:s28+$0xD320];
	v1 =	vadd.f32 v9, v1  }
0x2c6: {  	v10 =	vld [tilespmem:$0x1F560];
	v4 =	vmul.f32 v5, v4  }
0x2c7: {  	v5 =	vadd.f32 v12, v1;
	v1 =	vld [tilespmem:$0x1F510]  }
0x2c8: {  	[tilespmem:$0x1FCA0] =	vst v4;
	v4 =	vld [tilespmem:$0x1F520]  }
0x2c9: {  	v12 =	vld [tilespmem:$0x1F570]  }
0x2ca: {  	v44 =	vld [tilespmem:s28+$0xD390]  }
0x2cb: {  	v27 =	vld [tilespmem:s28+$0x52A0];
	v8 =	vmul.f32 v18, v23  }
0x2cc: {  	v2 =	vadd.f32 v2, v3;
	v3 =	vld [tilespmem:$0x1F530]  }
0x2cd: {  	v31 =	vmul.f32 v4, v1;
	v1 =	vadd.f32 v8, v7;
	v8 =	vmul.f32 v32, v47;
	v7 =	vld [tilespmem:$0x1F540]  }
0x2ce: {  	v26 =	vmul.f32 v12, v10;
	v10 =	vld [tilespmem:$0x1F590]  }
0x2cf: {  	v1 =	vadd.f32 v8, v1;
	v8 =	vld [tilespmem:$0x1F580]  }
0x2d0: {  	v24 =	vld [tilespmem:s28+$0xD2A0]  }
0x2d1: {  	v22 =	vld [tilespmem:s28+$0x5300]  }
0x2d2: {  	v3 =	vmul.f32 v7, v3;
	v7 =	vld [tilespmem:$0x1F550]  }
0x2d3: {  	v12 =	vld [tilespmem:$0x1F5B0]  }
0x2d4: {  	v8 =	vmul.f32 v10, v8;
	v10 =	vld [tilespmem:$0x1F5A0]  }
0x2d5: {  	v57 =	vld [tilespmem:s28+$0xD300]  }
0x2d6: {  	v21 =	vld [tilespmem:s28+$0x5310]  }
0x2d7: {  	v17 =	vld [tilespmem:s28+$0xD310];
	v9 =	vmul.f32 v59, v7  }
0x2d8: {  	v39 =	vld [tilespmem:s28+$0x5050]  }
0x2d9: {  	v42 =	vld [tilespmem:s28+$0xD1B0];
	v34 =	vmul.f32 v12, v10;
	v10 =	vadd.f32 v51, v2;
	v2 =	vadd.f32 v9, v3  }
0x2da: {  	v3 =	vld [tilespmem:$0x1F5D0]  }
0x2db: {  	[tilespmem:$0x1FD70] =	vst v2;
	v2 =	vld [tilespmem:$0x1F5C0]  }
0x2dc: {  	v52 =	vld [tilespmem:s28+$0xD290]  }
0x2dd: {  	v48 =	vld [tilespmem:$0x1F3E0]  }
0x2de: {  	v53 =	vld [tilespmem:$0x1F400]  }
0x2df: {  	v9 =	vld [tilespmem:$0x1F5F0]  }
0x2e0: {  	v2 =	vmul.f32 v3, v2;
	v3 =	vld [tilespmem:$0x1F5E0]  }
0x2e1: {  	v16 =	vld [tilespmem:s28+$0xD050]  }
0x2e2: {  	v45 =	vld [tilespmem:s28+$0xD220]  }
0x2e3: {  	v56 =	vld [tilespmem:s28+$0x5280]  }
0x2e4: {  	v37 =	vld [tilespmem:s28+$0x5130]  }
0x2e5: {  	v28 =	vld [tilespmem:s28+$0x5290];
	v51 =	vmul.f32 v9, v3;
	v3 =	vadd.f32 v8, v1  }
0x2e6: {  	v63 =	vld [tilespmem:s28+$0x51A0]  }
0x2e7: {  	v20 =	vld [tilespmem:$0x1F3F0];
	v3 =	vadd.f32 v6, v3  }
0x2e8: {  	v0 =	vld [tilespmem:s28+$0xD280];
	v10 =	vadd.f32 v11, v10;
	v11 =	vmul.f32 v17, v21;
	v6 =	vmul.f32 v57, v22  }
0x2e9: {  	v18 =	vld [tilespmem:s28+$0x5210];
	v3 =	vadd.f32 v46, v3  }
0x2ea: {  	v29 =	vld [tilespmem:$0x1F3D0];
	v6 =	vadd.f32 v11, v6;
	v11 =	vmul.f32 v38, v43  }
0x2eb: {  	v23 =	vadd.f32 v15, v10;
	v15 =	vadd.f32 v61, v3;
	v3 =	vld [tilespmem:$0x1F690]  }
0x2ec: {  	v6 =	vadd.f32 v11, v6;
	v11 =	vld [tilespmem:$0x1F6A0]  }
0x2ed: {  	v62 =	vmul.f32 v53, v20;
	v53 =	vld [tilespmem:s28+$0xD1A0]  }
0x2ee: {  	v20 =	vld [tilespmem:s28+$0xD200]  }
0x2ef: {  	(xrf2) =	vadd.scan.msk.f32 $0xffff, v14;
	v14 =	vld [tilespmem:$0x1F750]  }
0x2f0: {  	v0 =	vmul.f32 v0, v56;
	v19 =	vld [tilespmem:s28+$0x5200];
	v33 =	vmul.f32 v48, v29  }
0x2f1: {  	v29 =	vld [tilespmem:s28+$0x5040];
	v10 =	vmul.f32 v52, v28;
	v11 =	vmul.f32 v11, v3  }
0x2f2: {  	v48 =	vld [tilespmem:s28+$0x5190]  }
0x2f3: {  	v0 =	vadd.f32 v10, v0;
	v10 =	vmul.f32 v24, v27;
	v24 =	vadd.f32 v11, v6;
	v6 =	vld [tilespmem:$0x1F6F0]  }
0x2f4: {  	v11 =	vld [tilespmem:$0x1F700]  }
0x2f5: {  	v55 =	vld [tilespmem:s28+$0xD130]  }
0x2f6: {  	v50 =	vld [tilespmem:s28+$0x5120]  }
0x2f7: {  	v49 =	vld [tilespmem:s28+$0xD210]  }
0x2f8: {  	v13 =	vld [tilespmem:$0x1F680]  }
0x2f9: {  	v27 =	vmul.f32 v11, v6;
	v6 =	vld [tilespmem:$0x1F710]  }
0x2fa: {  	v21 =	vld [tilespmem:$0x1F6C0]  }
0x2fb: {  	v3 =	vld [tilespmem:$0x1F6B0]  }
0x2fc: {  	(xrf2) =	vadd.scan.msk.f32 $0xffff, v25;
	v25 =	vld [tilespmem:s28+$0x5010]  }
0x2fd: {  	v11 =	vld [tilespmem:$0x1F730]  }
0x2fe: {  	v56 =	vmul.f32 v44, v6;
	v6 =	vld [tilespmem:$0x1F720]  }
0x2ff: {  	v0 =	vadd.f32 v10, v0;
	v10 =	vld [tilespmem:$0x1F6D0]  }
0x300: {  	v3 =	vmul.f32 v21, v3;
	v21 =	vld [tilespmem:$0x1F6E0]  }
0x301: {  	v4 =	vld [tilespmem:s28+$0x5030]  }
0x302: {  	v47 =	vld [tilespmem:s28+$0x5180]  }
0x303: {  	v6 =	vmul.f32 v11, v6;
	v11 =	vld [tilespmem:$0x1F740]  }
0x304: {  	v1 =	vld [tilespmem:$0x1F600]  }
0x305: {  	v8 =	vld [tilespmem:$0x1F610];
	v10 =	vmul.f32 v21, v10  }
0x306: {  	v32 =	vld [tilespmem:s28+$0xD180]  }
0x307: {  	v0 =	vadd.f32 v10, v0;
	v10 =	vld [tilespmem:$0x1F760]  }
0x308: {  	v11 =	vmul.f32 v14, v11;
	v14 =	vld [tilespmem:$0x1F770]  }
0x309: {  	v7 =	vld [tilespmem:s28+$0xD030]  }
0x30a: {  	v59 =	vld [tilespmem:s28+$0xD120];
	v9 =	vmul.f32 v8, v1  }
0x30b: {  	v12 =	vld [tilespmem:$0x1F670]  }
0x30c: {  	v24 =	vadd.f32 v9, v24;
	v9 =	vld [tilespmem:$0x1F780]  }
0x30d: {  	v21 =	vmul.f32 v14, v10;
	v14 =	vld [tilespmem:$0x1F790]  }
0x30e: {  	v17 =	vld [tilespmem:s28+$0xD190]  }
0x30f: {  	v1 =	vld [tilespmem:$0x1F620]  }
0x310: {  	v8 =	vld [tilespmem:$0x1F630]  }
0x311: {  	v10 =	vadd.f32 v56, v27;
	v27 =	vld [tilespmem:$0x1F7B0]  }
0x312: {  	v9 =	vmul.f32 v14, v9;
	v14 =	vld [tilespmem:$0x1F7A0]  }
0x313: {  	v28 =	vld [tilespmem:s28+$0x5100]  }
0x314: {  	v52 =	vld [tilespmem:s28+$0x5110]  }
0x315: {  	v12 =	vmul.f32 v13, v12;
	v36 =	vmul.f32 v8, v1;
	v1 =	vld [tilespmem:$0x1F640]  }
0x316: {  	v8 =	vld [tilespmem:$0x1F650]  }
0x317: {  	v14 =	vmul.f32 v27, v14;
	v27 =	vadd.f32 v12, v0;
	v0 =	vld [tilespmem:$0x1F7C0]  }
0x318: {  	v12 =	vmul.f32 v16, v39;
	v16 =	vld [tilespmem:$0x1F7D0]  }
0x319: {  	v13 =	vld [tilespmem:s28+$0xD020]  }
0x31a: {  	v57 =	vld [tilespmem:s28+$0xD110]  }
0x31b: {  	v15 =	vadd.f32 v58, v15;
	v58 =	vmul.f32 v17, v48;
	v17 =	vld [tilespmem:$0x1F7E0]  }
0x31c: {  	v1 =	vmul.f32 v8, v1;
	v8 =	vld [tilespmem:$0x1F660]  }
0x31d: {  	v0 =	vmul.f32 v16, v0;
	v16 =	vadd.f32 v26, v24;
	v26 =	vld [tilespmem:$0x1F7F0]  }
0x31e: {  	v22 =	vld [tilespmem:s28+$0xD000]  }
0x31f: {  	v46 =	vld [tilespmem:s28+$0xD100]  }
0x320: {  	v38 =	vld [tilespmem:s28+$0x5000]  }
0x321: {  	v8 =	vmul.f32 v41, v8;
	v41 =	vld [tilespmem:s28+$0x5020]  }
0x322: {  	p1 =	sne.s32 s30, $0x7;
	v27 =	vadd.f32 v51, v27;
	v17 =	vmul.f32 v26, v17;
	v26 =	vld [tilespmem:$0x1F800]  }
.Ltmp2:
0x323: {  	v32 =	vmul.f32 v32, v47;
	v39 =	vld [tilespmem:s28+$0xD010];
	(pc) =	sbr.rel @p1 .LBB2_3-.Ltmp2, $4  }
0x324: {  	v43 =	vmul.f32 v53, v63;
	v53 =	vmovc v40;
	v40 =	vadd.f32 v31, v27;
	v27 =	vld [tilespmem:s28+$0x5090];
	v16 =	vadd.f32 v60, v16  }
0x325: {  	(xrf2) =	vadd.scan.msk.f32 $0xffff, v5;
	v47 =	vmov v30;
	v24 =	vld [tilespmem:s28+$0x5080]  }
0x326: {  	v48 =	vmovc v34;
	v30 =	vadd.f32 v58, v32;
	v44 =	vmul.f32 v57, v52;
	v60 =	vld [tilespmem:$0x1F810];
	v16 =	vadd.f32 v62, v16  }
0x327: {  	s29 =	smov.u32 s30;
	s30 =	sadd.s32 $0x1, s30;
	v34 =	vmovc v29;
	v29 =	vmul.f32 v42, v26;
	v26 =	vld [tilespmem:s28+$0xD080];
	v42 =	vmul.f32 v46, v28;
	v46 =	vmovc v35;
	v35 =	vmov v45  }
0x328: {  	v5 =	vadd.f32 v43, v30  }
0x329: {  	v22 =	vmul.f32 v22, v38;
	v25 =	vmul.f32 v39, v25  }
0x32a: {  	v31 =	vmul.f32 v59, v50;
	v30 =	vadd.f32 v44, v42;
	v5 =	vadd.f32 v29, v5  }
0x32b: {  	v13 =	vmul.f32 v13, v41;
	v22 =	vadd.f32 v25, v22  }
0x32c: {  	v30 =	vadd.f32 v31, v30;
	v31 =	vmul.f32 v55, v37;
	v0 =	vadd.f32 v0, v5  }
0x32d: {  	v4 =	vmul.f32 v7, v4;
	v13 =	vadd.f32 v13, v22  }
0x32e: {  	v24 =	vmul.f32 v26, v24;
	v26 =	vadd.f32 v31, v30;
	v0 =	vadd.f32 v21, v0  }
0x32f: {  	v4 =	vadd.f32 v4, v13;
	v13 =	vld [tilespmem:$0x1FBE0]  }
0x330: {  	v28 =	vld [tilespmem:s28+$0xD090];
	v17 =	vadd.f32 v17, v26;
	v0 =	vadd.f32 v8, v0  }
0x331: {  	v32 =	vld [tilespmem:s28+$0x50A0]  }
0x332: {  	v14 =	vadd.f32 v14, v17;
	v0 =	vadd.f32 v2, v0;
	v2 =	vld [tilespmem:$0x1FAB0]  }
0x333: {  	v17 =	vld [tilespmem:$0x1F950]  }
0x334: {  	v13 =	vmul.f32 v13, v34;
	v11 =	vadd.f32 v11, v14;
	v14 =	vld [tilespmem:$0x1F940]  }
0x335: {  	v19 =	vmul.f32 v20, v19;
	v18 =	vmul.f32 v49, v18;
	v7 =	vld [tilespmem:s28+$0xD0C0]  }
0x336: {  	v29 =	vld [tilespmem:s28+$0xD0A0];
	v4 =	vadd.f32 v13, v4  }
0x337: {  	v18 =	vadd.f32 v18, v19;
	v19 =	vld [tilespmem:s28+$0x50B0];
	v2 =	vmul.f32 v35, v2  }
0x338: {  	v5 =	vld [tilespmem:s28+$0xD0B0];
	v4 =	vadd.f32 v12, v4  }
0x339: {  	v25 =	vmul.f32 v28, v27;
	v27 =	vld [tilespmem:s28+$0x50C0];
	v14 =	vmul.f32 v17, v14;
	v2 =	vadd.f32 v2, v18  }
0x33a: {  	v4 =	vadd.f32 v9, v4;
	v9 =	vld [tilespmem:$0x1F920]  }
0x33b: {  	v21 =	vadd.f32 v25, v24;
	v22 =	vmul.f32 v29, v32;
	v2 =	vadd.f32 v14, v2;
	v14 =	vld [tilespmem:$0x1F930]  }
0x33c: {  	v24 =	vld [tilespmem:s28+$0x50D0]  }
0x33d: {  	v25 =	vld [tilespmem:s28+$0xD0D0];
	v8 =	vadd.f32 v22, v21;
	v5 =	vmul.f32 v5, v19  }
0x33e: {  	v19 =	vld [tilespmem:s28+$0x50E0]  }
0x33f: {  	v5 =	vadd.f32 v5, v8;
	v8 =	vld [tilespmem:s28+$0x50F0]  }
0x340: {  	v13 =	vld [tilespmem:s28+$0xD0E0];
	v9 =	vmul.f32 v14, v9  }
0x341: {  	v4 =	vadd.f32 v6, v4;
	v6 =	vld [tilespmem:$0x1F900]  }
0x342: {  	v7 =	vmul.f32 v7, v27;
	v2 =	vadd.f32 v9, v2;
	v9 =	vld [tilespmem:$0x1F910]  }
0x343: {  	v12 =	vld [tilespmem:s28+$0xD0F0]  }
0x344: {  	v5 =	vadd.f32 v7, v5;
	v7 =	vmul.f32 v25, v24  }
0x345: {  	(xrf2) =	vadd.scan.msk.f32 $0xffff, v23  }
0x346: {  	v20 =	vadd.f32 v54, v40;
	(xrf2) =	vadd.scan.msk.f32 $0xffff, v15;
	v5 =	vadd.f32 v7, v5;
	v7 =	vmul.f32 v13, v19  }
0x347: {  	(xrf2) =	vadd.scan.msk.f32 $0xffff, v16;
	v6 =	vmul.f32 v9, v6  }
0x348: {  	(xrf2) =	vadd.scan.msk.f32 $0xffff, v20;
	v1 =	vadd.f32 v1, v11;
	v11 =	vld [tilespmem:s28+$0xD260];
	v5 =	vadd.f32 v7, v5;
	v7 =	vmul.f32 v12, v8  }
0x349: {  	(xrf2) =	vadd.scan.msk.f32 $0xffff, v0;
	v0 =	vadd.f32 v6, v2;
	v2 =	vld [tilespmem:$0x1F8F0]  }
0x34a: {  	(xrf2) =	vadd.scan.msk.f32 $0xffff, v1;
	v1 =	vadd.f32 v7, v5;
	v5 =	vld [tilespmem:$0x1F8D0]  }
0x34b: {  	v7 =	vld [tilespmem:$0x1F8E0]  }
0x34c: {  	v3 =	vadd.f32 v3, v10  }
0x34d: {  	v10 =	vld [tilespmem:$0x1FCA0]  }
0x34e: {  	v3 =	vadd.f32 v36, v3;
	v2 =	vmul.f32 v11, v2;
	v11 =	vld [tilespmem:$0x1FD70]  }
0x34f: {  	v13 =	vld [tilespmem:s28+$0xD270]  }
0x350: {  	v3 =	vadd.f32 v48, v3;
	v14 =	vld [tilespmem:s28+$0x5270];
	v5 =	vmul.f32 v7, v5  }
0x351: {  	v12 =	vld [tilespmem:$0x1FB90]  }
0x352: {  	v3 =	vadd.f32 v5, v3;
	v5 =	vld [tilespmem:$0x1F8C0]  }
0x353: {  	v9 =	vld [tilespmem:s28+$0xD3E0];
	v10 =	vadd.f32 v10, v11  }
0x354: {  	v8 =	vld [tilespmem:s28+$0x53F0]  }
0x355: {  	(xrf2) =	vadd.scan.msk.f32 $0xffff, v4;
	v6 =	vld [tilespmem:s28+$0xD3F0];
	v0 =	vadd.f32 v2, v0;
	v2 =	vmul.f32 v13, v14;
	v4 =	vadd.f32 v46, v10  }
0x356: {  	v13 =	vld [tilespmem:$0x1F8B0]  }
0x357: {  	v0 =	vadd.f32 v2, v0;
	v2 =	vadd.f32 v33, v4;
	v4 =	vld [tilespmem:$0x1F8A0]  }
0x358: {  	v12 =	vadd.f32 v53, v12;
	v7 =	vld [tilespmem:s28+$0xD560];
	v5 =	vmul.f32 v9, v5  }
0x359: {  	v9 =	vld [tilespmem:s28+$0xD570];
	v11, _, _ =	vpop (xrf2)  }
0x35a: {  	v3 =	vadd.f32 v5, v3;
	v5 =	vmul.f32 v6, v8;
	v8 =	vld [tilespmem:s28+$0x56F0];
	(xrf2) =	vadd.scan.msk.f32 $0xffff, v1;
	v1, _, _ =	vpop (xrf2)  }
0x35b: {  	v10 =	vld [tilespmem:s28+$0x5570];
	v14, _, _ =	vpop (xrf2)  }
0x35c: {  	v6 =	vadd.f32 v60, v12;
	v4 =	vmul.f32 v13, v4;
	v13 =	vld [tilespmem:s28+$0xD6E0];
	v12, _, _ =	vpop (xrf2)  }
0x35d: {  	v3 =	vadd.f32 v5, v3;
	v5 =	vld [tilespmem:$0x1FA30];
	_ =	sdelay $0x3  }
0x35e: {  	v16 =	vld [tilespmem:$0x1F880]  }
0x35f: {  	v5 =	vadd.f32 v5, v6;
	v6 =	vld [tilespmem:$0x1F870];
	_ =	sdelay $0x2  }
0x360: {  	v2 =	vadd.f32 v4, v2;
	v4 =	vld [tilespmem:$0x1F890];
	_ =	sdelay $0x1  }
0x361: {  	v6 =	vmul.f32 v16, v6;
	_ =	sdelay $0x1  }
0x362: {  	v5 =	vadd.f32 v6, v5;
	v6 =	vld [tilespmem:$0x1F860]  }
0x363: {  	v15 =	vld [tilespmem:$0x1F9D0];
	v4 =	vmul.f32 v7, v4  }
0x364: {  	v7 =	vld [tilespmem:s28+$0xD6F0]  }
0x365: {  	v2 =	vadd.f32 v4, v2;
	v4 =	vmul.f32 v9, v10;
	v9 =	vld [tilespmem:$0x1F840]  }
0x366: {  	v10 =	vld [tilespmem:$0x1F850]  }
0x367: {  	(xrf2) =	vadd.scan.msk.f32 $0xffff, v0;
	v0, _, _ =	vpop (xrf2);
	v6 =	vmul.f32 v13, v6;
	v13 =	vld [tilespmem:$0x1F980]  }
0x368: {  	v19 =	vld [tilespmem:$0x1F830];
	v17, _, _ =	vpop (xrf2)  }
0x369: {  	v18, _, _ =	vpop (xrf2);
	v2 =	vadd.f32 v4, v2;
	v4 =	vld [tilespmem:$0x1F820];
	v5 =	vadd.f32 v6, v5;
	v6 =	vmul.f32 v7, v8  }
0x36a: {  	(xrf2) =	vadd.scan.msk.f32 $0xffff, v3;
	v3, _, _ =	vpop (xrf2);
	v15 =	vadd.f32 v15, v47  }
0x36b: {  	v20, _, _ =	vpop (xrf2)  }
0x36c: {  	v16 =	vld [tilespmem:s28+$0x57E0];
	v9 =	vmul.f32 v10, v9;
	v8, _, _ =	vpop (xrf2);
	v13 =	vadd.f32 v13, v15  }
0x36d: {  	(xrf2) =	vadd.scan.msk.f32 $0xffff, v2;
	v10 =	vld [tilespmem:s28+$0xD7E0];
	v2 =	vadd.f32 v6, v5;
	v6, _, _ =	vpop (xrf2)  }
0x36e: {  	v4 =	vmul.f32 v19, v4;
	v19 =	vld [tilespmem:s28+$0xD7F0];
	v7 =	vadd.f32 v9, v13;
	v6 =	vbroadcast v6, $0xF  }
0x36f: {  	v15 =	vld [tilespmem:s28+$0x57F0]  }
0x370: {  	v4 =	vadd.f32 v4, v7;
	v7 =	vbroadcast v8, $0xF;
	_ =	sdelay $0x1  }
0x371: {  	v5 =	vmul.f32 v10, v16;
	(xrf2) =	vadd.scan.msk.f32 $0xffff, v2;
	v2 =	vsel vm0, v7, v6;
	v6, _, _ =	vpop (xrf2)  }
0x372: {  	v8 =	vbroadcast v20, $0xF;
	v6 =	vbroadcast v6, $0xF  }
0x373: {  	v3 =	vbroadcast v3, $0xF;
	v4 =	vadd.f32 v5, v4;
	v5 =	vmul.f32 v19, v15  }
0x374: {  	v2 =	vsel vm1, v2, v8  }
0x375: {  	v4 =	vadd.f32 v5, v4;
	v2 =	vsel vm2, v2, v3;
	v3 =	vbroadcast v18, $0xF  }
0x376: {  	v5 =	vbroadcast v17, $0xF;
	v2 =	vsel vm3, v2, v6;
	v6, _, _ =	vpop (xrf2)  }
0x377: {  	v2 =	vsel vm4, v2, v3;
	v3 =	vbroadcast v6, $0xF  }
0x378: {  	v0 =	vbroadcast v0, $0xF;
	(xrf2) =	vadd.scan.msk.f32 $0xffff, v4;
	v2 =	vsel vm5, v2, v5  }
0x379: {  	v4, _, _ =	vpop (xrf2);
	v2 =	vsel vm6, v2, v3;
	v3 =	vbroadcast v12, $0xF  }
0x37a: {  	v0 =	vsel vm7, v2, v0;
	v2 =	vbroadcast v4, $0xF  }
0x37b: {  	v0 =	vsel vm8, v0, v3;
	v3 =	vbroadcast v14, $0xF  }
0x37c: {  	v1 =	vbroadcast v1, $0xF;
	v0 =	vsel vm9, v0, v2  }
0x37d: {  	v0 =	vsel vm10, v0, v3  }
0x37e: {  	v2, _, _ =	vpop (xrf2);
	v0 =	vsel vm11, v0, v1;
	v1 =	vbroadcast v11, $0xF  }
0x37f: {  	v2 =	vbroadcast v2, $0xF;
	_ =	sdelay $0x1  }
0x380: {  	v0 =	vsel vm12, v0, v2  }
0x381: {  	s28 =	sshll.u32 s29, $0x4;
	s29 =	sadd.s32 s5, s26;
	v0 =	vsel vm13, v0, v1;
	v1, _, _ =	vpop (xrf2)  }
0x382: {  	s28 =	sand.u32 $0x3FFFFFF0, s28;
	s29 =	sshll.u32 s29, $0x4;
	v0 =	vsel vm14, v0, v1  }
0x383: {  	p1 =	seq.s32 s25, $0x27;
	[tilespmem:s28+$0x15000] =	vst v0;
	s28 =	sadd.s32 s6, s29  }
0x384: {  	[hbm4b:s28+s2] =	stream.linear.scatter [tilespmem:s19], [sflag:$0x3], $0x80, $0x38;
	[tilespmem:$0x15100] =	vst v63  }
0x385: {  	s28 =	sshll.u32 @!p1 s25, $0x9  }
0x386: {  	s28 =	sand.u32 @!p1 $0x3FFFFE00, s28  }
0x387: {  	s30 =	simm.s32 @!p1 $0x80;
	s31 =	simm.s32 @!p1 $0x5000;
	s29 =	sadd.s32 @!p1 $0x200, s28  }
0x388: {  	[tilespmem:s31], [sflag:$0x1] =	stream.indirect.gather @!p1 [hbm4b:s3+s30], $0x80, s29, s30, $0xb8;
	[tilespmem:$0x15100] =	vst v63  }
0x389: {  	s28 =	sadd.s32 @!p1 $0x280, s28;
	s29 =	simm.s32 @!p1 $0xD000  }
0x38a: {  	[tilespmem:s29], [sflag:$0x1] =	stream.indirect.gather @!p1 [hbm4b:s4+s30], $0x80, s28, s30, $0xb8;
	[tilespmem:$0x15100] =	vst v63  }
0x38b: {  	_ =	swait.ge [sflag:s20], $0x4000  }
0x38c: {  	[sflag:s20] =	ssyncset.done $0x0  }
0x38d: {  	[sflag:s20] =	ssyncadd.s32 $0xFFFFC000  }
0x38e: {  	_ =	swait.ge [sflag:s20], $0x4000  }
0x38f: {  	[sflag:s20] =	ssyncset.done $0x0  }
0x390: {  	s28 =	simm.s32 @!p0 $0x4;
	[sflag:s20] =	ssyncadd.s32 $0xFFFFC000  }
0x391: {  	_ =	swait.ge @!p0 [sflag:s28], $0x80  }
0x392: {  	[sflag:s28] =	ssyncset.done @!p0 $0x0  }
0x393: {  	[sflag:s28] =	ssyncadd.s32 @!p0 $0xFFFFFF80;
	s28 =	simm.s32 $0x0  }
0x394: {  	v3 =	vld [tilespmem:s28+$0x9460];
	_ =	sdelay $0x4  }
0x395: {  	[tilespmem:$0x1EC90] =	vst v3;
	v3 =	vld [tilespmem:s28+$0x11460];
	_ =	sdelay $0x4  }
0x396: {  	[tilespmem:$0x1ECA0] =	vst v3;
	v3 =	vld [tilespmem:s28+$0x94D0];
	_ =	sdelay $0x4  }
0x397: {  	[tilespmem:$0x1ECD0] =	vst v3;
	v3 =	vld [tilespmem:s28+$0x114D0];
	_ =	sdelay $0x4  }
0x398: {  	[tilespmem:$0x1ECE0] =	vst v3;
	v3 =	vld [tilespmem:s28+$0x9540];
	_ =	sdelay $0x4  }
0x399: {  	[tilespmem:$0x1ECF0] =	vst v3;
	v3 =	vld [tilespmem:s28+$0x11540];
	_ =	sdelay $0x4  }
0x39a: {  	[tilespmem:$0x1ED00] =	vst v3;
	v3 =	vld [tilespmem:s28+$0x95B0];
	_ =	sdelay $0x4  }
0x39b: {  	[tilespmem:$0x1ECB0] =	vst v3;
	v3 =	vld [tilespmem:s28+$0x9680];
	_ =	sdelay $0x4  }
0x39c: {  	[tilespmem:$0x1ECC0] =	vst v3;
	v3 =	vld [tilespmem:s28+$0x9370];
	_ =	sdelay $0x4  }
0x39d: {  	[tilespmem:$0x1ED10] =	vst v3;
	v3 =	vld [tilespmem:s28+$0x11370];
	_ =	sdelay $0x4  }
0x39e: {  	[tilespmem:$0x1ED20] =	vst v3;
	v3 =	vld [tilespmem:s28+$0x93E0];
	_ =	sdelay $0x4  }
0x39f: {  	[tilespmem:$0x1EA30] =	vst v3;
	v3 =	vld [tilespmem:s28+$0x9450];
	_ =	sdelay $0x4  }
0x3a0: {  	[tilespmem:$0x1ED30] =	vst v3;
	v3 =	vld [tilespmem:s28+$0x11450];
	_ =	sdelay $0x4  }
0x3a1: {  	[tilespmem:$0x1ED40] =	vst v3;
	v3 =	vld [tilespmem:s28+$0x94C0];
	_ =	sdelay $0x4  }
0x3a2: {  	[tilespmem:$0x1ED50] =	vst v3;
	v3 =	vld [tilespmem:s28+$0x114C0];
	_ =	sdelay $0x4  }
0x3a3: {  	[tilespmem:$0x1ED60] =	vst v3;
	v3 =	vld [tilespmem:s28+$0x9530];
	_ =	sdelay $0x4  }
0x3a4: {  	[tilespmem:$0x1ED90] =	vst v3;
	v3 =	vld [tilespmem:s28+$0x11530];
	_ =	sdelay $0x4  }
0x3a5: {  	[tilespmem:$0x1EDA0] =	vst v3;
	v3 =	vld [tilespmem:s28+$0x92F0];
	_ =	sdelay $0x4  }
0x3a6: {  	[tilespmem:$0x1ED80] =	vst v3;
	v3 =	vld [tilespmem:s28+$0x9360];
	_ =	sdelay $0x4  }
0x3a7: {  	[tilespmem:$0x1EDB0] =	vst v3;
	v3 =	vld [tilespmem:s28+$0x11360];
	_ =	sdelay $0x4  }
0x3a8: {  	[tilespmem:$0x1EDC0] =	vst v3;
	v3 =	vld [tilespmem:s28+$0x93D0];
	_ =	sdelay $0x4  }
0x3a9: {  	[tilespmem:$0x1EA40] =	vst v3;
	v3 =	vld [tilespmem:s28+$0x113D0];
	_ =	sdelay $0x4  }
0x3aa: {  	[tilespmem:$0x1EA50] =	vst v3;
	v3 =	vld [tilespmem:s28+$0x9440];
	_ =	sdelay $0x4  }
0x3ab: {  	[tilespmem:$0x1EDD0] =	vst v3;
	v3 =	vld [tilespmem:s28+$0x11440];
	_ =	sdelay $0x4  }
0x3ac: {  	[tilespmem:$0x1EDE0] =	vst v3;
	v3 =	vld [tilespmem:s28+$0x94B0];
	_ =	sdelay $0x4  }
0x3ad: {  	[tilespmem:$0x1EDF0] =	vst v3;
	v3 =	vld [tilespmem:s28+$0x114B0];
	_ =	sdelay $0x4  }
0x3ae: {  	[tilespmem:$0x1EE00] =	vst v3;
	v3 =	vld [tilespmem:s28+$0x9520];
	_ =	sdelay $0x4  }
0x3af: {  	[tilespmem:$0x1EE10] =	vst v3;
	v3 =	vld [tilespmem:s28+$0x11520];
	_ =	sdelay $0x4  }
0x3b0: {  	[tilespmem:$0x1EE20] =	vst v3;
	v3 =	vld [tilespmem:s28+$0x92E0];
	_ =	sdelay $0x4  }
0x3b1: {  	[tilespmem:$0x1EE30] =	vst v3;
	v3 =	vld [tilespmem:s28+$0x112E0];
	_ =	sdelay $0x4  }
0x3b2: {  	[tilespmem:$0x1EE40] =	vst v3;
	v3 =	vld [tilespmem:s28+$0x9350];
	_ =	sdelay $0x4  }
0x3b3: {  	[tilespmem:$0x1EE90] =	vst v3;
	v3 =	vld [tilespmem:s28+$0x11350];
	_ =	sdelay $0x4  }
0x3b4: {  	[tilespmem:$0x1EEA0] =	vst v3;
	v3 =	vld [tilespmem:s28+$0x93C0];
	_ =	sdelay $0x4  }
0x3b5: {  	[tilespmem:$0x1EED0] =	vst v3;
	v3 =	vld [tilespmem:s28+$0x113C0];
	_ =	sdelay $0x4  }
0x3b6: {  	[tilespmem:$0x1EEE0] =	vst v3;
	v3 =	vld [tilespmem:s28+$0x9430];
	_ =	sdelay $0x4  }
0x3b7: {  	[tilespmem:$0x1EEB0] =	vst v3;
	v3 =	vld [tilespmem:s28+$0x11430];
	_ =	sdelay $0x4  }
0x3b8: {  	[tilespmem:$0x1EEC0] =	vst v3;
	v3 =	vld [tilespmem:s28+$0x9500];
	_ =	sdelay $0x4  }
0x3b9: {  	[tilespmem:$0x1EE50] =	vst v3;
	v3 =	vld [tilespmem:s28+$0x11500];
	_ =	sdelay $0x4  }
0x3ba: {  	[tilespmem:$0x1EE60] =	vst v3;
	v3 =	vld [tilespmem:s28+$0x9510];
	_ =	sdelay $0x4  }
0x3bb: {  	[tilespmem:$0x1EE70] =	vst v3;
	v3 =	vld [tilespmem:s28+$0x11510];
	_ =	sdelay $0x4  }
0x3bc: {  	[tilespmem:$0x1EE80] =	vst v3;
	v3 =	vld [tilespmem:s28+$0x91F0];
	_ =	sdelay $0x4  }
0x3bd: {  	[tilespmem:$0x1EF00] =	vst v3;
	v3 =	vld [tilespmem:s28+$0x111F0];
	_ =	sdelay $0x4  }
0x3be: {  	[tilespmem:$0x1EF10] =	vst v3;
	v3 =	vld [tilespmem:s28+$0x9260];
	_ =	sdelay $0x4  }
0x3bf: {  	[tilespmem:$0x1EA60] =	vst v3;
	v3 =	vld [tilespmem:s28+$0x92D0];
	_ =	sdelay $0x4  }
0x3c0: {  	[tilespmem:$0x1EF20] =	vst v3;
	v3 =	vld [tilespmem:s28+$0x112D0];
	_ =	sdelay $0x4  }
0x3c1: {  	[tilespmem:$0x1EF30] =	vst v3;
	v3 =	vld [tilespmem:s28+$0x9340];
	_ =	sdelay $0x1  }
0x3c2: {  	v0 =	vld [tilespmem:s28+$0x97D0];
	_ =	sdelay $0x2  }
0x3c3: {  	[tilespmem:$0x1EF40] =	vst v3;
	v3 =	vld [tilespmem:s28+$0x11340];
	_ =	sdelay $0x1  }
0x3c4: {  	[tilespmem:$0x1E990] =	vst v0;
	v0 =	vld [tilespmem:s28+$0x117D0];
	_ =	sdelay $0x2  }
0x3c5: {  	[tilespmem:$0x1EF50] =	vst v3;
	v3 =	vld [tilespmem:s28+$0x93B0];
	_ =	sdelay $0x1  }
0x3c6: {  	[tilespmem:$0x1E9A0] =	vst v0;
	v0 =	vld [tilespmem:s28+$0x97C0];
	_ =	sdelay $0x2  }
0x3c7: {  	[tilespmem:$0x1EF60] =	vst v3;
	v3 =	vld [tilespmem:s28+$0x113B0];
	_ =	sdelay $0x1  }
0x3c8: {  	[tilespmem:$0x1E9B0] =	vst v0;
	v0 =	vld [tilespmem:s28+$0x117C0];
	_ =	sdelay $0x2  }
0x3c9: {  	[tilespmem:$0x1EF70] =	vst v3;
	v3 =	vld [tilespmem:s28+$0x9170];
	_ =	sdelay $0x1  }
0x3ca: {  	[tilespmem:$0x1E9C0] =	vst v0;
	v0 =	vld [tilespmem:s28+$0x96E0];
	_ =	sdelay $0x2  }
0x3cb: {  	[tilespmem:$0x1EF90] =	vst v3;
	v3 =	vld [tilespmem:s28+$0x11170];
	_ =	sdelay $0x1  }
0x3cc: {  	[tilespmem:$0x1E9D0] =	vst v0;
	v0 =	vld [tilespmem:s28+$0x95F0];
	_ =	sdelay $0x2  }
0x3cd: {  	[tilespmem:$0x1EFA0] =	vst v3;
	v3 =	vld [tilespmem:s28+$0x91E0];
	_ =	sdelay $0x1  }
0x3ce: {  	[tilespmem:$0x1EAD0] =	vst v0;
	v0 =	vld [tilespmem:s28+$0x115F0];
	_ =	sdelay $0x2  }
0x3cf: {  	[tilespmem:$0x1EFB0] =	vst v3;
	v3 =	vld [tilespmem:s28+$0x111E0];
	_ =	sdelay $0x1  }
0x3d0: {  	[tilespmem:$0x1EAE0] =	vst v0;
	v0 =	vld [tilespmem:s28+$0x9660];
	_ =	sdelay $0x2  }
0x3d1: {  	[tilespmem:$0x1EFC0] =	vst v3;
	v3 =	vld [tilespmem:s28+$0x9250];
	_ =	sdelay $0x1  }
0x3d2: {  	[tilespmem:$0x1EB00] =	vst v0;
	v0 =	vld [tilespmem:s28+$0x11660];
	_ =	sdelay $0x2  }
0x3d3: {  	[tilespmem:$0x1EA70] =	vst v3;
	v3 =	vld [tilespmem:s28+$0x11250];
	_ =	sdelay $0x1  }
0x3d4: {  	[tilespmem:$0x1EB10] =	vst v0;
	v0 =	vld [tilespmem:s28+$0x96D0];
	_ =	sdelay $0x2  }
0x3d5: {  	[tilespmem:$0x1EA80] =	vst v3;
	v3 =	vld [tilespmem:s28+$0x92C0];
	_ =	sdelay $0x1  }
0x3d6: {  	[tilespmem:$0x1E9E0] =	vst v0;
	v0 =	vld [tilespmem:s28+$0x116D0];
	_ =	sdelay $0x2  }
0x3d7: {  	[tilespmem:$0x1EFD0] =	vst v3;
	v3 =	vld [tilespmem:s28+$0x112C0];
	_ =	sdelay $0x1  }
0x3d8: {  	[tilespmem:$0x1E9F0] =	vst v0;
	v0 =	vld [tilespmem:s28+$0x9740];
	_ =	sdelay $0x2  }
0x3d9: {  	[tilespmem:$0x1EFE0] =	vst v3;
	v3 =	vld [tilespmem:s28+$0x9330];
	_ =	sdelay $0x1  }
0x3da: {  	[tilespmem:$0x1EB20] =	vst v0;
	v0 =	vld [tilespmem:s28+$0x11740];
	_ =	sdelay $0x2  }
0x3db: {  	[tilespmem:$0x1F000] =	vst v3;
	v3 =	vld [tilespmem:s28+$0x11330];
	_ =	sdelay $0x1  }
0x3dc: {  	[tilespmem:$0x1EB30] =	vst v0;
	v0 =	vld [tilespmem:s28+$0x97A0];
	_ =	sdelay $0x2  }
0x3dd: {  	[tilespmem:$0x1F010] =	vst v3;
	v3 =	vld [tilespmem:s28+$0x93A0];
	_ =	sdelay $0x1  }
0x3de: {  	[tilespmem:$0x1EB40] =	vst v0;
	v0 =	vld [tilespmem:s28+$0x117A0];
	_ =	sdelay $0x2  }
0x3df: {  	[tilespmem:$0x1F020] =	vst v3;
	v3 =	vld [tilespmem:s28+$0x113A0];
	_ =	sdelay $0x1  }
0x3e0: {  	[tilespmem:$0x1EB50] =	vst v0;
	v0 =	vld [tilespmem:s28+$0x95E0];
	_ =	sdelay $0x2  }
0x3e1: {  	[tilespmem:$0x1F030] =	vst v3;
	v3 =	vld [tilespmem:s28+$0x9070];
	_ =	sdelay $0x1  }
0x3e2: {  	[tilespmem:$0x1EB70] =	vst v0;
	v0 =	vld [tilespmem:s28+$0x115E0];
	_ =	sdelay $0x2  }
0x3e3: {  	[tilespmem:$0x1F0A0] =	vst v3;
	v3 =	vld [tilespmem:s28+$0x11070];
	_ =	sdelay $0x1  }
0x3e4: {  	[tilespmem:$0x1EB80] =	vst v0;
	v0 =	vld [tilespmem:s28+$0x11650];
	_ =	sdelay $0x2  }
0x3e5: {  	[tilespmem:$0x1F0B0] =	vst v3;
	v3 =	vld [tilespmem:s28+$0x9160];
	_ =	sdelay $0x1  }
0x3e6: {  	[tilespmem:$0x1EB90] =	vst v0;
	v0 =	vld [tilespmem:s28+$0x96C0];
	_ =	sdelay $0x2  }
0x3e7: {  	[tilespmem:$0x1F0C0] =	vst v3;
	v3 =	vld [tilespmem:s28+$0x11160];
	_ =	sdelay $0x1  }
0x3e8: {  	[tilespmem:$0x1EBA0] =	vst v0;
	v0 =	vld [tilespmem:s28+$0x116C0];
	_ =	sdelay $0x2  }
0x3e9: {  	[tilespmem:$0x1F0D0] =	vst v3;
	v3 =	vld [tilespmem:s28+$0x91D0];
	_ =	sdelay $0x1  }
0x3ea: {  	[tilespmem:$0x1EBB0] =	vst v0;
	v0 =	vld [tilespmem:s28+$0x9780];
	_ =	sdelay $0x2  }
0x3eb: {  	[tilespmem:$0x1F0E0] =	vst v3;
	v3 =	vld [tilespmem:s28+$0x111D0];
	_ =	sdelay $0x1  }
0x3ec: {  	[tilespmem:$0x1EBD0] =	vst v0;
	v0 =	vld [tilespmem:s28+$0x11780];
	_ =	sdelay $0x2  }
0x3ed: {  	[tilespmem:$0x1F0F0] =	vst v3;
	v3 =	vld [tilespmem:s28+$0x9240];
	_ =	sdelay $0x1  }
0x3ee: {  	[tilespmem:$0x1EBE0] =	vst v0;
	v0 =	vld [tilespmem:s28+$0x9790];
	_ =	sdelay $0x2  }
0x3ef: {  	[tilespmem:$0x1EA90] =	vst v3;
	v3 =	vld [tilespmem:s28+$0x11240];
	_ =	sdelay $0x1  }
0x3f0: {  	[tilespmem:$0x1EBF0] =	vst v0;
	v0 =	vld [tilespmem:s28+$0x11790];
	_ =	sdelay $0x2  }
0x3f1: {  	[tilespmem:$0x1EAA0] =	vst v3;
	v3 =	vld [tilespmem:s28+$0x92B0];
	_ =	sdelay $0x1  }
0x3f2: {  	[tilespmem:$0x1EC00] =	vst v0;
	v0 =	vld [tilespmem:s28+$0x94F0];
	_ =	sdelay $0x2  }
0x3f3: {  	[tilespmem:$0x1F040] =	vst v3;
	v3 =	vld [tilespmem:s28+$0x112B0];
	_ =	sdelay $0x1  }
0x3f4: {  	[tilespmem:$0x1EC10] =	vst v0;
	v0 =	vld [tilespmem:s28+$0x114F0];
	_ =	sdelay $0x2  }
0x3f5: {  	[tilespmem:$0x1F050] =	vst v3;
	v3 =	vld [tilespmem:s28+$0x9320];
	_ =	sdelay $0x1  }
0x3f6: {  	[tilespmem:$0x1EC20] =	vst v0;
	v0 =	vld [tilespmem:s28+$0x9560];
	_ =	sdelay $0x2  }
0x3f7: {  	[tilespmem:$0x1EFF0] =	vst v3;
	v3 =	vld [tilespmem:s28+$0x9380];
	_ =	sdelay $0x1  }
0x3f8: {  	[tilespmem:$0x1EA00] =	vst v0;
	v0 =	vld [tilespmem:s28+$0x95D0];
	_ =	sdelay $0x2  }
0x3f9: {  	[tilespmem:$0x1F060] =	vst v3;
	v3 =	vld [tilespmem:s28+$0x11380];
	_ =	sdelay $0x1  }
0x3fa: {  	[tilespmem:$0x1EC30] =	vst v0;
	v0 =	vld [tilespmem:s28+$0x9640];
	_ =	sdelay $0x2  }
0x3fb: {  	[tilespmem:$0x1F070] =	vst v3;
	v3 =	vld [tilespmem:s28+$0x9390];
	_ =	sdelay $0x1  }
0x3fc: {  	[tilespmem:$0x1EC40] =	vst v0;
	v0 =	vld [tilespmem:s28+$0x9550];
	_ =	sdelay $0x1  }
0x3fd: {  	v6 =	vld [tilespmem:s28+$0x9770]  }
0x3fe: {  	[tilespmem:$0x1F080] =	vst v3;
	v3 =	vld [tilespmem:s28+$0x11390]  }
0x3ff: {  	v7 =	vld [tilespmem:s28+$0x11770]  }
0x400: {  	[tilespmem:$0x1EA10] =	vst v0;
	v0 =	vld [tilespmem:s28+$0x11550]  }
0x401: {  	v9 =	vld [tilespmem:s28+$0x9760]  }
0x402: {  	v16 =	vld [tilespmem:s28+$0x11760]  }
0x403: {  	[tilespmem:$0x1F090] =	vst v3;
	v3 =	vld [tilespmem:s28+$0x9060]  }
0x404: {  	v23 =	vld [tilespmem:s28+$0x9670]  }
0x405: {  	[tilespmem:$0x1EA20] =	vst v0;
	v0 =	vld [tilespmem:s28+$0x96A0]  }
0x406: {  	v59 =	vld [tilespmem:s28+$0x9750]  }
0x407: {  	v5 =	vld [tilespmem:s28+$0x11750]  }
0x408: {  	[tilespmem:$0x1F100] =	vst v3;
	v3 =	vld [tilespmem:s28+$0x11060]  }
0x409: {  	v11 =	vld [tilespmem:s28+$0x97B0]  }
0x40a: {  	[tilespmem:$0x1EC60] =	vst v0;
	v0 =	vld [tilespmem:s28+$0x116A0]  }
0x40b: {  	v12 =	vld [tilespmem:s28+$0x117B0]  }
0x40c: {  	v8 =	vld [tilespmem:s28+$0x11710]  }
0x40d: {  	[tilespmem:$0x1F110] =	vst v3;
	v3 =	vld [tilespmem:s28+$0x9150]  }
0x40e: {  	v59 =	vmul.f32 v5, v59;
	v5 =	vld [tilespmem:s28+$0x11230]  }
0x40f: {  	[tilespmem:$0x1EC70] =	vst v0;
	v0 =	vld [tilespmem:s28+$0x9710]  }
0x410: {  	v13 =	vld [tilespmem:s28+$0x9700]  }
0x411: {  	v10 =	vld [tilespmem:s28+$0x11700]  }
0x412: {  	[tilespmem:$0x1F120] =	vst v3;
	v3 =	vld [tilespmem:s28+$0x11150]  }
0x413: {  	[tilespmem:$0x1EAC0] =	vst v5;
	v5 =	vld [tilespmem:$0x1EAE0]  }
0x414: {  	v8 =	vmul.f32 v8, v0;
	v0 =	vld [tilespmem:$0x1EAD0]  }
0x415: {  	v38 =	vld [tilespmem:s28+$0x11670]  }
0x416: {  	v52 =	vld [tilespmem:s28+$0x9650]  }
0x417: {  	[tilespmem:$0x1F130] =	vst v3;
	v3 =	vld [tilespmem:s28+$0x91C0]  }
0x418: {  	v56 =	vld [tilespmem:s28+$0x9720];
	v10 =	vmul.f32 v10, v13  }
0x419: {  	v1 =	vld [tilespmem:s28+$0x11720];
	v13 =	vmul.f32 v5, v0;
	v0 =	vmul.f32 v12, v11  }
0x41a: {  	v5 =	vld [tilespmem:$0x1EB10]  }
0x41b: {  	[tilespmem:$0x1EAF0] =	vst v0;
	v0 =	vld [tilespmem:$0x1EB00]  }
0x41c: {  	[tilespmem:$0x1F150] =	vst v3;
	v3 =	vld [tilespmem:s28+$0x111C0]  }
0x41d: {  	v49 =	vld [tilespmem:s28+$0x9730]  }
0x41e: {  	v30 =	vld [tilespmem:s28+$0x11730]  }
0x41f: {  	v50 =	vld [tilespmem:s28+$0x115D0]  }
0x420: {  	v8 =	vadd.f32 v8, v10;
	v10 =	vmul.f32 v1, v56;
	v1 =	vld [tilespmem:$0x1EB30]  }
0x421: {  	[tilespmem:$0x1F160] =	vst v3;
	v3 =	vmul.f32 v7, v6;
	v7 =	vmul.f32 v5, v0;
	v0 =	vld [tilespmem:$0x1EB20]  }
0x422: {  	v2 =	vld [tilespmem:s28+$0x11640]  }
0x423: {  	v62 =	vld [tilespmem:s28+$0x96B0]  }
0x424: {  	v40 =	vld [tilespmem:s28+$0x116B0]  }
0x425: {  	v5 =	vld [tilespmem:$0x1EB50]  }
0x426: {  	v1 =	vmul.f32 v1, v0;
	v0 =	vld [tilespmem:$0x1EB40]  }
0x427: {  	v53 =	vld [tilespmem:s28+$0x9470]  }
0x428: {  	v48 =	vld [tilespmem:s28+$0x11470]  }
0x429: {  	v46 =	vld [tilespmem:s28+$0x94E0]  }
0x42a: {  	v41 =	vld [tilespmem:s28+$0x114E0]  }
0x42b: {  	v6 =	vld [tilespmem:s28+$0x9230];
	v0 =	vmul.f32 v5, v0  }
0x42c: {  	v5 =	vld [tilespmem:$0x1EB80]  }
0x42d: {  	[tilespmem:$0x1EB60] =	vst v0;
	v0 =	vld [tilespmem:$0x1EB70]  }
0x42e: {  	v47 =	vld [tilespmem:s28+$0x95C0]  }
0x42f: {  	v43 =	vld [tilespmem:s28+$0x115C0]  }
0x430: {  	v45 =	vld [tilespmem:s28+$0x9630]  }
0x431: {  	v37 =	vld [tilespmem:s28+$0x11630]  }
0x432: {  	[tilespmem:$0x1EAB0] =	vst v6;
	v6 =	vmul.f32 v5, v0;
	v0 =	vld [tilespmem:$0x1EB90]  }
0x433: {  	v63 =	vld [tilespmem:s28+$0x115B0]  }
0x434: {  	v35 =	vld [tilespmem:s28+$0x9620]  }
0x435: {  	v33 =	vld [tilespmem:s28+$0x11620]  }
0x436: {  	v5 =	vld [tilespmem:$0x1EBB0]  }
0x437: {  	v8 =	vadd.f32 v10, v8;
	v10 =	vmul.f32 v30, v49;
	v49 =	vmul.f32 v0, v52;
	v0 =	vld [tilespmem:$0x1EBA0]  }
0x438: {  	v60 =	vld [tilespmem:s28+$0x11680]  }
0x439: {  	v55 =	vld [tilespmem:s28+$0x9690]  }
0x43a: {  	v51 =	vld [tilespmem:s28+$0x11690]  }
0x43b: {  	v32 =	vld [tilespmem:s28+$0x95A0]  }
0x43c: {  	v29 =	vld [tilespmem:s28+$0x9600];
	v0 =	vmul.f32 v5, v0  }
0x43d: {  	v5 =	vld [tilespmem:$0x1EBE0]  }
0x43e: {  	[tilespmem:$0x1EBC0] =	vst v0;
	v0 =	vld [tilespmem:$0x1EBD0]  }
0x43f: {  	v54 =	vld [tilespmem:s28+$0x11600]  }
0x440: {  	v28 =	vld [tilespmem:s28+$0x9610];
	v8 =	vadd.f32 v10, v8  }
0x441: {  	v27 =	vld [tilespmem:s28+$0x11610]  }
0x442: {  	v17 =	vld [tilespmem:s28+$0x9580];
	v1 =	vadd.f32 v1, v8  }
0x443: {  	v10 =	vmul.f32 v5, v0;
	v0 =	vld [tilespmem:$0x1EBF0]  }
0x444: {  	v61 =	vmul.f32 v16, v9;
	v1 =	vadd.f32 v59, v1;
	v5 =	vld [tilespmem:$0x1EC00]  }
0x445: {  	v15 =	vld [tilespmem:s28+$0x11580]  }
0x446: {  	v14 =	vld [tilespmem:s28+$0x9590];
	v1 =	vadd.f32 v61, v1  }
0x447: {  	v56 =	vld [tilespmem:$0x1EC40]  }
0x448: {  	v41 =	vmul.f32 v41, v46;
	v46 =	vadd.f32 v3, v1;
	v1 =	vld [tilespmem:$0x1EC90]  }
0x449: {  	v0 =	vmul.f32 v5, v0;
	v5 =	vld [tilespmem:s28+$0x9050]  }
0x44a: {  	v3 =	vld [tilespmem:$0x1ECA0]  }
0x44b: {  	v4 =	vld [tilespmem:s28+$0x11590]  }
0x44c: {  	v31 =	vld [tilespmem:s28+$0x115A0]  }
0x44d: {  	v29 =	vmul.f32 v54, v29;
	v27 =	vmul.f32 v27, v28;
	v11 =	vld [tilespmem:$0x1EC20]  }
0x44e: {  	v2 =	vmul.f32 v2, v56;
	v56 =	vmul.f32 v48, v53;
	[tilespmem:$0x1F140] =	vst v5;
	v5 =	vld [tilespmem:$0x1EC10]  }
0x44f: {  	v53 =	vadd.f32 v0, v10;
	v10 =	vadd.f32 v27, v29;
	v27 =	vmul.f32 v3, v1;
	v1 =	vld [tilespmem:$0x1ECB0]  }
0x450: {  	v19 =	vld [tilespmem:s28+$0x9490];
	v4 =	vmul.f32 v4, v14;
	v0 =	vmul.f32 v15, v17  }
0x451: {  	v8 =	vld [tilespmem:s28+$0x9140]  }
0x452: {  	v18 =	vld [tilespmem:s28+$0x11490];
	v0 =	vadd.f32 v4, v0;
	v4 =	vmul.f32 v31, v32  }
0x453: {  	v11 =	vmul.f32 v11, v5;
	v5 =	vld [tilespmem:$0x1EC30]  }
0x454: {  	v57 =	vld [tilespmem:s28+$0x112F0];
	v0 =	vadd.f32 v4, v0;
	v1 =	vmul.f32 v63, v1  }
0x455: {  	v58 =	vld [tilespmem:s28+$0x94A0]  }
0x456: {  	v34 =	vld [tilespmem:s28+$0x114A0];
	[tilespmem:$0x1F170] =	vst v8;
	v8 =	vmul.f32 v43, v47;
	v0 =	vadd.f32 v1, v0  }
0x457: {  	v36 =	vld [tilespmem:s28+$0x9420]  }
0x458: {  	v18 =	vmul.f32 v18, v19;
	v19 =	vld [tilespmem:$0x1EDC0];
	v8 =	vadd.f32 v8, v0;
	v5 =	vmul.f32 v50, v5  }
0x459: {  	v0 =	vld [tilespmem:$0x1ED80]  }
0x45a: {  	v14 =	vmul.f32 v33, v35;
	v5 =	vadd.f32 v5, v8;
	v8 =	vld [tilespmem:$0x1EDB0]  }
0x45b: {  	v44 =	vld [tilespmem:s28+$0x11420]  }
0x45c: {  	v22 =	vld [tilespmem:s28+$0x9480];
	v37 =	vmul.f32 v37, v45;
	v3 =	vadd.f32 v14, v10  }
0x45d: {  	v20 =	vld [tilespmem:s28+$0x11480]  }
0x45e: {  	v26 =	vld [tilespmem:s28+$0x9400];
	v3 =	vadd.f32 v37, v3  }
0x45f: {  	v54 =	vmul.f32 v57, v0;
	v57 =	vmul.f32 v19, v8;
	v8 =	vld [tilespmem:$0x1EDD0]  }
0x460: {  	v2 =	vadd.f32 v2, v3;
	v19 =	vld [tilespmem:$0x1EDE0]  }
0x461: {  	v3 =	vld [tilespmem:s28+$0x11040]  }
0x462: {  	v4 =	vld [tilespmem:$0x1ECC0];
	v2 =	vadd.f32 v49, v2  }
0x463: {  	v24 =	vld [tilespmem:s28+$0x11400]  }
0x464: {  	v2 =	vadd.f32 v7, v2;
	v7 =	vld [tilespmem:$0x1EDF0]  }
0x465: {  	v14 =	vmul.f32 v51, v55;
	v55 =	vmul.f32 v19, v8;
	v8 =	vld [tilespmem:$0x1EE00]  }
0x466: {  	v25 =	vld [tilespmem:s28+$0x9410];
	[tilespmem:$0x1ED70] =	vst v3;
	v3 =	vmul.f32 v20, v22  }
0x467: {  	v21 =	vld [tilespmem:s28+$0x11410];
	v4 =	vmul.f32 v60, v4  }
0x468: {  	v1 =	vld [tilespmem:$0x1ED30];
	v3 =	vadd.f32 v18, v3;
	v18 =	vmul.f32 v34, v58  }
0x469: {  	v9 =	vmul.f32 v38, v23;
	v35 =	vadd.f32 v14, v4;
	v4 =	vld [tilespmem:$0x1ED40]  }
0x46a: {  	v42 =	vld [tilespmem:s28+$0x11320];
	v40 =	vmul.f32 v40, v62;
	v3 =	vadd.f32 v18, v3;
	v7 =	vmul.f32 v8, v7  }
0x46b: {  	v39 =	vld [tilespmem:s28+$0x92A0]  }
0x46c: {  	[tilespmem:$0x1EC50] =	vst v40;
	v40 =	vadd.f32 v9, v2;
	v2 =	vadd.f32 v7, v3;
	v3 =	vld [tilespmem:$0x1EE10]  }
0x46d: {  	v7 =	vld [tilespmem:$0x1EE20]  }
0x46e: {  	v14 =	vmul.f32 v4, v1;
	v1 =	vld [tilespmem:$0x1ED50]  }
0x46f: {  	v4 =	vld [tilespmem:$0x1ED60];
	v5 =	vadd.f32 v6, v5  }
0x470: {  	v38 =	vld [tilespmem:s28+$0x112A0]  }
0x471: {  	v37 =	vadd.f32 v13, v5;
	v5 =	vld [tilespmem:$0x1EE40]  }
0x472: {  	v34 =	vmul.f32 v7, v3;
	v3 =	vld [tilespmem:$0x1EE30]  }
0x473: {  	v28 =	vld [tilespmem:$0x1ECD0]  }
0x474: {  	v29 =	vld [tilespmem:$0x1ECE0];
	v1 =	vmul.f32 v4, v1  }
0x475: {  	v23 =	vld [tilespmem:s28+$0x9300]  }
0x476: {  	v1 =	vadd.f32 v1, v2;
	v2 =	vld [tilespmem:$0x1EE50]  }
0x477: {  	v63 =	vmul.f32 v5, v3;
	v3 =	vld [tilespmem:$0x1EE60]  }
0x478: {  	v16 =	vld [tilespmem:s28+$0x11300]  }
0x479: {  	v43 =	vmul.f32 v29, v28;
	v28 =	vld [tilespmem:$0x1ECF0]  }
0x47a: {  	v29 =	vld [tilespmem:$0x1ED00]  }
0x47b: {  	v6 =	vmul.f32 v24, v26;
	v7 =	vld [tilespmem:$0x1EE80]  }
0x47c: {  	v8 =	vmul.f32 v21, v25;
	v2 =	vmul.f32 v3, v2;
	v3 =	vld [tilespmem:$0x1EE70]  }
0x47d: {  	v9 =	vld [tilespmem:$0x1EEA0]  }
0x47e: {  	v5 =	vadd.f32 v8, v6;
	v8 =	vld [tilespmem:$0x1EE90]  }
0x47f: {  	v45 =	vld [tilespmem:s28+$0x11290]  }
0x480: {  	v62 =	vld [tilespmem:s28+$0x9040]  }
0x481: {  	v32 =	vmul.f32 v29, v28;
	v28 =	vld [tilespmem:$0x1ED10];
	v7 =	vmul.f32 v7, v3  }
0x482: {  	v13 =	vld [tilespmem:$0x1EEE0]  }
0x483: {  	v25 =	vmul.f32 v9, v8;
	v9 =	vld [tilespmem:$0x1EED0];
	v2 =	vadd.f32 v7, v2  }
0x484: {  	v6 =	vmul.f32 v44, v36;
	v7 =	vld [tilespmem:$0x1EF10]  }
0x485: {  	[tilespmem:$0x1EEF0] =	vst v2;
	v2 =	vld [tilespmem:$0x1EF00]  }
0x486: {  	v5 =	vadd.f32 v6, v5;
	v6 =	vld [tilespmem:$0x1EEB0]  }
0x487: {  	v8 =	vld [tilespmem:$0x1EEC0]  }
0x488: {  	v29 =	vld [tilespmem:$0x1ED20]  }
0x489: {  	v36 =	vmul.f32 v13, v9;
	v9 =	vld [tilespmem:$0x1EF30]  }
0x48a: {  	v2 =	vmul.f32 v7, v2;
	v7 =	vld [tilespmem:$0x1EF20]  }
0x48b: {  	v30 =	vld [tilespmem:s28+$0x9310]  }
0x48c: {  	v12 =	vld [tilespmem:s28+$0x11310];
	v6 =	vmul.f32 v8, v6  }
0x48d: {  	v48 =	vld [tilespmem:s28+$0x111B0]  }
0x48e: {  	v5 =	vadd.f32 v6, v5;
	v6 =	vld [tilespmem:$0x1EF40]  }
0x48f: {  	v28 =	vmul.f32 v29, v28;
	v29 =	vmul.f32 v9, v7;
	v7 =	vld [tilespmem:$0x1EF50]  }
0x490: {  	v59 =	vld [tilespmem:s28+$0x111A0]  }
0x491: {  	v61 =	vld [tilespmem:s28+$0x9220]  }
0x492: {  	v15 =	vld [tilespmem:$0x1EC60]  }
0x493: {  	v17 =	vld [tilespmem:$0x1EC70]  }
0x494: {  	v9 =	vmul.f32 v7, v6;
	v6 =	vld [tilespmem:$0x1EF60]  }
0x495: {  	v7 =	vld [tilespmem:$0x1EF70]  }
0x496: {  	v47 =	vld [tilespmem:s28+$0x91B0]  }
0x497: {  	v52 =	vld [tilespmem:s28+$0x11140]  }
0x498: {  	v10 =	vld [tilespmem:s28+$0x11280]  }
0x499: {  	v31 =	vld [tilespmem:s28+$0x9180]  }
0x49a: {  	v33 =	vmul.f32 v17, v15;
	v15 =	vld [tilespmem:s28+$0x11220];
	v1 =	vadd.f32 v43, v1;
	v6 =	vmul.f32 v7, v6  }
0x49b: {  	v7 =	vld [tilespmem:$0x1EFA0]  }
0x49c: {  	[tilespmem:$0x1EF80] =	vst v6;
	v6 =	vadd.f32 v41, v1;
	v1 =	vld [tilespmem:$0x1EF90]  }
0x49d: {  	v17 =	vld [tilespmem:s28+$0x9280]  }
0x49e: {  	v49 =	vld [tilespmem:s28+$0x11210]  }
0x49f: {  	v60 =	vld [tilespmem:s28+$0x9130]  }
0x4a0: {  	v13 =	vld [tilespmem:$0x1EFC0];
	v5 =	vadd.f32 v55, v5  }
0x4a1: {  	v1 =	vmul.f32 v7, v1;
	v7 =	vld [tilespmem:$0x1EFB0]  }
0x4a2: {  	v5 =	vadd.f32 v14, v5;
	v14 =	vld [tilespmem:$0x1EFE0]  }
0x4a3: {  	v43 =	vadd.f32 v11, v6;
	v11 =	vld [tilespmem:$0x1EFD0]  }
0x4a4: {  	[tilespmem:$0x1EC80] =	vst v15;
	v15 =	vld [tilespmem:s28+$0x9290]  }
0x4a5: {  	v12 =	vmul.f32 v12, v30;
	v22 =	vld [tilespmem:s28+$0x9200]  }
0x4a6: {  	v20 =	vld [tilespmem:s28+$0x9210];
	v7 =	vmul.f32 v13, v7;
	v13 =	vmul.f32 v16, v23  }
0x4a7: {  	v50 =	vld [tilespmem:s28+$0x11050]  }
0x4a8: {  	v24 =	vmul.f32 v14, v11;
	v11 =	vadd.f32 v12, v13;
	v12 =	vld [tilespmem:$0x1EFF0]  }
0x4a9: {  	v58 =	vld [tilespmem:s28+$0x11180]  }
0x4aa: {  	v0 =	vld [tilespmem:$0x1ED90]  }
0x4ab: {  	v18 =	vld [tilespmem:s28+$0x11200]  }
0x4ac: {  	v4 =	vld [tilespmem:$0x1EDA0]  }
0x4ad: {  	v26 =	vld [tilespmem:s28+$0x9110];
	v12 =	vmul.f32 v42, v12  }
0x4ae: {  	v14 =	vadd.f32 v27, v5;
	v5 =	vld [tilespmem:$0x1F000]  }
0x4af: {  	v11 =	vadd.f32 v12, v11;
	v12 =	vld [tilespmem:$0x1F010]  }
0x4b0: {  	v19 =	vld [tilespmem:s28+$0x11120]  }
0x4b1: {  	v51 =	vmul.f32 v4, v0;
	v0 =	vld [tilespmem:s28+$0x11130]  }
0x4b2: {  	v4 =	vld [tilespmem:s28+$0x91A0]  }
0x4b3: {  	v6 =	vmul.f32 v10, v17;
	v10 =	vmul.f32 v45, v15;
	v15 =	vld [tilespmem:$0x1F030]  }
0x4b4: {  	v12 =	vmul.f32 v12, v5;
	v5 =	vld [tilespmem:$0x1F020]  }
0x4b5: {  	v21 =	vld [tilespmem:s28+$0x9120]  }
0x4b6: {  	v44 =	vld [tilespmem:s28+$0x9020];
	v6 =	vadd.f32 v10, v6;
	v10 =	vmul.f32 v38, v39  }
0x4b7: {  	v3 =	vld [tilespmem:s28+$0x9030]  }
0x4b8: {  	v10 =	vadd.f32 v10, v6;
	v6 =	vld [tilespmem:$0x1F040]  }
0x4b9: {  	v5 =	vmul.f32 v15, v5;
	v15 =	vld [tilespmem:$0x1F050]  }
0x4ba: {  	v8 =	vld [tilespmem:s28+$0x11030]  }
0x4bb: {  	v55 =	vld [tilespmem:s28+$0x11100]  }
0x4bc: {  	v41 =	vld [tilespmem:s28+$0x9100]  }
0x4bd: {  	v12 =	vadd.f32 v12, v11;
	v11 =	vld [tilespmem:$0x1F070]  }
0x4be: {  	v27 =	vmul.f32 v15, v6;
	v6 =	vld [tilespmem:$0x1F060]  }
0x4bf: {  	v17 =	vld [tilespmem:s28+$0x11190]  }
0x4c0: {  	v45 =	vld [tilespmem:$0x1F0F0]  }
0x4c1: {  	v27 =	vadd.f32 v27, v10;
	v10 =	vld [tilespmem:$0x1F0E0]  }
0x4c2: {  	v39 =	vld [tilespmem:s28+$0x11010]  }
0x4c3: {  	v16 =	vadd.f32 v56, v14;
	v14 =	vmul.f32 v11, v6;
	v6 =	vld [tilespmem:$0x1F080]  }
0x4c4: {  	v11 =	vld [tilespmem:$0x1F090]  }
0x4c5: {  	v56 =	vadd.f32 v9, v12;
	v12 =	vld [tilespmem:$0x1F110]  }
0x4c6: {  	v38 =	vmul.f32 v45, v10;
	v10 =	vld [tilespmem:$0x1F100]  }
0x4c7: {  	v23 =	vld [tilespmem:s28+$0x9190]  }
0x4c8: {  	v13 =	vld [tilespmem:s28+$0x11020]  }
0x4c9: {  	v30 =	vmul.f32 v11, v6;
	v6 =	vld [tilespmem:$0x1F0A0]  }
0x4ca: {  	v11 =	vld [tilespmem:$0x1F0B0]  }
0x4cb: {  	v10 =	vmul.f32 v12, v10;
	v12 =	vld [tilespmem:$0x1F120]  }
0x4cc: {  	v9 =	vadd.f32 v30, v14;
	v14 =	vld [tilespmem:$0x1F130]  }
0x4cd: {  	v23 =	vmul.f32 v17, v23;
	v17 =	vld [tilespmem:$0x1F170]  }
0x4ce: {  	v15 =	vld [tilespmem:$0x1F0D0]  }
0x4cf: {  	v6 =	vmul.f32 v11, v6;
	v11 =	vld [tilespmem:$0x1F0C0]  }
0x4d0: {  	v30 =	vadd.f32 v24, v27;
	v24 =	vld [tilespmem:$0x1F150]  }
0x4d1: {  	v14 =	vmul.f32 v14, v12;
	v12 =	vld [tilespmem:$0x1F140]  }
0x4d2: {  	v27 =	vld [tilespmem:$0x1F160]  }
0x4d3: {  	v42 =	vld [tilespmem:s28+$0x11000];
	v25 =	vadd.f32 v25, v56  }
0x4d4: {  	(xrf2) =	vadd.scan.msk.f32 $0xffff, v46;
	v11 =	vmul.f32 v15, v11;
	v15 =	vld [tilespmem:s28+$0x11110]  }
0x4d5: {  	v46 =	vmul.f32 v59, v4;
	v57 =	vadd.f32 v57, v25;
	v25 =	vld [tilespmem:s28+$0x9080]  }
0x4d6: {  	v45 =	vld [tilespmem:s28+$0x9000];
	v12 =	vmul.f32 v50, v12;
	v50 =	vmul.f32 v58, v31  }
0x4d7: {  	v41 =	vmul.f32 v55, v41;
	v24 =	vmul.f32 v27, v24;
	v27 =	vld [tilespmem:s28+$0x9010];
	v58 =	vadd.f32 v29, v30  }
0x4d8: {  	(xrf2) =	vadd.scan.msk.f32 $0xffff, v40;
	v17 =	vmul.f32 v52, v17;
	v29 =	vmul.f32 v48, v47;
	v30 =	vadd.f32 v23, v50;
	v23 =	vld [tilespmem:s28+$0x11080]  }
0x4d9: {  	s29 =	simm.s32 $0x0;
	s30 =	simm.s32 $0x1;
	(xrf2) =	vadd.scan.msk.f32 $0xffff, v37;
	v40 =	vadd.f32 v63, v58;
	v47 =	vmul.f32 v15, v26;
	v15 =	vadd.f32 v28, v57;
	v26 =	vld [tilespmem:s28+$0x9090]  }
.LBB2_5:
0x4da: {  	v30 =	vadd.f32 v46, v30  }
0x4db: {  	v19 =	vmul.f32 v19, v21  }
0x4dc: {  	v29 =	vadd.f32 v29, v30;
	v21 =	vmul.f32 v42, v45;
	v27 =	vmul.f32 v39, v27  }
0x4dd: {  	(xrf2) =	vadd.scan.msk.f32 $0xffff, v43  }
0x4de: {  	v4, _, _ =	vpop (xrf2);
	(xrf2) =	vadd.scan.msk.f32 $0xffff, v16;
	v16 =	vadd.f32 v27, v21;
	v21 =	vadd.f32 v24, v29;
	_ =	sdelay $0x1  }
0x4df: {  	v21 =	vadd.f32 v38, v21  }
0x4e0: {  	v41 =	vadd.f32 v47, v41  }
0x4e1: {  	v48 =	vld [tilespmem:s28+$0x11090];
	v7 =	vadd.f32 v7, v21  }
0x4e2: {  	v50 =	vld [tilespmem:s28+$0x110A0];
	v37 =	vmul.f32 v0, v60;
	v19 =	vadd.f32 v19, v41  }
0x4e3: {  	v7 =	vadd.f32 v2, v7;
	v2 =	vld [tilespmem:$0x1EC80]  }
0x4e4: {  	v46 =	vld [tilespmem:s28+$0x90A0];
	v18 =	vmul.f32 v18, v22;
	v13 =	vmul.f32 v13, v44;
	v19 =	vadd.f32 v37, v19  }
0x4e5: {  	v30 =	vld [tilespmem:s28+$0x90B0];
	v20 =	vmul.f32 v49, v20;
	v23 =	vmul.f32 v23, v25  }
0x4e6: {  	v25 =	vld [tilespmem:s28+$0x90C0];
	v8 =	vmul.f32 v8, v3;
	v13 =	vadd.f32 v13, v16;
	v17 =	vadd.f32 v17, v19  }
0x4e7: {  	v18 =	vadd.f32 v20, v18;
	v20 =	vld [tilespmem:s28+$0x110B0]  }
0x4e8: {  	v8 =	vadd.f32 v8, v13;
	v13 =	vld [tilespmem:$0x1ED70];
	v14 =	vadd.f32 v14, v17;
	v17 =	vmul.f32 v2, v61  }
0x4e9: {  	v24 =	vmul.f32 v48, v26;
	v16 =	vld [tilespmem:s28+$0x110C0]  }
0x4ea: {  	v11 =	vadd.f32 v11, v14;
	v14 =	vadd.f32 v17, v18;
	v17 =	vld [tilespmem:$0x1EAB0]  }
0x4eb: {  	v0, _, _ =	vpop (xrf2);
	(xrf2) =	vadd.scan.msk.f32 $0xffff, v15;
	v15 =	vadd.f32 v24, v23;
	v23 =	vmul.f32 v50, v46;
	v18 =	vld [tilespmem:$0x1EAC0]  }
0x4ec: {  	v24 =	vld [tilespmem:s28+$0x90D0]  }
0x4ed: {  	v19 =	vld [tilespmem:s28+$0x110D0];
	v15 =	vadd.f32 v23, v15;
	v20 =	vmul.f32 v20, v30;
	v13 =	vmul.f32 v13, v62  }
0x4ee: {  	v21 =	vld [tilespmem:s28+$0x90E0]  }
0x4ef: {  	v15 =	vadd.f32 v20, v15;
	v20 =	vld [tilespmem:s28+$0x90F0];
	v8 =	vadd.f32 v13, v8  }
0x4f0: {  	v22 =	vadd.f32 v54, v40;
	v13 =	vld [tilespmem:s28+$0x110E0];
	v17 =	vmul.f32 v18, v17  }
0x4f1: {  	v8 =	vadd.f32 v12, v8;
	v12 =	vld [tilespmem:s28+$0x110F0]  }
0x4f2: {  	v3, _, _ =	vpop (xrf2);
	(xrf2) =	vadd.scan.msk.f32 $0xffff, v22;
	v22 =	vmul.f32 v16, v25;
	v18 =	vadd.f32 v17, v14;
	v14 =	vld [tilespmem:$0x1EA90]  }
0x4f3: {  	v1 =	vadd.f32 v1, v11;
	v8 =	vadd.f32 v10, v8;
	v17 =	vld [tilespmem:$0x1EAA0]  }
0x4f4: {  	v5 =	vadd.f32 v5, v9;
	v9 =	vld [tilespmem:$0x1EA80];
	v2, _, _ =	vpop (xrf2);
	(xrf2) =	vadd.scan.msk.f32 $0xffff, v7;
	v7 =	vadd.f32 v22, v15;
	v15 =	vmul.f32 v19, v24  }
0x4f5: {  	v16, _, _ =	vpop (xrf2);
	(xrf2) =	vadd.scan.msk.f32 $0xffff, v1;
	v1 =	vadd.f32 v6, v8;
	v8 =	vld [tilespmem:$0x1EA70]  }
0x4f6: {  	v7 =	vadd.f32 v15, v7;
	v13 =	vmul.f32 v13, v21  }
0x4f7: {  	v11 =	vld [tilespmem:s28+$0x11260]  }
0x4f8: {  	v15 =	vld [tilespmem:s28+$0x11270];
	v7 =	vadd.f32 v13, v7;
	v12 =	vmul.f32 v12, v20;
	v14 =	vmul.f32 v17, v14  }
0x4f9: {  	v13 =	vld [tilespmem:$0x1EF80]  }
0x4fa: {  	v10, _, _ =	vpop (xrf2);
	(xrf2) =	vadd.scan.msk.f32 $0xffff, v1;
	v1 =	vadd.f32 v12, v7;
	v7 =	vld [tilespmem:$0x1EA40];
	v8 =	vmul.f32 v9, v8;
	v6 =	vadd.f32 v14, v18  }
0x4fb: {  	v12 =	vld [tilespmem:$0x1EA50]  }
0x4fc: {  	v6 =	vadd.f32 v8, v6;
	v8 =	vld [tilespmem:$0x1EA60]  }
0x4fd: {  	v14 =	vld [tilespmem:$0x1EEF0]  }
0x4fe: {  	v17 =	vld [tilespmem:s28+$0x9270];
	_ =	sdelay $0x1  }
0x4ff: {  	v5 =	vadd.f32 v13, v5  }
0x500: {  	v8 =	vmul.f32 v11, v8  }
0x501: {  	v9 =	vld [tilespmem:s28+$0x113E0];
	v5 =	vadd.f32 v36, v5;
	v7 =	vmul.f32 v12, v7;
	v14 =	vadd.f32 v34, v14  }
0x502: {  	v13 =	vld [tilespmem:s28+$0x93F0];
	v6 =	vadd.f32 v8, v6;
	v8 =	vmul.f32 v15, v17  }
0x503: {  	v5 =	vadd.f32 v7, v5;
	v7 =	vld [tilespmem:$0x1EA30];
	v14 =	vadd.f32 v51, v14  }
0x504: {  	v18, _, _ =	vpop (xrf2);
	(xrf2) =	vadd.scan.msk.f32 $0xffff, v1;
	v1 =	vadd.f32 v8, v6;
	v8 =	vld [tilespmem:$0x1EA10]  }
0x505: {  	v6 =	vadd.f32 v32, v14;
	v14 =	vld [tilespmem:$0x1EA20]  }
0x506: {  	v11 =	vld [tilespmem:s28+$0x113F0]  }
0x507: {  	v12 =	vld [tilespmem:s28+$0x11560]  }
0x508: {  	v7 =	vmul.f32 v9, v7;
	v9 =	vld [tilespmem:s28+$0x11570]  }
0x509: {  	v15 =	vld [tilespmem:s28+$0x9570]  }
0x50a: {  	v19, _, _ =	vpop (xrf2);
	v8 =	vmul.f32 v14, v8;
	v14 =	vld [tilespmem:s28+$0x116E0]  }
0x50b: {  	v5 =	vadd.f32 v7, v5;
	v7 =	vmul.f32 v11, v13;
	v11 =	vld [tilespmem:$0x1EC50];
	_ =	sdelay $0x1  }
0x50c: {  	(xrf2) =	vadd.scan.msk.f32 $0xffff, v1;
	v1 =	vadd.f32 v7, v5;
	v5 =	vld [tilespmem:$0x1EBC0]  }
0x50d: {  	v17 =	vadd.f32 v33, v35;
	_ =	sdelay $0x1  }
0x50e: {  	v11 =	vadd.f32 v11, v17  }
0x50f: {  	v7 =	vld [tilespmem:$0x1E9E0]  }
0x510: {  	v5 =	vadd.f32 v5, v11;
	v11 =	vld [tilespmem:$0x1E9F0]  }
0x511: {  	v6 =	vadd.f32 v8, v6;
	v8 =	vld [tilespmem:$0x1EA00];
	_ =	sdelay $0x3  }
0x512: {  	v7 =	vmul.f32 v11, v7  }
0x513: {  	v17 =	vld [tilespmem:$0x1EB60];
	v8 =	vmul.f32 v12, v8  }
0x514: {  	v5 =	vadd.f32 v7, v5;
	v7 =	vld [tilespmem:$0x1E9D0]  }
0x515: {  	v6 =	vadd.f32 v8, v6;
	v8 =	vmul.f32 v9, v15;
	v9 =	vld [tilespmem:$0x1E9B0]  }
0x516: {  	v15 =	vld [tilespmem:$0x1E9C0]  }
0x517: {  	v20, _, _ =	vpop (xrf2);
	(xrf2) =	vadd.scan.msk.f32 $0xffff, v1;
	v1 =	vadd.f32 v8, v6;
	v6 =	vld [tilespmem:$0x1E990]  }
0x518: {  	v8 =	vld [tilespmem:$0x1E9A0]  }
0x519: {  	v7 =	vmul.f32 v14, v7;
	v14 =	vld [tilespmem:$0x1EAF0]  }
0x51a: {  	v13 =	vld [tilespmem:s28+$0x96F0]  }
0x51b: {  	v12 =	vld [tilespmem:s28+$0x116F0]  }
0x51c: {  	v17 =	vadd.f32 v17, v53;
	v11 =	vld [tilespmem:s28+$0x97E0]  }
0x51d: {  	v9 =	vmul.f32 v15, v9;
	v15 =	vld [tilespmem:s28+$0x117E0]  }
0x51e: {  	v6 =	vmul.f32 v8, v6;
	v8 =	vld [tilespmem:s28+$0x117F0];
	v14 =	vadd.f32 v14, v17  }
0x51f: {  	v17 =	vld [tilespmem:s28+$0x97F0]  }
0x520: {  	v12 =	vmul.f32 v12, v13;
	v5 =	vadd.f32 v7, v5;
	v9 =	vadd.f32 v9, v14  }
0x521: {  	v21, _, _ =	vpop (xrf2);
	(xrf2) =	vadd.scan.msk.f32 $0xffff, v1  }
0x522: {  	v1 =	vadd.f32 v12, v5;
	v7, _, _ =	vpop (xrf2);
	v5 =	vadd.f32 v6, v9;
	v6 =	vmul.f32 v15, v11  }
0x523: {  	v7 =	vbroadcast v7, $0xF;
	v9 =	vbroadcast v21, $0xF  }
0x524: {  	(xrf2) =	vadd.scan.msk.f32 $0xffff, v1;
	v11 =	vbroadcast v20, $0xF;
	v5 =	vadd.f32 v6, v5;
	v6 =	vmul.f32 v8, v17  }
0x525: {  	v1 =	vsel vm0, v9, v7;
	v7 =	vbroadcast v19, $0xF;
	v8, _, _ =	vpop (xrf2)  }
0x526: {  	v1 =	vsel vm1, v1, v11;
	v9 =	vbroadcast v8, $0xF;
	v5 =	vadd.f32 v6, v5  }
0x527: {  	v1 =	vsel vm2, v1, v7;
	v6 =	vbroadcast v18, $0xF  }
0x528: {  	v8, _, _ =	vpop (xrf2);
	v7 =	vbroadcast v10, $0xF;
	v1 =	vsel vm3, v1, v9;
	(xrf2) =	vadd.scan.msk.f32 $0xffff, v5  }
0x529: {  	v8 =	vbroadcast v8, $0xF;
	v1 =	vsel vm4, v1, v6  }
0x52a: {  	v6 =	vbroadcast v16, $0xF;
	v1 =	vsel vm5, v1, v7  }
0x52b: {  	v2 =	vbroadcast v2, $0xF;
	v1 =	vsel vm6, v1, v8;
	v5, _, _ =	vpop (xrf2)  }
0x52c: {  	v1 =	vsel vm7, v1, v6;
	v5 =	vbroadcast v5, $0xF  }
0x52d: {  	v1 =	vsel vm8, v1, v2;
	v2 =	vbroadcast v3, $0xF  }
0x52e: {  	v0 =	vbroadcast v0, $0xF;
	v3, _, _ =	vpop (xrf2);
	v1 =	vsel vm9, v1, v5  }
0x52f: {  	v1 =	vsel vm10, v1, v2;
	v2 =	vbroadcast v3, $0xF  }
0x530: {  	v3 =	vbroadcast v4, $0xF;
	v0 =	vsel vm11, v1, v0  }
0x531: {  	v0 =	vsel vm12, v0, v2  }
0x532: {  	s28 =	sshll.u32 s29, $0x4;
	v0 =	vsel vm13, v0, v3;
	v1, _, _ =	vpop (xrf2)  }
0x533: {  	s31 =	sand.u32 $0x3FFFFFF0, s28;
	v0 =	vsel vm14, v0, v1  }
0x534: {  	s28 =	sshll.u32 s30, $0xB;
	[tilespmem:s31+$0x15080] =	vst v0  }
0x535: {  	v0 =	vld [tilespmem:s28+$0x97D0];
	_ =	sdelay $0x4  }
0x536: {  	[tilespmem:$0x1E990] =	vst v0;
	v0 =	vld [tilespmem:s28+$0x117D0];
	_ =	sdelay $0x4  }
0x537: {  	[tilespmem:$0x1E9A0] =	vst v0;
	v0 =	vld [tilespmem:s28+$0x97C0];
	_ =	sdelay $0x4  }
0x538: {  	[tilespmem:$0x1E9B0] =	vst v0;
	v0 =	vld [tilespmem:s28+$0x117C0];
	_ =	sdelay $0x4  }
0x539: {  	[tilespmem:$0x1E9C0] =	vst v0;
	v0 =	vld [tilespmem:s28+$0x96E0];
	_ =	sdelay $0x4  }
0x53a: {  	[tilespmem:$0x1E9D0] =	vst v0;
	v0 =	vld [tilespmem:s28+$0x96D0];
	_ =	sdelay $0x4  }
0x53b: {  	[tilespmem:$0x1E9E0] =	vst v0;
	v0 =	vld [tilespmem:s28+$0x116D0];
	_ =	sdelay $0x4  }
0x53c: {  	[tilespmem:$0x1E9F0] =	vst v0;
	v0 =	vld [tilespmem:s28+$0x96C0];
	_ =	sdelay $0x4  }
0x53d: {  	[tilespmem:$0x1E320] =	vst v0;
	v0 =	vld [tilespmem:s28+$0x116C0];
	_ =	sdelay $0x4  }
0x53e: {  	[tilespmem:$0x1E330] =	vst v0;
	v0 =	vld [tilespmem:s28+$0x9730];
	_ =	sdelay $0x4  }
0x53f: {  	[tilespmem:$0x1E300] =	vst v0;
	v0 =	vld [tilespmem:s28+$0x11730];
	_ =	sdelay $0x4  }
0x540: {  	[tilespmem:$0x1E310] =	vst v0;
	v0 =	vld [tilespmem:s28+$0x9780];
	_ =	sdelay $0x4  }
0x541: {  	[tilespmem:$0x1E340] =	vst v0;
	v0 =	vld [tilespmem:s28+$0x11780];
	_ =	sdelay $0x4  }
0x542: {  	[tilespmem:$0x1E350] =	vst v0;
	v0 =	vld [tilespmem:s28+$0x9790];
	_ =	sdelay $0x4  }
0x543: {  	[tilespmem:$0x1E360] =	vst v0;
	v0 =	vld [tilespmem:s28+$0x11790];
	_ =	sdelay $0x4  }
0x544: {  	[tilespmem:$0x1E370] =	vst v0;
	v0 =	vld [tilespmem:s28+$0x94F0];
	_ =	sdelay $0x4  }
0x545: {  	[tilespmem:$0x1E380] =	vst v0;
	v0 =	vld [tilespmem:s28+$0x114F0];
	_ =	sdelay $0x4  }
0x546: {  	[tilespmem:$0x1E390] =	vst v0;
	v0 =	vld [tilespmem:s28+$0x9560];
	_ =	sdelay $0x4  }
0x547: {  	[tilespmem:$0x1EA00] =	vst v0;
	v0 =	vld [tilespmem:s28+$0x95D0];
	_ =	sdelay $0x4  }
0x548: {  	[tilespmem:$0x1E3A0] =	vst v0;
	v0 =	vld [tilespmem:s28+$0x115D0];
	_ =	sdelay $0x4  }
0x549: {  	[tilespmem:$0x1E3B0] =	vst v0;
	v0 =	vld [tilespmem:s28+$0x9640];
	_ =	sdelay $0x4  }
0x54a: {  	[tilespmem:$0x1E3C0] =	vst v0;
	v0 =	vld [tilespmem:s28+$0x11640];
	_ =	sdelay $0x4  }
0x54b: {  	[tilespmem:$0x1E3D0] =	vst v0;
	v0 =	vld [tilespmem:s28+$0x96B0];
	_ =	sdelay $0x4  }
0x54c: {  	[tilespmem:$0x1E3E0] =	vst v0;
	v0 =	vld [tilespmem:s28+$0x116B0];
	_ =	sdelay $0x4  }
0x54d: {  	[tilespmem:$0x1E3F0] =	vst v0;
	v0 =	vld [tilespmem:s28+$0x9470];
	_ =	sdelay $0x4  }
0x54e: {  	[tilespmem:$0x1E400] =	vst v0;
	v0 =	vld [tilespmem:s28+$0x11470];
	_ =	sdelay $0x4  }
0x54f: {  	[tilespmem:$0x1E410] =	vst v0;
	v0 =	vld [tilespmem:s28+$0x94E0];
	_ =	sdelay $0x4  }
0x550: {  	[tilespmem:$0x1E420] =	vst v0;
	v0 =	vld [tilespmem:s28+$0x114E0];
	_ =	sdelay $0x4  }
0x551: {  	[tilespmem:$0x1E430] =	vst v0;
	v0 =	vld [tilespmem:s28+$0x9550];
	_ =	sdelay $0x4  }
0x552: {  	[tilespmem:$0x1EA10] =	vst v0;
	v0 =	vld [tilespmem:s28+$0x11550];
	_ =	sdelay $0x4  }
0x553: {  	[tilespmem:$0x1EA20] =	vst v0;
	v0 =	vld [tilespmem:s28+$0x95C0];
	_ =	sdelay $0x4  }
0x554: {  	[tilespmem:$0x1E440] =	vst v0;
	v0 =	vld [tilespmem:s28+$0x115C0];
	_ =	sdelay $0x4  }
0x555: {  	[tilespmem:$0x1E450] =	vst v0;
	v0 =	vld [tilespmem:s28+$0x9630];
	_ =	sdelay $0x4  }
0x556: {  	[tilespmem:$0x1E460] =	vst v0;
	v0 =	vld [tilespmem:s28+$0x11630];
	_ =	sdelay $0x4  }
0x557: {  	[tilespmem:$0x1E470] =	vst v0;
	v0 =	vld [tilespmem:s28+$0x96A0];
	_ =	sdelay $0x4  }
0x558: {  	[tilespmem:$0x1E480] =	vst v0;
	v0 =	vld [tilespmem:s28+$0x116A0];
	_ =	sdelay $0x4  }
0x559: {  	[tilespmem:$0x1E490] =	vst v0;
	v0 =	vld [tilespmem:s28+$0x9460];
	_ =	sdelay $0x4  }
0x55a: {  	[tilespmem:$0x1E4A0] =	vst v0;
	v0 =	vld [tilespmem:s28+$0x11460];
	_ =	sdelay $0x4  }
0x55b: {  	[tilespmem:$0x1E4B0] =	vst v0;
	v0 =	vld [tilespmem:s28+$0x94D0];
	_ =	sdelay $0x4  }
0x55c: {  	[tilespmem:$0x1E520] =	vst v0;
	v0 =	vld [tilespmem:s28+$0x114D0];
	_ =	sdelay $0x4  }
0x55d: {  	[tilespmem:$0x1E530] =	vst v0;
	v0 =	vld [tilespmem:s28+$0x9540];
	_ =	sdelay $0x4  }
0x55e: {  	[tilespmem:$0x1E540] =	vst v0;
	v0 =	vld [tilespmem:s28+$0x11540];
	_ =	sdelay $0x4  }
0x55f: {  	[tilespmem:$0x1E550] =	vst v0;
	v0 =	vld [tilespmem:s28+$0x95B0];
	_ =	sdelay $0x4  }
0x560: {  	[tilespmem:$0x1E4C0] =	vst v0;
	v0 =	vld [tilespmem:s28+$0x115B0];
	_ =	sdelay $0x4  }
0x561: {  	[tilespmem:$0x1E4D0] =	vst v0;
	v0 =	vld [tilespmem:s28+$0x9680];
	_ =	sdelay $0x4  }
0x562: {  	[tilespmem:$0x1E4E0] =	vst v0;
	v0 =	vld [tilespmem:s28+$0x11680];
	_ =	sdelay $0x4  }
0x563: {  	[tilespmem:$0x1E4F0] =	vst v0;
	v0 =	vld [tilespmem:s28+$0x9690];
	_ =	sdelay $0x4  }
0x564: {  	[tilespmem:$0x1E500] =	vst v0;
	v0 =	vld [tilespmem:s28+$0x11690];
	_ =	sdelay $0x4  }
0x565: {  	[tilespmem:$0x1E510] =	vst v0;
	v0 =	vld [tilespmem:s28+$0x9370];
	_ =	sdelay $0x4  }
0x566: {  	[tilespmem:$0x1E560] =	vst v0;
	v0 =	vld [tilespmem:s28+$0x11370];
	_ =	sdelay $0x4  }
0x567: {  	[tilespmem:$0x1E570] =	vst v0;
	v0 =	vld [tilespmem:s28+$0x93E0];
	_ =	sdelay $0x4  }
0x568: {  	[tilespmem:$0x1EA30] =	vst v0;
	v0 =	vld [tilespmem:s28+$0x9450];
	_ =	sdelay $0x4  }
0x569: {  	[tilespmem:$0x1E580] =	vst v0;
	v0 =	vld [tilespmem:s28+$0x11450];
	_ =	sdelay $0x4  }
0x56a: {  	[tilespmem:$0x1E590] =	vst v0;
	v0 =	vld [tilespmem:s28+$0x94C0];
	_ =	sdelay $0x4  }
0x56b: {  	[tilespmem:$0x1E5A0] =	vst v0;
	v0 =	vld [tilespmem:s28+$0x114C0];
	_ =	sdelay $0x4  }
0x56c: {  	[tilespmem:$0x1E5B0] =	vst v0;
	v0 =	vld [tilespmem:s28+$0x9530];
	_ =	sdelay $0x4  }
0x56d: {  	[tilespmem:$0x1E5E0] =	vst v0;
	v0 =	vld [tilespmem:s28+$0x11530];
	_ =	sdelay $0x4  }
0x56e: {  	[tilespmem:$0x1E5F0] =	vst v0;
	v0 =	vld [tilespmem:s28+$0x92F0];
	_ =	sdelay $0x4  }
0x56f: {  	[tilespmem:$0x1E5C0] =	vst v0;
	v0 =	vld [tilespmem:s28+$0x112F0];
	_ =	sdelay $0x4  }
0x570: {  	[tilespmem:$0x1E5D0] =	vst v0;
	v0 =	vld [tilespmem:s28+$0x9360];
	_ =	sdelay $0x4  }
0x571: {  	[tilespmem:$0x1E600] =	vst v0;
	v0 =	vld [tilespmem:s28+$0x11360];
	_ =	sdelay $0x4  }
0x572: {  	[tilespmem:$0x1E610] =	vst v0;
	v0 =	vld [tilespmem:s28+$0x93D0];
	_ =	sdelay $0x4  }
0x573: {  	[tilespmem:$0x1EA40] =	vst v0;
	v0 =	vld [tilespmem:s28+$0x113D0];
	_ =	sdelay $0x4  }
0x574: {  	[tilespmem:$0x1EA50] =	vst v0;
	v0 =	vld [tilespmem:s28+$0x9440];
	_ =	sdelay $0x4  }
0x575: {  	[tilespmem:$0x1E620] =	vst v0;
	v0 =	vld [tilespmem:s28+$0x11440];
	_ =	sdelay $0x4  }
0x576: {  	[tilespmem:$0x1E630] =	vst v0;
	v0 =	vld [tilespmem:s28+$0x94B0];
	_ =	sdelay $0x4  }
0x577: {  	[tilespmem:$0x1E640] =	vst v0;
	v0 =	vld [tilespmem:s28+$0x114B0];
	_ =	sdelay $0x4  }
0x578: {  	[tilespmem:$0x1E650] =	vst v0;
	v0 =	vld [tilespmem:s28+$0x9520];
	_ =	sdelay $0x4  }
0x579: {  	[tilespmem:$0x1E660] =	vst v0;
	v0 =	vld [tilespmem:s28+$0x11520];
	_ =	sdelay $0x4  }
0x57a: {  	[tilespmem:$0x1E670] =	vst v0;
	v0 =	vld [tilespmem:s28+$0x92E0];
	_ =	sdelay $0x4  }
0x57b: {  	[tilespmem:$0x1E680] =	vst v0;
	v0 =	vld [tilespmem:s28+$0x112E0];
	_ =	sdelay $0x4  }
0x57c: {  	[tilespmem:$0x1E690] =	vst v0;
	v0 =	vld [tilespmem:s28+$0x9350];
	_ =	sdelay $0x4  }
0x57d: {  	[tilespmem:$0x1E6E0] =	vst v0;
	v0 =	vld [tilespmem:s28+$0x11350];
	_ =	sdelay $0x4  }
0x57e: {  	[tilespmem:$0x1E6F0] =	vst v0;
	v0 =	vld [tilespmem:s28+$0x93C0];
	_ =	sdelay $0x4  }
0x57f: {  	[tilespmem:$0x1E720] =	vst v0;
	v0 =	vld [tilespmem:s28+$0x113C0];
	_ =	sdelay $0x4  }
0x580: {  	[tilespmem:$0x1E730] =	vst v0;
	v0 =	vld [tilespmem:s28+$0x9430];
	_ =	sdelay $0x4  }
0x581: {  	[tilespmem:$0x1E700] =	vst v0;
	v0 =	vld [tilespmem:s28+$0x11430];
	_ =	sdelay $0x4  }
0x582: {  	[tilespmem:$0x1E710] =	vst v0;
	v0 =	vld [tilespmem:s28+$0x9500];
	_ =	sdelay $0x4  }
0x583: {  	[tilespmem:$0x1E6A0] =	vst v0;
	v0 =	vld [tilespmem:s28+$0x11500];
	_ =	sdelay $0x4  }
0x584: {  	[tilespmem:$0x1E6B0] =	vst v0;
	v0 =	vld [tilespmem:s28+$0x9510];
	_ =	sdelay $0x4  }
0x585: {  	[tilespmem:$0x1E6C0] =	vst v0;
	v0 =	vld [tilespmem:s28+$0x11510];
	_ =	sdelay $0x4  }
0x586: {  	[tilespmem:$0x1E6D0] =	vst v0;
	v0 =	vld [tilespmem:s28+$0x91F0];
	_ =	sdelay $0x4  }
0x587: {  	[tilespmem:$0x1E740] =	vst v0;
	v0 =	vld [tilespmem:s28+$0x111F0];
	_ =	sdelay $0x4  }
0x588: {  	[tilespmem:$0x1E750] =	vst v0;
	v0 =	vld [tilespmem:s28+$0x9260];
	_ =	sdelay $0x4  }
0x589: {  	[tilespmem:$0x1EA60] =	vst v0;
	v0 =	vld [tilespmem:s28+$0x92D0];
	_ =	sdelay $0x4  }
0x58a: {  	[tilespmem:$0x1E760] =	vst v0;
	v0 =	vld [tilespmem:s28+$0x112D0];
	_ =	sdelay $0x4  }
0x58b: {  	[tilespmem:$0x1E770] =	vst v0;
	v0 =	vld [tilespmem:s28+$0x9340];
	_ =	sdelay $0x4  }
0x58c: {  	[tilespmem:$0x1E780] =	vst v0;
	v0 =	vld [tilespmem:s28+$0x11340];
	_ =	sdelay $0x4  }
0x58d: {  	[tilespmem:$0x1E790] =	vst v0;
	v0 =	vld [tilespmem:s28+$0x93B0];
	_ =	sdelay $0x4  }
0x58e: {  	[tilespmem:$0x1E7A0] =	vst v0;
	v0 =	vld [tilespmem:s28+$0x113B0];
	_ =	sdelay $0x4  }
0x58f: {  	[tilespmem:$0x1E7B0] =	vst v0;
	v0 =	vld [tilespmem:s28+$0x9170];
	_ =	sdelay $0x4  }
0x590: {  	[tilespmem:$0x1E7C0] =	vst v0;
	v0 =	vld [tilespmem:s28+$0x11170];
	_ =	sdelay $0x4  }
0x591: {  	[tilespmem:$0x1E7D0] =	vst v0;
	v0 =	vld [tilespmem:s28+$0x91E0];
	_ =	sdelay $0x4  }
0x592: {  	[tilespmem:$0x1E7E0] =	vst v0;
	v0 =	vld [tilespmem:s28+$0x9250];
	_ =	sdelay $0x4  }
0x593: {  	[tilespmem:$0x1EA70] =	vst v0;
	v0 =	vld [tilespmem:s28+$0x11250];
	_ =	sdelay $0x4  }
0x594: {  	[tilespmem:$0x1EA80] =	vst v0;
	v0 =	vld [tilespmem:s28+$0x92C0];
	_ =	sdelay $0x4  }
0x595: {  	[tilespmem:$0x1E7F0] =	vst v0;
	v0 =	vld [tilespmem:s28+$0x112C0];
	_ =	sdelay $0x4  }
0x596: {  	[tilespmem:$0x1E800] =	vst v0;
	v0 =	vld [tilespmem:s28+$0x9330];
	_ =	sdelay $0x4  }
0x597: {  	[tilespmem:$0x1E810] =	vst v0;
	v0 =	vld [tilespmem:s28+$0x11330];
	_ =	sdelay $0x4  }
0x598: {  	[tilespmem:$0x1E820] =	vst v0;
	v0 =	vld [tilespmem:s28+$0x93A0];
	_ =	sdelay $0x4  }
0x599: {  	[tilespmem:$0x1E830] =	vst v0;
	v0 =	vld [tilespmem:s28+$0x113A0];
	_ =	sdelay $0x4  }
0x59a: {  	[tilespmem:$0x1E840] =	vst v0;
	v0 =	vld [tilespmem:s28+$0x9070];
	_ =	sdelay $0x4  }
0x59b: {  	[tilespmem:$0x1E890] =	vst v0;
	v0 =	vld [tilespmem:s28+$0x11070];
	_ =	sdelay $0x4  }
0x59c: {  	[tilespmem:$0x1E8A0] =	vst v0;
	v0 =	vld [tilespmem:s28+$0x9160];
	_ =	sdelay $0x4  }
0x59d: {  	[tilespmem:$0x1E8B0] =	vst v0;
	v0 =	vld [tilespmem:s28+$0x11160];
	_ =	sdelay $0x4  }
0x59e: {  	[tilespmem:$0x1E8C0] =	vst v0;
	v0 =	vld [tilespmem:s28+$0x91D0];
	_ =	sdelay $0x4  }
0x59f: {  	[tilespmem:$0x1E8D0] =	vst v0;
	v0 =	vld [tilespmem:s28+$0x111D0];
	_ =	sdelay $0x4  }
0x5a0: {  	[tilespmem:$0x1E8E0] =	vst v0;
	v0 =	vld [tilespmem:s28+$0x9240];
	_ =	sdelay $0x4  }
0x5a1: {  	[tilespmem:$0x1EA90] =	vst v0;
	v0 =	vld [tilespmem:s28+$0x11240];
	_ =	sdelay $0x4  }
0x5a2: {  	[tilespmem:$0x1EAA0] =	vst v0;
	v0 =	vld [tilespmem:s28+$0x92B0];
	_ =	sdelay $0x4  }
0x5a3: {  	[tilespmem:$0x1E850] =	vst v0;
	v0 =	vld [tilespmem:s28+$0x112B0];
	_ =	sdelay $0x4  }
0x5a4: {  	[tilespmem:$0x1E860] =	vst v0;
	v0 =	vld [tilespmem:s28+$0x9380];
	_ =	sdelay $0x4  }
0x5a5: {  	[tilespmem:$0x1E870] =	vst v0;
	v0 =	vld [tilespmem:s28+$0x11380];
	_ =	sdelay $0x4  }
0x5a6: {  	[tilespmem:$0x1E880] =	vst v0;
	v0 =	vld [tilespmem:s28+$0x9060];
	_ =	sdelay $0x4  }
0x5a7: {  	[tilespmem:$0x1E8F0] =	vst v0;
	v0 =	vld [tilespmem:s28+$0x11060];
	_ =	sdelay $0x4  }
0x5a8: {  	[tilespmem:$0x1E900] =	vst v0;
	v0 =	vld [tilespmem:s28+$0x9150];
	_ =	sdelay $0x4  }
0x5a9: {  	[tilespmem:$0x1E910] =	vst v0;
	v0 =	vld [tilespmem:s28+$0x11150];
	_ =	sdelay $0x4  }
0x5aa: {  	[tilespmem:$0x1E920] =	vst v0;
	v0 =	vld [tilespmem:s28+$0x91C0];
	_ =	sdelay $0x4  }
0x5ab: {  	[tilespmem:$0x1E940] =	vst v0;
	v0 =	vld [tilespmem:s28+$0x111C0];
	_ =	sdelay $0x3  }
0x5ac: {  	v1 =	vld [tilespmem:s28+$0x9770]  }
0x5ad: {  	[tilespmem:$0x1E950] =	vst v0;
	v0 =	vld [tilespmem:s28+$0x9230]  }
0x5ae: {  	v2 =	vld [tilespmem:s28+$0x11770]  }
0x5af: {  	v7 =	vld [tilespmem:s28+$0x97B0]  }
0x5b0: {  	v9 =	vld [tilespmem:s28+$0x117B0]  }
0x5b1: {  	v52 =	vld [tilespmem:s28+$0x97A0]  }
0x5b2: {  	[tilespmem:$0x1EAB0] =	vst v0;
	v0 =	vld [tilespmem:s28+$0x11230]  }
0x5b3: {  	v58 =	vld [tilespmem:s28+$0x117A0]  }
0x5b4: {  	v23 =	vld [tilespmem:s28+$0x9700]  }
0x5b5: {  	v47 =	vld [tilespmem:s28+$0x11700]  }
0x5b6: {  	v48 =	vld [tilespmem:s28+$0x9710]  }
0x5b7: {  	v12 =	vld [tilespmem:s28+$0x11710];
	[tilespmem:$0x1EAC0] =	vst v0;
	v0 =	vmul.f32 v9, v7  }
0x5b8: {  	v56 =	vld [tilespmem:s28+$0x9720]  }
0x5b9: {  	v29 =	vld [tilespmem:s28+$0x11720];
	[tilespmem:$0x1EAF0] =	vst v0;
	v0 =	vmul.f32 v58, v52  }
0x5ba: {  	v6 =	vmul.f32 v2, v1;
	v1 =	vld [tilespmem:$0x1E310]  }
0x5bb: {  	[tilespmem:$0x1EB60] =	vst v0;
	v0 =	vld [tilespmem:$0x1E300]  }
0x5bc: {  	v23 =	vmul.f32 v47, v23;
	v12 =	vmul.f32 v12, v48;
	_ =	sdelay $0x1  }
0x5bd: {  	v12 =	vadd.f32 v12, v23;
	v23 =	vmul.f32 v29, v56;
	_ =	sdelay $0x1  }
0x5be: {  	v12 =	vadd.f32 v23, v12;
	v23 =	vmul.f32 v1, v0;
	v0 =	vld [tilespmem:$0x1E320]  }
0x5bf: {  	v1 =	vld [tilespmem:$0x1E330];
	_ =	sdelay $0x4  }
0x5c0: {  	v0 =	vmul.f32 v1, v0;
	_ =	sdelay $0x1  }
0x5c1: {  	[tilespmem:$0x1EBC0] =	vst v0;
	v0 =	vld [tilespmem:s28+$0x9050];
	_ =	sdelay $0x3  }
0x5c2: {  	v1 =	vld [tilespmem:$0x1E350]  }
0x5c3: {  	[tilespmem:$0x1E930] =	vst v0;
	v0 =	vld [tilespmem:$0x1E340];
	_ =	sdelay $0x2  }
0x5c4: {  	v3 =	vld [tilespmem:s28+$0x9760]  }
0x5c5: {  	v4 =	vld [tilespmem:s28+$0x11760]  }
0x5c6: {  	v2 =	vmul.f32 v1, v0;
	v0 =	vld [tilespmem:$0x1E360]  }
0x5c7: {  	v1 =	vld [tilespmem:$0x1E370];
	_ =	sdelay $0x3  }
0x5c8: {  	v54 =	vmul.f32 v4, v3;
	v3 =	vld [tilespmem:$0x1E390]  }
0x5c9: {  	v1 =	vmul.f32 v1, v0;
	v0 =	vld [tilespmem:$0x1E380];
	_ =	sdelay $0x4  }
0x5ca: {  	v56 =	vmul.f32 v3, v0;
	v0 =	vld [tilespmem:$0x1E3A0]  }
0x5cb: {  	v3 =	vld [tilespmem:$0x1E3B0];
	_ =	sdelay $0x4  }
0x5cc: {  	v7 =	vmul.f32 v3, v0;
	v0 =	vld [tilespmem:s28+$0x9140];
	_ =	sdelay $0x1  }
0x5cd: {  	v5 =	vld [tilespmem:s28+$0x9670]  }
0x5ce: {  	v8 =	vld [tilespmem:s28+$0x11670]  }
0x5cf: {  	v3 =	vld [tilespmem:$0x1E3D0]  }
0x5d0: {  	[tilespmem:$0x1E960] =	vst v0;
	v0 =	vld [tilespmem:$0x1E3C0];
	_ =	sdelay $0x4  }
0x5d1: {  	v14 =	vmul.f32 v8, v5;
	v5 =	vmul.f32 v3, v0;
	v0 =	vld [tilespmem:$0x1E3E0]  }
0x5d2: {  	v3 =	vld [tilespmem:$0x1E3F0];
	_ =	sdelay $0x4  }
0x5d3: {  	v0 =	vmul.f32 v3, v0;
	v3 =	vld [tilespmem:s28+$0x11140];
	_ =	sdelay $0x1  }
0x5d4: {  	v57 =	vld [tilespmem:s28+$0x95E0]  }
0x5d5: {  	v59 =	vld [tilespmem:s28+$0x115E0]  }
0x5d6: {  	v4 =	vld [tilespmem:$0x1E410]  }
0x5d7: {  	[tilespmem:$0x1E970] =	vst v3;
	v3 =	vld [tilespmem:$0x1E400]  }
0x5d8: {  	v10 =	vld [tilespmem:s28+$0x9750]  }
0x5d9: {  	v13 =	vld [tilespmem:s28+$0x11750]  }
0x5da: {  	v11 =	vld [tilespmem:s28+$0x95F0]  }
0x5db: {  	v15 =	vld [tilespmem:s28+$0x115F0]  }
0x5dc: {  	v9 =	vmul.f32 v59, v57;
	v57 =	vmul.f32 v4, v3;
	v3 =	vld [tilespmem:$0x1E420]  }
0x5dd: {  	v4 =	vld [tilespmem:$0x1E430];
	_ =	sdelay $0x3  }
0x5de: {  	v30 =	vmul.f32 v13, v10  }
0x5df: {  	v13 =	vmul.f32 v15, v11;
	v11 =	vmul.f32 v4, v3;
	v3 =	vld [tilespmem:$0x1E440]  }
0x5e0: {  	v4 =	vld [tilespmem:$0x1E450];
	_ =	sdelay $0x3  }
0x5e1: {  	v52 =	vadd.f32 v23, v12;
	v23 =	vld [tilespmem:$0x1E470]  }
0x5e2: {  	v4 =	vmul.f32 v4, v3;
	v3 =	vld [tilespmem:$0x1E460]  }
0x5e3: {  	v41 =	vld [tilespmem:s28+$0x9740]  }
0x5e4: {  	v46 =	vld [tilespmem:s28+$0x11740]  }
0x5e5: {  	v27 =	vld [tilespmem:s28+$0x9590]  }
0x5e6: {  	v25 =	vld [tilespmem:s28+$0x11590]  }
0x5e7: {  	v3 =	vmul.f32 v23, v3;
	v23 =	vld [tilespmem:s28+$0x11220];
	_ =	sdelay $0x1  }
0x5e8: {  	v16 =	vld [tilespmem:s28+$0x9660];
	v29 =	vmul.f32 v46, v41  }
0x5e9: {  	v40 =	vld [tilespmem:s28+$0x11660]  }
0x5ea: {  	v47 =	vadd.f32 v1, v2;
	v2 =	vmul.f32 v25, v27;
	v25 =	vld [tilespmem:$0x1E490];
	[tilespmem:$0x1EC50] =	vst v0;
	v0 =	vadd.f32 v29, v52  }
0x5eb: {  	[tilespmem:$0x1EC80] =	vst v23;
	v23 =	vld [tilespmem:$0x1E480]  }
0x5ec: {  	v0 =	vadd.f32 v30, v0  }
0x5ed: {  	v50 =	vld [tilespmem:s28+$0x9600]  }
0x5ee: {  	v33 =	vld [tilespmem:s28+$0x11600];
	v0 =	vadd.f32 v54, v0  }
0x5ef: {  	v31 =	vld [tilespmem:s28+$0x9580]  }
0x5f0: {  	v10 =	vmul.f32 v40, v16;
	v40 =	vmul.f32 v25, v23;
	v25 =	vadd.f32 v6, v0;
	v0 =	vld [tilespmem:$0x1E4A0]  }
0x5f1: {  	v23 =	vld [tilespmem:$0x1E4B0]  }
0x5f2: {  	v28 =	vld [tilespmem:s28+$0x11580]  }
0x5f3: {  	v63 =	vld [tilespmem:s28+$0x95A0]  }
0x5f4: {  	v62 =	vld [tilespmem:s28+$0x115A0];
	_ =	sdelay $0x1  }
0x5f5: {  	v33 =	vmul.f32 v33, v50;
	v50 =	vmul.f32 v23, v0;
	v0 =	vld [tilespmem:$0x1E4C0]  }
0x5f6: {  	v1 =	vmul.f32 v28, v31;
	v23 =	vld [tilespmem:$0x1E4D0];
	_ =	sdelay $0x1  }
0x5f7: {  	v1 =	vadd.f32 v2, v1;
	v2 =	vmul.f32 v62, v63;
	_ =	sdelay $0x1  }
0x5f8: {  	v1 =	vadd.f32 v2, v1;
	v2 =	vld [tilespmem:$0x1E4E0]  }
0x5f9: {  	v0 =	vmul.f32 v23, v0;
	v23 =	vld [tilespmem:$0x1E4F0];
	_ =	sdelay $0x3  }
0x5fa: {  	v29 =	vld [tilespmem:$0x1E510]  }
0x5fb: {  	v2 =	vmul.f32 v23, v2;
	v23 =	vld [tilespmem:$0x1E500]  }
0x5fc: {  	v51 =	vld [tilespmem:s28+$0x9650]  }
0x5fd: {  	v60 =	vld [tilespmem:s28+$0x11650]  }
0x5fe: {  	v61 =	vld [tilespmem:s28+$0x9610]  }
0x5ff: {  	v55 =	vld [tilespmem:s28+$0x11610]  }
0x600: {  	v31 =	vmul.f32 v29, v23;
	v23 =	vld [tilespmem:$0x1E520]  }
0x601: {  	v29 =	vld [tilespmem:$0x1E530]  }
0x602: {  	v37 =	vld [tilespmem:s28+$0x9620]  }
0x603: {  	v35 =	vld [tilespmem:s28+$0x11620];
	_ =	sdelay $0x1  }
0x604: {  	v8 =	vmul.f32 v60, v51  }
0x605: {  	v55 =	vmul.f32 v55, v61;
	v51 =	vmul.f32 v29, v23;
	v23 =	vld [tilespmem:$0x1E540]  }
0x606: {  	v29 =	vld [tilespmem:$0x1E550]  }
0x607: {  	v27 =	vadd.f32 v55, v33;
	v28 =	vmul.f32 v35, v37;
	_ =	sdelay $0x1  }
0x608: {  	v27 =	vadd.f32 v28, v27;
	_ =	sdelay $0x1  }
0x609: {  	v3 =	vadd.f32 v3, v27;
	v27 =	vld [tilespmem:$0x1E570];
	v23 =	vmul.f32 v29, v23  }
0x60a: {  	v0 =	vadd.f32 v0, v1;
	v1 =	vld [tilespmem:s28+$0x11040]  }
0x60b: {  	[tilespmem:$0x1E980] =	vst v23;
	v23 =	vld [tilespmem:$0x1E560];
	_ =	sdelay $0x3  }
0x60c: {  	[tilespmem:$0x1ED70] =	vst v1;
	v1 =	vld [tilespmem:$0x1E580]  }
0x60d: {  	v48 =	vmul.f32 v27, v23;
	v23 =	vadd.f32 v31, v2;
	v2 =	vld [tilespmem:$0x1E590];
	_ =	sdelay $0x4  }
0x60e: {  	v27 =	vmul.f32 v2, v1;
	v1 =	vld [tilespmem:$0x1E5A0]  }
0x60f: {  	v2 =	vld [tilespmem:$0x1E5B0];
	_ =	sdelay $0x2  }
0x610: {  	v22 =	vld [tilespmem:s28+$0x9480]  }
0x611: {  	v49 =	vld [tilespmem:s28+$0x11480];
	v4 =	vadd.f32 v4, v0  }
0x612: {  	v21 =	vld [tilespmem:s28+$0x9490];
	v1 =	vmul.f32 v2, v1;
	v2 =	vadd.f32 v5, v3  }
0x613: {  	v4 =	vadd.f32 v7, v4;
	v7 =	vld [tilespmem:$0x1E600]  }
0x614: {  	v2 =	vadd.f32 v8, v2;
	v8 =	vld [tilespmem:$0x1E610]  }
0x615: {  	v18 =	vld [tilespmem:s28+$0x11490]  }
0x616: {  	v43 =	vld [tilespmem:s28+$0x94A0]  }
0x617: {  	v53 =	vld [tilespmem:s28+$0x114A0];
	_ =	sdelay $0x1  }
0x618: {  	v61 =	vmul.f32 v8, v7;
	v7 =	vld [tilespmem:$0x1E620]  }
0x619: {  	v3 =	vmul.f32 v49, v22;
	v5 =	vmul.f32 v18, v21;
	v8 =	vld [tilespmem:$0x1E630];
	_ =	sdelay $0x1  }
0x61a: {  	v3 =	vadd.f32 v5, v3;
	v5 =	vmul.f32 v53, v43;
	_ =	sdelay $0x1  }
0x61b: {  	v3 =	vadd.f32 v5, v3;
	v5 =	vld [tilespmem:$0x1E640]  }
0x61c: {  	v43 =	vmul.f32 v8, v7;
	v7 =	vld [tilespmem:$0x1E650]  }
0x61d: {  	v17 =	vld [tilespmem:s28+$0x9410]  }
0x61e: {  	v36 =	vld [tilespmem:s28+$0x11410];
	_ =	sdelay $0x2  }
0x61f: {  	v2 =	vadd.f32 v10, v2;
	v5 =	vmul.f32 v7, v5;
	_ =	sdelay $0x1  }
0x620: {  	v8 =	vmul.f32 v36, v17;
	v17 =	vadd.f32 v14, v2;
	v2 =	vadd.f32 v5, v3;
	v3 =	vld [tilespmem:$0x1E660]  }
0x621: {  	v5 =	vld [tilespmem:$0x1E670];
	_ =	sdelay $0x2  }
0x622: {  	v19 =	vld [tilespmem:s28+$0x9400]  }
0x623: {  	v20 =	vld [tilespmem:s28+$0x11400]  }
0x624: {  	v37 =	vmul.f32 v5, v3;
	v3 =	vld [tilespmem:$0x1E680]  }
0x625: {  	v5 =	vld [tilespmem:$0x1E690]  }
0x626: {  	v34 =	vld [tilespmem:s28+$0x9420];
	v4 =	vadd.f32 v9, v4  }
0x627: {  	v32 =	vld [tilespmem:s28+$0x11420]  }
0x628: {  	v4 =	vadd.f32 v13, v4;
	v13 =	vld [tilespmem:$0x1E6F0];
	v7 =	vmul.f32 v20, v19  }
0x629: {  	v1 =	vadd.f32 v1, v2;
	v2 =	vld [tilespmem:$0x1E6A0]  }
0x62a: {  	v31 =	vmul.f32 v5, v3;
	v5 =	vadd.f32 v8, v7;
	v8 =	vld [tilespmem:$0x1E6B0]  }
0x62b: {  	v10 =	vld [tilespmem:$0x1E6E0];
	_ =	sdelay $0x1  }
0x62c: {  	v44 =	vld [tilespmem:s28+$0x111E0]  }
0x62d: {  	v9 =	vld [tilespmem:$0x1E6D0]  }
0x62e: {  	v7 =	vmul.f32 v32, v34;
	v2 =	vmul.f32 v8, v2;
	v8 =	vld [tilespmem:$0x1E6C0]  }
0x62f: {  	v32 =	vmul.f32 v13, v10;
	v10 =	vld [tilespmem:$0x1E710]  }
0x630: {  	v5 =	vadd.f32 v7, v5;
	v7 =	vld [tilespmem:$0x1E700]  }
0x631: {  	v39 =	vld [tilespmem:s28+$0x9320]  }
0x632: {  	v38 =	vld [tilespmem:s28+$0x11320]  }
0x633: {  	v45 =	vld [tilespmem:s28+$0x9390];
	v9 =	vmul.f32 v9, v8  }
0x634: {  	v13 =	vld [tilespmem:$0x1E730]  }
0x635: {  	v7 =	vmul.f32 v10, v7;
	v10 =	vld [tilespmem:$0x1E720];
	v2 =	vadd.f32 v9, v2  }
0x636: {  	v9 =	vld [tilespmem:$0x1E750]  }
0x637: {  	[tilespmem:$0x1EEF0] =	vst v2;
	v2 =	vld [tilespmem:$0x1E740]  }
0x638: {  	v42 =	vld [tilespmem:s28+$0x11390]  }
0x639: {  	v26 =	vld [tilespmem:s28+$0x92A0]  }
0x63a: {  	v24 =	vld [tilespmem:s28+$0x112A0]  }
0x63b: {  	v36 =	vmul.f32 v13, v10;
	v10 =	vld [tilespmem:$0x1E770]  }
0x63c: {  	v2 =	vmul.f32 v9, v2;
	v9 =	vld [tilespmem:$0x1E760]  }
0x63d: {  	v15 =	vld [tilespmem:s28+$0x9300]  }
0x63e: {  	v16 =	vld [tilespmem:s28+$0x11300]  }
0x63f: {  	v60 =	vld [tilespmem:s28+$0x9130]  }
0x640: {  	v5 =	vadd.f32 v7, v5;
	v7 =	vld [tilespmem:$0x1E780]  }
0x641: {  	v1 =	vadd.f32 v51, v1;
	v51 =	vmul.f32 v10, v9;
	v9 =	vld [tilespmem:$0x1E790]  }
0x642: {  	v46 =	vld [tilespmem:s28+$0x91B0]  }
0x643: {  	v41 =	vld [tilespmem:s28+$0x111B0]  }
0x644: {  	v59 =	vld [tilespmem:s28+$0x11310]  }
0x645: {  	v10 =	vld [tilespmem:$0x1E7B0]  }
0x646: {  	v9 =	vmul.f32 v9, v7;
	v7 =	vld [tilespmem:$0x1E7A0]  }
0x647: {  	v58 =	vld [tilespmem:s28+$0x9310]  }
0x648: {  	v12 =	vld [tilespmem:s28+$0x11050]  }
0x649: {  	v55 =	vld [tilespmem:s28+$0x9280]  }
0x64a: {  	v14 =	vld [tilespmem:$0x1E7F0]  }
0x64b: {  	v7 =	vmul.f32 v10, v7;
	v10 =	vadd.f32 v11, v1;
	v11 =	vmul.f32 v16, v15;
	v16 =	vld [tilespmem:$0x1E800]  }
0x64c: {  	v33 =	vld [tilespmem:s28+$0x9180]  }
0x64d: {  	v28 =	vld [tilespmem:s28+$0x9290];
	v5 =	vadd.f32 v43, v5  }
0x64e: {  	v52 =	vld [tilespmem:s28+$0x11290];
	v13 =	vmul.f32 v59, v58  }
0x64f: {  	v6 =	vld [tilespmem:s28+$0x11280];
	v5 =	vadd.f32 v27, v5  }
0x650: {  	v35 =	vld [tilespmem:s28+$0x9190];
	v11 =	vadd.f32 v13, v11;
	v27 =	vmul.f32 v16, v14;
	v14 =	vmul.f32 v38, v39  }
0x651: {  	v16 =	vadd.f32 v50, v5;
	v5 =	vld [tilespmem:$0x1E810]  }
0x652: {  	v11 =	vadd.f32 v14, v11;
	v14 =	vld [tilespmem:$0x1E820]  }
0x653: {  	v63 =	vld [tilespmem:s28+$0x91A0]  }
0x654: {  	v30 =	vld [tilespmem:s28+$0x9220];
	v6 =	vmul.f32 v6, v55;
	v43 =	vadd.f32 v56, v10;
	v10 =	vmul.f32 v52, v28  }
0x655: {  	(xrf2) =	vadd.scan.msk.f32 $0xffff, v25;
	v25 =	vld [tilespmem:$0x1E8C0]  }
0x656: {  	v6 =	vadd.f32 v10, v6;
	v10 =	vmul.f32 v24, v26;
	v24 =	vld [tilespmem:$0x1E840]  }
0x657: {  	v14 =	vmul.f32 v14, v5;
	v5 =	vld [tilespmem:$0x1E830]  }
0x658: {  	v55 =	vld [tilespmem:s28+$0x11110]  }
0x659: {  	v0 =	vld [tilespmem:s28+$0x11130]  }
0x65a: {  	v18 =	vld [tilespmem:$0x1E5C0]  }
0x65b: {  	v10 =	vadd.f32 v10, v6;
	v6 =	vld [tilespmem:$0x1E850]  }
0x65c: {  	v5 =	vmul.f32 v24, v5;
	v24 =	vld [tilespmem:$0x1E860]  }
0x65d: {  	v21 =	vld [tilespmem:$0x1E5D0]  }
0x65e: {  	v29 =	vld [tilespmem:s28+$0x9040]  }
0x65f: {  	v22 =	vld [tilespmem:s28+$0x9200]  }
0x660: {  	v14 =	vadd.f32 v14, v11;
	v11 =	vld [tilespmem:$0x1E880]  }
0x661: {  	v24 =	vmul.f32 v24, v6;
	v6 =	vld [tilespmem:$0x1E870]  }
0x662: {  	v54 =	vmul.f32 v21, v18;
	v18 =	vld [tilespmem:$0x1E5E0]  }
0x663: {  	v21 =	vld [tilespmem:$0x1E5F0]  }
0x664: {  	v49 =	vld [tilespmem:s28+$0x11210]  }
0x665: {  	v53 =	vld [tilespmem:s28+$0x111A0]  }
0x666: {  	v26 =	vmul.f32 v11, v6;
	v6 =	vld [tilespmem:$0x1E890]  }
0x667: {  	v11 =	vld [tilespmem:$0x1E8A0]  }
0x668: {  	v62 =	vmul.f32 v21, v18;
	v18 =	vld [tilespmem:s28+$0x11200]  }
0x669: {  	(xrf2) =	vadd.scan.msk.f32 $0xffff, v17;
	v17 =	vld [tilespmem:$0x1E930]  }
0x66a: {  	v21 =	vld [tilespmem:s28+$0x9120]  }
0x66b: {  	v20 =	vld [tilespmem:s28+$0x9210]  }
0x66c: {  	v6 =	vmul.f32 v11, v6;
	v11 =	vld [tilespmem:$0x1E8B0]  }
0x66d: {  	v19 =	vld [tilespmem:s28+$0x11120]  }
0x66e: {  	v12 =	vmul.f32 v12, v17;
	v17 =	vld [tilespmem:$0x1E940]  }
0x66f: {  	v3 =	vld [tilespmem:s28+$0x9030]  }
0x670: {  	v24 =	vadd.f32 v24, v10;
	v10 =	vld [tilespmem:$0x1E8D0]  }
0x671: {  	v11 =	vmul.f32 v25, v11;
	v25 =	vld [tilespmem:$0x1E8E0]  }
0x672: {  	v34 =	vld [tilespmem:s28+$0x11180]  }
0x673: {  	v8 =	vld [tilespmem:s28+$0x11030]  }
0x674: {  	v59 =	vmul.f32 v42, v45;
	v42 =	vld [tilespmem:s28+$0x11000]  }
0x675: {  	v45 =	vld [tilespmem:s28+$0x9000]  }
0x676: {  	v38 =	vmul.f32 v25, v10;
	v10 =	vld [tilespmem:$0x1E8F0]  }
0x677: {  	v25 =	vadd.f32 v9, v14;
	v14 =	vld [tilespmem:$0x1E900]  }
0x678: {  	v1 =	vld [tilespmem:$0x1E7C0]  }
0x679: {  	v15 =	vld [tilespmem:s28+$0x11190]  }
0x67a: {  	[tilespmem:$0x1EF80] =	vst v7;
	v7 =	vld [tilespmem:$0x1E7D0]  }
0x67b: {  	v9 =	vadd.f32 v59, v26;
	v26 =	vld [tilespmem:$0x1E920]  }
0x67c: {  	v10 =	vmul.f32 v14, v10;
	v14 =	vld [tilespmem:$0x1E910]  }
0x67d: {  	v13 =	vld [tilespmem:s28+$0x11020]  }
0x67e: {  	v28 =	vld [tilespmem:s28+$0x9100]  }
0x67f: {  	v52 =	vld [tilespmem:s28+$0x9110]  }
0x680: {  	v1 =	vmul.f32 v7, v1;
	v7 =	vld [tilespmem:$0x1E7E0]  }
0x681: {  	v14 =	vmul.f32 v26, v14;
	v26 =	vadd.f32 v27, v24;
	v24 =	vld [tilespmem:$0x1E950]  }
0x682: {  	v50 =	vld [tilespmem:s28+$0x11100]  }
0x683: {  	v39 =	vld [tilespmem:s28+$0x11010]  }
0x684: {  	v15 =	vmul.f32 v15, v35;
	v35 =	vmov v23;
	v23 =	vld [tilespmem:$0x1E970];
	v32 =	vadd.f32 v32, v25  }
0x685: {  	v56 =	vmul.f32 v34, v33;
	v7 =	vmul.f32 v44, v7;
	v44 =	vld [tilespmem:s28+$0x9020]  }
0x686: {  	p0 =	sne.s32 s30, $0x7;
	v32 =	vadd.f32 v61, v32;
	v24 =	vmul.f32 v24, v17;
	v17 =	vld [tilespmem:$0x1E960]  }
.Ltmp3:
0x687: {  	v25 =	vld [tilespmem:s28+$0x9080];
	v61 =	vmov v30;
	v30 =	vadd.f32 v15, v56;
	(pc) =	sbr.rel @p0 .LBB2_5-.Ltmp3, $4  }
0x688: {  	v15 =	vadd.f32 v48, v32;
	v32 =	vld [tilespmem:$0x1E980];
	v26 =	vadd.f32 v51, v26  }
0x689: {  	(xrf2) =	vadd.scan.msk.f32 $0xffff, v4;
	v34 =	vmovc v37;
	v27 =	vld [tilespmem:s28+$0x9010];
	v51 =	vmov v62;
	v62 =	vmov v29;
	v29 =	vmul.f32 v41, v46  }
0x68a: {  	v33 =	vmovc v40;
	v46 =	vmul.f32 v53, v63;
	v41 =	vmul.f32 v50, v28;
	v40 =	vadd.f32 v31, v26;
	v26 =	vld [tilespmem:s28+$0x9090]  }
0x68b: {  	s29 =	smov.u32 s30;
	s30 =	sadd.s32 $0x1, s30;
	v16 =	vadd.f32 v57, v16;
	v53 =	vmovc v47;
	v47 =	vmul.f32 v55, v52;
	v17 =	vmul.f32 v23, v17;
	v23 =	vld [tilespmem:s28+$0x11080]  }
0x68c: {  	v28 =	vld [tilespmem:s28+$0x11090]  }
0x68d: {  	v48 =	vld [tilespmem:s28+$0x110A0]  }
0x68e: {  	v20 =	vmul.f32 v49, v20;
	v49 =	vld [tilespmem:s28+$0x90B0]  }
0x68f: {  	v50 =	vld [tilespmem:s28+$0x110B0]  }
0x690: {  	v40 =	vadd.f32 v54, v40;
	v54 =	vld [tilespmem:s28+$0x90C0]  }
0x691: {  	v55 =	vld [tilespmem:s28+$0x110C0]  }
0x692: {  	v56 =	vld [tilespmem:s28+$0x90D0]  }
0x693: {  	v57 =	vld [tilespmem:$0x1ED70]  }
0x694: {  	v58 =	vld [tilespmem:s28+$0x110D0]  }
0x695: {  	v59 =	vld [tilespmem:s28+$0x90E0]  }
0x696: {  	v0 =	vmul.f32 v0, v60;
	v60 =	vld [tilespmem:$0x1EC80]  }
0x697: {  	v63 =	vld [tilespmem:s28+$0x90F0]  }
0x698: {  	v4 =	vadd.f32 v46, v30;
	v30 =	vld [tilespmem:s28+$0x11270]  }
0x699: {  	v37 =	vld [tilespmem:$0x1EA80]  }
0x69a: {  	(xrf2) =	vadd.scan.msk.f32 $0xffff, v43;
	v43 =	vld [tilespmem:$0x1EA60]  }
0x69b: {  	v13 =	vmul.f32 v13, v44;
	v44 =	vld [tilespmem:$0x1EEF0]  }
0x69c: {  	v31 =	vmul.f32 v42, v45;
	v45 =	vld [tilespmem:s28+$0x113F0]  }
0x69d: {  	v18 =	vmul.f32 v18, v22;
	v22 =	vld [tilespmem:$0x1EA00]  }
0x69e: {  	v46 =	vadd.f32 v47, v41;
	v47 =	vld [tilespmem:s28+$0x90A0];
	(xrf2) =	vadd.scan.msk.f32 $0xffff, v16  }
0x69f: {  	v41 =	vld [tilespmem:s28+$0x93F0];
	v4 =	vadd.f32 v29, v4;
	(xrf2) =	vadd.scan.msk.f32 $0xffff, v15  }
0x6a0: {  	(xrf2) =	vadd.scan.msk.f32 $0xffff, v40;
	v40 =	vld [tilespmem:$0x1EF80]  }
0x6a1: {  	v27 =	vmul.f32 v39, v27;
	v4 =	vadd.f32 v24, v4;
	v24 =	vld [tilespmem:s28+$0x110F0]  }
0x6a2: {  	v23 =	vmul.f32 v23, v25;
	v25 =	vld [tilespmem:s28+$0x11260]  }
0x6a3: {  	v27 =	vadd.f32 v27, v31;
	v31 =	vld [tilespmem:$0x1EA70]  }
0x6a4: {  	v52 =	vmul.f32 v28, v26;
	v26 =	vld [tilespmem:$0x1EA90]  }
0x6a5: {  	v28 =	vld [tilespmem:s28+$0x9270]  }
0x6a6: {  	v18 =	vadd.f32 v20, v18;
	v20 =	vmul.f32 v50, v49;
	v49 =	vld [tilespmem:s28+$0x11560]  }
0x6a7: {  	v3 =	vmul.f32 v8, v3;
	v8 =	vmul.f32 v55, v54;
	v54 =	vld [tilespmem:s28+$0x9570]  }
0x6a8: {  	v19 =	vmul.f32 v19, v21;
	v55 =	vld [tilespmem:$0x1EA30]  }
0x6a9: {  	v13 =	vadd.f32 v13, v27;
	v27 =	vld [tilespmem:$0x1EAA0]  }
0x6aa: {  	v19 =	vadd.f32 v19, v46;
	v4 =	vadd.f32 v38, v4;
	v38 =	vld [tilespmem:s28+$0x113E0]  }
0x6ab: {  	v21 =	vmul.f32 v48, v47;
	v47 =	vld [tilespmem:$0x1EA40];
	v23 =	vadd.f32 v52, v23  }
0x6ac: {  	v0 =	vadd.f32 v0, v19;
	v48 =	vld [tilespmem:$0x1EA50]  }
0x6ad: {  	v3 =	vadd.f32 v3, v13;
	v13 =	vmul.f32 v57, v62;
	v62 =	vld [tilespmem:s28+$0x110E0];
	v21 =	vadd.f32 v21, v23  }
0x6ae: {  	v5 =	vadd.f32 v5, v9;
	v23 =	vld [tilespmem:$0x1EAC0]  }
0x6af: {  	v0 =	vadd.f32 v17, v0;
	v20 =	vadd.f32 v20, v21;
	v21 =	vld [tilespmem:$0x1EAB0]  }
0x6b0: {  	v4 =	vadd.f32 v7, v4;
	v5 =	vadd.f32 v40, v5;
	v57 =	vld [tilespmem:s28+$0x11570]  }
0x6b1: {  	v7 =	vmul.f32 v58, v56;
	v56 =	vadd.f32 v33, v35;
	v33 =	vld [tilespmem:$0x1E9C0];
	v0 =	vadd.f32 v14, v0  }
0x6b2: {  	v35 =	vld [tilespmem:$0x1E9D0];
	v3 =	vadd.f32 v13, v3;
	v2 =	vadd.f32 v2, v4;
	v4 =	vmul.f32 v60, v61  }
0x6b3: {  	v40 =	vld [tilespmem:$0x1E990];
	v5 =	vadd.f32 v36, v5;
	v8 =	vadd.f32 v8, v20  }
0x6b4: {  	v60 =	vld [tilespmem:$0x1EA10];
	v3 =	vadd.f32 v12, v3;
	v4 =	vadd.f32 v4, v18;
	v12 =	vmul.f32 v23, v21  }
0x6b5: {  	v50 =	vmul.f32 v30, v28;
	v61 =	vld [tilespmem:$0x1EA20];
	v29 =	vmul.f32 v62, v59;
	v7 =	vadd.f32 v7, v8  }
0x6b6: {  	v28 =	vld [tilespmem:$0x1E9E0];
	v3 =	vadd.f32 v10, v3;
	v10 =	vmul.f32 v27, v26;
	v4 =	vadd.f32 v12, v4  }
0x6b7: {  	v39 =	vmul.f32 v24, v63;
	v36 =	vld [tilespmem:$0x1EAF0];
	v0 =	vadd.f32 v11, v0;
	v7 =	vadd.f32 v29, v7  }
0x6b8: {  	v62 =	vld [tilespmem:s28+$0x116E0];
	v3 =	vadd.f32 v6, v3;
	v6 =	vmul.f32 v37, v31;
	v4 =	vadd.f32 v10, v4  }
0x6b9: {  	v0 =	vadd.f32 v1, v0;
	v20 =	vld [tilespmem:$0x1EC50];
	v46 =	vadd.f32 v39, v7;
	v7 =	vmul.f32 v48, v47  }
0x6ba: {  	(xrf2) =	vadd.scan.msk.f32 $0xffff, v2;
	v1 =	vmul.f32 v25, v43;
	v26 =	vld [tilespmem:$0x1EBC0];
	v42 =	vadd.f32 v6, v4;
	v4 =	vadd.f32 v34, v44  }
0x6bb: {  	(xrf2) =	vadd.scan.msk.f32 $0xffff, v0;
	v23 =	vld [tilespmem:$0x1EB60];
	v5 =	vadd.f32 v7, v5;
	v7 =	vmul.f32 v38, v55  }
0x6bc: {  	v29 =	vld [tilespmem:$0x1E9F0];
	(xrf2) =	vadd.scan.msk.f32 $0xffff, v3;
	v1 =	vadd.f32 v1, v42;
	v52 =	vadd.f32 v51, v4  }
0x6bd: {  	v25 =	vld [tilespmem:s28+$0x116F0];
	v12 =	vmul.f32 v61, v60;
	v10, _, _ =	vpop (xrf2);
	(xrf2) =	vadd.scan.msk.f32 $0xffff, v46;
	v5 =	vadd.f32 v7, v5  }
0x6be: {  	v59, _, _ =	vpop (xrf2);
	v6 =	vmul.f32 v45, v41;
	v1 =	vadd.f32 v50, v1;
	v58 =	vadd.f32 v32, v52;
	v32 =	vld [tilespmem:$0x1E9B0]  }
0x6bf: {  	v9 =	vadd.f32 v20, v56;
	v63, _, _ =	vpop (xrf2);
	v41 =	vld [tilespmem:$0x1E9A0]  }
0x6c0: {  	v8 =	vmul.f32 v49, v22;
	v21 =	vld [tilespmem:s28+$0x96F0];
	v24, _, _ =	vpop (xrf2);
	v5 =	vadd.f32 v6, v5;
	v2 =	vadd.f32 v12, v58;
	(xrf2) =	vadd.scan.msk.f32 $0xffff, v1  }
0x6c1: {  	v30 =	vld [tilespmem:s28+$0x97E0];
	v15 =	vmul.f32 v29, v28;
	v27, _, _ =	vpop (xrf2);
	v6 =	vadd.f32 v26, v9;
	v12 =	vadd.f32 v23, v53  }
0x6c2: {  	v0 =	vmul.f32 v57, v54;
	v13 =	vmul.f32 v62, v35;
	v34 =	vld [tilespmem:s28+$0x117E0];
	v31, _, _ =	vpop (xrf2);
	v2 =	vadd.f32 v8, v2  }
0x6c3: {  	v38 =	vld [tilespmem:s28+$0x97F0];
	v37, _, _ =	vpop (xrf2);
	v6 =	vadd.f32 v15, v6;
	(xrf2) =	vadd.scan.msk.f32 $0xffff, v5;
	v12 =	vadd.f32 v36, v12;
	v8 =	vmul.f32 v33, v32  }
0x6c4: {  	v42 =	vld [tilespmem:s28+$0x117F0];
	v39, _, _ =	vpop (xrf2);
	v18 =	vmul.f32 v41, v40;
	v0 =	vadd.f32 v0, v2  }
0x6c5: {  	v1 =	vmul.f32 v25, v21;
	v43, _, _ =	vpop (xrf2);
	v6 =	vadd.f32 v13, v6;
	v8 =	vadd.f32 v8, v12  }
0x6c6: {  	v44, _, _ =	vpop (xrf2);
	(xrf2) =	vadd.scan.msk.f32 $0xffff, v0  }
0x6c7: {  	v46 =	vmul.f32 v34, v30;
	v1 =	vadd.f32 v1, v6;
	v47, _, _ =	vpop (xrf2);
	v45 =	vadd.f32 v18, v8  }
0x6c8: {  	v12 =	vbroadcast v47, $0xF;
	v0 =	vbroadcast v44, $0xF  }
0x6c9: {  	v5 =	vmul.f32 v42, v38;
	v48 =	vbroadcast v43, $0xF;
	(xrf2) =	vadd.scan.msk.f32 $0xffff, v1;
	v6 =	vadd.f32 v46, v45  }
0x6ca: {  	v2 =	vbroadcast v39, $0xF;
	v0 =	vsel vm0, v0, v12;
	v49, _, _ =	vpop (xrf2)  }
0x6cb: {  	v0 =	vsel vm1, v0, v48;
	v50 =	vadd.f32 v5, v6;
	v51 =	vbroadcast v49, $0xF  }
0x6cc: {  	v52 =	vbroadcast v37, $0xF;
	v0 =	vsel vm2, v0, v2  }
0x6cd: {  	v4 =	vbroadcast v31, $0xF;
	v53, _, _ =	vpop (xrf2);
	v0 =	vsel vm3, v0, v51;
	(xrf2) =	vadd.scan.msk.f32 $0xffff, v50  }
0x6ce: {  	v1 =	vbroadcast v53, $0xF;
	v0 =	vsel vm4, v0, v52  }
0x6cf: {  	v54 =	vbroadcast v27, $0xF;
	v0 =	vsel vm5, v0, v4  }
0x6d0: {  	v55 =	vbroadcast v24, $0xF;
	v0 =	vsel vm6, v0, v1;
	v56, _, _ =	vpop (xrf2)  }
0x6d1: {  	v0 =	vsel vm7, v0, v54;
	v57 =	vbroadcast v56, $0xF  }
0x6d2: {  	v58 =	vbroadcast v63, $0xF;
	v0 =	vsel vm8, v0, v55  }
0x6d3: {  	v59 =	vbroadcast v59, $0xF;
	v60, _, _ =	vpop (xrf2);
	v0 =	vsel vm9, v0, v57  }
0x6d4: {  	v61 =	vbroadcast v60, $0xF;
	v0 =	vsel vm10, v0, v58  }
0x6d5: {  	v62 =	vbroadcast v10, $0xF;
	v0 =	vsel vm11, v0, v59  }
.Ltmp4:
0x6d6: {  	s26 =	sadd.s32 s26, s8;
	v0 =	vsel vm12, v0, v61;
	(pc) =	sbr.rel @p1 .LBB2_8-.Ltmp4, $4  }
0x6d7: {  	s31 =	sshll.u32 s29, $0x4;
	s26 =	sshll.u32 s26, $0x4;
	v0 =	vsel vm13, v0, v62;
	v63, _, _ =	vpop (xrf2)  }
0x6d8: {  	s26 =	sand.u32 $0x1FFFFFF0, s26;
	s28 =	sand.u32 $0x3FFFFFF0, s31;
	v0 =	vsel vm14, v0, v63  }
0x6d9: {  	s26 =	sadd.s32 s6, s26;
	[tilespmem:s28+$0x15080] =	vst v0  }
0x6da: {  	[hbm4b:s26+s2] =	stream.linear.scatter [tilespmem:s21], [sflag:$0x4], $0x80, $0x38;
	[tilespmem:$0x15100] =	vst v63  }
0x6db: {  	s26 =	sshll.u32 s25, $0x9  }
.Ltmp5:
0x6dc: {  	s26 =	sand.u32 $0x3FFFFE00, s26;
	(pc) =	sbr.rel .LBB2_2-.Ltmp5, $4  }
0x6dd: {  	s28 =	sadd.s32 $0x300, s26  }
0x6de: {  	[tilespmem:s15], [sflag:$0x2] =	stream.indirect.gather [hbm4b:s3+s11], $0x80, s28, s11, $0xb8;
	[tilespmem:$0x15100] =	vst v63  }
0x6df: {  	s25 =	sadd.s32 $0x1, s25;
	s26 =	sadd.s32 $0x380, s26  }
0x6e0: {  	[tilespmem:s17], [sflag:$0x2] =	stream.indirect.gather [hbm4b:s4+s11], $0x80, s26, s11, $0xb8;
	[tilespmem:$0x15100] =	vst v63  }
.LBB2_9:
0x6e1: {  	_ =	sfence.sel $0x180000  }
0x6e2: {  	[bflag:$0x0] =	sbarrier.arrive $0xFFFF  }
0x6e3: {  	p0 =	sne.s32 s1, $0x0;
	_ =	strace $0x90000047  }
0x6e4: {  	s0 =	sadd.s32 @!p0 $0x100000, s0;
	[bflag:$0x2] =	sbarrier.arrive $0xFFFF  }
0x6e5: {  	[sflag:s0] =	ssyncadd.tile.s32 @!p0 $0x1;
	_ =	shalt  }
.Lfunc_end2:
_tile_overlayer_lowered:
.L_overlay_start_2:
0x6e6: {  	(tag) =	ssettag $0x2  }
0x6e7: {  	s0 =	rddreg [dreg:$0x0];
	s2 =	stileid.u32  }
0x6e8: {  	s1 =	rddreg [dreg:$0x1];
	p0 =	sne.s32 s2, $0x0  }
0x6e9: {  	s3 =	rddreg [dreg:$0x2];
	[bflag:$0x3] =	sbarrier.arrive $0xFFFF;
	s2 =	simm.s32 @!p0 $0x1C05  }
0x6ea: {  	[timem:s3], [sflag:s2] =	dma.local @!p0 [hbm:s0], s1  }
0x6eb: {  	s0 =	simm.s32 @!p0 $0x5  }
0x6ec: {  	_ =	swait.ge @!p0 [sflag:s0], s1  }
0x6ed: {  	s1 =	ssub.s32 @!p0 $0x0, s1;
	[sflag:s0] =	ssyncset.done @!p0 $0x0  }
0x6ee: {  	[sflag:s0] =	ssyncadd.s32 @!p0 s1  }
0x6ef: {  	[bflag:$0x3] =	sbarrier.arrive $0xFFFF  }
0x6f0: {  	_ =	shalt  }

</sc_bundles>
